<compile_context>
chip_gen: v7x
topology: tpu7x:2x2x1
jax: 0.10.2.dev20260603
libtpu: 0.0.44.dev20260713+nightly
codegen_flags: <defaults>
</compile_context>

<pallas_src>
import functools

import jax
import jax.numpy as jnp
from jax import lax
from jax.experimental import pallas as pl
from jax.experimental.pallas import tpu as pltpu
from jax.experimental.pallas import tpu_sc as plsc

_FRAC = 0.7
_NBINS = 8192
_SHIFT = 19
_NC, _NS, _L = 2, 16, 16
_NW = _NC * _NS
_ROWS_W = 128
_W = 512
_CHUNK = _ROWS_W * _W
_SLICE = _NBINS // _NS


def _loss_kernel(pred_ref, gt_ref, out_ref, *, C):
    gt = gt_ref[0]
    s = jnp.zeros(gt.shape, jnp.float32)
    tgt = jnp.zeros(gt.shape, jnp.float32)
    for c in range(C):
        xc = pred_ref[0, c]
        s = s + jnp.exp(xc)
        tgt = tgt + jnp.where(gt == c, xc, 0.0)
    out_ref[...] = jnp.log(s) - tgt


def _sc_hist_kernel(loss_hbm, cnt_out, data_v, hist_v, piece_v,
                    slice_v, shared_v):
    cid = lax.axis_index("c")
    sid = lax.axis_index("s")
    wid = sid * _NC + cid
    pltpu.sync_copy(loss_hbm.at[pl.ds(wid * _ROWS_W, _ROWS_W), :], data_v)

    zi = jnp.zeros((_L,), jnp.int32)

    def zbody(i, _):
        for u in range(8):
            hist_v[pl.ds((i * 8 + u) * _L, _L)] = zi
        return 0
    lax.fori_loop(0, _NBINS // _L // 8, zbody, 0)

    ones = jnp.ones((_L,), jnp.int32)

    def hbody(r, _):
        for u in range(_W // _L):
            v = data_v[r, pl.ds(u * _L, _L)]
            kk = lax.bitcast_convert_type(v, jnp.int32)
            b = lax.shift_right_logical(kk, _SHIFT)
            plsc.addupdate_scatter(hist_v, [b], ones)
        return 0
    lax.fori_loop(0, _ROWS_W, hbody, 0)

    pltpu.sync_copy(hist_v, shared_v.at[sid])
    plsc.subcore_barrier()
    pltpu.sync_copy(shared_v.at[:, pl.ds(sid * _SLICE, _SLICE)], piece_v)

    def mbody(j, _):
        ac = piece_v[0, pl.ds(j * _L, _L)]
        for t in range(1, _NS):
            ac = ac + piece_v[t, pl.ds(j * _L, _L)]
        slice_v[pl.ds(j * _L, _L)] = ac
        return 0
    lax.fori_loop(0, _SLICE // _L, mbody, 0)
    pltpu.sync_copy(slice_v, cnt_out.at[cid, pl.ds(sid * _SLICE, _SLICE)])


def _sc_compact_kernel(loss_hbm, cnth_hbm, region_out, counts_out, sums_out,
                       data_v, hists_v, cand_v, cvec_v, svec_v, *, k):
    wid = lax.axis_index("s") * _NC + lax.axis_index("c")
    pltpu.sync_copy(cnth_hbm, hists_v)

    def sbody(jj, carry):
        cntk_v, running = carry
        j = _NBINS // _L - 1 - jj
        v = (hists_v[0, pl.ds(j * _L, _L)] + hists_v[1, pl.ds(j * _L, _L)])
        rv = lax.rev(v, (0,))
        cs = jnp.cumsum(rv)
        suf = cs + running
        pc = plsc.all_reduce_population_count(suf >= k)
        cntk_v = cntk_v + pc
        running = running + cs[_L - 1]
        return cntk_v, running
    cntk_v, _ = lax.fori_loop(0, _NBINS // _L, sbody,
                              (jnp.zeros((_L,), jnp.int32), jnp.int32(0)))
    b1 = cntk_v[0] - 1
    b1_v = jnp.full((_L,), b1, jnp.int32)

    def cbody(r, carry):
        ptr_v, sv, tv = carry
        for u in range(_W // _L):
            v = data_v[r, pl.ds(u * _L, _L)]
            kk = lax.bitcast_convert_type(v, jnp.int32)
            b = lax.shift_right_logical(kk, _SHIFT)
            mask = b == b1_v
            mi = jnp.cumsum(mask.astype(jnp.int32))
            idx = ptr_v + mi - 1
            plsc.store_scatter(cand_v, [idx], v, mask=mask)
            ptr_v = ptr_v + plsc.all_reduce_population_count(mask)
            sv = sv + jnp.where(b < b1_v, v, 0.0)
            tv = tv + v
        return ptr_v, sv, tv

    carry = (jnp.zeros((_L,), jnp.int32), jnp.zeros((_L,), jnp.float32),
             jnp.zeros((_L,), jnp.float32))
    for half in range(2):
        pltpu.sync_copy(
            loss_hbm.at[pl.ds(wid * _ROWS_W + half * (_ROWS_W // 2),
                              _ROWS_W // 2), :],
            data_v)
        carry = lax.fori_loop(0, _ROWS_W // 2, cbody, carry)
    ptr_v, sv, tv = carry
    m = ptr_v[0]
    s_blw = jnp.sum(sv)
    s_tot = jnp.sum(tv)

    lanes = lax.iota(jnp.int32, _L)
    mvec = jnp.full((_L,), m, jnp.int32)
    def wcb(p, _):
        cvec_v[pl.ds(p * _L, _L)] = mvec
        return 0
    lax.fori_loop(0, 128 // _L, wcb, 0)
    pltpu.sync_copy(cvec_v, counts_out.at[wid])

    svals = jnp.where(lanes == 0, s_blw, jnp.where(lanes == 1, s_tot, 0.0))
    def wsb(p, _):
        svec_v[pl.ds(p * _L, _L)] = jnp.where(p == 0, svals, 0.0)
        return 0
    lax.fori_loop(0, 128 // _L, wsb, 0)
    pltpu.sync_copy(svec_v, sums_out.at[wid])

    npieces = (m + 1023) // 1024
    def dbody(p, _):
        pltpu.sync_copy(cand_v.at[pl.ds(p * 1024, 1024)],
                        region_out.at[wid, pl.ds(p * 1024, 1024)])
        return 0
    lax.fori_loop(0, npieces, dbody, 0)


def _cumsum_lanes(x):
    for sh in (1, 2, 4, 8, 16, 32, 64):
        x = x + jnp.concatenate(
            [jnp.zeros((x.shape[0], sh), x.dtype), x[:, :-sh]], axis=1)
    return x


def _cumsum_rows(x):
    sh = 1
    while sh < x.shape[0]:
        x = x + jnp.concatenate(
            [jnp.zeros((sh, x.shape[1]), x.dtype), x[:-sh, :]], axis=0)
        sh *= 2
    return x


def _tail_kernel(cnt_ref, region_ref, counts_ref, sums_ref, out_ref, *, k):
    rows = _NBINS // 128
    merged = jnp.sum(cnt_ref[...], axis=0)
    total = jnp.sum(merged)

    cs = _cumsum_lanes(merged)
    row_tot = cs[:, 127:128]
    row_off = _cumsum_rows(row_tot) - row_tot
    pincl = cs + row_off
    suf = total - pincl + merged
    b1 = jnp.sum((suf >= k).astype(jnp.int32)) - 1
    pos = (lax.broadcasted_iota(jnp.int32, (rows, 128), 0) * 128
           + lax.broadcasted_iota(jnp.int32, (rows, 128), 1))
    count_above = total - jnp.sum(jnp.where(pos == b1, pincl, 0))
    k_rem = k - count_above

    scol = lax.broadcasted_iota(jnp.int32, (_NW, 128), 1)
    s_blw = jnp.sum(jnp.where(scol == 0, sums_ref[...], 0.0))
    s_tot = jnp.sum(jnp.where(scol == 1, sums_ref[...], 0.0))

    m_col = counts_ref[:, 0:1]
    max_m = jnp.max(m_col)
    nch = (max_m + 511) // 512
    colio = lax.broadcasted_iota(jnp.int32, (_NW, 512), 1)

    def count_ge(t):
        def body(cc, acc):
            blk = region_ref[:, pl.ds(cc * 512, 512)]
            kkb = lax.bitcast_convert_type(blk, jnp.int32)
            valid = (colio + cc * 512) < m_col
            return acc + jnp.where(valid & (kkb >= t), 1, 0)
        acc = lax.fori_loop(0, nch, body, jnp.zeros((_NW, 512), jnp.int32))
        return jnp.sum(acc)

    nbits = _SHIFT
    def bit_body(j, T):
        cand = T | lax.shift_left(jnp.int32(1), nbits - 1 - j)
        return jnp.where(count_ge(cand) >= k_rem, cand, T)
    T = lax.fori_loop(0, nbits, bit_body, lax.shift_left(b1, _SHIFT))

    def fin(cc, carry):
        cnt, sm, sa = carry
        blk = region_ref[:, pl.ds(cc * 512, 512)]
        kkb = lax.bitcast_convert_type(blk, jnp.int32)
        valid = (colio + cc * 512) < m_col
        gtm = valid & (kkb > T)
        cnt = cnt + jnp.where(gtm, 1, 0)
        sm = sm + jnp.where(gtm, blk, 0.0)
        sa = sa + jnp.where(valid, blk, 0.0)
        return cnt, sm, sa
    cnt, sm, sa = lax.fori_loop(
        0, nch, fin,
        (jnp.zeros((_NW, 512), jnp.int32),
         jnp.zeros((_NW, 512), jnp.float32),
         jnp.zeros((_NW, 512), jnp.float32)))
    cnt_gt = jnp.sum(cnt)
    sum_gt = jnp.sum(sm)
    cand_sum = jnp.sum(sa)
    sum_above = s_tot - s_blw - cand_sum
    t_val = lax.bitcast_convert_type(T, jnp.float32)
    out_ref[0, 0] = (sum_above + sum_gt
                     + (k_rem - cnt_gt).astype(jnp.float32) * t_val) / k


def kernel(prediction, ground_truth):
    B, C, H, W = prediction.shape
    n = B * H * W
    k = int(_FRAC * n)
    RH = min(64, H)
    steps = B * (H // RH)

    losses = pl.pallas_call(
        functools.partial(_loss_kernel, C=C),
        grid=(steps,),
        in_specs=[
            pl.BlockSpec((1, C, RH, W), lambda i: (i // (H // RH), 0, i % (H // RH), 0)),
            pl.BlockSpec((1, RH, W), lambda i: (i // (H // RH), i % (H // RH), 0)),
        ],
        out_specs=pl.BlockSpec((RH, W), lambda i: (i, 0)),
        out_shape=jax.ShapeDtypeStruct((B * H, W), jnp.float32),
    )(prediction, ground_truth.astype(jnp.int32))

    mesh = plsc.VectorSubcoreMesh(core_axis_name="c", subcore_axis_name="s")
    sc_params = pltpu.CompilerParams(needs_layout_passes=False)
    s1 = functools.partial(
        pl.kernel, mesh=mesh, compiler_params=sc_params,
        out_type=jax.ShapeDtypeStruct((_NC, _NBINS), jnp.int32),
        scratch_types=[pltpu.VMEM((_ROWS_W, _W), jnp.float32),
                       pltpu.VMEM((_NBINS,), jnp.int32),
                       pltpu.VMEM((_NS, _SLICE), jnp.int32),
                       pltpu.VMEM((_SLICE,), jnp.int32),
                       pltpu.VMEM_SHARED((_NS, _NBINS), jnp.int32)],
    )(_sc_hist_kernel)
    cnt_h = s1(losses)

    s2 = functools.partial(
        pl.kernel, mesh=mesh, compiler_params=sc_params,
        out_type=[jax.ShapeDtypeStruct((_NW, _CHUNK), jnp.float32),
                  jax.ShapeDtypeStruct((_NW, 128), jnp.int32),
                  jax.ShapeDtypeStruct((_NW, 128), jnp.float32)],
        scratch_types=[pltpu.VMEM((_ROWS_W // 2, _W), jnp.float32),
                       pltpu.VMEM((_NC, _NBINS), jnp.int32),
                       pltpu.VMEM((_CHUNK + _L,), jnp.float32),
                       pltpu.VMEM((128,), jnp.int32),
                       pltpu.VMEM((128,), jnp.float32)],
    )(functools.partial(_sc_compact_kernel, k=k))
    region, counts, sums = s2(losses, cnt_h)

    out = pl.pallas_call(
        functools.partial(_tail_kernel, k=k),
        out_specs=pl.BlockSpec(memory_space=pltpu.SMEM),
        out_shape=jax.ShapeDtypeStruct((1, 1), jnp.float32),
    )(cnt_h.reshape(_NC, _NBINS // 128, 128), region, counts, sums)
    return out[0, 0]

# --- scband reference (transcript-rebuilt; emitter-appended) ---
"""Pipeline reference for scband-cross-entropy-ohem-26448408609501 (READ-ONLY COPY).

The authoritative reference and input builder live on the scoring server;
editing this copy changes nothing except your own understanding.
"""

import jax, jax.numpy as jnp
import numpy as np

THRESHOLD = 0.7
IGNORE_INDEX = 255


def setup_inputs(seed: int = 0) -> dict:
    key = jax.random.key(seed)
    k1, k2 = jax.random.split(key)
    prediction = jax.random.normal(k1, (8, 19, 512, 512), dtype=jnp.float32)
    ground_truth = jax.random.randint(k2, (8, 512, 512), 0, 19, dtype=jnp.int32)
    return {"prediction": prediction, "ground_truth": ground_truth}


def reference(prediction, ground_truth):
    gt = ground_truth.astype(jnp.int32)
    # per-pixel cross entropy, reduction='none', ignore_index=255
    logp = jax.nn.log_softmax(prediction, axis=1)
    # gather log-prob of target class; clip gt for safe gather (ignored entries masked later)
    safe_gt = jnp.clip(gt, 0, prediction.shape[1] - 1)
    nll = -jnp.take_along_axis(logp, safe_gt[:, None, :, :], axis=1)[:, 0]
    mask = gt != IGNORE_INDEX
    # masked_select equivalent: push invalid losses to -inf so top_k never picks them
    losses = jnp.where(mask, nll, -jnp.inf)
    n = losses.size
    num_hard = int(THRESHOLD * n)  # all labels valid here (no 255 in inputs), so min() resolves to this
    flat = losses.reshape(-1)
    topv, _ = jax.lax.top_k(flat, num_hard)
    return jnp.mean(topv)

if __name__ == "__main__":
    import jax
    _d = setup_inputs()
    print(jax.jit(kernel)(*tuple(_d.values())))

</pallas_src>

<mosaic_0001>
#map = affine_map<(d0, d1) -> (0, 0)>
module attributes {stable_mosaic.version = 14 : i64} {
  func.func @_sc_hist_kernel(%arg0: i32, %arg1: i32, %arg2: memref<4096x512xf32, #tpu.memory_space<hbm>>, %arg3: memref<2x8192xi32, #tpu.memory_space<hbm>>, %arg4: memref<128x512xf32, #tpu.memory_space<vmem>>, %arg5: memref<8192xi32, #tpu.memory_space<vmem>>, %arg6: memref<16x512xi32, #tpu.memory_space<vmem>>, %arg7: memref<512xi32, #tpu.memory_space<vmem>>, %arg8: memref<16x8192xi32, #tpu.memory_space<vmem_shared>>) attributes {dimension_semantics = [#tpu.dimension_semantics<core_parallel>, #tpu.dimension_semantics<subcore_parallel>], iteration_bounds = array<i64: 2, 16>, scalar_prefetch = 0 : i64, scratch_operands = 5 : i64, tpu.core_type = #tpu.core_type<sc_vector_subcore>, window_params = [{transform_indices = #map}, {transform_indices = #map}]} {
    %mul3A = arith.constant 2 : i32
    %mul3A_0 = arith.muli %arg1, %mul3A : i32
    %add3A = arith.addi %mul3A_0, %arg0 : i32
    %mul3A_1 = arith.constant 128 : i32
    %mul3A_2 = arith.muli %add3A, %mul3A_1 : i32
    "tpu.region"() ({
      %run_scoped3A = tpu.sem_alloc : memref<!tpu.dma_semaphore, #tpu.memory_space<semaphore_mem>>
      %dma_start3A = arith.constant 0 : i32
      %dma_start3A_30 = tpu.memref_slice %arg2[%mul3A_2, %dma_start3A] : memref<4096x512xf32, #tpu.memory_space<hbm>> -> memref<128x512xf32, #tpu.memory_space<hbm>>
      %dma_start3A_31 = arith.constant 0 : i32
      %dma_start3A_32 = tpu.memref_slice %arg2[%mul3A_2, %dma_start3A_31] : memref<4096x512xf32, #tpu.memory_space<hbm>> -> memref<128x512xf32, #tpu.memory_space<hbm>>
      tpu.enqueue_dma source(%dma_start3A_32 : memref<128x512xf32, #tpu.memory_space<hbm>>) target(%arg4 : memref<128x512xf32, #tpu.memory_space<vmem>>) target_semaphore(%run_scoped3A : memref<!tpu.dma_semaphore, #tpu.memory_space<semaphore_mem>>)
      %dma_wait3A = arith.constant 0 : i32
      %dma_wait3A_33 = tpu.memref_slice %arg2[%mul3A_2, %dma_wait3A] : memref<4096x512xf32, #tpu.memory_space<hbm>> -> memref<128x512xf32, #tpu.memory_space<hbm>>
      %dma_wait3A_34 = arith.constant 0 : i32
      %dma_wait3A_35 = tpu.memref_slice %arg2[%mul3A_2, %dma_wait3A_34] : memref<4096x512xf32, #tpu.memory_space<hbm>> -> memref<128x512xf32, #tpu.memory_space<hbm>>
      tpu.wait_dma2 semaphore(%run_scoped3A : memref<!tpu.dma_semaphore, #tpu.memory_space<semaphore_mem>>) src(%dma_wait3A_35 : memref<128x512xf32, #tpu.memory_space<hbm>>) dst(%arg4 : memref<128x512xf32, #tpu.memory_space<vmem>>)
      tpu.yield
    }) : () -> ()
    %broadcast_in_dim3A = arith.constant 0 : i32
    %broadcast_in_dim3A_3 = vector.broadcast %broadcast_in_dim3A : i32 to vector<16xi32>
    %scan3A = arith.constant 0 : i32
    %scan3A_4 = arith.constant 0 : i32
    %scan3A_5 = arith.constant 64 : i32
    %scan3A_6 = arith.addi %scan3A_4, %scan3A_5 : i32
    %scan3A_7 = arith.constant 1 : i32
    %scan3A_8 = scf.for %scan3A_30 = %scan3A_4 to %scan3A_6 step %scan3A_7 iter_args(%scan3A_31 = %scan3A) -> (i32)  : i32 {
      %mul3A_32 = arith.constant 8 : i32
      %mul3A_33 = arith.muli %scan3A_30, %mul3A_32 : i32
      %add3A_34 = arith.constant 0 : i32
      %add3A_35 = arith.addi %mul3A_33, %add3A_34 : i32
      %mul3A_36 = arith.constant 16 : i32
      %mul3A_37 = arith.muli %add3A_35, %mul3A_36 : i32
      %swap3A = arith.index_cast %mul3A_37 : i32 to index
      %swap3A_38 = tpu.vector_load %arg5[%swap3A] {strides = array<i32>} : memref<8192xi32, #tpu.memory_space<vmem>>, vector<16xi32>,
      tpu.vector_store %arg5[%swap3A], %broadcast_in_dim3A_3 {strides = array<i32>} : memref<8192xi32, #tpu.memory_space<vmem>>, vector<16xi32>,
      %mul3A_39 = arith.constant 8 : i32
      %mul3A_40 = arith.muli %scan3A_30, %mul3A_39 : i32
      %add3A_41 = arith.constant 1 : i32
      %add3A_42 = arith.addi %mul3A_40, %add3A_41 : i32
      %mul3A_43 = arith.constant 16 : i32
      %mul3A_44 = arith.muli %add3A_42, %mul3A_43 : i32
      %swap3A_45 = arith.index_cast %mul3A_44 : i32 to index
      %swap3A_46 = tpu.vector_load %arg5[%swap3A_45] {strides = array<i32>} : memref<8192xi32, #tpu.memory_space<vmem>>, vector<16xi32>,
      tpu.vector_store %arg5[%swap3A_45], %broadcast_in_dim3A_3 {strides = array<i32>} : memref<8192xi32, #tpu.memory_space<vmem>>, vector<16xi32>,
      %mul3A_47 = arith.constant 8 : i32
      %mul3A_48 = arith.muli %scan3A_30, %mul3A_47 : i32
      %add3A_49 = arith.constant 2 : i32
      %add3A_50 = arith.addi %mul3A_48, %add3A_49 : i32
      %mul3A_51 = arith.constant 16 : i32
      %mul3A_52 = arith.muli %add3A_50, %mul3A_51 : i32
      %swap3A_53 = arith.index_cast %mul3A_52 : i32 to index
      %swap3A_54 = tpu.vector_load %arg5[%swap3A_53] {strides = array<i32>} : memref<8192xi32, #tpu.memory_space<vmem>>, vector<16xi32>,
      tpu.vector_store %arg5[%swap3A_53], %broadcast_in_dim3A_3 {strides = array<i32>} : memref<8192xi32, #tpu.memory_space<vmem>>, vector<16xi32>,
      %mul3A_55 = arith.constant 8 : i32
      %mul3A_56 = arith.muli %scan3A_30, %mul3A_55 : i32
      %add3A_57 = arith.constant 3 : i32
      %add3A_58 = arith.addi %mul3A_56, %add3A_57 : i32
      %mul3A_59 = arith.constant 16 : i32
      %mul3A_60 = arith.muli %add3A_58, %mul3A_59 : i32
      %swap3A_61 = arith.index_cast %mul3A_60 : i32 to index
      %swap3A_62 = tpu.vector_load %arg5[%swap3A_61] {strides = array<i32>} : memref<8192xi32, #tpu.memory_space<vmem>>, vector<16xi32>,
      tpu.vector_store %arg5[%swap3A_61], %broadcast_in_dim3A_3 {strides = array<i32>} : memref<8192xi32, #tpu.memory_space<vmem>>, vector<16xi32>,
      %mul3A_63 = arith.constant 8 : i32
      %mul3A_64 = arith.muli %scan3A_30, %mul3A_63 : i32
      %add3A_65 = arith.constant 4 : i32
      %add3A_66 = arith.addi %mul3A_64, %add3A_65 : i32
      %mul3A_67 = arith.constant 16 : i32
      %mul3A_68 = arith.muli %add3A_66, %mul3A_67 : i32
      %swap3A_69 = arith.index_cast %mul3A_68 : i32 to index
      %swap3A_70 = tpu.vector_load %arg5[%swap3A_69] {strides = array<i32>} : memref<8192xi32, #tpu.memory_space<vmem>>, vector<16xi32>,
      tpu.vector_store %arg5[%swap3A_69], %broadcast_in_dim3A_3 {strides = array<i32>} : memref<8192xi32, #tpu.memory_space<vmem>>, vector<16xi32>,
      %mul3A_71 = arith.constant 8 : i32
      %mul3A_72 = arith.muli %scan3A_30, %mul3A_71 : i32
      %add3A_73 = arith.constant 5 : i32
      %add3A_74 = arith.addi %mul3A_72, %add3A_73 : i32
      %mul3A_75 = arith.constant 16 : i32
      %mul3A_76 = arith.muli %add3A_74, %mul3A_75 : i32
      %swap3A_77 = arith.index_cast %mul3A_76 : i32 to index
      %swap3A_78 = tpu.vector_load %arg5[%swap3A_77] {strides = array<i32>} : memref<8192xi32, #tpu.memory_space<vmem>>, vector<16xi32>,
      tpu.vector_store %arg5[%swap3A_77], %broadcast_in_dim3A_3 {strides = array<i32>} : memref<8192xi32, #tpu.memory_space<vmem>>, vector<16xi32>,
      %mul3A_79 = arith.constant 8 : i32
      %mul3A_80 = arith.muli %scan3A_30, %mul3A_79 : i32
      %add3A_81 = arith.constant 6 : i32
      %add3A_82 = arith.addi %mul3A_80, %add3A_81 : i32
      %mul3A_83 = arith.constant 16 : i32
      %mul3A_84 = arith.muli %add3A_82, %mul3A_83 : i32
      %swap3A_85 = arith.index_cast %mul3A_84 : i32 to index
      %swap3A_86 = tpu.vector_load %arg5[%swap3A_85] {strides = array<i32>} : memref<8192xi32, #tpu.memory_space<vmem>>, vector<16xi32>,
      tpu.vector_store %arg5[%swap3A_85], %broadcast_in_dim3A_3 {strides = array<i32>} : memref<8192xi32, #tpu.memory_space<vmem>>, vector<16xi32>,
      %mul3A_87 = arith.constant 8 : i32
      %mul3A_88 = arith.muli %scan3A_30, %mul3A_87 : i32
      %add3A_89 = arith.constant 7 : i32
      %add3A_90 = arith.addi %mul3A_88, %add3A_89 : i32
      %mul3A_91 = arith.constant 16 : i32
      %mul3A_92 = arith.muli %add3A_90, %mul3A_91 : i32
      %swap3A_93 = arith.index_cast %mul3A_92 : i32 to index
      %swap3A_94 = tpu.vector_load %arg5[%swap3A_93] {strides = array<i32>} : memref<8192xi32, #tpu.memory_space<vmem>>, vector<16xi32>,
      tpu.vector_store %arg5[%swap3A_93], %broadcast_in_dim3A_3 {strides = array<i32>} : memref<8192xi32, #tpu.memory_space<vmem>>, vector<16xi32>,
      %scan3A_95 = arith.constant 0 : i32
      scf.yield %scan3A_95 : i32
    }
    %scan3A_9 = arith.constant 64 : i32
    %broadcast_in_dim3A_10 = arith.constant 1 : i32
    %broadcast_in_dim3A_11 = vector.broadcast %broadcast_in_dim3A_10 : i32 to vector<16xi32>
    %scan3A_12 = arith.constant 0 : i32
    %scan3A_13 = arith.constant 0 : i32
    %scan3A_14 = arith.constant 128 : i32
    %scan3A_15 = arith.addi %scan3A_13, %scan3A_14 : i32
    %scan3A_16 = arith.constant 1 : i32
    %scan3A_17 = scf.for %scan3A_30 = %scan3A_13 to %scan3A_15 step %scan3A_16 iter_args(%scan3A_31 = %scan3A_12) -> (i32)  : i32 {
      %get3A = arith.index_cast %scan3A_30 : i32 to index
      %get3A_32 = arith.constant 0 : index
      %get3A_33 = tpu.vector_load %arg4[%get3A, %get3A_32] {strides = array<i32>} : memref<128x512xf32, #tpu.memory_space<vmem>>, vector<16xf32>,
      %bitcast_convert_type3A = tpu.bitcast %get3A_33 : vector<16xf32> -> vector<16xi32>
      %shift_right_logical3A = arith.constant 19 : i32
      %shift_right_logical3A_34 = vector.broadcast %shift_right_logical3A : i32 to vector<16xi32>
      %shift_right_logical3A_35 = arith.shrui %bitcast_convert_type3A, %shift_right_logical3A_34 : vector<16xi32>
      tpu.vector_store_idx %arg5[%shift_right_logical3A_35], %broadcast_in_dim3A_11 {add = true} : memref<8192xi32, #tpu.memory_space<vmem>>[vector<16xi32>], vector<16xi32>,
      %get3A_36 = arith.index_cast %scan3A_30 : i32 to index
      %get3A_37 = arith.constant 16 : index
      %get3A_38 = tpu.vector_load %arg4[%get3A_36, %get3A_37] {strides = array<i32>} : memref<128x512xf32, #tpu.memory_space<vmem>>, vector<16xf32>,
      %bitcast_convert_type3A_39 = tpu.bitcast %get3A_38 : vector<16xf32> -> vector<16xi32>
      %shift_right_logical3A_40 = arith.constant 19 : i32
      %shift_right_logical3A_41 = vector.broadcast %shift_right_logical3A_40 : i32 to vector<16xi32>
      %shift_right_logical3A_42 = arith.shrui %bitcast_convert_type3A_39, %shift_right_logical3A_41 : vector<16xi32>
      tpu.vector_store_idx %arg5[%shift_right_logical3A_42], %broadcast_in_dim3A_11 {add = true} : memref<8192xi32, #tpu.memory_space<vmem>>[vector<16xi32>], vector<16xi32>,
      %get3A_43 = arith.index_cast %scan3A_30 : i32 to index
      %get3A_44 = arith.constant 32 : index
      %get3A_45 = tpu.vector_load %arg4[%get3A_43, %get3A_44] {strides = array<i32>} : memref<128x512xf32, #tpu.memory_space<vmem>>, vector<16xf32>,
      %bitcast_convert_type3A_46 = tpu.bitcast %get3A_45 : vector<16xf32> -> vector<16xi32>
      %shift_right_logical3A_47 = arith.constant 19 : i32
      %shift_right_logical3A_48 = vector.broadcast %shift_right_logical3A_47 : i32 to vector<16xi32>
      %shift_right_logical3A_49 = arith.shrui %bitcast_convert_type3A_46, %shift_right_logical3A_48 : vector<16xi32>
      tpu.vector_store_idx %arg5[%shift_right_logical3A_49], %broadcast_in_dim3A_11 {add = true} : memref<8192xi32, #tpu.memory_space<vmem>>[vector<16xi32>], vector<16xi32>,
      %get3A_50 = arith.index_cast %scan3A_30 : i32 to index
      %get3A_51 = arith.constant 48 : index
      %get3A_52 = tpu.vector_load %arg4[%get3A_50, %get3A_51] {strides = array<i32>} : memref<128x512xf32, #tpu.memory_space<vmem>>, vector<16xf32>,
      %bitcast_convert_type3A_53 = tpu.bitcast %get3A_52 : vector<16xf32> -> vector<16xi32>
      %shift_right_logical3A_54 = arith.constant 19 : i32
      %shift_right_logical3A_55 = vector.broadcast %shift_right_logical3A_54 : i32 to vector<16xi32>
      %shift_right_logical3A_56 = arith.shrui %bitcast_convert_type3A_53, %shift_right_logical3A_55 : vector<16xi32>
      tpu.vector_store_idx %arg5[%shift_right_logical3A_56], %broadcast_in_dim3A_11 {add = true} : memref<8192xi32, #tpu.memory_space<vmem>>[vector<16xi32>], vector<16xi32>,
      %get3A_57 = arith.index_cast %scan3A_30 : i32 to index
      %get3A_58 = arith.constant 64 : index
      %get3A_59 = tpu.vector_load %arg4[%get3A_57, %get3A_58] {strides = array<i32>} : memref<128x512xf32, #tpu.memory_space<vmem>>, vector<16xf32>,
      %bitcast_convert_type3A_60 = tpu.bitcast %get3A_59 : vector<16xf32> -> vector<16xi32>
      %shift_right_logical3A_61 = arith.constant 19 : i32
      %shift_right_logical3A_62 = vector.broadcast %shift_right_logical3A_61 : i32 to vector<16xi32>
      %shift_right_logical3A_63 = arith.shrui %bitcast_convert_type3A_60, %shift_right_logical3A_62 : vector<16xi32>
      tpu.vector_store_idx %arg5[%shift_right_logical3A_63], %broadcast_in_dim3A_11 {add = true} : memref<8192xi32, #tpu.memory_space<vmem>>[vector<16xi32>], vector<16xi32>,
      %get3A_64 = arith.index_cast %scan3A_30 : i32 to index
      %get3A_65 = arith.constant 80 : index
      %get3A_66 = tpu.vector_load %arg4[%get3A_64, %get3A_65] {strides = array<i32>} : memref<128x512xf32, #tpu.memory_space<vmem>>, vector<16xf32>,
      %bitcast_convert_type3A_67 = tpu.bitcast %get3A_66 : vector<16xf32> -> vector<16xi32>
      %shift_right_logical3A_68 = arith.constant 19 : i32
      %shift_right_logical3A_69 = vector.broadcast %shift_right_logical3A_68 : i32 to vector<16xi32>
      %shift_right_logical3A_70 = arith.shrui %bitcast_convert_type3A_67, %shift_right_logical3A_69 : vector<16xi32>
      tpu.vector_store_idx %arg5[%shift_right_logical3A_70], %broadcast_in_dim3A_11 {add = true} : memref<8192xi32, #tpu.memory_space<vmem>>[vector<16xi32>], vector<16xi32>,
      %get3A_71 = arith.index_cast %scan3A_30 : i32 to index
      %get3A_72 = arith.constant 96 : index
      %get3A_73 = tpu.vector_load %arg4[%get3A_71, %get3A_72] {strides = array<i32>} : memref<128x512xf32, #tpu.memory_space<vmem>>, vector<16xf32>,
      %bitcast_convert_type3A_74 = tpu.bitcast %get3A_73 : vector<16xf32> -> vector<16xi32>
      %shift_right_logical3A_75 = arith.constant 19 : i32
      %shift_right_logical3A_76 = vector.broadcast %shift_right_logical3A_75 : i32 to vector<16xi32>
      %shift_right_logical3A_77 = arith.shrui %bitcast_convert_type3A_74, %shift_right_logical3A_76 : vector<16xi32>
      tpu.vector_store_idx %arg5[%shift_right_logical3A_77], %broadcast_in_dim3A_11 {add = true} : memref<8192xi32, #tpu.memory_space<vmem>>[vector<16xi32>], vector<16xi32>,
      %get3A_78 = arith.index_cast %scan3A_30 : i32 to index
      %get3A_79 = arith.constant 112 : index
      %get3A_80 = tpu.vector_load %arg4[%get3A_78, %get3A_79] {strides = array<i32>} : memref<128x512xf32, #tpu.memory_space<vmem>>, vector<16xf32>,
      %bitcast_convert_type3A_81 = tpu.bitcast %get3A_80 : vector<16xf32> -> vector<16xi32>
      %shift_right_logical3A_82 = arith.constant 19 : i32
      %shift_right_logical3A_83 = vector.broadcast %shift_right_logical3A_82 : i32 to vector<16xi32>
      %shift_right_logical3A_84 = arith.shrui %bitcast_convert_type3A_81, %shift_right_logical3A_83 : vector<16xi32>
      tpu.vector_store_idx %arg5[%shift_right_logical3A_84], %broadcast_in_dim3A_11 {add = true} : memref<8192xi32, #tpu.memory_space<vmem>>[vector<16xi32>], vector<16xi32>,
      %get3A_85 = arith.index_cast %scan3A_30 : i32 to index
      %get3A_86 = arith.constant 128 : index
      %get3A_87 = tpu.vector_load %arg4[%get3A_85, %get3A_86] {strides = array<i32>} : memref<128x512xf32, #tpu.memory_space<vmem>>, vector<16xf32>,
      %bitcast_convert_type3A_88 = tpu.bitcast %get3A_87 : vector<16xf32> -> vector<16xi32>
      %shift_right_logical3A_89 = arith.constant 19 : i32
      %shift_right_logical3A_90 = vector.broadcast %shift_right_logical3A_89 : i32 to vector<16xi32>
      %shift_right_logical3A_91 = arith.shrui %bitcast_convert_type3A_88, %shift_right_logical3A_90 : vector<16xi32>
      tpu.vector_store_idx %arg5[%shift_right_logical3A_91], %broadcast_in_dim3A_11 {add = true} : memref<8192xi32, #tpu.memory_space<vmem>>[vector<16xi32>], vector<16xi32>,
      %get3A_92 = arith.index_cast %scan3A_30 : i32 to index
      %get3A_93 = arith.constant 144 : index
      %get3A_94 = tpu.vector_load %arg4[%get3A_92, %get3A_93] {strides = array<i32>} : memref<128x512xf32, #tpu.memory_space<vmem>>, vector<16xf32>,
      %bitcast_convert_type3A_95 = tpu.bitcast %get3A_94 : vector<16xf32> -> vector<16xi32>
      %shift_right_logical3A_96 = arith.constant 19 : i32
      %shift_right_logical3A_97 = vector.broadcast %shift_right_logical3A_96 : i32 to vector<16xi32>
      %shift_right_logical3A_98 = arith.shrui %bitcast_convert_type3A_95, %shift_right_logical3A_97 : vector<16xi32>
      tpu.vector_store_idx %arg5[%shift_right_logical3A_98], %broadcast_in_dim3A_11 {add = true} : memref<8192xi32, #tpu.memory_space<vmem>>[vector<16xi32>], vector<16xi32>,
      %get3A_99 = arith.index_cast %scan3A_30 : i32 to index
      %get3A_100 = arith.constant 160 : index
      %get3A_101 = tpu.vector_load %arg4[%get3A_99, %get3A_100] {strides = array<i32>} : memref<128x512xf32, #tpu.memory_space<vmem>>, vector<16xf32>,
      %bitcast_convert_type3A_102 = tpu.bitcast %get3A_101 : vector<16xf32> -> vector<16xi32>
      %shift_right_logical3A_103 = arith.constant 19 : i32
      %shift_right_logical3A_104 = vector.broadcast %shift_right_logical3A_103 : i32 to vector<16xi32>
      %shift_right_logical3A_105 = arith.shrui %bitcast_convert_type3A_102, %shift_right_logical3A_104 : vector<16xi32>
      tpu.vector_store_idx %arg5[%shift_right_logical3A_105], %broadcast_in_dim3A_11 {add = true} : memref<8192xi32, #tpu.memory_space<vmem>>[vector<16xi32>], vector<16xi32>,
      %get3A_106 = arith.index_cast %scan3A_30 : i32 to index
      %get3A_107 = arith.constant 176 : index
      %get3A_108 = tpu.vector_load %arg4[%get3A_106, %get3A_107] {strides = array<i32>} : memref<128x512xf32, #tpu.memory_space<vmem>>, vector<16xf32>,
      %bitcast_convert_type3A_109 = tpu.bitcast %get3A_108 : vector<16xf32> -> vector<16xi32>
      %shift_right_logical3A_110 = arith.constant 19 : i32
      %shift_right_logical3A_111 = vector.broadcast %shift_right_logical3A_110 : i32 to vector<16xi32>
      %shift_right_logical3A_112 = arith.shrui %bitcast_convert_type3A_109, %shift_right_logical3A_111 : vector<16xi32>
      tpu.vector_store_idx %arg5[%shift_right_logical3A_112], %broadcast_in_dim3A_11 {add = true} : memref<8192xi32, #tpu.memory_space<vmem>>[vector<16xi32>], vector<16xi32>,
      %get3A_113 = arith.index_cast %scan3A_30 : i32 to index
      %get3A_114 = arith.constant 192 : index
      %get3A_115 = tpu.vector_load %arg4[%get3A_113, %get3A_114] {strides = array<i32>} : memref<128x512xf32, #tpu.memory_space<vmem>>, vector<16xf32>,
      %bitcast_convert_type3A_116 = tpu.bitcast %get3A_115 : vector<16xf32> -> vector<16xi32>
      %shift_right_logical3A_117 = arith.constant 19 : i32
      %shift_right_logical3A_118 = vector.broadcast %shift_right_logical3A_117 : i32 to vector<16xi32>
      %shift_right_logical3A_119 = arith.shrui %bitcast_convert_type3A_116, %shift_right_logical3A_118 : vector<16xi32>
      tpu.vector_store_idx %arg5[%shift_right_logical3A_119], %broadcast_in_dim3A_11 {add = true} : memref<8192xi32, #tpu.memory_space<vmem>>[vector<16xi32>], vector<16xi32>,
      %get3A_120 = arith.index_cast %scan3A_30 : i32 to index
      %get3A_121 = arith.constant 208 : index
      %get3A_122 = tpu.vector_load %arg4[%get3A_120, %get3A_121] {strides = array<i32>} : memref<128x512xf32, #tpu.memory_space<vmem>>, vector<16xf32>,
      %bitcast_convert_type3A_123 = tpu.bitcast %get3A_122 : vector<16xf32> -> vector<16xi32>
      %shift_right_logical3A_124 = arith.constant 19 : i32
      %shift_right_logical3A_125 = vector.broadcast %shift_right_logical3A_124 : i32 to vector<16xi32>
      %shift_right_logical3A_126 = arith.shrui %bitcast_convert_type3A_123, %shift_right_logical3A_125 : vector<16xi32>
      tpu.vector_store_idx %arg5[%shift_right_logical3A_126], %broadcast_in_dim3A_11 {add = true} : memref<8192xi32, #tpu.memory_space<vmem>>[vector<16xi32>], vector<16xi32>,
      %get3A_127 = arith.index_cast %scan3A_30 : i32 to index
      %get3A_128 = arith.constant 224 : index
      %get3A_129 = tpu.vector_load %arg4[%get3A_127, %get3A_128] {strides = array<i32>} : memref<128x512xf32, #tpu.memory_space<vmem>>, vector<16xf32>,
      %bitcast_convert_type3A_130 = tpu.bitcast %get3A_129 : vector<16xf32> -> vector<16xi32>
      %shift_right_logical3A_131 = arith.constant 19 : i32
      %shift_right_logical3A_132 = vector.broadcast %shift_right_logical3A_131 : i32 to vector<16xi32>
      %shift_right_logical3A_133 = arith.shrui %bitcast_convert_type3A_130, %shift_right_logical3A_132 : vector<16xi32>
      tpu.vector_store_idx %arg5[%shift_right_logical3A_133], %broadcast_in_dim3A_11 {add = true} : memref<8192xi32, #tpu.memory_space<vmem>>[vector<16xi32>], vector<16xi32>,
      %get3A_134 = arith.index_cast %scan3A_30 : i32 to index
      %get3A_135 = arith.constant 240 : index
      %get3A_136 = tpu.vector_load %arg4[%get3A_134, %get3A_135] {strides = array<i32>} : memref<128x512xf32, #tpu.memory_space<vmem>>, vector<16xf32>,
      %bitcast_convert_type3A_137 = tpu.bitcast %get3A_136 : vector<16xf32> -> vector<16xi32>
      %shift_right_logical3A_138 = arith.constant 19 : i32
      %shift_right_logical3A_139 = vector.broadcast %shift_right_logical3A_138 : i32 to vector<16xi32>
      %shift_right_logical3A_140 = arith.shrui %bitcast_convert_type3A_137, %shift_right_logical3A_139 : vector<16xi32>
      tpu.vector_store_idx %arg5[%shift_right_logical3A_140], %broadcast_in_dim3A_11 {add = true} : memref<8192xi32, #tpu.memory_space<vmem>>[vector<16xi32>], vector<16xi32>,
      %get3A_141 = arith.index_cast %scan3A_30 : i32 to index
      %get3A_142 = arith.constant 256 : index
      %get3A_143 = tpu.vector_load %arg4[%get3A_141, %get3A_142] {strides = array<i32>} : memref<128x512xf32, #tpu.memory_space<vmem>>, vector<16xf32>,
      %bitcast_convert_type3A_144 = tpu.bitcast %get3A_143 : vector<16xf32> -> vector<16xi32>
      %shift_right_logical3A_145 = arith.constant 19 : i32
      %shift_right_logical3A_146 = vector.broadcast %shift_right_logical3A_145 : i32 to vector<16xi32>
      %shift_right_logical3A_147 = arith.shrui %bitcast_convert_type3A_144, %shift_right_logical3A_146 : vector<16xi32>
      tpu.vector_store_idx %arg5[%shift_right_logical3A_147], %broadcast_in_dim3A_11 {add = true} : memref<8192xi32, #tpu.memory_space<vmem>>[vector<16xi32>], vector<16xi32>,
      %get3A_148 = arith.index_cast %scan3A_30 : i32 to index
      %get3A_149 = arith.constant 272 : index
      %get3A_150 = tpu.vector_load %arg4[%get3A_148, %get3A_149] {strides = array<i32>} : memref<128x512xf32, #tpu.memory_space<vmem>>, vector<16xf32>,
      %bitcast_convert_type3A_151 = tpu.bitcast %get3A_150 : vector<16xf32> -> vector<16xi32>
      %shift_right_logical3A_152 = arith.constant 19 : i32
      %shift_right_logical3A_153 = vector.broadcast %shift_right_logical3A_152 : i32 to vector<16xi32>
      %shift_right_logical3A_154 = arith.shrui %bitcast_convert_type3A_151, %shift_right_logical3A_153 : vector<16xi32>
      tpu.vector_store_idx %arg5[%shift_right_logical3A_154], %broadcast_in_dim3A_11 {add = true} : memref<8192xi32, #tpu.memory_space<vmem>>[vector<16xi32>], vector<16xi32>,
      %get3A_155 = arith.index_cast %scan3A_30 : i32 to index
      %get3A_156 = arith.constant 288 : index
      %get3A_157 = tpu.vector_load %arg4[%get3A_155, %get3A_156] {strides = array<i32>} : memref<128x512xf32, #tpu.memory_space<vmem>>, vector<16xf32>,
      %bitcast_convert_type3A_158 = tpu.bitcast %get3A_157 : vector<16xf32> -> vector<16xi32>
      %shift_right_logical3A_159 = arith.constant 19 : i32
      %shift_right_logical3A_160 = vector.broadcast %shift_right_logical3A_159 : i32 to vector<16xi32>
      %shift_right_logical3A_161 = arith.shrui %bitcast_convert_type3A_158, %shift_right_logical3A_160 : vector<16xi32>
      tpu.vector_store_idx %arg5[%shift_right_logical3A_161], %broadcast_in_dim3A_11 {add = true} : memref<8192xi32, #tpu.memory_space<vmem>>[vector<16xi32>], vector<16xi32>,
      %get3A_162 = arith.index_cast %scan3A_30 : i32 to index
      %get3A_163 = arith.constant 304 : index
      %get3A_164 = tpu.vector_load %arg4[%get3A_162, %get3A_163] {strides = array<i32>} : memref<128x512xf32, #tpu.memory_space<vmem>>, vector<16xf32>,
      %bitcast_convert_type3A_165 = tpu.bitcast %get3A_164 : vector<16xf32> -> vector<16xi32>
      %shift_right_logical3A_166 = arith.constant 19 : i32
      %shift_right_logical3A_167 = vector.broadcast %shift_right_logical3A_166 : i32 to vector<16xi32>
      %shift_right_logical3A_168 = arith.shrui %bitcast_convert_type3A_165, %shift_right_logical3A_167 : vector<16xi32>
      tpu.vector_store_idx %arg5[%shift_right_logical3A_168], %broadcast_in_dim3A_11 {add = true} : memref<8192xi32, #tpu.memory_space<vmem>>[vector<16xi32>], vector<16xi32>,
      %get3A_169 = arith.index_cast %scan3A_30 : i32 to index
      %get3A_170 = arith.constant 320 : index
      %get3A_171 = tpu.vector_load %arg4[%get3A_169, %get3A_170] {strides = array<i32>} : memref<128x512xf32, #tpu.memory_space<vmem>>, vector<16xf32>,
      %bitcast_convert_type3A_172 = tpu.bitcast %get3A_171 : vector<16xf32> -> vector<16xi32>
      %shift_right_logical3A_173 = arith.constant 19 : i32
      %shift_right_logical3A_174 = vector.broadcast %shift_right_logical3A_173 : i32 to vector<16xi32>
      %shift_right_logical3A_175 = arith.shrui %bitcast_convert_type3A_172, %shift_right_logical3A_174 : vector<16xi32>
      tpu.vector_store_idx %arg5[%shift_right_logical3A_175], %broadcast_in_dim3A_11 {add = true} : memref<8192xi32, #tpu.memory_space<vmem>>[vector<16xi32>], vector<16xi32>,
      %get3A_176 = arith.index_cast %scan3A_30 : i32 to index
      %get3A_177 = arith.constant 336 : index
      %get3A_178 = tpu.vector_load %arg4[%get3A_176, %get3A_177] {strides = array<i32>} : memref<128x512xf32, #tpu.memory_space<vmem>>, vector<16xf32>,
      %bitcast_convert_type3A_179 = tpu.bitcast %get3A_178 : vector<16xf32> -> vector<16xi32>
      %shift_right_logical3A_180 = arith.constant 19 : i32
      %shift_right_logical3A_181 = vector.broadcast %shift_right_logical3A_180 : i32 to vector<16xi32>
      %shift_right_logical3A_182 = arith.shrui %bitcast_convert_type3A_179, %shift_right_logical3A_181 : vector<16xi32>
      tpu.vector_store_idx %arg5[%shift_right_logical3A_182], %broadcast_in_dim3A_11 {add = true} : memref<8192xi32, #tpu.memory_space<vmem>>[vector<16xi32>], vector<16xi32>,
      %get3A_183 = arith.index_cast %scan3A_30 : i32 to index
      %get3A_184 = arith.constant 352 : index
      %get3A_185 = tpu.vector_load %arg4[%get3A_183, %get3A_184] {strides = array<i32>} : memref<128x512xf32, #tpu.memory_space<vmem>>, vector<16xf32>,
      %bitcast_convert_type3A_186 = tpu.bitcast %get3A_185 : vector<16xf32> -> vector<16xi32>
      %shift_right_logical3A_187 = arith.constant 19 : i32
      %shift_right_logical3A_188 = vector.broadcast %shift_right_logical3A_187 : i32 to vector<16xi32>
      %shift_right_logical3A_189 = arith.shrui %bitcast_convert_type3A_186, %shift_right_logical3A_188 : vector<16xi32>
      tpu.vector_store_idx %arg5[%shift_right_logical3A_189], %broadcast_in_dim3A_11 {add = true} : memref<8192xi32, #tpu.memory_space<vmem>>[vector<16xi32>], vector<16xi32>,
      %get3A_190 = arith.index_cast %scan3A_30 : i32 to index
      %get3A_191 = arith.constant 368 : index
      %get3A_192 = tpu.vector_load %arg4[%get3A_190, %get3A_191] {strides = array<i32>} : memref<128x512xf32, #tpu.memory_space<vmem>>, vector<16xf32>,
      %bitcast_convert_type3A_193 = tpu.bitcast %get3A_192 : vector<16xf32> -> vector<16xi32>
      %shift_right_logical3A_194 = arith.constant 19 : i32
      %shift_right_logical3A_195 = vector.broadcast %shift_right_logical3A_194 : i32 to vector<16xi32>
      %shift_right_logical3A_196 = arith.shrui %bitcast_convert_type3A_193, %shift_right_logical3A_195 : vector<16xi32>
      tpu.vector_store_idx %arg5[%shift_right_logical3A_196], %broadcast_in_dim3A_11 {add = true} : memref<8192xi32, #tpu.memory_space<vmem>>[vector<16xi32>], vector<16xi32>,
      %get3A_197 = arith.index_cast %scan3A_30 : i32 to index
      %get3A_198 = arith.constant 384 : index
      %get3A_199 = tpu.vector_load %arg4[%get3A_197, %get3A_198] {strides = array<i32>} : memref<128x512xf32, #tpu.memory_space<vmem>>, vector<16xf32>,
      %bitcast_convert_type3A_200 = tpu.bitcast %get3A_199 : vector<16xf32> -> vector<16xi32>
      %shift_right_logical3A_201 = arith.constant 19 : i32
      %shift_right_logical3A_202 = vector.broadcast %shift_right_logical3A_201 : i32 to vector<16xi32>
      %shift_right_logical3A_203 = arith.shrui %bitcast_convert_type3A_200, %shift_right_logical3A_202 : vector<16xi32>
      tpu.vector_store_idx %arg5[%shift_right_logical3A_203], %broadcast_in_dim3A_11 {add = true} : memref<8192xi32, #tpu.memory_space<vmem>>[vector<16xi32>], vector<16xi32>,
      %get3A_204 = arith.index_cast %scan3A_30 : i32 to index
      %get3A_205 = arith.constant 400 : index
      %get3A_206 = tpu.vector_load %arg4[%get3A_204, %get3A_205] {strides = array<i32>} : memref<128x512xf32, #tpu.memory_space<vmem>>, vector<16xf32>,
      %bitcast_convert_type3A_207 = tpu.bitcast %get3A_206 : vector<16xf32> -> vector<16xi32>
      %shift_right_logical3A_208 = arith.constant 19 : i32
      %shift_right_logical3A_209 = vector.broadcast %shift_right_logical3A_208 : i32 to vector<16xi32>
      %shift_right_logical3A_210 = arith.shrui %bitcast_convert_type3A_207, %shift_right_logical3A_209 : vector<16xi32>
      tpu.vector_store_idx %arg5[%shift_right_logical3A_210], %broadcast_in_dim3A_11 {add = true} : memref<8192xi32, #tpu.memory_space<vmem>>[vector<16xi32>], vector<16xi32>,
      %get3A_211 = arith.index_cast %scan3A_30 : i32 to index
      %get3A_212 = arith.constant 416 : index
      %get3A_213 = tpu.vector_load %arg4[%get3A_211, %get3A_212] {strides = array<i32>} : memref<128x512xf32, #tpu.memory_space<vmem>>, vector<16xf32>,
      %bitcast_convert_type3A_214 = tpu.bitcast %get3A_213 : vector<16xf32> -> vector<16xi32>
      %shift_right_logical3A_215 = arith.constant 19 : i32
      %shift_right_logical3A_216 = vector.broadcast %shift_right_logical3A_215 : i32 to vector<16xi32>
      %shift_right_logical3A_217 = arith.shrui %bitcast_convert_type3A_214, %shift_right_logical3A_216 : vector<16xi32>
      tpu.vector_store_idx %arg5[%shift_right_logical3A_217], %broadcast_in_dim3A_11 {add = true} : memref<8192xi32, #tpu.memory_space<vmem>>[vector<16xi32>], vector<16xi32>,
      %get3A_218 = arith.index_cast %scan3A_30 : i32 to index
      %get3A_219 = arith.constant 432 : index
      %get3A_220 = tpu.vector_load %arg4[%get3A_218, %get3A_219] {strides = array<i32>} : memref<128x512xf32, #tpu.memory_space<vmem>>, vector<16xf32>,
      %bitcast_convert_type3A_221 = tpu.bitcast %get3A_220 : vector<16xf32> -> vector<16xi32>
      %shift_right_logical3A_222 = arith.constant 19 : i32
      %shift_right_logical3A_223 = vector.broadcast %shift_right_logical3A_222 : i32 to vector<16xi32>
      %shift_right_logical3A_224 = arith.shrui %bitcast_convert_type3A_221, %shift_right_logical3A_223 : vector<16xi32>
      tpu.vector_store_idx %arg5[%shift_right_logical3A_224], %broadcast_in_dim3A_11 {add = true} : memref<8192xi32, #tpu.memory_space<vmem>>[vector<16xi32>], vector<16xi32>,
      %get3A_225 = arith.index_cast %scan3A_30 : i32 to index
      %get3A_226 = arith.constant 448 : index
      %get3A_227 = tpu.vector_load %arg4[%get3A_225, %get3A_226] {strides = array<i32>} : memref<128x512xf32, #tpu.memory_space<vmem>>, vector<16xf32>,
      %bitcast_convert_type3A_228 = tpu.bitcast %get3A_227 : vector<16xf32> -> vector<16xi32>
      %shift_right_logical3A_229 = arith.constant 19 : i32
      %shift_right_logical3A_230 = vector.broadcast %shift_right_logical3A_229 : i32 to vector<16xi32>
      %shift_right_logical3A_231 = arith.shrui %bitcast_convert_type3A_228, %shift_right_logical3A_230 : vector<16xi32>
      tpu.vector_store_idx %arg5[%shift_right_logical3A_231], %broadcast_in_dim3A_11 {add = true} : memref<8192xi32, #tpu.memory_space<vmem>>[vector<16xi32>], vector<16xi32>,
      %get3A_232 = arith.index_cast %scan3A_30 : i32 to index
      %get3A_233 = arith.constant 464 : index
      %get3A_234 = tpu.vector_load %arg4[%get3A_232, %get3A_233] {strides = array<i32>} : memref<128x512xf32, #tpu.memory_space<vmem>>, vector<16xf32>,
      %bitcast_convert_type3A_235 = tpu.bitcast %get3A_234 : vector<16xf32> -> vector<16xi32>
      %shift_right_logical3A_236 = arith.constant 19 : i32
      %shift_right_logical3A_237 = vector.broadcast %shift_right_logical3A_236 : i32 to vector<16xi32>
      %shift_right_logical3A_238 = arith.shrui %bitcast_convert_type3A_235, %shift_right_logical3A_237 : vector<16xi32>
      tpu.vector_store_idx %arg5[%shift_right_logical3A_238], %broadcast_in_dim3A_11 {add = true} : memref<8192xi32, #tpu.memory_space<vmem>>[vector<16xi32>], vector<16xi32>,
      %get3A_239 = arith.index_cast %scan3A_30 : i32 to index
      %get3A_240 = arith.constant 480 : index
      %get3A_241 = tpu.vector_load %arg4[%get3A_239, %get3A_240] {strides = array<i32>} : memref<128x512xf32, #tpu.memory_space<vmem>>, vector<16xf32>,
      %bitcast_convert_type3A_242 = tpu.bitcast %get3A_241 : vector<16xf32> -> vector<16xi32>
      %shift_right_logical3A_243 = arith.constant 19 : i32
      %shift_right_logical3A_244 = vector.broadcast %shift_right_logical3A_243 : i32 to vector<16xi32>
      %shift_right_logical3A_245 = arith.shrui %bitcast_convert_type3A_242, %shift_right_logical3A_244 : vector<16xi32>
      tpu.vector_store_idx %arg5[%shift_right_logical3A_245], %broadcast_in_dim3A_11 {add = true} : memref<8192xi32, #tpu.memory_space<vmem>>[vector<16xi32>], vector<16xi32>,
      %get3A_246 = arith.index_cast %scan3A_30 : i32 to index
      %get3A_247 = arith.constant 496 : index
      %get3A_248 = tpu.vector_load %arg4[%get3A_246, %get3A_247] {strides = array<i32>} : memref<128x512xf32, #tpu.memory_space<vmem>>, vector<16xf32>,
      %bitcast_convert_type3A_249 = tpu.bitcast %get3A_248 : vector<16xf32> -> vector<16xi32>
      %shift_right_logical3A_250 = arith.constant 19 : i32
      %shift_right_logical3A_251 = vector.broadcast %shift_right_logical3A_250 : i32 to vector<16xi32>
      %shift_right_logical3A_252 = arith.shrui %bitcast_convert_type3A_249, %shift_right_logical3A_251 : vector<16xi32>
      tpu.vector_store_idx %arg5[%shift_right_logical3A_252], %broadcast_in_dim3A_11 {add = true} : memref<8192xi32, #tpu.memory_space<vmem>>[vector<16xi32>], vector<16xi32>,
      %scan3A_253 = arith.constant 0 : i32
      scf.yield %scan3A_253 : i32
    }
    %scan3A_18 = arith.constant 128 : i32
    "tpu.region"() ({
      %run_scoped3A = tpu.sem_alloc : memref<!tpu.dma_semaphore, #tpu.memory_space<semaphore_mem>>
      %dma_start3A = arith.constant 0 : i32
      %dma_start3A_30 = tpu.memref_slice %arg8[%arg1, %dma_start3A] : memref<16x8192xi32, #tpu.memory_space<vmem_shared>> -> memref<1x8192xi32, #tpu.memory_space<vmem_shared>>
      %dma_start3A_31 = tpu.memref_squeeze %dma_start3A_30 : memref<1x8192xi32, #tpu.memory_space<vmem_shared>> -> memref<8192xi32, #tpu.memory_space<vmem_shared>>
      %dma_start3A_32 = arith.constant 0 : i32
      %dma_start3A_33 = tpu.memref_slice %arg8[%arg1, %dma_start3A_32] : memref<16x8192xi32, #tpu.memory_space<vmem_shared>> -> memref<1x8192xi32, #tpu.memory_space<vmem_shared>>
      %dma_start3A_34 = tpu.memref_squeeze %dma_start3A_33 : memref<1x8192xi32, #tpu.memory_space<vmem_shared>> -> memref<8192xi32, #tpu.memory_space<vmem_shared>>
      tpu.enqueue_dma source(%arg5 : memref<8192xi32, #tpu.memory_space<vmem>>) target(%dma_start3A_34 : memref<8192xi32, #tpu.memory_space<vmem_shared>>) target_semaphore(%run_scoped3A : memref<!tpu.dma_semaphore, #tpu.memory_space<semaphore_mem>>)
      %dma_wait3A = arith.constant 0 : i32
      %dma_wait3A_35 = tpu.memref_slice %arg8[%arg1, %dma_wait3A] : memref<16x8192xi32, #tpu.memory_space<vmem_shared>> -> memref<1x8192xi32, #tpu.memory_space<vmem_shared>>
      %dma_wait3A_36 = tpu.memref_squeeze %dma_wait3A_35 : memref<1x8192xi32, #tpu.memory_space<vmem_shared>> -> memref<8192xi32, #tpu.memory_space<vmem_shared>>
      %dma_wait3A_37 = arith.constant 0 : i32
      %dma_wait3A_38 = tpu.memref_slice %arg8[%arg1, %dma_wait3A_37] : memref<16x8192xi32, #tpu.memory_space<vmem_shared>> -> memref<1x8192xi32, #tpu.memory_space<vmem_shared>>
      %dma_wait3A_39 = tpu.memref_squeeze %dma_wait3A_38 : memref<1x8192xi32, #tpu.memory_space<vmem_shared>> -> memref<8192xi32, #tpu.memory_space<vmem_shared>>
      tpu.wait_dma2 semaphore(%run_scoped3A : memref<!tpu.dma_semaphore, #tpu.memory_space<semaphore_mem>>) src(%arg5 : memref<8192xi32, #tpu.memory_space<vmem>>) dst(%dma_wait3A_39 : memref<8192xi32, #tpu.memory_space<vmem_shared>>)
      tpu.yield
    }) : () -> ()
    %barrier3A = arith.constant 0 : index
    tpu.barrier barrier_id(%barrier3A)
    %mul3A_19 = arith.constant 512 : i32
    %mul3A_20 = arith.muli %arg1, %mul3A_19 : i32
    "tpu.region"() ({
      %run_scoped3A = tpu.sem_alloc : memref<!tpu.dma_semaphore, #tpu.memory_space<semaphore_mem>>
      %dma_start3A = arith.constant 0 : i32
      %dma_start3A_30 = tpu.memref_slice %arg8[%dma_start3A, %mul3A_20] : memref<16x8192xi32, #tpu.memory_space<vmem_shared>> -> memref<16x512xi32, #tpu.memory_space<vmem_shared>>
      %dma_start3A_31 = arith.constant 0 : i32
      %dma_start3A_32 = tpu.memref_slice %arg8[%dma_start3A_31, %mul3A_20] : memref<16x8192xi32, #tpu.memory_space<vmem_shared>> -> memref<16x512xi32, #tpu.memory_space<vmem_shared>>
      tpu.enqueue_dma source(%dma_start3A_32 : memref<16x512xi32, #tpu.memory_space<vmem_shared>>) target(%arg6 : memref<16x512xi32, #tpu.memory_space<vmem>>) target_semaphore(%run_scoped3A : memref<!tpu.dma_semaphore, #tpu.memory_space<semaphore_mem>>)
      %dma_wait3A = arith.constant 0 : i32
      %dma_wait3A_33 = tpu.memref_slice %arg8[%dma_wait3A, %mul3A_20] : memref<16x8192xi32, #tpu.memory_space<vmem_shared>> -> memref<16x512xi32, #tpu.memory_space<vmem_shared>>
      %dma_wait3A_34 = arith.constant 0 : i32
      %dma_wait3A_35 = tpu.memref_slice %arg8[%dma_wait3A_34, %mul3A_20] : memref<16x8192xi32, #tpu.memory_space<vmem_shared>> -> memref<16x512xi32, #tpu.memory_space<vmem_shared>>
      tpu.wait_dma2 semaphore(%run_scoped3A : memref<!tpu.dma_semaphore, #tpu.memory_space<semaphore_mem>>) src(%dma_wait3A_35 : memref<16x512xi32, #tpu.memory_space<vmem_shared>>) dst(%arg6 : memref<16x512xi32, #tpu.memory_space<vmem>>)
      tpu.yield
    }) : () -> ()
    %scan3A_21 = arith.constant 0 : i32
    %scan3A_22 = arith.constant 0 : i32
    %scan3A_23 = arith.constant 32 : i32
    %scan3A_24 = arith.addi %scan3A_22, %scan3A_23 : i32
    %scan3A_25 = arith.constant 1 : i32
    %scan3A_26 = scf.for %scan3A_30 = %scan3A_22 to %scan3A_24 step %scan3A_25 iter_args(%scan3A_31 = %scan3A_21) -> (i32)  : i32 {
      %mul3A_32 = arith.constant 16 : i32
      %mul3A_33 = arith.muli %scan3A_30, %mul3A_32 : i32
      %get3A = arith.constant 0 : i32
      %get3A_34 = arith.index_cast %get3A : i32 to index
      %get3A_35 = arith.index_cast %mul3A_33 : i32 to index
      %get3A_36 = tpu.vector_load %arg6[%get3A_34, %get3A_35] {strides = array<i32>} : memref<16x512xi32, #tpu.memory_space<vmem>>, vector<16xi32>,
      %mul3A_37 = arith.constant 16 : i32
      %mul3A_38 = arith.muli %scan3A_30, %mul3A_37 : i32
      %get3A_39 = arith.constant 1 : i32
      %get3A_40 = arith.index_cast %get3A_39 : i32 to index
      %get3A_41 = arith.index_cast %mul3A_38 : i32 to index
      %get3A_42 = tpu.vector_load %arg6[%get3A_40, %get3A_41] {strides = array<i32>} : memref<16x512xi32, #tpu.memory_space<vmem>>, vector<16xi32>,
      %add3A_43 = arith.addi %get3A_36, %get3A_42 : vector<16xi32>
      %mul3A_44 = arith.constant 16 : i32
      %mul3A_45 = arith.muli %scan3A_30, %mul3A_44 : i32
      %get3A_46 = arith.constant 2 : i32
      %get3A_47 = arith.index_cast %get3A_46 : i32 to index
      %get3A_48 = arith.index_cast %mul3A_45 : i32 to index
      %get3A_49 = tpu.vector_load %arg6[%get3A_47, %get3A_48] {strides = array<i32>} : memref<16x512xi32, #tpu.memory_space<vmem>>, vector<16xi32>,
      %add3A_50 = arith.addi %add3A_43, %get3A_49 : vector<16xi32>
      %mul3A_51 = arith.constant 16 : i32
      %mul3A_52 = arith.muli %scan3A_30, %mul3A_51 : i32
      %get3A_53 = arith.constant 3 : i32
      %get3A_54 = arith.index_cast %get3A_53 : i32 to index
      %get3A_55 = arith.index_cast %mul3A_52 : i32 to index
      %get3A_56 = tpu.vector_load %arg6[%get3A_54, %get3A_55] {strides = array<i32>} : memref<16x512xi32, #tpu.memory_space<vmem>>, vector<16xi32>,
      %add3A_57 = arith.addi %add3A_50, %get3A_56 : vector<16xi32>
      %mul3A_58 = arith.constant 16 : i32
      %mul3A_59 = arith.muli %scan3A_30, %mul3A_58 : i32
      %get3A_60 = arith.constant 4 : i32
      %get3A_61 = arith.index_cast %get3A_60 : i32 to index
      %get3A_62 = arith.index_cast %mul3A_59 : i32 to index
      %get3A_63 = tpu.vector_load %arg6[%get3A_61, %get3A_62] {strides = array<i32>} : memref<16x512xi32, #tpu.memory_space<vmem>>, vector<16xi32>,
      %add3A_64 = arith.addi %add3A_57, %get3A_63 : vector<16xi32>
      %mul3A_65 = arith.constant 16 : i32
      %mul3A_66 = arith.muli %scan3A_30, %mul3A_65 : i32
      %get3A_67 = arith.constant 5 : i32
      %get3A_68 = arith.index_cast %get3A_67 : i32 to index
      %get3A_69 = arith.index_cast %mul3A_66 : i32 to index
      %get3A_70 = tpu.vector_load %arg6[%get3A_68, %get3A_69] {strides = array<i32>} : memref<16x512xi32, #tpu.memory_space<vmem>>, vector<16xi32>,
      %add3A_71 = arith.addi %add3A_64, %get3A_70 : vector<16xi32>
      %mul3A_72 = arith.constant 16 : i32
      %mul3A_73 = arith.muli %scan3A_30, %mul3A_72 : i32
      %get3A_74 = arith.constant 6 : i32
      %get3A_75 = arith.index_cast %get3A_74 : i32 to index
      %get3A_76 = arith.index_cast %mul3A_73 : i32 to index
      %get3A_77 = tpu.vector_load %arg6[%get3A_75, %get3A_76] {strides = array<i32>} : memref<16x512xi32, #tpu.memory_space<vmem>>, vector<16xi32>,
      %add3A_78 = arith.addi %add3A_71, %get3A_77 : vector<16xi32>
      %mul3A_79 = arith.constant 16 : i32
      %mul3A_80 = arith.muli %scan3A_30, %mul3A_79 : i32
      %get3A_81 = arith.constant 7 : i32
      %get3A_82 = arith.index_cast %get3A_81 : i32 to index
      %get3A_83 = arith.index_cast %mul3A_80 : i32 to index
      %get3A_84 = tpu.vector_load %arg6[%get3A_82, %get3A_83] {strides = array<i32>} : memref<16x512xi32, #tpu.memory_space<vmem>>, vector<16xi32>,
      %add3A_85 = arith.addi %add3A_78, %get3A_84 : vector<16xi32>
      %mul3A_86 = arith.constant 16 : i32
      %mul3A_87 = arith.muli %scan3A_30, %mul3A_86 : i32
      %get3A_88 = arith.constant 8 : i32
      %get3A_89 = arith.index_cast %get3A_88 : i32 to index
      %get3A_90 = arith.index_cast %mul3A_87 : i32 to index
      %get3A_91 = tpu.vector_load %arg6[%get3A_89, %get3A_90] {strides = array<i32>} : memref<16x512xi32, #tpu.memory_space<vmem>>, vector<16xi32>,
      %add3A_92 = arith.addi %add3A_85, %get3A_91 : vector<16xi32>
      %mul3A_93 = arith.constant 16 : i32
      %mul3A_94 = arith.muli %scan3A_30, %mul3A_93 : i32
      %get3A_95 = arith.constant 9 : i32
      %get3A_96 = arith.index_cast %get3A_95 : i32 to index
      %get3A_97 = arith.index_cast %mul3A_94 : i32 to index
      %get3A_98 = tpu.vector_load %arg6[%get3A_96, %get3A_97] {strides = array<i32>} : memref<16x512xi32, #tpu.memory_space<vmem>>, vector<16xi32>,
      %add3A_99 = arith.addi %add3A_92, %get3A_98 : vector<16xi32>
      %mul3A_100 = arith.constant 16 : i32
      %mul3A_101 = arith.muli %scan3A_30, %mul3A_100 : i32
      %get3A_102 = arith.constant 10 : i32
      %get3A_103 = arith.index_cast %get3A_102 : i32 to index
      %get3A_104 = arith.index_cast %mul3A_101 : i32 to index
      %get3A_105 = tpu.vector_load %arg6[%get3A_103, %get3A_104] {strides = array<i32>} : memref<16x512xi32, #tpu.memory_space<vmem>>, vector<16xi32>,
      %add3A_106 = arith.addi %add3A_99, %get3A_105 : vector<16xi32>
      %mul3A_107 = arith.constant 16 : i32
      %mul3A_108 = arith.muli %scan3A_30, %mul3A_107 : i32
      %get3A_109 = arith.constant 11 : i32
      %get3A_110 = arith.index_cast %get3A_109 : i32 to index
      %get3A_111 = arith.index_cast %mul3A_108 : i32 to index
      %get3A_112 = tpu.vector_load %arg6[%get3A_110, %get3A_111] {strides = array<i32>} : memref<16x512xi32, #tpu.memory_space<vmem>>, vector<16xi32>,
      %add3A_113 = arith.addi %add3A_106, %get3A_112 : vector<16xi32>
      %mul3A_114 = arith.constant 16 : i32
      %mul3A_115 = arith.muli %scan3A_30, %mul3A_114 : i32
      %get3A_116 = arith.constant 12 : i32
      %get3A_117 = arith.index_cast %get3A_116 : i32 to index
      %get3A_118 = arith.index_cast %mul3A_115 : i32 to index
      %get3A_119 = tpu.vector_load %arg6[%get3A_117, %get3A_118] {strides = array<i32>} : memref<16x512xi32, #tpu.memory_space<vmem>>, vector<16xi32>,
      %add3A_120 = arith.addi %add3A_113, %get3A_119 : vector<16xi32>
      %mul3A_121 = arith.constant 16 : i32
      %mul3A_122 = arith.muli %scan3A_30, %mul3A_121 : i32
      %get3A_123 = arith.constant 13 : i32
      %get3A_124 = arith.index_cast %get3A_123 : i32 to index
      %get3A_125 = arith.index_cast %mul3A_122 : i32 to index
      %get3A_126 = tpu.vector_load %arg6[%get3A_124, %get3A_125] {strides = array<i32>} : memref<16x512xi32, #tpu.memory_space<vmem>>, vector<16xi32>,
      %add3A_127 = arith.addi %add3A_120, %get3A_126 : vector<16xi32>
      %mul3A_128 = arith.constant 16 : i32
      %mul3A_129 = arith.muli %scan3A_30, %mul3A_128 : i32
      %get3A_130 = arith.constant 14 : i32
      %get3A_131 = arith.index_cast %get3A_130 : i32 to index
      %get3A_132 = arith.index_cast %mul3A_129 : i32 to index
      %get3A_133 = tpu.vector_load %arg6[%get3A_131, %get3A_132] {strides = array<i32>} : memref<16x512xi32, #tpu.memory_space<vmem>>, vector<16xi32>,
      %add3A_134 = arith.addi %add3A_127, %get3A_133 : vector<16xi32>
      %mul3A_135 = arith.constant 16 : i32
      %mul3A_136 = arith.muli %scan3A_30, %mul3A_135 : i32
      %get3A_137 = arith.constant 15 : i32
      %get3A_138 = arith.index_cast %get3A_137 : i32 to index
      %get3A_139 = arith.index_cast %mul3A_136 : i32 to index
      %get3A_140 = tpu.vector_load %arg6[%get3A_138, %get3A_139] {strides = array<i32>} : memref<16x512xi32, #tpu.memory_space<vmem>>, vector<16xi32>,
      %add3A_141 = arith.addi %add3A_134, %get3A_140 : vector<16xi32>
      %mul3A_142 = arith.constant 16 : i32
      %mul3A_143 = arith.muli %scan3A_30, %mul3A_142 : i32
      %swap3A = arith.index_cast %mul3A_143 : i32 to index
      %swap3A_144 = tpu.vector_load %arg7[%swap3A] {strides = array<i32>} : memref<512xi32, #tpu.memory_space<vmem>>, vector<16xi32>,
      tpu.vector_store %arg7[%swap3A], %add3A_141 {strides = array<i32>} : memref<512xi32, #tpu.memory_space<vmem>>, vector<16xi32>,
      %scan3A_145 = arith.constant 0 : i32
      scf.yield %scan3A_145 : i32
    }
    %scan3A_27 = arith.constant 32 : i32
    %mul3A_28 = arith.constant 512 : i32
    %mul3A_29 = arith.muli %arg1, %mul3A_28 : i32
    "tpu.region"() ({
      %run_scoped3A = tpu.sem_alloc : memref<!tpu.dma_semaphore, #tpu.memory_space<semaphore_mem>>
      %dma_start3A = tpu.memref_slice %arg3[%arg0, %mul3A_29] : memref<2x8192xi32, #tpu.memory_space<hbm>> -> memref<1x512xi32, #tpu.memory_space<hbm>>
      %dma_start3A_30 = tpu.memref_squeeze %dma_start3A : memref<1x512xi32, #tpu.memory_space<hbm>> -> memref<512xi32, #tpu.memory_space<hbm>>
      %dma_start3A_31 = tpu.memref_slice %arg3[%arg0, %mul3A_29] : memref<2x8192xi32, #tpu.memory_space<hbm>> -> memref<1x512xi32, #tpu.memory_space<hbm>>
      %dma_start3A_32 = tpu.memref_squeeze %dma_start3A_31 : memref<1x512xi32, #tpu.memory_space<hbm>> -> memref<512xi32, #tpu.memory_space<hbm>>
      tpu.enqueue_dma source(%arg7 : memref<512xi32, #tpu.memory_space<vmem>>) target(%dma_start3A_32 : memref<512xi32, #tpu.memory_space<hbm>>) target_semaphore(%run_scoped3A : memref<!tpu.dma_semaphore, #tpu.memory_space<semaphore_mem>>)
      %dma_wait3A = tpu.memref_slice %arg3[%arg0, %mul3A_29] : memref<2x8192xi32, #tpu.memory_space<hbm>> -> memref<1x512xi32, #tpu.memory_space<hbm>>
      %dma_wait3A_33 = tpu.memref_squeeze %dma_wait3A : memref<1x512xi32, #tpu.memory_space<hbm>> -> memref<512xi32, #tpu.memory_space<hbm>>
      %dma_wait3A_34 = tpu.memref_slice %arg3[%arg0, %mul3A_29] : memref<2x8192xi32, #tpu.memory_space<hbm>> -> memref<1x512xi32, #tpu.memory_space<hbm>>
      %dma_wait3A_35 = tpu.memref_squeeze %dma_wait3A_34 : memref<1x512xi32, #tpu.memory_space<hbm>> -> memref<512xi32, #tpu.memory_space<hbm>>
      tpu.wait_dma2 semaphore(%run_scoped3A : memref<!tpu.dma_semaphore, #tpu.memory_space<semaphore_mem>>) src(%arg7 : memref<512xi32, #tpu.memory_space<vmem>>) dst(%dma_wait3A_35 : memref<512xi32, #tpu.memory_space<hbm>>)
      tpu.yield
    }) : () -> ()
    return
  }
}

#map = affine_map<(d0, d1) -> (0, 0)>
module attributes {stable_mosaic.version = 14 : i64} {
  func.func @_sc_compact_kernel(%arg0: i32, %arg1: i32, %arg2: memref<4096x512xf32, #tpu.memory_space<hbm>>, %arg3: memref<2x8192xi32, #tpu.memory_space<hbm>>, %arg4: memref<32x65536xf32, #tpu.memory_space<hbm>>, %arg5: memref<32x128xi32, #tpu.memory_space<hbm>>, %arg6: memref<32x128xf32, #tpu.memory_space<hbm>>, %arg7: memref<64x512xf32, #tpu.memory_space<vmem>>, %arg8: memref<2x8192xi32, #tpu.memory_space<vmem>>, %arg9: memref<65552xf32, #tpu.memory_space<vmem>>, %arg10: memref<128xi32, #tpu.memory_space<vmem>>, %arg11: memref<128xf32, #tpu.memory_space<vmem>>) attributes {dimension_semantics = [#tpu.dimension_semantics<core_parallel>, #tpu.dimension_semantics<subcore_parallel>], iteration_bounds = array<i64: 2, 16>, scalar_prefetch = 0 : i64, scratch_operands = 5 : i64, tpu.core_type = #tpu.core_type<sc_vector_subcore>, window_params = [{transform_indices = #map}, {transform_indices = #map}, {transform_indices = #map}, {transform_indices = #map}, {transform_indices = #map}]} {
    %mul3A = arith.constant 2 : i32
    %mul3A_0 = arith.muli %arg1, %mul3A : i32
    %add3A = arith.addi %mul3A_0, %arg0 : i32
    "tpu.region"() ({
      %run_scoped3A = tpu.sem_alloc : memref<!tpu.dma_semaphore, #tpu.memory_space<semaphore_mem>>
      tpu.enqueue_dma source(%arg3 : memref<2x8192xi32, #tpu.memory_space<hbm>>) target(%arg8 : memref<2x8192xi32, #tpu.memory_space<vmem>>) target_semaphore(%run_scoped3A : memref<!tpu.dma_semaphore, #tpu.memory_space<semaphore_mem>>)
      tpu.wait_dma2 semaphore(%run_scoped3A : memref<!tpu.dma_semaphore, #tpu.memory_space<semaphore_mem>>) src(%arg3 : memref<2x8192xi32, #tpu.memory_space<hbm>>) dst(%arg8 : memref<2x8192xi32, #tpu.memory_space<vmem>>)
      tpu.yield
    }) : () -> ()
    %broadcast_in_dim3A = arith.constant 0 : i32
    %broadcast_in_dim3A_1 = vector.broadcast %broadcast_in_dim3A : i32 to vector<16xi32>
    %scan3A = arith.constant 0 : i32
    %scan3A_2 = arith.constant 0 : i32
    %scan3A_3 = arith.constant 512 : i32
    %scan3A_4 = arith.addi %scan3A_2, %scan3A_3 : i32
    %scan3A_5 = arith.constant 1 : i32
    %scan3A_6:2 = scf.for %scan3A_101 = %scan3A_2 to %scan3A_4 step %scan3A_5 iter_args(%scan3A_102 = %broadcast_in_dim3A_1, %scan3A_103 = %scan3A) -> (vector<16xi32>, i32)  : i32 {
      %sub3A_104 = arith.constant 511 : i32
      %sub3A_105 = arith.subi %sub3A_104, %scan3A_101 : i32
      %mul3A_106 = arith.constant 16 : i32
      %mul3A_107 = arith.muli %sub3A_105, %mul3A_106 : i32
      %get3A = arith.constant 0 : i32
      %get3A_108 = arith.index_cast %get3A : i32 to index
      %get3A_109 = arith.index_cast %mul3A_107 : i32 to index
      %get3A_110 = tpu.vector_load %arg8[%get3A_108, %get3A_109] {strides = array<i32>} : memref<2x8192xi32, #tpu.memory_space<vmem>>, vector<16xi32>,
      %mul3A_111 = arith.constant 16 : i32
      %mul3A_112 = arith.muli %sub3A_105, %mul3A_111 : i32
      %get3A_113 = arith.constant 1 : i32
      %get3A_114 = arith.index_cast %get3A_113 : i32 to index
      %get3A_115 = arith.index_cast %mul3A_112 : i32 to index
      %get3A_116 = tpu.vector_load %arg8[%get3A_114, %get3A_115] {strides = array<i32>} : memref<2x8192xi32, #tpu.memory_space<vmem>>, vector<16xi32>,
      %add3A_117 = arith.addi %get3A_110, %get3A_116 : vector<16xi32>
      %rev3A = arith.constant 15 : i32
      %rev3A_118 = vector.broadcast %rev3A : i32 to vector<16xi32>
      %rev3A_119 = tpu.iota {dimensions = array<i32: 0>} : vector<16xi32>
      %rev3A_120 = arith.subi %rev3A_118, %rev3A_119 : vector<16xi32>
      %rev3A_121 = tpu.dynamic_gather %add3A_117[%rev3A_120] in [0] : vector<16xi32>, vector<16xi32> -> vector<16xi32>
      %cumsum3A = arith.constant true
      %cumsum3A_122 = vector.broadcast %cumsum3A : i1 to vector<16xi1>
      %cumsum3A_123 = tpu.scan <sum>, %rev3A_121 masked %cumsum3A_122 : vector<16xi32>, vector<16xi1> -> vector<16xi32>
      %add3A_124 = vector.broadcast %scan3A_103 : i32 to vector<16xi32>
      %add3A_125 = arith.addi %cumsum3A_123, %add3A_124 : vector<16xi32>
      %ge3A = arith.constant 1468006 : i32
      %ge3A_126 = vector.broadcast %ge3A : i32 to vector<16xi32>
      %ge3A_127 = arith.cmpi sge, %add3A_125, %ge3A_126 : vector<16xi32>
      %all_reduce_population_count3A = tpu.all_reduce %ge3A_127 {dim = 0 : i64, kind = #tpu.reduction_kind<sum>} : vector<16xi1> -> vector<16xi32>
      %add3A_128 = arith.addi %scan3A_102, %all_reduce_population_count3A : vector<16xi32>
      %slice3A_129 = vector.extract_strided_slice %cumsum3A_123 {offsets = [15], sizes = [1], strides = [1]} : vector<16xi32> to vector<1xi32>
      %squeeze3A_130 = vector.extract %slice3A_129[0] : i32 from vector<1xi32>
      %add3A_131 = arith.addi %scan3A_103, %squeeze3A_130 : i32
      scf.yield %add3A_128, %add3A_131 : vector<16xi32>, i32
    }
    %scan3A_7 = arith.constant 512 : i32
    %slice3A = vector.extract_strided_slice %scan3A_6#0 {offsets = [0], sizes = [1], strides = [1]} : vector<16xi32> to vector<1xi32>
    %squeeze3A = vector.extract %slice3A[0] : i32 from vector<1xi32>
    %sub3A = arith.constant 1 : i32
    %sub3A_8 = arith.subi %squeeze3A, %sub3A : i32
    %broadcast_in_dim3A_9 = vector.broadcast %sub3A_8 : i32 to vector<16xi32>
    %broadcast_in_dim3A_10 = arith.constant 0 : i32
    %broadcast_in_dim3A_11 = vector.broadcast %broadcast_in_dim3A_10 : i32 to vector<16xi32>
    %broadcast_in_dim3A_12 = arith.constant 0.000000e+00 : f32
    %broadcast_in_dim3A_13 = vector.broadcast %broadcast_in_dim3A_12 : f32 to vector<16xf32>
    %broadcast_in_dim3A_14 = arith.constant 0.000000e+00 : f32
    %broadcast_in_dim3A_15 = vector.broadcast %broadcast_in_dim3A_14 : f32 to vector<16xf32>
    %mul3A_16 = arith.constant 128 : i32
    %mul3A_17 = arith.muli %add3A, %mul3A_16 : i32
    %add3A_18 = arith.constant 0 : i32
    %add3A_19 = arith.addi %mul3A_17, %add3A_18 : i32
    "tpu.region"() ({
      %run_scoped3A = tpu.sem_alloc : memref<!tpu.dma_semaphore, #tpu.memory_space<semaphore_mem>>
      %dma_start3A = arith.constant 0 : i32
      %dma_start3A_101 = tpu.memref_slice %arg2[%add3A_19, %dma_start3A] : memref<4096x512xf32, #tpu.memory_space<hbm>> -> memref<64x512xf32, #tpu.memory_space<hbm>>
      %dma_start3A_102 = arith.constant 0 : i32
      %dma_start3A_103 = tpu.memref_slice %arg2[%add3A_19, %dma_start3A_102] : memref<4096x512xf32, #tpu.memory_space<hbm>> -> memref<64x512xf32, #tpu.memory_space<hbm>>
      tpu.enqueue_dma source(%dma_start3A_103 : memref<64x512xf32, #tpu.memory_space<hbm>>) target(%arg7 : memref<64x512xf32, #tpu.memory_space<vmem>>) target_semaphore(%run_scoped3A : memref<!tpu.dma_semaphore, #tpu.memory_space<semaphore_mem>>)
      %dma_wait3A = arith.constant 0 : i32
      %dma_wait3A_104 = tpu.memref_slice %arg2[%add3A_19, %dma_wait3A] : memref<4096x512xf32, #tpu.memory_space<hbm>> -> memref<64x512xf32, #tpu.memory_space<hbm>>
      %dma_wait3A_105 = arith.constant 0 : i32
      %dma_wait3A_106 = tpu.memref_slice %arg2[%add3A_19, %dma_wait3A_105] : memref<4096x512xf32, #tpu.memory_space<hbm>> -> memref<64x512xf32, #tpu.memory_space<hbm>>
      tpu.wait_dma2 semaphore(%run_scoped3A : memref<!tpu.dma_semaphore, #tpu.memory_space<semaphore_mem>>) src(%dma_wait3A_106 : memref<64x512xf32, #tpu.memory_space<hbm>>) dst(%arg7 : memref<64x512xf32, #tpu.memory_space<vmem>>)
      tpu.yield
    }) : () -> ()
    %scan3A_20 = arith.constant 0 : i32
    %scan3A_21 = arith.constant 64 : i32
    %scan3A_22 = arith.addi %scan3A_20, %scan3A_21 : i32
    %scan3A_23 = arith.constant 1 : i32
    %scan3A_24:3 = scf.for %scan3A_101 = %scan3A_20 to %scan3A_22 step %scan3A_23 iter_args(%scan3A_102 = %broadcast_in_dim3A_11, %scan3A_103 = %broadcast_in_dim3A_13, %scan3A_104 = %broadcast_in_dim3A_15) -> (vector<16xi32>, vector<16xf32>, vector<16xf32>)  : i32 {
      %get3A = arith.index_cast %scan3A_101 : i32 to index
      %get3A_105 = arith.constant 0 : index
      %get3A_106 = tpu.vector_load %arg7[%get3A, %get3A_105] {strides = array<i32>} : memref<64x512xf32, #tpu.memory_space<vmem>>, vector<16xf32>,
      %bitcast_convert_type3A = tpu.bitcast %get3A_106 : vector<16xf32> -> vector<16xi32>
      %shift_right_logical3A = arith.constant 19 : i32
      %shift_right_logical3A_107 = vector.broadcast %shift_right_logical3A : i32 to vector<16xi32>
      %shift_right_logical3A_108 = arith.shrui %bitcast_convert_type3A, %shift_right_logical3A_107 : vector<16xi32>
      %eq3A_109 = arith.cmpi eq, %shift_right_logical3A_108, %broadcast_in_dim3A_9 : vector<16xi32>
      %convert_element_type3A = arith.extui %eq3A_109 : vector<16xi1> to vector<16xi32>
      %cumsum3A = arith.constant true
      %cumsum3A_110 = vector.broadcast %cumsum3A : i1 to vector<16xi1>
      %cumsum3A_111 = tpu.scan <sum>, %convert_element_type3A masked %cumsum3A_110 : vector<16xi32>, vector<16xi1> -> vector<16xi32>
      %add3A_112 = arith.addi %scan3A_102, %cumsum3A_111 : vector<16xi32>
      %sub3A_113 = arith.constant 1 : i32
      %sub3A_114 = vector.broadcast %sub3A_113 : i32 to vector<16xi32>
      %sub3A_115 = arith.subi %add3A_112, %sub3A_114 : vector<16xi32>
      tpu.vector_store_idx %arg9[%sub3A_115], %get3A_106 masked %eq3A_109 : memref<65552xf32, #tpu.memory_space<vmem>>[vector<16xi32>], vector<16xf32>, vector<16xi1>
      %all_reduce_population_count3A = tpu.all_reduce %eq3A_109 {dim = 0 : i64, kind = #tpu.reduction_kind<sum>} : vector<16xi1> -> vector<16xi32>
      %add3A_116 = arith.addi %scan3A_102, %all_reduce_population_count3A : vector<16xi32>
      %lt3A = arith.cmpi slt, %shift_right_logical3A_108, %broadcast_in_dim3A_9 : vector<16xi32>
      %jit3A_117 = arith.constant 0.000000e+00 : f32
      %broadcast_in_dim3A_118 = vector.broadcast %jit3A_117 : f32 to vector<16xf32>
      %select_n3A_119 = arith.select %lt3A, %get3A_106, %broadcast_in_dim3A_118 : vector<16xi1>, vector<16xf32>
      %add3A_120 = arith.addf %scan3A_103, %select_n3A_119 : vector<16xf32>
      %add3A_121 = arith.addf %scan3A_104, %get3A_106 : vector<16xf32>
      %get3A_122 = arith.index_cast %scan3A_101 : i32 to index
      %get3A_123 = arith.constant 16 : index
      %get3A_124 = tpu.vector_load %arg7[%get3A_122, %get3A_123] {strides = array<i32>} : memref<64x512xf32, #tpu.memory_space<vmem>>, vector<16xf32>,
      %bitcast_convert_type3A_125 = tpu.bitcast %get3A_124 : vector<16xf32> -> vector<16xi32>
      %shift_right_logical3A_126 = arith.constant 19 : i32
      %shift_right_logical3A_127 = vector.broadcast %shift_right_logical3A_126 : i32 to vector<16xi32>
      %shift_right_logical3A_128 = arith.shrui %bitcast_convert_type3A_125, %shift_right_logical3A_127 : vector<16xi32>
      %eq3A_129 = arith.cmpi eq, %shift_right_logical3A_128, %broadcast_in_dim3A_9 : vector<16xi32>
      %convert_element_type3A_130 = arith.extui %eq3A_129 : vector<16xi1> to vector<16xi32>
      %cumsum3A_131 = arith.constant true
      %cumsum3A_132 = vector.broadcast %cumsum3A_131 : i1 to vector<16xi1>
      %cumsum3A_133 = tpu.scan <sum>, %convert_element_type3A_130 masked %cumsum3A_132 : vector<16xi32>, vector<16xi1> -> vector<16xi32>
      %add3A_134 = arith.addi %add3A_116, %cumsum3A_133 : vector<16xi32>
      %sub3A_135 = arith.constant 1 : i32
      %sub3A_136 = vector.broadcast %sub3A_135 : i32 to vector<16xi32>
      %sub3A_137 = arith.subi %add3A_134, %sub3A_136 : vector<16xi32>
      tpu.vector_store_idx %arg9[%sub3A_137], %get3A_124 masked %eq3A_129 : memref<65552xf32, #tpu.memory_space<vmem>>[vector<16xi32>], vector<16xf32>, vector<16xi1>
      %all_reduce_population_count3A_138 = tpu.all_reduce %eq3A_129 {dim = 0 : i64, kind = #tpu.reduction_kind<sum>} : vector<16xi1> -> vector<16xi32>
      %add3A_139 = arith.addi %add3A_116, %all_reduce_population_count3A_138 : vector<16xi32>
      %lt3A_140 = arith.cmpi slt, %shift_right_logical3A_128, %broadcast_in_dim3A_9 : vector<16xi32>
      %jit3A_141 = arith.constant 0.000000e+00 : f32
      %broadcast_in_dim3A_142 = vector.broadcast %jit3A_141 : f32 to vector<16xf32>
      %select_n3A_143 = arith.select %lt3A_140, %get3A_124, %broadcast_in_dim3A_142 : vector<16xi1>, vector<16xf32>
      %add3A_144 = arith.addf %add3A_120, %select_n3A_143 : vector<16xf32>
      %add3A_145 = arith.addf %add3A_121, %get3A_124 : vector<16xf32>
      %get3A_146 = arith.index_cast %scan3A_101 : i32 to index
      %get3A_147 = arith.constant 32 : index
      %get3A_148 = tpu.vector_load %arg7[%get3A_146, %get3A_147] {strides = array<i32>} : memref<64x512xf32, #tpu.memory_space<vmem>>, vector<16xf32>,
      %bitcast_convert_type3A_149 = tpu.bitcast %get3A_148 : vector<16xf32> -> vector<16xi32>
      %shift_right_logical3A_150 = arith.constant 19 : i32
      %shift_right_logical3A_151 = vector.broadcast %shift_right_logical3A_150 : i32 to vector<16xi32>
      %shift_right_logical3A_152 = arith.shrui %bitcast_convert_type3A_149, %shift_right_logical3A_151 : vector<16xi32>
      %eq3A_153 = arith.cmpi eq, %shift_right_logical3A_152, %broadcast_in_dim3A_9 : vector<16xi32>
      %convert_element_type3A_154 = arith.extui %eq3A_153 : vector<16xi1> to vector<16xi32>
      %cumsum3A_155 = arith.constant true
      %cumsum3A_156 = vector.broadcast %cumsum3A_155 : i1 to vector<16xi1>
      %cumsum3A_157 = tpu.scan <sum>, %convert_element_type3A_154 masked %cumsum3A_156 : vector<16xi32>, vector<16xi1> -> vector<16xi32>
      %add3A_158 = arith.addi %add3A_139, %cumsum3A_157 : vector<16xi32>
      %sub3A_159 = arith.constant 1 : i32
      %sub3A_160 = vector.broadcast %sub3A_159 : i32 to vector<16xi32>
      %sub3A_161 = arith.subi %add3A_158, %sub3A_160 : vector<16xi32>
      tpu.vector_store_idx %arg9[%sub3A_161], %get3A_148 masked %eq3A_153 : memref<65552xf32, #tpu.memory_space<vmem>>[vector<16xi32>], vector<16xf32>, vector<16xi1>
      %all_reduce_population_count3A_162 = tpu.all_reduce %eq3A_153 {dim = 0 : i64, kind = #tpu.reduction_kind<sum>} : vector<16xi1> -> vector<16xi32>
      %add3A_163 = arith.addi %add3A_139, %all_reduce_population_count3A_162 : vector<16xi32>
      %lt3A_164 = arith.cmpi slt, %shift_right_logical3A_152, %broadcast_in_dim3A_9 : vector<16xi32>
      %jit3A_165 = arith.constant 0.000000e+00 : f32
      %broadcast_in_dim3A_166 = vector.broadcast %jit3A_165 : f32 to vector<16xf32>
      %select_n3A_167 = arith.select %lt3A_164, %get3A_148, %broadcast_in_dim3A_166 : vector<16xi1>, vector<16xf32>
      %add3A_168 = arith.addf %add3A_144, %select_n3A_167 : vector<16xf32>
      %add3A_169 = arith.addf %add3A_145, %get3A_148 : vector<16xf32>
      %get3A_170 = arith.index_cast %scan3A_101 : i32 to index
      %get3A_171 = arith.constant 48 : index
      %get3A_172 = tpu.vector_load %arg7[%get3A_170, %get3A_171] {strides = array<i32>} : memref<64x512xf32, #tpu.memory_space<vmem>>, vector<16xf32>,
      %bitcast_convert_type3A_173 = tpu.bitcast %get3A_172 : vector<16xf32> -> vector<16xi32>
      %shift_right_logical3A_174 = arith.constant 19 : i32
      %shift_right_logical3A_175 = vector.broadcast %shift_right_logical3A_174 : i32 to vector<16xi32>
      %shift_right_logical3A_176 = arith.shrui %bitcast_convert_type3A_173, %shift_right_logical3A_175 : vector<16xi32>
      %eq3A_177 = arith.cmpi eq, %shift_right_logical3A_176, %broadcast_in_dim3A_9 : vector<16xi32>
      %convert_element_type3A_178 = arith.extui %eq3A_177 : vector<16xi1> to vector<16xi32>
      %cumsum3A_179 = arith.constant true
      %cumsum3A_180 = vector.broadcast %cumsum3A_179 : i1 to vector<16xi1>
      %cumsum3A_181 = tpu.scan <sum>, %convert_element_type3A_178 masked %cumsum3A_180 : vector<16xi32>, vector<16xi1> -> vector<16xi32>
      %add3A_182 = arith.addi %add3A_163, %cumsum3A_181 : vector<16xi32>
      %sub3A_183 = arith.constant 1 : i32
      %sub3A_184 = vector.broadcast %sub3A_183 : i32 to vector<16xi32>
      %sub3A_185 = arith.subi %add3A_182, %sub3A_184 : vector<16xi32>
      tpu.vector_store_idx %arg9[%sub3A_185], %get3A_172 masked %eq3A_177 : memref<65552xf32, #tpu.memory_space<vmem>>[vector<16xi32>], vector<16xf32>, vector<16xi1>
      %all_reduce_population_count3A_186 = tpu.all_reduce %eq3A_177 {dim = 0 : i64, kind = #tpu.reduction_kind<sum>} : vector<16xi1> -> vector<16xi32>
      %add3A_187 = arith.addi %add3A_163, %all_reduce_population_count3A_186 : vector<16xi32>
      %lt3A_188 = arith.cmpi slt, %shift_right_logical3A_176, %broadcast_in_dim3A_9 : vector<16xi32>
      %jit3A_189 = arith.constant 0.000000e+00 : f32
      %broadcast_in_dim3A_190 = vector.broadcast %jit3A_189 : f32 to vector<16xf32>
      %select_n3A_191 = arith.select %lt3A_188, %get3A_172, %broadcast_in_dim3A_190 : vector<16xi1>, vector<16xf32>
      %add3A_192 = arith.addf %add3A_168, %select_n3A_191 : vector<16xf32>
      %add3A_193 = arith.addf %add3A_169, %get3A_172 : vector<16xf32>
      %get3A_194 = arith.index_cast %scan3A_101 : i32 to index
      %get3A_195 = arith.constant 64 : index
      %get3A_196 = tpu.vector_load %arg7[%get3A_194, %get3A_195] {strides = array<i32>} : memref<64x512xf32, #tpu.memory_space<vmem>>, vector<16xf32>,
      %bitcast_convert_type3A_197 = tpu.bitcast %get3A_196 : vector<16xf32> -> vector<16xi32>
      %shift_right_logical3A_198 = arith.constant 19 : i32
      %shift_right_logical3A_199 = vector.broadcast %shift_right_logical3A_198 : i32 to vector<16xi32>
      %shift_right_logical3A_200 = arith.shrui %bitcast_convert_type3A_197, %shift_right_logical3A_199 : vector<16xi32>
      %eq3A_201 = arith.cmpi eq, %shift_right_logical3A_200, %broadcast_in_dim3A_9 : vector<16xi32>
      %convert_element_type3A_202 = arith.extui %eq3A_201 : vector<16xi1> to vector<16xi32>
      %cumsum3A_203 = arith.constant true
      %cumsum3A_204 = vector.broadcast %cumsum3A_203 : i1 to vector<16xi1>
      %cumsum3A_205 = tpu.scan <sum>, %convert_element_type3A_202 masked %cumsum3A_204 : vector<16xi32>, vector<16xi1> -> vector<16xi32>
      %add3A_206 = arith.addi %add3A_187, %cumsum3A_205 : vector<16xi32>
      %sub3A_207 = arith.constant 1 : i32
      %sub3A_208 = vector.broadcast %sub3A_207 : i32 to vector<16xi32>
      %sub3A_209 = arith.subi %add3A_206, %sub3A_208 : vector<16xi32>
      tpu.vector_store_idx %arg9[%sub3A_209], %get3A_196 masked %eq3A_201 : memref<65552xf32, #tpu.memory_space<vmem>>[vector<16xi32>], vector<16xf32>, vector<16xi1>
      %all_reduce_population_count3A_210 = tpu.all_reduce %eq3A_201 {dim = 0 : i64, kind = #tpu.reduction_kind<sum>} : vector<16xi1> -> vector<16xi32>
      %add3A_211 = arith.addi %add3A_187, %all_reduce_population_count3A_210 : vector<16xi32>
      %lt3A_212 = arith.cmpi slt, %shift_right_logical3A_200, %broadcast_in_dim3A_9 : vector<16xi32>
      %jit3A_213 = arith.constant 0.000000e+00 : f32
      %broadcast_in_dim3A_214 = vector.broadcast %jit3A_213 : f32 to vector<16xf32>
      %select_n3A_215 = arith.select %lt3A_212, %get3A_196, %broadcast_in_dim3A_214 : vector<16xi1>, vector<16xf32>
      %add3A_216 = arith.addf %add3A_192, %select_n3A_215 : vector<16xf32>
      %add3A_217 = arith.addf %add3A_193, %get3A_196 : vector<16xf32>
      %get3A_218 = arith.index_cast %scan3A_101 : i32 to index
      %get3A_219 = arith.constant 80 : index
      %get3A_220 = tpu.vector_load %arg7[%get3A_218, %get3A_219] {strides = array<i32>} : memref<64x512xf32, #tpu.memory_space<vmem>>, vector<16xf32>,
      %bitcast_convert_type3A_221 = tpu.bitcast %get3A_220 : vector<16xf32> -> vector<16xi32>
      %shift_right_logical3A_222 = arith.constant 19 : i32
      %shift_right_logical3A_223 = vector.broadcast %shift_right_logical3A_222 : i32 to vector<16xi32>
      %shift_right_logical3A_224 = arith.shrui %bitcast_convert_type3A_221, %shift_right_logical3A_223 : vector<16xi32>
      %eq3A_225 = arith.cmpi eq, %shift_right_logical3A_224, %broadcast_in_dim3A_9 : vector<16xi32>
      %convert_element_type3A_226 = arith.extui %eq3A_225 : vector<16xi1> to vector<16xi32>
      %cumsum3A_227 = arith.constant true
      %cumsum3A_228 = vector.broadcast %cumsum3A_227 : i1 to vector<16xi1>
      %cumsum3A_229 = tpu.scan <sum>, %convert_element_type3A_226 masked %cumsum3A_228 : vector<16xi32>, vector<16xi1> -> vector<16xi32>
      %add3A_230 = arith.addi %add3A_211, %cumsum3A_229 : vector<16xi32>
      %sub3A_231 = arith.constant 1 : i32
      %sub3A_232 = vector.broadcast %sub3A_231 : i32 to vector<16xi32>
      %sub3A_233 = arith.subi %add3A_230, %sub3A_232 : vector<16xi32>
      tpu.vector_store_idx %arg9[%sub3A_233], %get3A_220 masked %eq3A_225 : memref<65552xf32, #tpu.memory_space<vmem>>[vector<16xi32>], vector<16xf32>, vector<16xi1>
      %all_reduce_population_count3A_234 = tpu.all_reduce %eq3A_225 {dim = 0 : i64, kind = #tpu.reduction_kind<sum>} : vector<16xi1> -> vector<16xi32>
      %add3A_235 = arith.addi %add3A_211, %all_reduce_population_count3A_234 : vector<16xi32>
      %lt3A_236 = arith.cmpi slt, %shift_right_logical3A_224, %broadcast_in_dim3A_9 : vector<16xi32>
      %jit3A_237 = arith.constant 0.000000e+00 : f32
      %broadcast_in_dim3A_238 = vector.broadcast %jit3A_237 : f32 to vector<16xf32>
      %select_n3A_239 = arith.select %lt3A_236, %get3A_220, %broadcast_in_dim3A_238 : vector<16xi1>, vector<16xf32>
      %add3A_240 = arith.addf %add3A_216, %select_n3A_239 : vector<16xf32>
      %add3A_241 = arith.addf %add3A_217, %get3A_220 : vector<16xf32>
      %get3A_242 = arith.index_cast %scan3A_101 : i32 to index
      %get3A_243 = arith.constant 96 : index
      %get3A_244 = tpu.vector_load %arg7[%get3A_242, %get3A_243] {strides = array<i32>} : memref<64x512xf32, #tpu.memory_space<vmem>>, vector<16xf32>,
      %bitcast_convert_type3A_245 = tpu.bitcast %get3A_244 : vector<16xf32> -> vector<16xi32>
      %shift_right_logical3A_246 = arith.constant 19 : i32
      %shift_right_logical3A_247 = vector.broadcast %shift_right_logical3A_246 : i32 to vector<16xi32>
      %shift_right_logical3A_248 = arith.shrui %bitcast_convert_type3A_245, %shift_right_logical3A_247 : vector<16xi32>
      %eq3A_249 = arith.cmpi eq, %shift_right_logical3A_248, %broadcast_in_dim3A_9 : vector<16xi32>
      %convert_element_type3A_250 = arith.extui %eq3A_249 : vector<16xi1> to vector<16xi32>
      %cumsum3A_251 = arith.constant true
      %cumsum3A_252 = vector.broadcast %cumsum3A_251 : i1 to vector<16xi1>
      %cumsum3A_253 = tpu.scan <sum>, %convert_element_type3A_250 masked %cumsum3A_252 : vector<16xi32>, vector<16xi1> -> vector<16xi32>
      %add3A_254 = arith.addi %add3A_235, %cumsum3A_253 : vector<16xi32>
      %sub3A_255 = arith.constant 1 : i32
      %sub3A_256 = vector.broadcast %sub3A_255 : i32 to vector<16xi32>
      %sub3A_257 = arith.subi %add3A_254, %sub3A_256 : vector<16xi32>
      tpu.vector_store_idx %arg9[%sub3A_257], %get3A_244 masked %eq3A_249 : memref<65552xf32, #tpu.memory_space<vmem>>[vector<16xi32>], vector<16xf32>, vector<16xi1>
      %all_reduce_population_count3A_258 = tpu.all_reduce %eq3A_249 {dim = 0 : i64, kind = #tpu.reduction_kind<sum>} : vector<16xi1> -> vector<16xi32>
      %add3A_259 = arith.addi %add3A_235, %all_reduce_population_count3A_258 : vector<16xi32>
      %lt3A_260 = arith.cmpi slt, %shift_right_logical3A_248, %broadcast_in_dim3A_9 : vector<16xi32>
      %jit3A_261 = arith.constant 0.000000e+00 : f32
      %broadcast_in_dim3A_262 = vector.broadcast %jit3A_261 : f32 to vector<16xf32>
      %select_n3A_263 = arith.select %lt3A_260, %get3A_244, %broadcast_in_dim3A_262 : vector<16xi1>, vector<16xf32>
      %add3A_264 = arith.addf %add3A_240, %select_n3A_263 : vector<16xf32>
      %add3A_265 = arith.addf %add3A_241, %get3A_244 : vector<16xf32>
      %get3A_266 = arith.index_cast %scan3A_101 : i32 to index
      %get3A_267 = arith.constant 112 : index
      %get3A_268 = tpu.vector_load %arg7[%get3A_266, %get3A_267] {strides = array<i32>} : memref<64x512xf32, #tpu.memory_space<vmem>>, vector<16xf32>,
      %bitcast_convert_type3A_269 = tpu.bitcast %get3A_268 : vector<16xf32> -> vector<16xi32>
      %shift_right_logical3A_270 = arith.constant 19 : i32
      %shift_right_logical3A_271 = vector.broadcast %shift_right_logical3A_270 : i32 to vector<16xi32>
      %shift_right_logical3A_272 = arith.shrui %bitcast_convert_type3A_269, %shift_right_logical3A_271 : vector<16xi32>
      %eq3A_273 = arith.cmpi eq, %shift_right_logical3A_272, %broadcast_in_dim3A_9 : vector<16xi32>
      %convert_element_type3A_274 = arith.extui %eq3A_273 : vector<16xi1> to vector<16xi32>
      %cumsum3A_275 = arith.constant true
      %cumsum3A_276 = vector.broadcast %cumsum3A_275 : i1 to vector<16xi1>
      %cumsum3A_277 = tpu.scan <sum>, %convert_element_type3A_274 masked %cumsum3A_276 : vector<16xi32>, vector<16xi1> -> vector<16xi32>
      %add3A_278 = arith.addi %add3A_259, %cumsum3A_277 : vector<16xi32>
      %sub3A_279 = arith.constant 1 : i32
      %sub3A_280 = vector.broadcast %sub3A_279 : i32 to vector<16xi32>
      %sub3A_281 = arith.subi %add3A_278, %sub3A_280 : vector<16xi32>
      tpu.vector_store_idx %arg9[%sub3A_281], %get3A_268 masked %eq3A_273 : memref<65552xf32, #tpu.memory_space<vmem>>[vector<16xi32>], vector<16xf32>, vector<16xi1>
      %all_reduce_population_count3A_282 = tpu.all_reduce %eq3A_273 {dim = 0 : i64, kind = #tpu.reduction_kind<sum>} : vector<16xi1> -> vector<16xi32>
      %add3A_283 = arith.addi %add3A_259, %all_reduce_population_count3A_282 : vector<16xi32>
      %lt3A_284 = arith.cmpi slt, %shift_right_logical3A_272, %broadcast_in_dim3A_9 : vector<16xi32>
      %jit3A_285 = arith.constant 0.000000e+00 : f32
      %broadcast_in_dim3A_286 = vector.broadcast %jit3A_285 : f32 to vector<16xf32>
      %select_n3A_287 = arith.select %lt3A_284, %get3A_268, %broadcast_in_dim3A_286 : vector<16xi1>, vector<16xf32>
      %add3A_288 = arith.addf %add3A_264, %select_n3A_287 : vector<16xf32>
      %add3A_289 = arith.addf %add3A_265, %get3A_268 : vector<16xf32>
      %get3A_290 = arith.index_cast %scan3A_101 : i32 to index
      %get3A_291 = arith.constant 128 : index
      %get3A_292 = tpu.vector_load %arg7[%get3A_290, %get3A_291] {strides = array<i32>} : memref<64x512xf32, #tpu.memory_space<vmem>>, vector<16xf32>,
      %bitcast_convert_type3A_293 = tpu.bitcast %get3A_292 : vector<16xf32> -> vector<16xi32>
      %shift_right_logical3A_294 = arith.constant 19 : i32
      %shift_right_logical3A_295 = vector.broadcast %shift_right_logical3A_294 : i32 to vector<16xi32>
      %shift_right_logical3A_296 = arith.shrui %bitcast_convert_type3A_293, %shift_right_logical3A_295 : vector<16xi32>
      %eq3A_297 = arith.cmpi eq, %shift_right_logical3A_296, %broadcast_in_dim3A_9 : vector<16xi32>
      %convert_element_type3A_298 = arith.extui %eq3A_297 : vector<16xi1> to vector<16xi32>
      %cumsum3A_299 = arith.constant true
      %cumsum3A_300 = vector.broadcast %cumsum3A_299 : i1 to vector<16xi1>
      %cumsum3A_301 = tpu.scan <sum>, %convert_element_type3A_298 masked %cumsum3A_300 : vector<16xi32>, vector<16xi1> -> vector<16xi32>
      %add3A_302 = arith.addi %add3A_283, %cumsum3A_301 : vector<16xi32>
      %sub3A_303 = arith.constant 1 : i32
      %sub3A_304 = vector.broadcast %sub3A_303 : i32 to vector<16xi32>
      %sub3A_305 = arith.subi %add3A_302, %sub3A_304 : vector<16xi32>
      tpu.vector_store_idx %arg9[%sub3A_305], %get3A_292 masked %eq3A_297 : memref<65552xf32, #tpu.memory_space<vmem>>[vector<16xi32>], vector<16xf32>, vector<16xi1>
      %all_reduce_population_count3A_306 = tpu.all_reduce %eq3A_297 {dim = 0 : i64, kind = #tpu.reduction_kind<sum>} : vector<16xi1> -> vector<16xi32>
      %add3A_307 = arith.addi %add3A_283, %all_reduce_population_count3A_306 : vector<16xi32>
      %lt3A_308 = arith.cmpi slt, %shift_right_logical3A_296, %broadcast_in_dim3A_9 : vector<16xi32>
      %jit3A_309 = arith.constant 0.000000e+00 : f32
      %broadcast_in_dim3A_310 = vector.broadcast %jit3A_309 : f32 to vector<16xf32>
      %select_n3A_311 = arith.select %lt3A_308, %get3A_292, %broadcast_in_dim3A_310 : vector<16xi1>, vector<16xf32>
      %add3A_312 = arith.addf %add3A_288, %select_n3A_311 : vector<16xf32>
      %add3A_313 = arith.addf %add3A_289, %get3A_292 : vector<16xf32>
      %get3A_314 = arith.index_cast %scan3A_101 : i32 to index
      %get3A_315 = arith.constant 144 : index
      %get3A_316 = tpu.vector_load %arg7[%get3A_314, %get3A_315] {strides = array<i32>} : memref<64x512xf32, #tpu.memory_space<vmem>>, vector<16xf32>,
      %bitcast_convert_type3A_317 = tpu.bitcast %get3A_316 : vector<16xf32> -> vector<16xi32>
      %shift_right_logical3A_318 = arith.constant 19 : i32
      %shift_right_logical3A_319 = vector.broadcast %shift_right_logical3A_318 : i32 to vector<16xi32>
      %shift_right_logical3A_320 = arith.shrui %bitcast_convert_type3A_317, %shift_right_logical3A_319 : vector<16xi32>
      %eq3A_321 = arith.cmpi eq, %shift_right_logical3A_320, %broadcast_in_dim3A_9 : vector<16xi32>
      %convert_element_type3A_322 = arith.extui %eq3A_321 : vector<16xi1> to vector<16xi32>
      %cumsum3A_323 = arith.constant true
      %cumsum3A_324 = vector.broadcast %cumsum3A_323 : i1 to vector<16xi1>
      %cumsum3A_325 = tpu.scan <sum>, %convert_element_type3A_322 masked %cumsum3A_324 : vector<16xi32>, vector<16xi1> -> vector<16xi32>
      %add3A_326 = arith.addi %add3A_307, %cumsum3A_325 : vector<16xi32>
      %sub3A_327 = arith.constant 1 : i32
      %sub3A_328 = vector.broadcast %sub3A_327 : i32 to vector<16xi32>
      %sub3A_329 = arith.subi %add3A_326, %sub3A_328 : vector<16xi32>
      tpu.vector_store_idx %arg9[%sub3A_329], %get3A_316 masked %eq3A_321 : memref<65552xf32, #tpu.memory_space<vmem>>[vector<16xi32>], vector<16xf32>, vector<16xi1>
      %all_reduce_population_count3A_330 = tpu.all_reduce %eq3A_321 {dim = 0 : i64, kind = #tpu.reduction_kind<sum>} : vector<16xi1> -> vector<16xi32>
      %add3A_331 = arith.addi %add3A_307, %all_reduce_population_count3A_330 : vector<16xi32>
      %lt3A_332 = arith.cmpi slt, %shift_right_logical3A_320, %broadcast_in_dim3A_9 : vector<16xi32>
      %jit3A_333 = arith.constant 0.000000e+00 : f32
      %broadcast_in_dim3A_334 = vector.broadcast %jit3A_333 : f32 to vector<16xf32>
      %select_n3A_335 = arith.select %lt3A_332, %get3A_316, %broadcast_in_dim3A_334 : vector<16xi1>, vector<16xf32>
      %add3A_336 = arith.addf %add3A_312, %select_n3A_335 : vector<16xf32>
      %add3A_337 = arith.addf %add3A_313, %get3A_316 : vector<16xf32>
      %get3A_338 = arith.index_cast %scan3A_101 : i32 to index
      %get3A_339 = arith.constant 160 : index
      %get3A_340 = tpu.vector_load %arg7[%get3A_338, %get3A_339] {strides = array<i32>} : memref<64x512xf32, #tpu.memory_space<vmem>>, vector<16xf32>,
      %bitcast_convert_type3A_341 = tpu.bitcast %get3A_340 : vector<16xf32> -> vector<16xi32>
      %shift_right_logical3A_342 = arith.constant 19 : i32
      %shift_right_logical3A_343 = vector.broadcast %shift_right_logical3A_342 : i32 to vector<16xi32>
      %shift_right_logical3A_344 = arith.shrui %bitcast_convert_type3A_341, %shift_right_logical3A_343 : vector<16xi32>
      %eq3A_345 = arith.cmpi eq, %shift_right_logical3A_344, %broadcast_in_dim3A_9 : vector<16xi32>
      %convert_element_type3A_346 = arith.extui %eq3A_345 : vector<16xi1> to vector<16xi32>
      %cumsum3A_347 = arith.constant true
      %cumsum3A_348 = vector.broadcast %cumsum3A_347 : i1 to vector<16xi1>
      %cumsum3A_349 = tpu.scan <sum>, %convert_element_type3A_346 masked %cumsum3A_348 : vector<16xi32>, vector<16xi1> -> vector<16xi32>
      %add3A_350 = arith.addi %add3A_331, %cumsum3A_349 : vector<16xi32>
      %sub3A_351 = arith.constant 1 : i32
      %sub3A_352 = vector.broadcast %sub3A_351 : i32 to vector<16xi32>
      %sub3A_353 = arith.subi %add3A_350, %sub3A_352 : vector<16xi32>
      tpu.vector_store_idx %arg9[%sub3A_353], %get3A_340 masked %eq3A_345 : memref<65552xf32, #tpu.memory_space<vmem>>[vector<16xi32>], vector<16xf32>, vector<16xi1>
      %all_reduce_population_count3A_354 = tpu.all_reduce %eq3A_345 {dim = 0 : i64, kind = #tpu.reduction_kind<sum>} : vector<16xi1> -> vector<16xi32>
      %add3A_355 = arith.addi %add3A_331, %all_reduce_population_count3A_354 : vector<16xi32>
      %lt3A_356 = arith.cmpi slt, %shift_right_logical3A_344, %broadcast_in_dim3A_9 : vector<16xi32>
      %jit3A_357 = arith.constant 0.000000e+00 : f32
      %broadcast_in_dim3A_358 = vector.broadcast %jit3A_357 : f32 to vector<16xf32>
      %select_n3A_359 = arith.select %lt3A_356, %get3A_340, %broadcast_in_dim3A_358 : vector<16xi1>, vector<16xf32>
      %add3A_360 = arith.addf %add3A_336, %select_n3A_359 : vector<16xf32>
      %add3A_361 = arith.addf %add3A_337, %get3A_340 : vector<16xf32>
      %get3A_362 = arith.index_cast %scan3A_101 : i32 to index
      %get3A_363 = arith.constant 176 : index
      %get3A_364 = tpu.vector_load %arg7[%get3A_362, %get3A_363] {strides = array<i32>} : memref<64x512xf32, #tpu.memory_space<vmem>>, vector<16xf32>,
      %bitcast_convert_type3A_365 = tpu.bitcast %get3A_364 : vector<16xf32> -> vector<16xi32>
      %shift_right_logical3A_366 = arith.constant 19 : i32
      %shift_right_logical3A_367 = vector.broadcast %shift_right_logical3A_366 : i32 to vector<16xi32>
      %shift_right_logical3A_368 = arith.shrui %bitcast_convert_type3A_365, %shift_right_logical3A_367 : vector<16xi32>
      %eq3A_369 = arith.cmpi eq, %shift_right_logical3A_368, %broadcast_in_dim3A_9 : vector<16xi32>
      %convert_element_type3A_370 = arith.extui %eq3A_369 : vector<16xi1> to vector<16xi32>
      %cumsum3A_371 = arith.constant true
      %cumsum3A_372 = vector.broadcast %cumsum3A_371 : i1 to vector<16xi1>
      %cumsum3A_373 = tpu.scan <sum>, %convert_element_type3A_370 masked %cumsum3A_372 : vector<16xi32>, vector<16xi1> -> vector<16xi32>
      %add3A_374 = arith.addi %add3A_355, %cumsum3A_373 : vector<16xi32>
      %sub3A_375 = arith.constant 1 : i32
      %sub3A_376 = vector.broadcast %sub3A_375 : i32 to vector<16xi32>
      %sub3A_377 = arith.subi %add3A_374, %sub3A_376 : vector<16xi32>
      tpu.vector_store_idx %arg9[%sub3A_377], %get3A_364 masked %eq3A_369 : memref<65552xf32, #tpu.memory_space<vmem>>[vector<16xi32>], vector<16xf32>, vector<16xi1>
      %all_reduce_population_count3A_378 = tpu.all_reduce %eq3A_369 {dim = 0 : i64, kind = #tpu.reduction_kind<sum>} : vector<16xi1> -> vector<16xi32>
      %add3A_379 = arith.addi %add3A_355, %all_reduce_population_count3A_378 : vector<16xi32>
      %lt3A_380 = arith.cmpi slt, %shift_right_logical3A_368, %broadcast_in_dim3A_9 : vector<16xi32>
      %jit3A_381 = arith.constant 0.000000e+00 : f32
      %broadcast_in_dim3A_382 = vector.broadcast %jit3A_381 : f32 to vector<16xf32>
      %select_n3A_383 = arith.select %lt3A_380, %get3A_364, %broadcast_in_dim3A_382 : vector<16xi1>, vector<16xf32>
      %add3A_384 = arith.addf %add3A_360, %select_n3A_383 : vector<16xf32>
      %add3A_385 = arith.addf %add3A_361, %get3A_364 : vector<16xf32>
      %get3A_386 = arith.index_cast %scan3A_101 : i32 to index
      %get3A_387 = arith.constant 192 : index
      %get3A_388 = tpu.vector_load %arg7[%get3A_386, %get3A_387] {strides = array<i32>} : memref<64x512xf32, #tpu.memory_space<vmem>>, vector<16xf32>,
      %bitcast_convert_type3A_389 = tpu.bitcast %get3A_388 : vector<16xf32> -> vector<16xi32>
      %shift_right_logical3A_390 = arith.constant 19 : i32
      %shift_right_logical3A_391 = vector.broadcast %shift_right_logical3A_390 : i32 to vector<16xi32>
      %shift_right_logical3A_392 = arith.shrui %bitcast_convert_type3A_389, %shift_right_logical3A_391 : vector<16xi32>
      %eq3A_393 = arith.cmpi eq, %shift_right_logical3A_392, %broadcast_in_dim3A_9 : vector<16xi32>
      %convert_element_type3A_394 = arith.extui %eq3A_393 : vector<16xi1> to vector<16xi32>
      %cumsum3A_395 = arith.constant true
      %cumsum3A_396 = vector.broadcast %cumsum3A_395 : i1 to vector<16xi1>
      %cumsum3A_397 = tpu.scan <sum>, %convert_element_type3A_394 masked %cumsum3A_396 : vector<16xi32>, vector<16xi1> -> vector<16xi32>
      %add3A_398 = arith.addi %add3A_379, %cumsum3A_397 : vector<16xi32>
      %sub3A_399 = arith.constant 1 : i32
      %sub3A_400 = vector.broadcast %sub3A_399 : i32 to vector<16xi32>
      %sub3A_401 = arith.subi %add3A_398, %sub3A_400 : vector<16xi32>
      tpu.vector_store_idx %arg9[%sub3A_401], %get3A_388 masked %eq3A_393 : memref<65552xf32, #tpu.memory_space<vmem>>[vector<16xi32>], vector<16xf32>, vector<16xi1>
      %all_reduce_population_count3A_402 = tpu.all_reduce %eq3A_393 {dim = 0 : i64, kind = #tpu.reduction_kind<sum>} : vector<16xi1> -> vector<16xi32>
      %add3A_403 = arith.addi %add3A_379, %all_reduce_population_count3A_402 : vector<16xi32>
      %lt3A_404 = arith.cmpi slt, %shift_right_logical3A_392, %broadcast_in_dim3A_9 : vector<16xi32>
      %jit3A_405 = arith.constant 0.000000e+00 : f32
      %broadcast_in_dim3A_406 = vector.broadcast %jit3A_405 : f32 to vector<16xf32>
      %select_n3A_407 = arith.select %lt3A_404, %get3A_388, %broadcast_in_dim3A_406 : vector<16xi1>, vector<16xf32>
      %add3A_408 = arith.addf %add3A_384, %select_n3A_407 : vector<16xf32>
      %add3A_409 = arith.addf %add3A_385, %get3A_388 : vector<16xf32>
      %get3A_410 = arith.index_cast %scan3A_101 : i32 to index
      %get3A_411 = arith.constant 208 : index
      %get3A_412 = tpu.vector_load %arg7[%get3A_410, %get3A_411] {strides = array<i32>} : memref<64x512xf32, #tpu.memory_space<vmem>>, vector<16xf32>,
      %bitcast_convert_type3A_413 = tpu.bitcast %get3A_412 : vector<16xf32> -> vector<16xi32>
      %shift_right_logical3A_414 = arith.constant 19 : i32
      %shift_right_logical3A_415 = vector.broadcast %shift_right_logical3A_414 : i32 to vector<16xi32>
      %shift_right_logical3A_416 = arith.shrui %bitcast_convert_type3A_413, %shift_right_logical3A_415 : vector<16xi32>
      %eq3A_417 = arith.cmpi eq, %shift_right_logical3A_416, %broadcast_in_dim3A_9 : vector<16xi32>
      %convert_element_type3A_418 = arith.extui %eq3A_417 : vector<16xi1> to vector<16xi32>
      %cumsum3A_419 = arith.constant true
      %cumsum3A_420 = vector.broadcast %cumsum3A_419 : i1 to vector<16xi1>
      %cumsum3A_421 = tpu.scan <sum>, %convert_element_type3A_418 masked %cumsum3A_420 : vector<16xi32>, vector<16xi1> -> vector<16xi32>
      %add3A_422 = arith.addi %add3A_403, %cumsum3A_421 : vector<16xi32>
      %sub3A_423 = arith.constant 1 : i32
      %sub3A_424 = vector.broadcast %sub3A_423 : i32 to vector<16xi32>
      %sub3A_425 = arith.subi %add3A_422, %sub3A_424 : vector<16xi32>
      tpu.vector_store_idx %arg9[%sub3A_425], %get3A_412 masked %eq3A_417 : memref<65552xf32, #tpu.memory_space<vmem>>[vector<16xi32>], vector<16xf32>, vector<16xi1>
      %all_reduce_population_count3A_426 = tpu.all_reduce %eq3A_417 {dim = 0 : i64, kind = #tpu.reduction_kind<sum>} : vector<16xi1> -> vector<16xi32>
      %add3A_427 = arith.addi %add3A_403, %all_reduce_population_count3A_426 : vector<16xi32>
      %lt3A_428 = arith.cmpi slt, %shift_right_logical3A_416, %broadcast_in_dim3A_9 : vector<16xi32>
      %jit3A_429 = arith.constant 0.000000e+00 : f32
      %broadcast_in_dim3A_430 = vector.broadcast %jit3A_429 : f32 to vector<16xf32>
      %select_n3A_431 = arith.select %lt3A_428, %get3A_412, %broadcast_in_dim3A_430 : vector<16xi1>, vector<16xf32>
      %add3A_432 = arith.addf %add3A_408, %select_n3A_431 : vector<16xf32>
      %add3A_433 = arith.addf %add3A_409, %get3A_412 : vector<16xf32>
      %get3A_434 = arith.index_cast %scan3A_101 : i32 to index
      %get3A_435 = arith.constant 224 : index
      %get3A_436 = tpu.vector_load %arg7[%get3A_434, %get3A_435] {strides = array<i32>} : memref<64x512xf32, #tpu.memory_space<vmem>>, vector<16xf32>,
      %bitcast_convert_type3A_437 = tpu.bitcast %get3A_436 : vector<16xf32> -> vector<16xi32>
      %shift_right_logical3A_438 = arith.constant 19 : i32
      %shift_right_logical3A_439 = vector.broadcast %shift_right_logical3A_438 : i32 to vector<16xi32>
      %shift_right_logical3A_440 = arith.shrui %bitcast_convert_type3A_437, %shift_right_logical3A_439 : vector<16xi32>
      %eq3A_441 = arith.cmpi eq, %shift_right_logical3A_440, %broadcast_in_dim3A_9 : vector<16xi32>
      %convert_element_type3A_442 = arith.extui %eq3A_441 : vector<16xi1> to vector<16xi32>
      %cumsum3A_443 = arith.constant true
      %cumsum3A_444 = vector.broadcast %cumsum3A_443 : i1 to vector<16xi1>
      %cumsum3A_445 = tpu.scan <sum>, %convert_element_type3A_442 masked %cumsum3A_444 : vector<16xi32>, vector<16xi1> -> vector<16xi32>
      %add3A_446 = arith.addi %add3A_427, %cumsum3A_445 : vector<16xi32>
      %sub3A_447 = arith.constant 1 : i32
      %sub3A_448 = vector.broadcast %sub3A_447 : i32 to vector<16xi32>
      %sub3A_449 = arith.subi %add3A_446, %sub3A_448 : vector<16xi32>
      tpu.vector_store_idx %arg9[%sub3A_449], %get3A_436 masked %eq3A_441 : memref<65552xf32, #tpu.memory_space<vmem>>[vector<16xi32>], vector<16xf32>, vector<16xi1>
      %all_reduce_population_count3A_450 = tpu.all_reduce %eq3A_441 {dim = 0 : i64, kind = #tpu.reduction_kind<sum>} : vector<16xi1> -> vector<16xi32>
      %add3A_451 = arith.addi %add3A_427, %all_reduce_population_count3A_450 : vector<16xi32>
      %lt3A_452 = arith.cmpi slt, %shift_right_logical3A_440, %broadcast_in_dim3A_9 : vector<16xi32>
      %jit3A_453 = arith.constant 0.000000e+00 : f32
      %broadcast_in_dim3A_454 = vector.broadcast %jit3A_453 : f32 to vector<16xf32>
      %select_n3A_455 = arith.select %lt3A_452, %get3A_436, %broadcast_in_dim3A_454 : vector<16xi1>, vector<16xf32>
      %add3A_456 = arith.addf %add3A_432, %select_n3A_455 : vector<16xf32>
      %add3A_457 = arith.addf %add3A_433, %get3A_436 : vector<16xf32>
      %get3A_458 = arith.index_cast %scan3A_101 : i32 to index
      %get3A_459 = arith.constant 240 : index
      %get3A_460 = tpu.vector_load %arg7[%get3A_458, %get3A_459] {strides = array<i32>} : memref<64x512xf32, #tpu.memory_space<vmem>>, vector<16xf32>,
      %bitcast_convert_type3A_461 = tpu.bitcast %get3A_460 : vector<16xf32> -> vector<16xi32>
      %shift_right_logical3A_462 = arith.constant 19 : i32
      %shift_right_logical3A_463 = vector.broadcast %shift_right_logical3A_462 : i32 to vector<16xi32>
      %shift_right_logical3A_464 = arith.shrui %bitcast_convert_type3A_461, %shift_right_logical3A_463 : vector<16xi32>
      %eq3A_465 = arith.cmpi eq, %shift_right_logical3A_464, %broadcast_in_dim3A_9 : vector<16xi32>
      %convert_element_type3A_466 = arith.extui %eq3A_465 : vector<16xi1> to vector<16xi32>
      %cumsum3A_467 = arith.constant true
      %cumsum3A_468 = vector.broadcast %cumsum3A_467 : i1 to vector<16xi1>
      %cumsum3A_469 = tpu.scan <sum>, %convert_element_type3A_466 masked %cumsum3A_468 : vector<16xi32>, vector<16xi1> -> vector<16xi32>
      %add3A_470 = arith.addi %add3A_451, %cumsum3A_469 : vector<16xi32>
      %sub3A_471 = arith.constant 1 : i32
      %sub3A_472 = vector.broadcast %sub3A_471 : i32 to vector<16xi32>
      %sub3A_473 = arith.subi %add3A_470, %sub3A_472 : vector<16xi32>
      tpu.vector_store_idx %arg9[%sub3A_473], %get3A_460 masked %eq3A_465 : memref<65552xf32, #tpu.memory_space<vmem>>[vector<16xi32>], vector<16xf32>, vector<16xi1>
      %all_reduce_population_count3A_474 = tpu.all_reduce %eq3A_465 {dim = 0 : i64, kind = #tpu.reduction_kind<sum>} : vector<16xi1> -> vector<16xi32>
      %add3A_475 = arith.addi %add3A_451, %all_reduce_population_count3A_474 : vector<16xi32>
      %lt3A_476 = arith.cmpi slt, %shift_right_logical3A_464, %broadcast_in_dim3A_9 : vector<16xi32>
      %jit3A_477 = arith.constant 0.000000e+00 : f32
      %broadcast_in_dim3A_478 = vector.broadcast %jit3A_477 : f32 to vector<16xf32>
      %select_n3A_479 = arith.select %lt3A_476, %get3A_460, %broadcast_in_dim3A_478 : vector<16xi1>, vector<16xf32>
      %add3A_480 = arith.addf %add3A_456, %select_n3A_479 : vector<16xf32>
      %add3A_481 = arith.addf %add3A_457, %get3A_460 : vector<16xf32>
      %get3A_482 = arith.index_cast %scan3A_101 : i32 to index
      %get3A_483 = arith.constant 256 : index
      %get3A_484 = tpu.vector_load %arg7[%get3A_482, %get3A_483] {strides = array<i32>} : memref<64x512xf32, #tpu.memory_space<vmem>>, vector<16xf32>,
      %bitcast_convert_type3A_485 = tpu.bitcast %get3A_484 : vector<16xf32> -> vector<16xi32>
      %shift_right_logical3A_486 = arith.constant 19 : i32
      %shift_right_logical3A_487 = vector.broadcast %shift_right_logical3A_486 : i32 to vector<16xi32>
      %shift_right_logical3A_488 = arith.shrui %bitcast_convert_type3A_485, %shift_right_logical3A_487 : vector<16xi32>
      %eq3A_489 = arith.cmpi eq, %shift_right_logical3A_488, %broadcast_in_dim3A_9 : vector<16xi32>
      %convert_element_type3A_490 = arith.extui %eq3A_489 : vector<16xi1> to vector<16xi32>
      %cumsum3A_491 = arith.constant true
      %cumsum3A_492 = vector.broadcast %cumsum3A_491 : i1 to vector<16xi1>
      %cumsum3A_493 = tpu.scan <sum>, %convert_element_type3A_490 masked %cumsum3A_492 : vector<16xi32>, vector<16xi1> -> vector<16xi32>
      %add3A_494 = arith.addi %add3A_475, %cumsum3A_493 : vector<16xi32>
      %sub3A_495 = arith.constant 1 : i32
      %sub3A_496 = vector.broadcast %sub3A_495 : i32 to vector<16xi32>
      %sub3A_497 = arith.subi %add3A_494, %sub3A_496 : vector<16xi32>
      tpu.vector_store_idx %arg9[%sub3A_497], %get3A_484 masked %eq3A_489 : memref<65552xf32, #tpu.memory_space<vmem>>[vector<16xi32>], vector<16xf32>, vector<16xi1>
      %all_reduce_population_count3A_498 = tpu.all_reduce %eq3A_489 {dim = 0 : i64, kind = #tpu.reduction_kind<sum>} : vector<16xi1> -> vector<16xi32>
      %add3A_499 = arith.addi %add3A_475, %all_reduce_population_count3A_498 : vector<16xi32>
      %lt3A_500 = arith.cmpi slt, %shift_right_logical3A_488, %broadcast_in_dim3A_9 : vector<16xi32>
      %jit3A_501 = arith.constant 0.000000e+00 : f32
      %broadcast_in_dim3A_502 = vector.broadcast %jit3A_501 : f32 to vector<16xf32>
      %select_n3A_503 = arith.select %lt3A_500, %get3A_484, %broadcast_in_dim3A_502 : vector<16xi1>, vector<16xf32>
      %add3A_504 = arith.addf %add3A_480, %select_n3A_503 : vector<16xf32>
      %add3A_505 = arith.addf %add3A_481, %get3A_484 : vector<16xf32>
      %get3A_506 = arith.index_cast %scan3A_101 : i32 to index
      %get3A_507 = arith.constant 272 : index
      %get3A_508 = tpu.vector_load %arg7[%get3A_506, %get3A_507] {strides = array<i32>} : memref<64x512xf32, #tpu.memory_space<vmem>>, vector<16xf32>,
      %bitcast_convert_type3A_509 = tpu.bitcast %get3A_508 : vector<16xf32> -> vector<16xi32>
      %shift_right_logical3A_510 = arith.constant 19 : i32
      %shift_right_logical3A_511 = vector.broadcast %shift_right_logical3A_510 : i32 to vector<16xi32>
      %shift_right_logical3A_512 = arith.shrui %bitcast_convert_type3A_509, %shift_right_logical3A_511 : vector<16xi32>
      %eq3A_513 = arith.cmpi eq, %shift_right_logical3A_512, %broadcast_in_dim3A_9 : vector<16xi32>
      %convert_element_type3A_514 = arith.extui %eq3A_513 : vector<16xi1> to vector<16xi32>
      %cumsum3A_515 = arith.constant true
      %cumsum3A_516 = vector.broadcast %cumsum3A_515 : i1 to vector<16xi1>
      %cumsum3A_517 = tpu.scan <sum>, %convert_element_type3A_514 masked %cumsum3A_516 : vector<16xi32>, vector<16xi1> -> vector<16xi32>
      %add3A_518 = arith.addi %add3A_499, %cumsum3A_517 : vector<16xi32>
      %sub3A_519 = arith.constant 1 : i32
      %sub3A_520 = vector.broadcast %sub3A_519 : i32 to vector<16xi32>
      %sub3A_521 = arith.subi %add3A_518, %sub3A_520 : vector<16xi32>
      tpu.vector_store_idx %arg9[%sub3A_521], %get3A_508 masked %eq3A_513 : memref<65552xf32, #tpu.memory_space<vmem>>[vector<16xi32>], vector<16xf32>, vector<16xi1>
      %all_reduce_population_count3A_522 = tpu.all_reduce %eq3A_513 {dim = 0 : i64, kind = #tpu.reduction_kind<sum>} : vector<16xi1> -> vector<16xi32>
      %add3A_523 = arith.addi %add3A_499, %all_reduce_population_count3A_522 : vector<16xi32>
      %lt3A_524 = arith.cmpi slt, %shift_right_logical3A_512, %broadcast_in_dim3A_9 : vector<16xi32>
      %jit3A_525 = arith.constant 0.000000e+00 : f32
      %broadcast_in_dim3A_526 = vector.broadcast %jit3A_525 : f32 to vector<16xf32>
      %select_n3A_527 = arith.select %lt3A_524, %get3A_508, %broadcast_in_dim3A_526 : vector<16xi1>, vector<16xf32>
      %add3A_528 = arith.addf %add3A_504, %select_n3A_527 : vector<16xf32>
      %add3A_529 = arith.addf %add3A_505, %get3A_508 : vector<16xf32>
      %get3A_530 = arith.index_cast %scan3A_101 : i32 to index
      %get3A_531 = arith.constant 288 : index
      %get3A_532 = tpu.vector_load %arg7[%get3A_530, %get3A_531] {strides = array<i32>} : memref<64x512xf32, #tpu.memory_space<vmem>>, vector<16xf32>,
      %bitcast_convert_type3A_533 = tpu.bitcast %get3A_532 : vector<16xf32> -> vector<16xi32>
      %shift_right_logical3A_534 = arith.constant 19 : i32
      %shift_right_logical3A_535 = vector.broadcast %shift_right_logical3A_534 : i32 to vector<16xi32>
      %shift_right_logical3A_536 = arith.shrui %bitcast_convert_type3A_533, %shift_right_logical3A_535 : vector<16xi32>
      %eq3A_537 = arith.cmpi eq, %shift_right_logical3A_536, %broadcast_in_dim3A_9 : vector<16xi32>
      %convert_element_type3A_538 = arith.extui %eq3A_537 : vector<16xi1> to vector<16xi32>
      %cumsum3A_539 = arith.constant true
      %cumsum3A_540 = vector.broadcast %cumsum3A_539 : i1 to vector<16xi1>
      %cumsum3A_541 = tpu.scan <sum>, %convert_element_type3A_538 masked %cumsum3A_540 : vector<16xi32>, vector<16xi1> -> vector<16xi32>
      %add3A_542 = arith.addi %add3A_523, %cumsum3A_541 : vector<16xi32>
      %sub3A_543 = arith.constant 1 : i32
      %sub3A_544 = vector.broadcast %sub3A_543 : i32 to vector<16xi32>
      %sub3A_545 = arith.subi %add3A_542, %sub3A_544 : vector<16xi32>
      tpu.vector_store_idx %arg9[%sub3A_545], %get3A_532 masked %eq3A_537 : memref<65552xf32, #tpu.memory_space<vmem>>[vector<16xi32>], vector<16xf32>, vector<16xi1>
      %all_reduce_population_count3A_546 = tpu.all_reduce %eq3A_537 {dim = 0 : i64, kind = #tpu.reduction_kind<sum>} : vector<16xi1> -> vector<16xi32>
      %add3A_547 = arith.addi %add3A_523, %all_reduce_population_count3A_546 : vector<16xi32>
      %lt3A_548 = arith.cmpi slt, %shift_right_logical3A_536, %broadcast_in_dim3A_9 : vector<16xi32>
      %jit3A_549 = arith.constant 0.000000e+00 : f32
      %broadcast_in_dim3A_550 = vector.broadcast %jit3A_549 : f32 to vector<16xf32>
      %select_n3A_551 = arith.select %lt3A_548, %get3A_532, %broadcast_in_dim3A_550 : vector<16xi1>, vector<16xf32>
      %add3A_552 = arith.addf %add3A_528, %select_n3A_551 : vector<16xf32>
      %add3A_553 = arith.addf %add3A_529, %get3A_532 : vector<16xf32>
      %get3A_554 = arith.index_cast %scan3A_101 : i32 to index
      %get3A_555 = arith.constant 304 : index
      %get3A_556 = tpu.vector_load %arg7[%get3A_554, %get3A_555] {strides = array<i32>} : memref<64x512xf32, #tpu.memory_space<vmem>>, vector<16xf32>,
      %bitcast_convert_type3A_557 = tpu.bitcast %get3A_556 : vector<16xf32> -> vector<16xi32>
      %shift_right_logical3A_558 = arith.constant 19 : i32
      %shift_right_logical3A_559 = vector.broadcast %shift_right_logical3A_558 : i32 to vector<16xi32>
      %shift_right_logical3A_560 = arith.shrui %bitcast_convert_type3A_557, %shift_right_logical3A_559 : vector<16xi32>
      %eq3A_561 = arith.cmpi eq, %shift_right_logical3A_560, %broadcast_in_dim3A_9 : vector<16xi32>
      %convert_element_type3A_562 = arith.extui %eq3A_561 : vector<16xi1> to vector<16xi32>
      %cumsum3A_563 = arith.constant true
      %cumsum3A_564 = vector.broadcast %cumsum3A_563 : i1 to vector<16xi1>
      %cumsum3A_565 = tpu.scan <sum>, %convert_element_type3A_562 masked %cumsum3A_564 : vector<16xi32>, vector<16xi1> -> vector<16xi32>
      %add3A_566 = arith.addi %add3A_547, %cumsum3A_565 : vector<16xi32>
      %sub3A_567 = arith.constant 1 : i32
      %sub3A_568 = vector.broadcast %sub3A_567 : i32 to vector<16xi32>
      %sub3A_569 = arith.subi %add3A_566, %sub3A_568 : vector<16xi32>
      tpu.vector_store_idx %arg9[%sub3A_569], %get3A_556 masked %eq3A_561 : memref<65552xf32, #tpu.memory_space<vmem>>[vector<16xi32>], vector<16xf32>, vector<16xi1>
      %all_reduce_population_count3A_570 = tpu.all_reduce %eq3A_561 {dim = 0 : i64, kind = #tpu.reduction_kind<sum>} : vector<16xi1> -> vector<16xi32>
      %add3A_571 = arith.addi %add3A_547, %all_reduce_population_count3A_570 : vector<16xi32>
      %lt3A_572 = arith.cmpi slt, %shift_right_logical3A_560, %broadcast_in_dim3A_9 : vector<16xi32>
      %jit3A_573 = arith.constant 0.000000e+00 : f32
      %broadcast_in_dim3A_574 = vector.broadcast %jit3A_573 : f32 to vector<16xf32>
      %select_n3A_575 = arith.select %lt3A_572, %get3A_556, %broadcast_in_dim3A_574 : vector<16xi1>, vector<16xf32>
      %add3A_576 = arith.addf %add3A_552, %select_n3A_575 : vector<16xf32>
      %add3A_577 = arith.addf %add3A_553, %get3A_556 : vector<16xf32>
      %get3A_578 = arith.index_cast %scan3A_101 : i32 to index
      %get3A_579 = arith.constant 320 : index
      %get3A_580 = tpu.vector_load %arg7[%get3A_578, %get3A_579] {strides = array<i32>} : memref<64x512xf32, #tpu.memory_space<vmem>>, vector<16xf32>,
      %bitcast_convert_type3A_581 = tpu.bitcast %get3A_580 : vector<16xf32> -> vector<16xi32>
      %shift_right_logical3A_582 = arith.constant 19 : i32
      %shift_right_logical3A_583 = vector.broadcast %shift_right_logical3A_582 : i32 to vector<16xi32>
      %shift_right_logical3A_584 = arith.shrui %bitcast_convert_type3A_581, %shift_right_logical3A_583 : vector<16xi32>
      %eq3A_585 = arith.cmpi eq, %shift_right_logical3A_584, %broadcast_in_dim3A_9 : vector<16xi32>
      %convert_element_type3A_586 = arith.extui %eq3A_585 : vector<16xi1> to vector<16xi32>
      %cumsum3A_587 = arith.constant true
      %cumsum3A_588 = vector.broadcast %cumsum3A_587 : i1 to vector<16xi1>
      %cumsum3A_589 = tpu.scan <sum>, %convert_element_type3A_586 masked %cumsum3A_588 : vector<16xi32>, vector<16xi1> -> vector<16xi32>
      %add3A_590 = arith.addi %add3A_571, %cumsum3A_589 : vector<16xi32>
      %sub3A_591 = arith.constant 1 : i32
      %sub3A_592 = vector.broadcast %sub3A_591 : i32 to vector<16xi32>
      %sub3A_593 = arith.subi %add3A_590, %sub3A_592 : vector<16xi32>
      tpu.vector_store_idx %arg9[%sub3A_593], %get3A_580 masked %eq3A_585 : memref<65552xf32, #tpu.memory_space<vmem>>[vector<16xi32>], vector<16xf32>, vector<16xi1>
      %all_reduce_population_count3A_594 = tpu.all_reduce %eq3A_585 {dim = 0 : i64, kind = #tpu.reduction_kind<sum>} : vector<16xi1> -> vector<16xi32>
      %add3A_595 = arith.addi %add3A_571, %all_reduce_population_count3A_594 : vector<16xi32>
      %lt3A_596 = arith.cmpi slt, %shift_right_logical3A_584, %broadcast_in_dim3A_9 : vector<16xi32>
      %jit3A_597 = arith.constant 0.000000e+00 : f32
      %broadcast_in_dim3A_598 = vector.broadcast %jit3A_597 : f32 to vector<16xf32>
      %select_n3A_599 = arith.select %lt3A_596, %get3A_580, %broadcast_in_dim3A_598 : vector<16xi1>, vector<16xf32>
      %add3A_600 = arith.addf %add3A_576, %select_n3A_599 : vector<16xf32>
      %add3A_601 = arith.addf %add3A_577, %get3A_580 : vector<16xf32>
      %get3A_602 = arith.index_cast %scan3A_101 : i32 to index
      %get3A_603 = arith.constant 336 : index
      %get3A_604 = tpu.vector_load %arg7[%get3A_602, %get3A_603] {strides = array<i32>} : memref<64x512xf32, #tpu.memory_space<vmem>>, vector<16xf32>,
      %bitcast_convert_type3A_605 = tpu.bitcast %get3A_604 : vector<16xf32> -> vector<16xi32>
      %shift_right_logical3A_606 = arith.constant 19 : i32
      %shift_right_logical3A_607 = vector.broadcast %shift_right_logical3A_606 : i32 to vector<16xi32>
      %shift_right_logical3A_608 = arith.shrui %bitcast_convert_type3A_605, %shift_right_logical3A_607 : vector<16xi32>
      %eq3A_609 = arith.cmpi eq, %shift_right_logical3A_608, %broadcast_in_dim3A_9 : vector<16xi32>
      %convert_element_type3A_610 = arith.extui %eq3A_609 : vector<16xi1> to vector<16xi32>
      %cumsum3A_611 = arith.constant true
      %cumsum3A_612 = vector.broadcast %cumsum3A_611 : i1 to vector<16xi1>
      %cumsum3A_613 = tpu.scan <sum>, %convert_element_type3A_610 masked %cumsum3A_612 : vector<16xi32>, vector<16xi1> -> vector<16xi32>
      %add3A_614 = arith.addi %add3A_595, %cumsum3A_613 : vector<16xi32>
      %sub3A_615 = arith.constant 1 : i32
      %sub3A_616 = vector.broadcast %sub3A_615 : i32 to vector<16xi32>
      %sub3A_617 = arith.subi %add3A_614, %sub3A_616 : vector<16xi32>
      tpu.vector_store_idx %arg9[%sub3A_617], %get3A_604 masked %eq3A_609 : memref<65552xf32, #tpu.memory_space<vmem>>[vector<16xi32>], vector<16xf32>, vector<16xi1>
      %all_reduce_population_count3A_618 = tpu.all_reduce %eq3A_609 {dim = 0 : i64, kind = #tpu.reduction_kind<sum>} : vector<16xi1> -> vector<16xi32>
      %add3A_619 = arith.addi %add3A_595, %all_reduce_population_count3A_618 : vector<16xi32>
      %lt3A_620 = arith.cmpi slt, %shift_right_logical3A_608, %broadcast_in_dim3A_9 : vector<16xi32>
      %jit3A_621 = arith.constant 0.000000e+00 : f32
      %broadcast_in_dim3A_622 = vector.broadcast %jit3A_621 : f32 to vector<16xf32>
      %select_n3A_623 = arith.select %lt3A_620, %get3A_604, %broadcast_in_dim3A_622 : vector<16xi1>, vector<16xf32>
      %add3A_624 = arith.addf %add3A_600, %select_n3A_623 : vector<16xf32>
      %add3A_625 = arith.addf %add3A_601, %get3A_604 : vector<16xf32>
      %get3A_626 = arith.index_cast %scan3A_101 : i32 to index
      %get3A_627 = arith.constant 352 : index
      %get3A_628 = tpu.vector_load %arg7[%get3A_626, %get3A_627] {strides = array<i32>} : memref<64x512xf32, #tpu.memory_space<vmem>>, vector<16xf32>,
      %bitcast_convert_type3A_629 = tpu.bitcast %get3A_628 : vector<16xf32> -> vector<16xi32>
      %shift_right_logical3A_630 = arith.constant 19 : i32
      %shift_right_logical3A_631 = vector.broadcast %shift_right_logical3A_630 : i32 to vector<16xi32>
      %shift_right_logical3A_632 = arith.shrui %bitcast_convert_type3A_629, %shift_right_logical3A_631 : vector<16xi32>
      %eq3A_633 = arith.cmpi eq, %shift_right_logical3A_632, %broadcast_in_dim3A_9 : vector<16xi32>
      %convert_element_type3A_634 = arith.extui %eq3A_633 : vector<16xi1> to vector<16xi32>
      %cumsum3A_635 = arith.constant true
      %cumsum3A_636 = vector.broadcast %cumsum3A_635 : i1 to vector<16xi1>
      %cumsum3A_637 = tpu.scan <sum>, %convert_element_type3A_634 masked %cumsum3A_636 : vector<16xi32>, vector<16xi1> -> vector<16xi32>
      %add3A_638 = arith.addi %add3A_619, %cumsum3A_637 : vector<16xi32>
      %sub3A_639 = arith.constant 1 : i32
      %sub3A_640 = vector.broadcast %sub3A_639 : i32 to vector<16xi32>
      %sub3A_641 = arith.subi %add3A_638, %sub3A_640 : vector<16xi32>
      tpu.vector_store_idx %arg9[%sub3A_641], %get3A_628 masked %eq3A_633 : memref<65552xf32, #tpu.memory_space<vmem>>[vector<16xi32>], vector<16xf32>, vector<16xi1>
      %all_reduce_population_count3A_642 = tpu.all_reduce %eq3A_633 {dim = 0 : i64, kind = #tpu.reduction_kind<sum>} : vector<16xi1> -> vector<16xi32>
      %add3A_643 = arith.addi %add3A_619, %all_reduce_population_count3A_642 : vector<16xi32>
      %lt3A_644 = arith.cmpi slt, %shift_right_logical3A_632, %broadcast_in_dim3A_9 : vector<16xi32>
      %jit3A_645 = arith.constant 0.000000e+00 : f32
      %broadcast_in_dim3A_646 = vector.broadcast %jit3A_645 : f32 to vector<16xf32>
      %select_n3A_647 = arith.select %lt3A_644, %get3A_628, %broadcast_in_dim3A_646 : vector<16xi1>, vector<16xf32>
      %add3A_648 = arith.addf %add3A_624, %select_n3A_647 : vector<16xf32>
      %add3A_649 = arith.addf %add3A_625, %get3A_628 : vector<16xf32>
      %get3A_650 = arith.index_cast %scan3A_101 : i32 to index
      %get3A_651 = arith.constant 368 : index
      %get3A_652 = tpu.vector_load %arg7[%get3A_650, %get3A_651] {strides = array<i32>} : memref<64x512xf32, #tpu.memory_space<vmem>>, vector<16xf32>,
      %bitcast_convert_type3A_653 = tpu.bitcast %get3A_652 : vector<16xf32> -> vector<16xi32>
      %shift_right_logical3A_654 = arith.constant 19 : i32
      %shift_right_logical3A_655 = vector.broadcast %shift_right_logical3A_654 : i32 to vector<16xi32>
      %shift_right_logical3A_656 = arith.shrui %bitcast_convert_type3A_653, %shift_right_logical3A_655 : vector<16xi32>
      %eq3A_657 = arith.cmpi eq, %shift_right_logical3A_656, %broadcast_in_dim3A_9 : vector<16xi32>
      %convert_element_type3A_658 = arith.extui %eq3A_657 : vector<16xi1> to vector<16xi32>
      %cumsum3A_659 = arith.constant true
      %cumsum3A_660 = vector.broadcast %cumsum3A_659 : i1 to vector<16xi1>
      %cumsum3A_661 = tpu.scan <sum>, %convert_element_type3A_658 masked %cumsum3A_660 : vector<16xi32>, vector<16xi1> -> vector<16xi32>
      %add3A_662 = arith.addi %add3A_643, %cumsum3A_661 : vector<16xi32>
      %sub3A_663 = arith.constant 1 : i32
      %sub3A_664 = vector.broadcast %sub3A_663 : i32 to vector<16xi32>
      %sub3A_665 = arith.subi %add3A_662, %sub3A_664 : vector<16xi32>
      tpu.vector_store_idx %arg9[%sub3A_665], %get3A_652 masked %eq3A_657 : memref<65552xf32, #tpu.memory_space<vmem>>[vector<16xi32>], vector<16xf32>, vector<16xi1>
      %all_reduce_population_count3A_666 = tpu.all_reduce %eq3A_657 {dim = 0 : i64, kind = #tpu.reduction_kind<sum>} : vector<16xi1> -> vector<16xi32>
      %add3A_667 = arith.addi %add3A_643, %all_reduce_population_count3A_666 : vector<16xi32>
      %lt3A_668 = arith.cmpi slt, %shift_right_logical3A_656, %broadcast_in_dim3A_9 : vector<16xi32>
      %jit3A_669 = arith.constant 0.000000e+00 : f32
      %broadcast_in_dim3A_670 = vector.broadcast %jit3A_669 : f32 to vector<16xf32>
      %select_n3A_671 = arith.select %lt3A_668, %get3A_652, %broadcast_in_dim3A_670 : vector<16xi1>, vector<16xf32>
      %add3A_672 = arith.addf %add3A_648, %select_n3A_671 : vector<16xf32>
      %add3A_673 = arith.addf %add3A_649, %get3A_652 : vector<16xf32>
      %get3A_674 = arith.index_cast %scan3A_101 : i32 to index
      %get3A_675 = arith.constant 384 : index
      %get3A_676 = tpu.vector_load %arg7[%get3A_674, %get3A_675] {strides = array<i32>} : memref<64x512xf32, #tpu.memory_space<vmem>>, vector<16xf32>,
      %bitcast_convert_type3A_677 = tpu.bitcast %get3A_676 : vector<16xf32> -> vector<16xi32>
      %shift_right_logical3A_678 = arith.constant 19 : i32
      %shift_right_logical3A_679 = vector.broadcast %shift_right_logical3A_678 : i32 to vector<16xi32>
      %shift_right_logical3A_680 = arith.shrui %bitcast_convert_type3A_677, %shift_right_logical3A_679 : vector<16xi32>
      %eq3A_681 = arith.cmpi eq, %shift_right_logical3A_680, %broadcast_in_dim3A_9 : vector<16xi32>
      %convert_element_type3A_682 = arith.extui %eq3A_681 : vector<16xi1> to vector<16xi32>
      %cumsum3A_683 = arith.constant true
      %cumsum3A_684 = vector.broadcast %cumsum3A_683 : i1 to vector<16xi1>
      %cumsum3A_685 = tpu.scan <sum>, %convert_element_type3A_682 masked %cumsum3A_684 : vector<16xi32>, vector<16xi1> -> vector<16xi32>
      %add3A_686 = arith.addi %add3A_667, %cumsum3A_685 : vector<16xi32>
      %sub3A_687 = arith.constant 1 : i32
      %sub3A_688 = vector.broadcast %sub3A_687 : i32 to vector<16xi32>
      %sub3A_689 = arith.subi %add3A_686, %sub3A_688 : vector<16xi32>
      tpu.vector_store_idx %arg9[%sub3A_689], %get3A_676 masked %eq3A_681 : memref<65552xf32, #tpu.memory_space<vmem>>[vector<16xi32>], vector<16xf32>, vector<16xi1>
      %all_reduce_population_count3A_690 = tpu.all_reduce %eq3A_681 {dim = 0 : i64, kind = #tpu.reduction_kind<sum>} : vector<16xi1> -> vector<16xi32>
      %add3A_691 = arith.addi %add3A_667, %all_reduce_population_count3A_690 : vector<16xi32>
      %lt3A_692 = arith.cmpi slt, %shift_right_logical3A_680, %broadcast_in_dim3A_9 : vector<16xi32>
      %jit3A_693 = arith.constant 0.000000e+00 : f32
      %broadcast_in_dim3A_694 = vector.broadcast %jit3A_693 : f32 to vector<16xf32>
      %select_n3A_695 = arith.select %lt3A_692, %get3A_676, %broadcast_in_dim3A_694 : vector<16xi1>, vector<16xf32>
      %add3A_696 = arith.addf %add3A_672, %select_n3A_695 : vector<16xf32>
      %add3A_697 = arith.addf %add3A_673, %get3A_676 : vector<16xf32>
      %get3A_698 = arith.index_cast %scan3A_101 : i32 to index
      %get3A_699 = arith.constant 400 : index
      %get3A_700 = tpu.vector_load %arg7[%get3A_698, %get3A_699] {strides = array<i32>} : memref<64x512xf32, #tpu.memory_space<vmem>>, vector<16xf32>,
      %bitcast_convert_type3A_701 = tpu.bitcast %get3A_700 : vector<16xf32> -> vector<16xi32>
      %shift_right_logical3A_702 = arith.constant 19 : i32
      %shift_right_logical3A_703 = vector.broadcast %shift_right_logical3A_702 : i32 to vector<16xi32>
      %shift_right_logical3A_704 = arith.shrui %bitcast_convert_type3A_701, %shift_right_logical3A_703 : vector<16xi32>
      %eq3A_705 = arith.cmpi eq, %shift_right_logical3A_704, %broadcast_in_dim3A_9 : vector<16xi32>
      %convert_element_type3A_706 = arith.extui %eq3A_705 : vector<16xi1> to vector<16xi32>
      %cumsum3A_707 = arith.constant true
      %cumsum3A_708 = vector.broadcast %cumsum3A_707 : i1 to vector<16xi1>
      %cumsum3A_709 = tpu.scan <sum>, %convert_element_type3A_706 masked %cumsum3A_708 : vector<16xi32>, vector<16xi1> -> vector<16xi32>
      %add3A_710 = arith.addi %add3A_691, %cumsum3A_709 : vector<16xi32>
      %sub3A_711 = arith.constant 1 : i32
      %sub3A_712 = vector.broadcast %sub3A_711 : i32 to vector<16xi32>
      %sub3A_713 = arith.subi %add3A_710, %sub3A_712 : vector<16xi32>
      tpu.vector_store_idx %arg9[%sub3A_713], %get3A_700 masked %eq3A_705 : memref<65552xf32, #tpu.memory_space<vmem>>[vector<16xi32>], vector<16xf32>, vector<16xi1>
      %all_reduce_population_count3A_714 = tpu.all_reduce %eq3A_705 {dim = 0 : i64, kind = #tpu.reduction_kind<sum>} : vector<16xi1> -> vector<16xi32>
      %add3A_715 = arith.addi %add3A_691, %all_reduce_population_count3A_714 : vector<16xi32>
      %lt3A_716 = arith.cmpi slt, %shift_right_logical3A_704, %broadcast_in_dim3A_9 : vector<16xi32>
      %jit3A_717 = arith.constant 0.000000e+00 : f32
      %broadcast_in_dim3A_718 = vector.broadcast %jit3A_717 : f32 to vector<16xf32>
      %select_n3A_719 = arith.select %lt3A_716, %get3A_700, %broadcast_in_dim3A_718 : vector<16xi1>, vector<16xf32>
      %add3A_720 = arith.addf %add3A_696, %select_n3A_719 : vector<16xf32>
      %add3A_721 = arith.addf %add3A_697, %get3A_700 : vector<16xf32>
      %get3A_722 = arith.index_cast %scan3A_101 : i32 to index
      %get3A_723 = arith.constant 416 : index
      %get3A_724 = tpu.vector_load %arg7[%get3A_722, %get3A_723] {strides = array<i32>} : memref<64x512xf32, #tpu.memory_space<vmem>>, vector<16xf32>,
      %bitcast_convert_type3A_725 = tpu.bitcast %get3A_724 : vector<16xf32> -> vector<16xi32>
      %shift_right_logical3A_726 = arith.constant 19 : i32
      %shift_right_logical3A_727 = vector.broadcast %shift_right_logical3A_726 : i32 to vector<16xi32>
      %shift_right_logical3A_728 = arith.shrui %bitcast_convert_type3A_725, %shift_right_logical3A_727 : vector<16xi32>
      %eq3A_729 = arith.cmpi eq, %shift_right_logical3A_728, %broadcast_in_dim3A_9 : vector<16xi32>
      %convert_element_type3A_730 = arith.extui %eq3A_729 : vector<16xi1> to vector<16xi32>
      %cumsum3A_731 = arith.constant true
      %cumsum3A_732 = vector.broadcast %cumsum3A_731 : i1 to vector<16xi1>
      %cumsum3A_733 = tpu.scan <sum>, %convert_element_type3A_730 masked %cumsum3A_732 : vector<16xi32>, vector<16xi1> -> vector<16xi32>
      %add3A_734 = arith.addi %add3A_715, %cumsum3A_733 : vector<16xi32>
      %sub3A_735 = arith.constant 1 : i32
      %sub3A_736 = vector.broadcast %sub3A_735 : i32 to vector<16xi32>
      %sub3A_737 = arith.subi %add3A_734, %sub3A_736 : vector<16xi32>
      tpu.vector_store_idx %arg9[%sub3A_737], %get3A_724 masked %eq3A_729 : memref<65552xf32, #tpu.memory_space<vmem>>[vector<16xi32>], vector<16xf32>, vector<16xi1>
      %all_reduce_population_count3A_738 = tpu.all_reduce %eq3A_729 {dim = 0 : i64, kind = #tpu.reduction_kind<sum>} : vector<16xi1> -> vector<16xi32>
      %add3A_739 = arith.addi %add3A_715, %all_reduce_population_count3A_738 : vector<16xi32>
      %lt3A_740 = arith.cmpi slt, %shift_right_logical3A_728, %broadcast_in_dim3A_9 : vector<16xi32>
      %jit3A_741 = arith.constant 0.000000e+00 : f32
      %broadcast_in_dim3A_742 = vector.broadcast %jit3A_741 : f32 to vector<16xf32>
      %select_n3A_743 = arith.select %lt3A_740, %get3A_724, %broadcast_in_dim3A_742 : vector<16xi1>, vector<16xf32>
      %add3A_744 = arith.addf %add3A_720, %select_n3A_743 : vector<16xf32>
      %add3A_745 = arith.addf %add3A_721, %get3A_724 : vector<16xf32>
      %get3A_746 = arith.index_cast %scan3A_101 : i32 to index
      %get3A_747 = arith.constant 432 : index
      %get3A_748 = tpu.vector_load %arg7[%get3A_746, %get3A_747] {strides = array<i32>} : memref<64x512xf32, #tpu.memory_space<vmem>>, vector<16xf32>,
      %bitcast_convert_type3A_749 = tpu.bitcast %get3A_748 : vector<16xf32> -> vector<16xi32>
      %shift_right_logical3A_750 = arith.constant 19 : i32
      %shift_right_logical3A_751 = vector.broadcast %shift_right_logical3A_750 : i32 to vector<16xi32>
      %shift_right_logical3A_752 = arith.shrui %bitcast_convert_type3A_749, %shift_right_logical3A_751 : vector<16xi32>
      %eq3A_753 = arith.cmpi eq, %shift_right_logical3A_752, %broadcast_in_dim3A_9 : vector<16xi32>
      %convert_element_type3A_754 = arith.extui %eq3A_753 : vector<16xi1> to vector<16xi32>
      %cumsum3A_755 = arith.constant true
      %cumsum3A_756 = vector.broadcast %cumsum3A_755 : i1 to vector<16xi1>
      %cumsum3A_757 = tpu.scan <sum>, %convert_element_type3A_754 masked %cumsum3A_756 : vector<16xi32>, vector<16xi1> -> vector<16xi32>
      %add3A_758 = arith.addi %add3A_739, %cumsum3A_757 : vector<16xi32>
      %sub3A_759 = arith.constant 1 : i32
      %sub3A_760 = vector.broadcast %sub3A_759 : i32 to vector<16xi32>
      %sub3A_761 = arith.subi %add3A_758, %sub3A_760 : vector<16xi32>
      tpu.vector_store_idx %arg9[%sub3A_761], %get3A_748 masked %eq3A_753 : memref<65552xf32, #tpu.memory_space<vmem>>[vector<16xi32>], vector<16xf32>, vector<16xi1>
      %all_reduce_population_count3A_762 = tpu.all_reduce %eq3A_753 {dim = 0 : i64, kind = #tpu.reduction_kind<sum>} : vector<16xi1> -> vector<16xi32>
      %add3A_763 = arith.addi %add3A_739, %all_reduce_population_count3A_762 : vector<16xi32>
      %lt3A_764 = arith.cmpi slt, %shift_right_logical3A_752, %broadcast_in_dim3A_9 : vector<16xi32>
      %jit3A_765 = arith.constant 0.000000e+00 : f32
      %broadcast_in_dim3A_766 = vector.broadcast %jit3A_765 : f32 to vector<16xf32>
      %select_n3A_767 = arith.select %lt3A_764, %get3A_748, %broadcast_in_dim3A_766 : vector<16xi1>, vector<16xf32>
      %add3A_768 = arith.addf %add3A_744, %select_n3A_767 : vector<16xf32>
      %add3A_769 = arith.addf %add3A_745, %get3A_748 : vector<16xf32>
      %get3A_770 = arith.index_cast %scan3A_101 : i32 to index
      %get3A_771 = arith.constant 448 : index
      %get3A_772 = tpu.vector_load %arg7[%get3A_770, %get3A_771] {strides = array<i32>} : memref<64x512xf32, #tpu.memory_space<vmem>>, vector<16xf32>,
      %bitcast_convert_type3A_773 = tpu.bitcast %get3A_772 : vector<16xf32> -> vector<16xi32>
      %shift_right_logical3A_774 = arith.constant 19 : i32
      %shift_right_logical3A_775 = vector.broadcast %shift_right_logical3A_774 : i32 to vector<16xi32>
      %shift_right_logical3A_776 = arith.shrui %bitcast_convert_type3A_773, %shift_right_logical3A_775 : vector<16xi32>
      %eq3A_777 = arith.cmpi eq, %shift_right_logical3A_776, %broadcast_in_dim3A_9 : vector<16xi32>
      %convert_element_type3A_778 = arith.extui %eq3A_777 : vector<16xi1> to vector<16xi32>
      %cumsum3A_779 = arith.constant true
      %cumsum3A_780 = vector.broadcast %cumsum3A_779 : i1 to vector<16xi1>
      %cumsum3A_781 = tpu.scan <sum>, %convert_element_type3A_778 masked %cumsum3A_780 : vector<16xi32>, vector<16xi1> -> vector<16xi32>
      %add3A_782 = arith.addi %add3A_763, %cumsum3A_781 : vector<16xi32>
      %sub3A_783 = arith.constant 1 : i32
      %sub3A_784 = vector.broadcast %sub3A_783 : i32 to vector<16xi32>
      %sub3A_785 = arith.subi %add3A_782, %sub3A_784 : vector<16xi32>
      tpu.vector_store_idx %arg9[%sub3A_785], %get3A_772 masked %eq3A_777 : memref<65552xf32, #tpu.memory_space<vmem>>[vector<16xi32>], vector<16xf32>, vector<16xi1>
      %all_reduce_population_count3A_786 = tpu.all_reduce %eq3A_777 {dim = 0 : i64, kind = #tpu.reduction_kind<sum>} : vector<16xi1> -> vector<16xi32>
      %add3A_787 = arith.addi %add3A_763, %all_reduce_population_count3A_786 : vector<16xi32>
      %lt3A_788 = arith.cmpi slt, %shift_right_logical3A_776, %broadcast_in_dim3A_9 : vector<16xi32>
      %jit3A_789 = arith.constant 0.000000e+00 : f32
      %broadcast_in_dim3A_790 = vector.broadcast %jit3A_789 : f32 to vector<16xf32>
      %select_n3A_791 = arith.select %lt3A_788, %get3A_772, %broadcast_in_dim3A_790 : vector<16xi1>, vector<16xf32>
      %add3A_792 = arith.addf %add3A_768, %select_n3A_791 : vector<16xf32>
      %add3A_793 = arith.addf %add3A_769, %get3A_772 : vector<16xf32>
      %get3A_794 = arith.index_cast %scan3A_101 : i32 to index
      %get3A_795 = arith.constant 464 : index
      %get3A_796 = tpu.vector_load %arg7[%get3A_794, %get3A_795] {strides = array<i32>} : memref<64x512xf32, #tpu.memory_space<vmem>>, vector<16xf32>,
      %bitcast_convert_type3A_797 = tpu.bitcast %get3A_796 : vector<16xf32> -> vector<16xi32>
      %shift_right_logical3A_798 = arith.constant 19 : i32
      %shift_right_logical3A_799 = vector.broadcast %shift_right_logical3A_798 : i32 to vector<16xi32>
      %shift_right_logical3A_800 = arith.shrui %bitcast_convert_type3A_797, %shift_right_logical3A_799 : vector<16xi32>
      %eq3A_801 = arith.cmpi eq, %shift_right_logical3A_800, %broadcast_in_dim3A_9 : vector<16xi32>
      %convert_element_type3A_802 = arith.extui %eq3A_801 : vector<16xi1> to vector<16xi32>
      %cumsum3A_803 = arith.constant true
      %cumsum3A_804 = vector.broadcast %cumsum3A_803 : i1 to vector<16xi1>
      %cumsum3A_805 = tpu.scan <sum>, %convert_element_type3A_802 masked %cumsum3A_804 : vector<16xi32>, vector<16xi1> -> vector<16xi32>
      %add3A_806 = arith.addi %add3A_787, %cumsum3A_805 : vector<16xi32>
      %sub3A_807 = arith.constant 1 : i32
      %sub3A_808 = vector.broadcast %sub3A_807 : i32 to vector<16xi32>
      %sub3A_809 = arith.subi %add3A_806, %sub3A_808 : vector<16xi32>
      tpu.vector_store_idx %arg9[%sub3A_809], %get3A_796 masked %eq3A_801 : memref<65552xf32, #tpu.memory_space<vmem>>[vector<16xi32>], vector<16xf32>, vector<16xi1>
      %all_reduce_population_count3A_810 = tpu.all_reduce %eq3A_801 {dim = 0 : i64, kind = #tpu.reduction_kind<sum>} : vector<16xi1> -> vector<16xi32>
      %add3A_811 = arith.addi %add3A_787, %all_reduce_population_count3A_810 : vector<16xi32>
      %lt3A_812 = arith.cmpi slt, %shift_right_logical3A_800, %broadcast_in_dim3A_9 : vector<16xi32>
      %jit3A_813 = arith.constant 0.000000e+00 : f32
      %broadcast_in_dim3A_814 = vector.broadcast %jit3A_813 : f32 to vector<16xf32>
      %select_n3A_815 = arith.select %lt3A_812, %get3A_796, %broadcast_in_dim3A_814 : vector<16xi1>, vector<16xf32>
      %add3A_816 = arith.addf %add3A_792, %select_n3A_815 : vector<16xf32>
      %add3A_817 = arith.addf %add3A_793, %get3A_796 : vector<16xf32>
      %get3A_818 = arith.index_cast %scan3A_101 : i32 to index
      %get3A_819 = arith.constant 480 : index
      %get3A_820 = tpu.vector_load %arg7[%get3A_818, %get3A_819] {strides = array<i32>} : memref<64x512xf32, #tpu.memory_space<vmem>>, vector<16xf32>,
      %bitcast_convert_type3A_821 = tpu.bitcast %get3A_820 : vector<16xf32> -> vector<16xi32>
      %shift_right_logical3A_822 = arith.constant 19 : i32
      %shift_right_logical3A_823 = vector.broadcast %shift_right_logical3A_822 : i32 to vector<16xi32>
      %shift_right_logical3A_824 = arith.shrui %bitcast_convert_type3A_821, %shift_right_logical3A_823 : vector<16xi32>
      %eq3A_825 = arith.cmpi eq, %shift_right_logical3A_824, %broadcast_in_dim3A_9 : vector<16xi32>
      %convert_element_type3A_826 = arith.extui %eq3A_825 : vector<16xi1> to vector<16xi32>
      %cumsum3A_827 = arith.constant true
      %cumsum3A_828 = vector.broadcast %cumsum3A_827 : i1 to vector<16xi1>
      %cumsum3A_829 = tpu.scan <sum>, %convert_element_type3A_826 masked %cumsum3A_828 : vector<16xi32>, vector<16xi1> -> vector<16xi32>
      %add3A_830 = arith.addi %add3A_811, %cumsum3A_829 : vector<16xi32>
      %sub3A_831 = arith.constant 1 : i32
      %sub3A_832 = vector.broadcast %sub3A_831 : i32 to vector<16xi32>
      %sub3A_833 = arith.subi %add3A_830, %sub3A_832 : vector<16xi32>
      tpu.vector_store_idx %arg9[%sub3A_833], %get3A_820 masked %eq3A_825 : memref<65552xf32, #tpu.memory_space<vmem>>[vector<16xi32>], vector<16xf32>, vector<16xi1>
      %all_reduce_population_count3A_834 = tpu.all_reduce %eq3A_825 {dim = 0 : i64, kind = #tpu.reduction_kind<sum>} : vector<16xi1> -> vector<16xi32>
      %add3A_835 = arith.addi %add3A_811, %all_reduce_population_count3A_834 : vector<16xi32>
      %lt3A_836 = arith.cmpi slt, %shift_right_logical3A_824, %broadcast_in_dim3A_9 : vector<16xi32>
      %jit3A_837 = arith.constant 0.000000e+00 : f32
      %broadcast_in_dim3A_838 = vector.broadcast %jit3A_837 : f32 to vector<16xf32>
      %select_n3A_839 = arith.select %lt3A_836, %get3A_820, %broadcast_in_dim3A_838 : vector<16xi1>, vector<16xf32>
      %add3A_840 = arith.addf %add3A_816, %select_n3A_839 : vector<16xf32>
      %add3A_841 = arith.addf %add3A_817, %get3A_820 : vector<16xf32>
      %get3A_842 = arith.index_cast %scan3A_101 : i32 to index
      %get3A_843 = arith.constant 496 : index
      %get3A_844 = tpu.vector_load %arg7[%get3A_842, %get3A_843] {strides = array<i32>} : memref<64x512xf32, #tpu.memory_space<vmem>>, vector<16xf32>,
      %bitcast_convert_type3A_845 = tpu.bitcast %get3A_844 : vector<16xf32> -> vector<16xi32>
      %shift_right_logical3A_846 = arith.constant 19 : i32
      %shift_right_logical3A_847 = vector.broadcast %shift_right_logical3A_846 : i32 to vector<16xi32>
      %shift_right_logical3A_848 = arith.shrui %bitcast_convert_type3A_845, %shift_right_logical3A_847 : vector<16xi32>
      %eq3A_849 = arith.cmpi eq, %shift_right_logical3A_848, %broadcast_in_dim3A_9 : vector<16xi32>
      %convert_element_type3A_850 = arith.extui %eq3A_849 : vector<16xi1> to vector<16xi32>
      %cumsum3A_851 = arith.constant true
      %cumsum3A_852 = vector.broadcast %cumsum3A_851 : i1 to vector<16xi1>
      %cumsum3A_853 = tpu.scan <sum>, %convert_element_type3A_850 masked %cumsum3A_852 : vector<16xi32>, vector<16xi1> -> vector<16xi32>
      %add3A_854 = arith.addi %add3A_835, %cumsum3A_853 : vector<16xi32>
      %sub3A_855 = arith.constant 1 : i32
      %sub3A_856 = vector.broadcast %sub3A_855 : i32 to vector<16xi32>
      %sub3A_857 = arith.subi %add3A_854, %sub3A_856 : vector<16xi32>
      tpu.vector_store_idx %arg9[%sub3A_857], %get3A_844 masked %eq3A_849 : memref<65552xf32, #tpu.memory_space<vmem>>[vector<16xi32>], vector<16xf32>, vector<16xi1>
      %all_reduce_population_count3A_858 = tpu.all_reduce %eq3A_849 {dim = 0 : i64, kind = #tpu.reduction_kind<sum>} : vector<16xi1> -> vector<16xi32>
      %add3A_859 = arith.addi %add3A_835, %all_reduce_population_count3A_858 : vector<16xi32>
      %lt3A_860 = arith.cmpi slt, %shift_right_logical3A_848, %broadcast_in_dim3A_9 : vector<16xi32>
      %jit3A_861 = arith.constant 0.000000e+00 : f32
      %broadcast_in_dim3A_862 = vector.broadcast %jit3A_861 : f32 to vector<16xf32>
      %select_n3A_863 = arith.select %lt3A_860, %get3A_844, %broadcast_in_dim3A_862 : vector<16xi1>, vector<16xf32>
      %add3A_864 = arith.addf %add3A_840, %select_n3A_863 : vector<16xf32>
      %add3A_865 = arith.addf %add3A_841, %get3A_844 : vector<16xf32>
      scf.yield %add3A_859, %add3A_864, %add3A_865 : vector<16xi32>, vector<16xf32>, vector<16xf32>
    }
    %scan3A_25 = arith.constant 64 : i32
    %mul3A_26 = arith.constant 128 : i32
    %mul3A_27 = arith.muli %add3A, %mul3A_26 : i32
    %add3A_28 = arith.constant 64 : i32
    %add3A_29 = arith.addi %mul3A_27, %add3A_28 : i32
    "tpu.region"() ({
      %run_scoped3A = tpu.sem_alloc : memref<!tpu.dma_semaphore, #tpu.memory_space<semaphore_mem>>
      %dma_start3A = arith.constant 0 : i32
      %dma_start3A_101 = tpu.memref_slice %arg2[%add3A_29, %dma_start3A] : memref<4096x512xf32, #tpu.memory_space<hbm>> -> memref<64x512xf32, #tpu.memory_space<hbm>>
      %dma_start3A_102 = arith.constant 0 : i32
      %dma_start3A_103 = tpu.memref_slice %arg2[%add3A_29, %dma_start3A_102] : memref<4096x512xf32, #tpu.memory_space<hbm>> -> memref<64x512xf32, #tpu.memory_space<hbm>>
      tpu.enqueue_dma source(%dma_start3A_103 : memref<64x512xf32, #tpu.memory_space<hbm>>) target(%arg7 : memref<64x512xf32, #tpu.memory_space<vmem>>) target_semaphore(%run_scoped3A : memref<!tpu.dma_semaphore, #tpu.memory_space<semaphore_mem>>)
      %dma_wait3A = arith.constant 0 : i32
      %dma_wait3A_104 = tpu.memref_slice %arg2[%add3A_29, %dma_wait3A] : memref<4096x512xf32, #tpu.memory_space<hbm>> -> memref<64x512xf32, #tpu.memory_space<hbm>>
      %dma_wait3A_105 = arith.constant 0 : i32
      %dma_wait3A_106 = tpu.memref_slice %arg2[%add3A_29, %dma_wait3A_105] : memref<4096x512xf32, #tpu.memory_space<hbm>> -> memref<64x512xf32, #tpu.memory_space<hbm>>
      tpu.wait_dma2 semaphore(%run_scoped3A : memref<!tpu.dma_semaphore, #tpu.memory_space<semaphore_mem>>) src(%dma_wait3A_106 : memref<64x512xf32, #tpu.memory_space<hbm>>) dst(%arg7 : memref<64x512xf32, #tpu.memory_space<vmem>>)
      tpu.yield
    }) : () -> ()
    %scan3A_30 = arith.constant 0 : i32
    %scan3A_31 = arith.constant 64 : i32
    %scan3A_32 = arith.addi %scan3A_30, %scan3A_31 : i32
    %scan3A_33 = arith.constant 1 : i32
    %scan3A_34:3 = scf.for %scan3A_101 = %scan3A_30 to %scan3A_32 step %scan3A_33 iter_args(%scan3A_102 = %scan3A_24#0, %scan3A_103 = %scan3A_24#1, %scan3A_104 = %scan3A_24#2) -> (vector<16xi32>, vector<16xf32>, vector<16xf32>)  : i32 {
      %get3A = arith.index_cast %scan3A_101 : i32 to index
      %get3A_105 = arith.constant 0 : index
      %get3A_106 = tpu.vector_load %arg7[%get3A, %get3A_105] {strides = array<i32>} : memref<64x512xf32, #tpu.memory_space<vmem>>, vector<16xf32>,
      %bitcast_convert_type3A = tpu.bitcast %get3A_106 : vector<16xf32> -> vector<16xi32>
      %shift_right_logical3A = arith.constant 19 : i32
      %shift_right_logical3A_107 = vector.broadcast %shift_right_logical3A : i32 to vector<16xi32>
      %shift_right_logical3A_108 = arith.shrui %bitcast_convert_type3A, %shift_right_logical3A_107 : vector<16xi32>
      %eq3A_109 = arith.cmpi eq, %shift_right_logical3A_108, %broadcast_in_dim3A_9 : vector<16xi32>
      %convert_element_type3A = arith.extui %eq3A_109 : vector<16xi1> to vector<16xi32>
      %cumsum3A = arith.constant true
      %cumsum3A_110 = vector.broadcast %cumsum3A : i1 to vector<16xi1>
      %cumsum3A_111 = tpu.scan <sum>, %convert_element_type3A masked %cumsum3A_110 : vector<16xi32>, vector<16xi1> -> vector<16xi32>
      %add3A_112 = arith.addi %scan3A_102, %cumsum3A_111 : vector<16xi32>
      %sub3A_113 = arith.constant 1 : i32
      %sub3A_114 = vector.broadcast %sub3A_113 : i32 to vector<16xi32>
      %sub3A_115 = arith.subi %add3A_112, %sub3A_114 : vector<16xi32>
      tpu.vector_store_idx %arg9[%sub3A_115], %get3A_106 masked %eq3A_109 : memref<65552xf32, #tpu.memory_space<vmem>>[vector<16xi32>], vector<16xf32>, vector<16xi1>
      %all_reduce_population_count3A = tpu.all_reduce %eq3A_109 {dim = 0 : i64, kind = #tpu.reduction_kind<sum>} : vector<16xi1> -> vector<16xi32>
      %add3A_116 = arith.addi %scan3A_102, %all_reduce_population_count3A : vector<16xi32>
      %lt3A = arith.cmpi slt, %shift_right_logical3A_108, %broadcast_in_dim3A_9 : vector<16xi32>
      %jit3A_117 = arith.constant 0.000000e+00 : f32
      %broadcast_in_dim3A_118 = vector.broadcast %jit3A_117 : f32 to vector<16xf32>
      %select_n3A_119 = arith.select %lt3A, %get3A_106, %broadcast_in_dim3A_118 : vector<16xi1>, vector<16xf32>
      %add3A_120 = arith.addf %scan3A_103, %select_n3A_119 : vector<16xf32>
      %add3A_121 = arith.addf %scan3A_104, %get3A_106 : vector<16xf32>
      %get3A_122 = arith.index_cast %scan3A_101 : i32 to index
      %get3A_123 = arith.constant 16 : index
      %get3A_124 = tpu.vector_load %arg7[%get3A_122, %get3A_123] {strides = array<i32>} : memref<64x512xf32, #tpu.memory_space<vmem>>, vector<16xf32>,
      %bitcast_convert_type3A_125 = tpu.bitcast %get3A_124 : vector<16xf32> -> vector<16xi32>
      %shift_right_logical3A_126 = arith.constant 19 : i32
      %shift_right_logical3A_127 = vector.broadcast %shift_right_logical3A_126 : i32 to vector<16xi32>
      %shift_right_logical3A_128 = arith.shrui %bitcast_convert_type3A_125, %shift_right_logical3A_127 : vector<16xi32>
      %eq3A_129 = arith.cmpi eq, %shift_right_logical3A_128, %broadcast_in_dim3A_9 : vector<16xi32>
      %convert_element_type3A_130 = arith.extui %eq3A_129 : vector<16xi1> to vector<16xi32>
      %cumsum3A_131 = arith.constant true
      %cumsum3A_132 = vector.broadcast %cumsum3A_131 : i1 to vector<16xi1>
      %cumsum3A_133 = tpu.scan <sum>, %convert_element_type3A_130 masked %cumsum3A_132 : vector<16xi32>, vector<16xi1> -> vector<16xi32>
      %add3A_134 = arith.addi %add3A_116, %cumsum3A_133 : vector<16xi32>
      %sub3A_135 = arith.constant 1 : i32
      %sub3A_136 = vector.broadcast %sub3A_135 : i32 to vector<16xi32>
      %sub3A_137 = arith.subi %add3A_134, %sub3A_136 : vector<16xi32>
      tpu.vector_store_idx %arg9[%sub3A_137], %get3A_124 masked %eq3A_129 : memref<65552xf32, #tpu.memory_space<vmem>>[vector<16xi32>], vector<16xf32>, vector<16xi1>
      %all_reduce_population_count3A_138 = tpu.all_reduce %eq3A_129 {dim = 0 : i64, kind = #tpu.reduction_kind<sum>} : vector<16xi1> -> vector<16xi32>
      %add3A_139 = arith.addi %add3A_116, %all_reduce_population_count3A_138 : vector<16xi32>
      %lt3A_140 = arith.cmpi slt, %shift_right_logical3A_128, %broadcast_in_dim3A_9 : vector<16xi32>
      %jit3A_141 = arith.constant 0.000000e+00 : f32
      %broadcast_in_dim3A_142 = vector.broadcast %jit3A_141 : f32 to vector<16xf32>
      %select_n3A_143 = arith.select %lt3A_140, %get3A_124, %broadcast_in_dim3A_142 : vector<16xi1>, vector<16xf32>
      %add3A_144 = arith.addf %add3A_120, %select_n3A_143 : vector<16xf32>
      %add3A_145 = arith.addf %add3A_121, %get3A_124 : vector<16xf32>
      %get3A_146 = arith.index_cast %scan3A_101 : i32 to index
      %get3A_147 = arith.constant 32 : index
      %get3A_148 = tpu.vector_load %arg7[%get3A_146, %get3A_147] {strides = array<i32>} : memref<64x512xf32, #tpu.memory_space<vmem>>, vector<16xf32>,
      %bitcast_convert_type3A_149 = tpu.bitcast %get3A_148 : vector<16xf32> -> vector<16xi32>
      %shift_right_logical3A_150 = arith.constant 19 : i32
      %shift_right_logical3A_151 = vector.broadcast %shift_right_logical3A_150 : i32 to vector<16xi32>
      %shift_right_logical3A_152 = arith.shrui %bitcast_convert_type3A_149, %shift_right_logical3A_151 : vector<16xi32>
      %eq3A_153 = arith.cmpi eq, %shift_right_logical3A_152, %broadcast_in_dim3A_9 : vector<16xi32>
      %convert_element_type3A_154 = arith.extui %eq3A_153 : vector<16xi1> to vector<16xi32>
      %cumsum3A_155 = arith.constant true
      %cumsum3A_156 = vector.broadcast %cumsum3A_155 : i1 to vector<16xi1>
      %cumsum3A_157 = tpu.scan <sum>, %convert_element_type3A_154 masked %cumsum3A_156 : vector<16xi32>, vector<16xi1> -> vector<16xi32>
      %add3A_158 = arith.addi %add3A_139, %cumsum3A_157 : vector<16xi32>
      %sub3A_159 = arith.constant 1 : i32
      %sub3A_160 = vector.broadcast %sub3A_159 : i32 to vector<16xi32>
      %sub3A_161 = arith.subi %add3A_158, %sub3A_160 : vector<16xi32>
      tpu.vector_store_idx %arg9[%sub3A_161], %get3A_148 masked %eq3A_153 : memref<65552xf32, #tpu.memory_space<vmem>>[vector<16xi32>], vector<16xf32>, vector<16xi1>
      %all_reduce_population_count3A_162 = tpu.all_reduce %eq3A_153 {dim = 0 : i64, kind = #tpu.reduction_kind<sum>} : vector<16xi1> -> vector<16xi32>
      %add3A_163 = arith.addi %add3A_139, %all_reduce_population_count3A_162 : vector<16xi32>
      %lt3A_164 = arith.cmpi slt, %shift_right_logical3A_152, %broadcast_in_dim3A_9 : vector<16xi32>
      %jit3A_165 = arith.constant 0.000000e+00 : f32
      %broadcast_in_dim3A_166 = vector.broadcast %jit3A_165 : f32 to vector<16xf32>
      %select_n3A_167 = arith.select %lt3A_164, %get3A_148, %broadcast_in_dim3A_166 : vector<16xi1>, vector<16xf32>
      %add3A_168 = arith.addf %add3A_144, %select_n3A_167 : vector<16xf32>
      %add3A_169 = arith.addf %add3A_145, %get3A_148 : vector<16xf32>
      %get3A_170 = arith.index_cast %scan3A_101 : i32 to index
      %get3A_171 = arith.constant 48 : index
      %get3A_172 = tpu.vector_load %arg7[%get3A_170, %get3A_171] {strides = array<i32>} : memref<64x512xf32, #tpu.memory_space<vmem>>, vector<16xf32>,
      %bitcast_convert_type3A_173 = tpu.bitcast %get3A_172 : vector<16xf32> -> vector<16xi32>
      %shift_right_logical3A_174 = arith.constant 19 : i32
      %shift_right_logical3A_175 = vector.broadcast %shift_right_logical3A_174 : i32 to vector<16xi32>
      %shift_right_logical3A_176 = arith.shrui %bitcast_convert_type3A_173, %shift_right_logical3A_175 : vector<16xi32>
      %eq3A_177 = arith.cmpi eq, %shift_right_logical3A_176, %broadcast_in_dim3A_9 : vector<16xi32>
      %convert_element_type3A_178 = arith.extui %eq3A_177 : vector<16xi1> to vector<16xi32>
      %cumsum3A_179 = arith.constant true
      %cumsum3A_180 = vector.broadcast %cumsum3A_179 : i1 to vector<16xi1>
      %cumsum3A_181 = tpu.scan <sum>, %convert_element_type3A_178 masked %cumsum3A_180 : vector<16xi32>, vector<16xi1> -> vector<16xi32>
      %add3A_182 = arith.addi %add3A_163, %cumsum3A_181 : vector<16xi32>
      %sub3A_183 = arith.constant 1 : i32
      %sub3A_184 = vector.broadcast %sub3A_183 : i32 to vector<16xi32>
      %sub3A_185 = arith.subi %add3A_182, %sub3A_184 : vector<16xi32>
      tpu.vector_store_idx %arg9[%sub3A_185], %get3A_172 masked %eq3A_177 : memref<65552xf32, #tpu.memory_space<vmem>>[vector<16xi32>], vector<16xf32>, vector<16xi1>
      %all_reduce_population_count3A_186 = tpu.all_reduce %eq3A_177 {dim = 0 : i64, kind = #tpu.reduction_kind<sum>} : vector<16xi1> -> vector<16xi32>
      %add3A_187 = arith.addi %add3A_163, %all_reduce_population_count3A_186 : vector<16xi32>
      %lt3A_188 = arith.cmpi slt, %shift_right_logical3A_176, %broadcast_in_dim3A_9 : vector<16xi32>
      %jit3A_189 = arith.constant 0.000000e+00 : f32
      %broadcast_in_dim3A_190 = vector.broadcast %jit3A_189 : f32 to vector<16xf32>
      %select_n3A_191 = arith.select %lt3A_188, %get3A_172, %broadcast_in_dim3A_190 : vector<16xi1>, vector<16xf32>
      %add3A_192 = arith.addf %add3A_168, %select_n3A_191 : vector<16xf32>
      %add3A_193 = arith.addf %add3A_169, %get3A_172 : vector<16xf32>
      %get3A_194 = arith.index_cast %scan3A_101 : i32 to index
      %get3A_195 = arith.constant 64 : index
      %get3A_196 = tpu.vector_load %arg7[%get3A_194, %get3A_195] {strides = array<i32>} : memref<64x512xf32, #tpu.memory_space<vmem>>, vector<16xf32>,
      %bitcast_convert_type3A_197 = tpu.bitcast %get3A_196 : vector<16xf32> -> vector<16xi32>
      %shift_right_logical3A_198 = arith.constant 19 : i32
      %shift_right_logical3A_199 = vector.broadcast %shift_right_logical3A_198 : i32 to vector<16xi32>
      %shift_right_logical3A_200 = arith.shrui %bitcast_convert_type3A_197, %shift_right_logical3A_199 : vector<16xi32>
      %eq3A_201 = arith.cmpi eq, %shift_right_logical3A_200, %broadcast_in_dim3A_9 : vector<16xi32>
      %convert_element_type3A_202 = arith.extui %eq3A_201 : vector<16xi1> to vector<16xi32>
      %cumsum3A_203 = arith.constant true
      %cumsum3A_204 = vector.broadcast %cumsum3A_203 : i1 to vector<16xi1>
      %cumsum3A_205 = tpu.scan <sum>, %convert_element_type3A_202 masked %cumsum3A_204 : vector<16xi32>, vector<16xi1> -> vector<16xi32>
      %add3A_206 = arith.addi %add3A_187, %cumsum3A_205 : vector<16xi32>
      %sub3A_207 = arith.constant 1 : i32
      %sub3A_208 = vector.broadcast %sub3A_207 : i32 to vector<16xi32>
      %sub3A_209 = arith.subi %add3A_206, %sub3A_208 : vector<16xi32>
      tpu.vector_store_idx %arg9[%sub3A_209], %get3A_196 masked %eq3A_201 : memref<65552xf32, #tpu.memory_space<vmem>>[vector<16xi32>], vector<16xf32>, vector<16xi1>
      %all_reduce_population_count3A_210 = tpu.all_reduce %eq3A_201 {dim = 0 : i64, kind = #tpu.reduction_kind<sum>} : vector<16xi1> -> vector<16xi32>
      %add3A_211 = arith.addi %add3A_187, %all_reduce_population_count3A_210 : vector<16xi32>
      %lt3A_212 = arith.cmpi slt, %shift_right_logical3A_200, %broadcast_in_dim3A_9 : vector<16xi32>
      %jit3A_213 = arith.constant 0.000000e+00 : f32
      %broadcast_in_dim3A_214 = vector.broadcast %jit3A_213 : f32 to vector<16xf32>
      %select_n3A_215 = arith.select %lt3A_212, %get3A_196, %broadcast_in_dim3A_214 : vector<16xi1>, vector<16xf32>
      %add3A_216 = arith.addf %add3A_192, %select_n3A_215 : vector<16xf32>
      %add3A_217 = arith.addf %add3A_193, %get3A_196 : vector<16xf32>
      %get3A_218 = arith.index_cast %scan3A_101 : i32 to index
      %get3A_219 = arith.constant 80 : index
      %get3A_220 = tpu.vector_load %arg7[%get3A_218, %get3A_219] {strides = array<i32>} : memref<64x512xf32, #tpu.memory_space<vmem>>, vector<16xf32>,
      %bitcast_convert_type3A_221 = tpu.bitcast %get3A_220 : vector<16xf32> -> vector<16xi32>
      %shift_right_logical3A_222 = arith.constant 19 : i32
      %shift_right_logical3A_223 = vector.broadcast %shift_right_logical3A_222 : i32 to vector<16xi32>
      %shift_right_logical3A_224 = arith.shrui %bitcast_convert_type3A_221, %shift_right_logical3A_223 : vector<16xi32>
      %eq3A_225 = arith.cmpi eq, %shift_right_logical3A_224, %broadcast_in_dim3A_9 : vector<16xi32>
      %convert_element_type3A_226 = arith.extui %eq3A_225 : vector<16xi1> to vector<16xi32>
      %cumsum3A_227 = arith.constant true
      %cumsum3A_228 = vector.broadcast %cumsum3A_227 : i1 to vector<16xi1>
      %cumsum3A_229 = tpu.scan <sum>, %convert_element_type3A_226 masked %cumsum3A_228 : vector<16xi32>, vector<16xi1> -> vector<16xi32>
      %add3A_230 = arith.addi %add3A_211, %cumsum3A_229 : vector<16xi32>
      %sub3A_231 = arith.constant 1 : i32
      %sub3A_232 = vector.broadcast %sub3A_231 : i32 to vector<16xi32>
      %sub3A_233 = arith.subi %add3A_230, %sub3A_232 : vector<16xi32>
      tpu.vector_store_idx %arg9[%sub3A_233], %get3A_220 masked %eq3A_225 : memref<65552xf32, #tpu.memory_space<vmem>>[vector<16xi32>], vector<16xf32>, vector<16xi1>
      %all_reduce_population_count3A_234 = tpu.all_reduce %eq3A_225 {dim = 0 : i64, kind = #tpu.reduction_kind<sum>} : vector<16xi1> -> vector<16xi32>
      %add3A_235 = arith.addi %add3A_211, %all_reduce_population_count3A_234 : vector<16xi32>
      %lt3A_236 = arith.cmpi slt, %shift_right_logical3A_224, %broadcast_in_dim3A_9 : vector<16xi32>
      %jit3A_237 = arith.constant 0.000000e+00 : f32
      %broadcast_in_dim3A_238 = vector.broadcast %jit3A_237 : f32 to vector<16xf32>
      %select_n3A_239 = arith.select %lt3A_236, %get3A_220, %broadcast_in_dim3A_238 : vector<16xi1>, vector<16xf32>
      %add3A_240 = arith.addf %add3A_216, %select_n3A_239 : vector<16xf32>
      %add3A_241 = arith.addf %add3A_217, %get3A_220 : vector<16xf32>
      %get3A_242 = arith.index_cast %scan3A_101 : i32 to index
      %get3A_243 = arith.constant 96 : index
      %get3A_244 = tpu.vector_load %arg7[%get3A_242, %get3A_243] {strides = array<i32>} : memref<64x512xf32, #tpu.memory_space<vmem>>, vector<16xf32>,
      %bitcast_convert_type3A_245 = tpu.bitcast %get3A_244 : vector<16xf32> -> vector<16xi32>
      %shift_right_logical3A_246 = arith.constant 19 : i32
      %shift_right_logical3A_247 = vector.broadcast %shift_right_logical3A_246 : i32 to vector<16xi32>
      %shift_right_logical3A_248 = arith.shrui %bitcast_convert_type3A_245, %shift_right_logical3A_247 : vector<16xi32>
      %eq3A_249 = arith.cmpi eq, %shift_right_logical3A_248, %broadcast_in_dim3A_9 : vector<16xi32>
      %convert_element_type3A_250 = arith.extui %eq3A_249 : vector<16xi1> to vector<16xi32>
      %cumsum3A_251 = arith.constant true
      %cumsum3A_252 = vector.broadcast %cumsum3A_251 : i1 to vector<16xi1>
      %cumsum3A_253 = tpu.scan <sum>, %convert_element_type3A_250 masked %cumsum3A_252 : vector<16xi32>, vector<16xi1> -> vector<16xi32>
      %add3A_254 = arith.addi %add3A_235, %cumsum3A_253 : vector<16xi32>
      %sub3A_255 = arith.constant 1 : i32
      %sub3A_256 = vector.broadcast %sub3A_255 : i32 to vector<16xi32>
      %sub3A_257 = arith.subi %add3A_254, %sub3A_256 : vector<16xi32>
      tpu.vector_store_idx %arg9[%sub3A_257], %get3A_244 masked %eq3A_249 : memref<65552xf32, #tpu.memory_space<vmem>>[vector<16xi32>], vector<16xf32>, vector<16xi1>
      %all_reduce_population_count3A_258 = tpu.all_reduce %eq3A_249 {dim = 0 : i64, kind = #tpu.reduction_kind<sum>} : vector<16xi1> -> vector<16xi32>
      %add3A_259 = arith.addi %add3A_235, %all_reduce_population_count3A_258 : vector<16xi32>
      %lt3A_260 = arith.cmpi slt, %shift_right_logical3A_248, %broadcast_in_dim3A_9 : vector<16xi32>
      %jit3A_261 = arith.constant 0.000000e+00 : f32
      %broadcast_in_dim3A_262 = vector.broadcast %jit3A_261 : f32 to vector<16xf32>
      %select_n3A_263 = arith.select %lt3A_260, %get3A_244, %broadcast_in_dim3A_262 : vector<16xi1>, vector<16xf32>
      %add3A_264 = arith.addf %add3A_240, %select_n3A_263 : vector<16xf32>
      %add3A_265 = arith.addf %add3A_241, %get3A_244 : vector<16xf32>
      %get3A_266 = arith.index_cast %scan3A_101 : i32 to index
      %get3A_267 = arith.constant 112 : index
      %get3A_268 = tpu.vector_load %arg7[%get3A_266, %get3A_267] {strides = array<i32>} : memref<64x512xf32, #tpu.memory_space<vmem>>, vector<16xf32>,
      %bitcast_convert_type3A_269 = tpu.bitcast %get3A_268 : vector<16xf32> -> vector<16xi32>
      %shift_right_logical3A_270 = arith.constant 19 : i32
      %shift_right_logical3A_271 = vector.broadcast %shift_right_logical3A_270 : i32 to vector<16xi32>
      %shift_right_logical3A_272 = arith.shrui %bitcast_convert_type3A_269, %shift_right_logical3A_271 : vector<16xi32>
      %eq3A_273 = arith.cmpi eq, %shift_right_logical3A_272, %broadcast_in_dim3A_9 : vector<16xi32>
      %convert_element_type3A_274 = arith.extui %eq3A_273 : vector<16xi1> to vector<16xi32>
      %cumsum3A_275 = arith.constant true
      %cumsum3A_276 = vector.broadcast %cumsum3A_275 : i1 to vector<16xi1>
      %cumsum3A_277 = tpu.scan <sum>, %convert_element_type3A_274 masked %cumsum3A_276 : vector<16xi32>, vector<16xi1> -> vector<16xi32>
      %add3A_278 = arith.addi %add3A_259, %cumsum3A_277 : vector<16xi32>
      %sub3A_279 = arith.constant 1 : i32
      %sub3A_280 = vector.broadcast %sub3A_279 : i32 to vector<16xi32>
      %sub3A_281 = arith.subi %add3A_278, %sub3A_280 : vector<16xi32>
      tpu.vector_store_idx %arg9[%sub3A_281], %get3A_268 masked %eq3A_273 : memref<65552xf32, #tpu.memory_space<vmem>>[vector<16xi32>], vector<16xf32>, vector<16xi1>
      %all_reduce_population_count3A_282 = tpu.all_reduce %eq3A_273 {dim = 0 : i64, kind = #tpu.reduction_kind<sum>} : vector<16xi1> -> vector<16xi32>
      %add3A_283 = arith.addi %add3A_259, %all_reduce_population_count3A_282 : vector<16xi32>
      %lt3A_284 = arith.cmpi slt, %shift_right_logical3A_272, %broadcast_in_dim3A_9 : vector<16xi32>
      %jit3A_285 = arith.constant 0.000000e+00 : f32
      %broadcast_in_dim3A_286 = vector.broadcast %jit3A_285 : f32 to vector<16xf32>
      %select_n3A_287 = arith.select %lt3A_284, %get3A_268, %broadcast_in_dim3A_286 : vector<16xi1>, vector<16xf32>
      %add3A_288 = arith.addf %add3A_264, %select_n3A_287 : vector<16xf32>
      %add3A_289 = arith.addf %add3A_265, %get3A_268 : vector<16xf32>
      %get3A_290 = arith.index_cast %scan3A_101 : i32 to index
      %get3A_291 = arith.constant 128 : index
      %get3A_292 = tpu.vector_load %arg7[%get3A_290, %get3A_291] {strides = array<i32>} : memref<64x512xf32, #tpu.memory_space<vmem>>, vector<16xf32>,
      %bitcast_convert_type3A_293 = tpu.bitcast %get3A_292 : vector<16xf32> -> vector<16xi32>
      %shift_right_logical3A_294 = arith.constant 19 : i32
      %shift_right_logical3A_295 = vector.broadcast %shift_right_logical3A_294 : i32 to vector<16xi32>
      %shift_right_logical3A_296 = arith.shrui %bitcast_convert_type3A_293, %shift_right_logical3A_295 : vector<16xi32>
      %eq3A_297 = arith.cmpi eq, %shift_right_logical3A_296, %broadcast_in_dim3A_9 : vector<16xi32>
      %convert_element_type3A_298 = arith.extui %eq3A_297 : vector<16xi1> to vector<16xi32>
      %cumsum3A_299 = arith.constant true
      %cumsum3A_300 = vector.broadcast %cumsum3A_299 : i1 to vector<16xi1>
      %cumsum3A_301 = tpu.scan <sum>, %convert_element_type3A_298 masked %cumsum3A_300 : vector<16xi32>, vector<16xi1> -> vector<16xi32>
      %add3A_302 = arith.addi %add3A_283, %cumsum3A_301 : vector<16xi32>
      %sub3A_303 = arith.constant 1 : i32
      %sub3A_304 = vector.broadcast %sub3A_303 : i32 to vector<16xi32>
      %sub3A_305 = arith.subi %add3A_302, %sub3A_304 : vector<16xi32>
      tpu.vector_store_idx %arg9[%sub3A_305], %get3A_292 masked %eq3A_297 : memref<65552xf32, #tpu.memory_space<vmem>>[vector<16xi32>], vector<16xf32>, vector<16xi1>
      %all_reduce_population_count3A_306 = tpu.all_reduce %eq3A_297 {dim = 0 : i64, kind = #tpu.reduction_kind<sum>} : vector<16xi1> -> vector<16xi32>
      %add3A_307 = arith.addi %add3A_283, %all_reduce_population_count3A_306 : vector<16xi32>
      %lt3A_308 = arith.cmpi slt, %shift_right_logical3A_296, %broadcast_in_dim3A_9 : vector<16xi32>
      %jit3A_309 = arith.constant 0.000000e+00 : f32
      %broadcast_in_dim3A_310 = vector.broadcast %jit3A_309 : f32 to vector<16xf32>
      %select_n3A_311 = arith.select %lt3A_308, %get3A_292, %broadcast_in_dim3A_310 : vector<16xi1>, vector<16xf32>
      %add3A_312 = arith.addf %add3A_288, %select_n3A_311 : vector<16xf32>
      %add3A_313 = arith.addf %add3A_289, %get3A_292 : vector<16xf32>
      %get3A_314 = arith.index_cast %scan3A_101 : i32 to index
      %get3A_315 = arith.constant 144 : index
      %get3A_316 = tpu.vector_load %arg7[%get3A_314, %get3A_315] {strides = array<i32>} : memref<64x512xf32, #tpu.memory_space<vmem>>, vector<16xf32>,
      %bitcast_convert_type3A_317 = tpu.bitcast %get3A_316 : vector<16xf32> -> vector<16xi32>
      %shift_right_logical3A_318 = arith.constant 19 : i32
      %shift_right_logical3A_319 = vector.broadcast %shift_right_logical3A_318 : i32 to vector<16xi32>
      %shift_right_logical3A_320 = arith.shrui %bitcast_convert_type3A_317, %shift_right_logical3A_319 : vector<16xi32>
      %eq3A_321 = arith.cmpi eq, %shift_right_logical3A_320, %broadcast_in_dim3A_9 : vector<16xi32>
      %convert_element_type3A_322 = arith.extui %eq3A_321 : vector<16xi1> to vector<16xi32>
      %cumsum3A_323 = arith.constant true
      %cumsum3A_324 = vector.broadcast %cumsum3A_323 : i1 to vector<16xi1>
      %cumsum3A_325 = tpu.scan <sum>, %convert_element_type3A_322 masked %cumsum3A_324 : vector<16xi32>, vector<16xi1> -> vector<16xi32>
      %add3A_326 = arith.addi %add3A_307, %cumsum3A_325 : vector<16xi32>
      %sub3A_327 = arith.constant 1 : i32
      %sub3A_328 = vector.broadcast %sub3A_327 : i32 to vector<16xi32>
      %sub3A_329 = arith.subi %add3A_326, %sub3A_328 : vector<16xi32>
      tpu.vector_store_idx %arg9[%sub3A_329], %get3A_316 masked %eq3A_321 : memref<65552xf32, #tpu.memory_space<vmem>>[vector<16xi32>], vector<16xf32>, vector<16xi1>
      %all_reduce_population_count3A_330 = tpu.all_reduce %eq3A_321 {dim = 0 : i64, kind = #tpu.reduction_kind<sum>} : vector<16xi1> -> vector<16xi32>
      %add3A_331 = arith.addi %add3A_307, %all_reduce_population_count3A_330 : vector<16xi32>
      %lt3A_332 = arith.cmpi slt, %shift_right_logical3A_320, %broadcast_in_dim3A_9 : vector<16xi32>
      %jit3A_333 = arith.constant 0.000000e+00 : f32
      %broadcast_in_dim3A_334 = vector.broadcast %jit3A_333 : f32 to vector<16xf32>
      %select_n3A_335 = arith.select %lt3A_332, %get3A_316, %broadcast_in_dim3A_334 : vector<16xi1>, vector<16xf32>
      %add3A_336 = arith.addf %add3A_312, %select_n3A_335 : vector<16xf32>
      %add3A_337 = arith.addf %add3A_313, %get3A_316 : vector<16xf32>
      %get3A_338 = arith.index_cast %scan3A_101 : i32 to index
      %get3A_339 = arith.constant 160 : index
      %get3A_340 = tpu.vector_load %arg7[%get3A_338, %get3A_339] {strides = array<i32>} : memref<64x512xf32, #tpu.memory_space<vmem>>, vector<16xf32>,
      %bitcast_convert_type3A_341 = tpu.bitcast %get3A_340 : vector<16xf32> -> vector<16xi32>
      %shift_right_logical3A_342 = arith.constant 19 : i32
      %shift_right_logical3A_343 = vector.broadcast %shift_right_logical3A_342 : i32 to vector<16xi32>
      %shift_right_logical3A_344 = arith.shrui %bitcast_convert_type3A_341, %shift_right_logical3A_343 : vector<16xi32>
      %eq3A_345 = arith.cmpi eq, %shift_right_logical3A_344, %broadcast_in_dim3A_9 : vector<16xi32>
      %convert_element_type3A_346 = arith.extui %eq3A_345 : vector<16xi1> to vector<16xi32>
      %cumsum3A_347 = arith.constant true
      %cumsum3A_348 = vector.broadcast %cumsum3A_347 : i1 to vector<16xi1>
      %cumsum3A_349 = tpu.scan <sum>, %convert_element_type3A_346 masked %cumsum3A_348 : vector<16xi32>, vector<16xi1> -> vector<16xi32>
      %add3A_350 = arith.addi %add3A_331, %cumsum3A_349 : vector<16xi32>
      %sub3A_351 = arith.constant 1 : i32
      %sub3A_352 = vector.broadcast %sub3A_351 : i32 to vector<16xi32>
      %sub3A_353 = arith.subi %add3A_350, %sub3A_352 : vector<16xi32>
      tpu.vector_store_idx %arg9[%sub3A_353], %get3A_340 masked %eq3A_345 : memref<65552xf32, #tpu.memory_space<vmem>>[vector<16xi32>], vector<16xf32>, vector<16xi1>
      %all_reduce_population_count3A_354 = tpu.all_reduce %eq3A_345 {dim = 0 : i64, kind = #tpu.reduction_kind<sum>} : vector<16xi1> -> vector<16xi32>
      %add3A_355 = arith.addi %add3A_331, %all_reduce_population_count3A_354 : vector<16xi32>
      %lt3A_356 = arith.cmpi slt, %shift_right_logical3A_344, %broadcast_in_dim3A_9 : vector<16xi32>
      %jit3A_357 = arith.constant 0.000000e+00 : f32
      %broadcast_in_dim3A_358 = vector.broadcast %jit3A_357 : f32 to vector<16xf32>
      %select_n3A_359 = arith.select %lt3A_356, %get3A_340, %broadcast_in_dim3A_358 : vector<16xi1>, vector<16xf32>
      %add3A_360 = arith.addf %add3A_336, %select_n3A_359 : vector<16xf32>
      %add3A_361 = arith.addf %add3A_337, %get3A_340 : vector<16xf32>
      %get3A_362 = arith.index_cast %scan3A_101 : i32 to index
      %get3A_363 = arith.constant 176 : index
      %get3A_364 = tpu.vector_load %arg7[%get3A_362, %get3A_363] {strides = array<i32>} : memref<64x512xf32, #tpu.memory_space<vmem>>, vector<16xf32>,
      %bitcast_convert_type3A_365 = tpu.bitcast %get3A_364 : vector<16xf32> -> vector<16xi32>
      %shift_right_logical3A_366 = arith.constant 19 : i32
      %shift_right_logical3A_367 = vector.broadcast %shift_right_logical3A_366 : i32 to vector<16xi32>
      %shift_right_logical3A_368 = arith.shrui %bitcast_convert_type3A_365, %shift_right_logical3A_367 : vector<16xi32>
      %eq3A_369 = arith.cmpi eq, %shift_right_logical3A_368, %broadcast_in_dim3A_9 : vector<16xi32>
      %convert_element_type3A_370 = arith.extui %eq3A_369 : vector<16xi1> to vector<16xi32>
      %cumsum3A_371 = arith.constant true
      %cumsum3A_372 = vector.broadcast %cumsum3A_371 : i1 to vector<16xi1>
      %cumsum3A_373 = tpu.scan <sum>, %convert_element_type3A_370 masked %cumsum3A_372 : vector<16xi32>, vector<16xi1> -> vector<16xi32>
      %add3A_374 = arith.addi %add3A_355, %cumsum3A_373 : vector<16xi32>
      %sub3A_375 = arith.constant 1 : i32
      %sub3A_376 = vector.broadcast %sub3A_375 : i32 to vector<16xi32>
      %sub3A_377 = arith.subi %add3A_374, %sub3A_376 : vector<16xi32>
      tpu.vector_store_idx %arg9[%sub3A_377], %get3A_364 masked %eq3A_369 : memref<65552xf32, #tpu.memory_space<vmem>>[vector<16xi32>], vector<16xf32>, vector<16xi1>
      %all_reduce_population_count3A_378 = tpu.all_reduce %eq3A_369 {dim = 0 : i64, kind = #tpu.reduction_kind<sum>} : vector<16xi1> -> vector<16xi32>
      %add3A_379 = arith.addi %add3A_355, %all_reduce_population_count3A_378 : vector<16xi32>
      %lt3A_380 = arith.cmpi slt, %shift_right_logical3A_368, %broadcast_in_dim3A_9 : vector<16xi32>
      %jit3A_381 = arith.constant 0.000000e+00 : f32
      %broadcast_in_dim3A_382 = vector.broadcast %jit3A_381 : f32 to vector<16xf32>
      %select_n3A_383 = arith.select %lt3A_380, %get3A_364, %broadcast_in_dim3A_382 : vector<16xi1>, vector<16xf32>
      %add3A_384 = arith.addf %add3A_360, %select_n3A_383 : vector<16xf32>
      %add3A_385 = arith.addf %add3A_361, %get3A_364 : vector<16xf32>
      %get3A_386 = arith.index_cast %scan3A_101 : i32 to index
      %get3A_387 = arith.constant 192 : index
      %get3A_388 = tpu.vector_load %arg7[%get3A_386, %get3A_387] {strides = array<i32>} : memref<64x512xf32, #tpu.memory_space<vmem>>, vector<16xf32>,
      %bitcast_convert_type3A_389 = tpu.bitcast %get3A_388 : vector<16xf32> -> vector<16xi32>
      %shift_right_logical3A_390 = arith.constant 19 : i32
      %shift_right_logical3A_391 = vector.broadcast %shift_right_logical3A_390 : i32 to vector<16xi32>
      %shift_right_logical3A_392 = arith.shrui %bitcast_convert_type3A_389, %shift_right_logical3A_391 : vector<16xi32>
      %eq3A_393 = arith.cmpi eq, %shift_right_logical3A_392, %broadcast_in_dim3A_9 : vector<16xi32>
      %convert_element_type3A_394 = arith.extui %eq3A_393 : vector<16xi1> to vector<16xi32>
      %cumsum3A_395 = arith.constant true
      %cumsum3A_396 = vector.broadcast %cumsum3A_395 : i1 to vector<16xi1>
      %cumsum3A_397 = tpu.scan <sum>, %convert_element_type3A_394 masked %cumsum3A_396 : vector<16xi32>, vector<16xi1> -> vector<16xi32>
      %add3A_398 = arith.addi %add3A_379, %cumsum3A_397 : vector<16xi32>
      %sub3A_399 = arith.constant 1 : i32
      %sub3A_400 = vector.broadcast %sub3A_399 : i32 to vector<16xi32>
      %sub3A_401 = arith.subi %add3A_398, %sub3A_400 : vector<16xi32>
      tpu.vector_store_idx %arg9[%sub3A_401], %get3A_388 masked %eq3A_393 : memref<65552xf32, #tpu.memory_space<vmem>>[vector<16xi32>], vector<16xf32>, vector<16xi1>
      %all_reduce_population_count3A_402 = tpu.all_reduce %eq3A_393 {dim = 0 : i64, kind = #tpu.reduction_kind<sum>} : vector<16xi1> -> vector<16xi32>
      %add3A_403 = arith.addi %add3A_379, %all_reduce_population_count3A_402 : vector<16xi32>
      %lt3A_404 = arith.cmpi slt, %shift_right_logical3A_392, %broadcast_in_dim3A_9 : vector<16xi32>
      %jit3A_405 = arith.constant 0.000000e+00 : f32
      %broadcast_in_dim3A_406 = vector.broadcast %jit3A_405 : f32 to vector<16xf32>
      %select_n3A_407 = arith.select %lt3A_404, %get3A_388, %broadcast_in_dim3A_406 : vector<16xi1>, vector<16xf32>
      %add3A_408 = arith.addf %add3A_384, %select_n3A_407 : vector<16xf32>
      %add3A_409 = arith.addf %add3A_385, %get3A_388 : vector<16xf32>
      %get3A_410 = arith.index_cast %scan3A_101 : i32 to index
      %get3A_411 = arith.constant 208 : index
      %get3A_412 = tpu.vector_load %arg7[%get3A_410, %get3A_411] {strides = array<i32>} : memref<64x512xf32, #tpu.memory_space<vmem>>, vector<16xf32>,
      %bitcast_convert_type3A_413 = tpu.bitcast %get3A_412 : vector<16xf32> -> vector<16xi32>
      %shift_right_logical3A_414 = arith.constant 19 : i32
      %shift_right_logical3A_415 = vector.broadcast %shift_right_logical3A_414 : i32 to vector<16xi32>
      %shift_right_logical3A_416 = arith.shrui %bitcast_convert_type3A_413, %shift_right_logical3A_415 : vector<16xi32>
      %eq3A_417 = arith.cmpi eq, %shift_right_logical3A_416, %broadcast_in_dim3A_9 : vector<16xi32>
      %convert_element_type3A_418 = arith.extui %eq3A_417 : vector<16xi1> to vector<16xi32>
      %cumsum3A_419 = arith.constant true
      %cumsum3A_420 = vector.broadcast %cumsum3A_419 : i1 to vector<16xi1>
      %cumsum3A_421 = tpu.scan <sum>, %convert_element_type3A_418 masked %cumsum3A_420 : vector<16xi32>, vector<16xi1> -> vector<16xi32>
      %add3A_422 = arith.addi %add3A_403, %cumsum3A_421 : vector<16xi32>
      %sub3A_423 = arith.constant 1 : i32
      %sub3A_424 = vector.broadcast %sub3A_423 : i32 to vector<16xi32>
      %sub3A_425 = arith.subi %add3A_422, %sub3A_424 : vector<16xi32>
      tpu.vector_store_idx %arg9[%sub3A_425], %get3A_412 masked %eq3A_417 : memref<65552xf32, #tpu.memory_space<vmem>>[vector<16xi32>], vector<16xf32>, vector<16xi1>
      %all_reduce_population_count3A_426 = tpu.all_reduce %eq3A_417 {dim = 0 : i64, kind = #tpu.reduction_kind<sum>} : vector<16xi1> -> vector<16xi32>
      %add3A_427 = arith.addi %add3A_403, %all_reduce_population_count3A_426 : vector<16xi32>
      %lt3A_428 = arith.cmpi slt, %shift_right_logical3A_416, %broadcast_in_dim3A_9 : vector<16xi32>
      %jit3A_429 = arith.constant 0.000000e+00 : f32
      %broadcast_in_dim3A_430 = vector.broadcast %jit3A_429 : f32 to vector<16xf32>
      %select_n3A_431 = arith.select %lt3A_428, %get3A_412, %broadcast_in_dim3A_430 : vector<16xi1>, vector<16xf32>
      %add3A_432 = arith.addf %add3A_408, %select_n3A_431 : vector<16xf32>
      %add3A_433 = arith.addf %add3A_409, %get3A_412 : vector<16xf32>
      %get3A_434 = arith.index_cast %scan3A_101 : i32 to index
      %get3A_435 = arith.constant 224 : index
      %get3A_436 = tpu.vector_load %arg7[%get3A_434, %get3A_435] {strides = array<i32>} : memref<64x512xf32, #tpu.memory_space<vmem>>, vector<16xf32>,
      %bitcast_convert_type3A_437 = tpu.bitcast %get3A_436 : vector<16xf32> -> vector<16xi32>
      %shift_right_logical3A_438 = arith.constant 19 : i32
      %shift_right_logical3A_439 = vector.broadcast %shift_right_logical3A_438 : i32 to vector<16xi32>
      %shift_right_logical3A_440 = arith.shrui %bitcast_convert_type3A_437, %shift_right_logical3A_439 : vector<16xi32>
      %eq3A_441 = arith.cmpi eq, %shift_right_logical3A_440, %broadcast_in_dim3A_9 : vector<16xi32>
      %convert_element_type3A_442 = arith.extui %eq3A_441 : vector<16xi1> to vector<16xi32>
      %cumsum3A_443 = arith.constant true
      %cumsum3A_444 = vector.broadcast %cumsum3A_443 : i1 to vector<16xi1>
      %cumsum3A_445 = tpu.scan <sum>, %convert_element_type3A_442 masked %cumsum3A_444 : vector<16xi32>, vector<16xi1> -> vector<16xi32>
      %add3A_446 = arith.addi %add3A_427, %cumsum3A_445 : vector<16xi32>
      %sub3A_447 = arith.constant 1 : i32
      %sub3A_448 = vector.broadcast %sub3A_447 : i32 to vector<16xi32>
      %sub3A_449 = arith.subi %add3A_446, %sub3A_448 : vector<16xi32>
      tpu.vector_store_idx %arg9[%sub3A_449], %get3A_436 masked %eq3A_441 : memref<65552xf32, #tpu.memory_space<vmem>>[vector<16xi32>], vector<16xf32>, vector<16xi1>
      %all_reduce_population_count3A_450 = tpu.all_reduce %eq3A_441 {dim = 0 : i64, kind = #tpu.reduction_kind<sum>} : vector<16xi1> -> vector<16xi32>
      %add3A_451 = arith.addi %add3A_427, %all_reduce_population_count3A_450 : vector<16xi32>
      %lt3A_452 = arith.cmpi slt, %shift_right_logical3A_440, %broadcast_in_dim3A_9 : vector<16xi32>
      %jit3A_453 = arith.constant 0.000000e+00 : f32
      %broadcast_in_dim3A_454 = vector.broadcast %jit3A_453 : f32 to vector<16xf32>
      %select_n3A_455 = arith.select %lt3A_452, %get3A_436, %broadcast_in_dim3A_454 : vector<16xi1>, vector<16xf32>
      %add3A_456 = arith.addf %add3A_432, %select_n3A_455 : vector<16xf32>
      %add3A_457 = arith.addf %add3A_433, %get3A_436 : vector<16xf32>
      %get3A_458 = arith.index_cast %scan3A_101 : i32 to index
      %get3A_459 = arith.constant 240 : index
      %get3A_460 = tpu.vector_load %arg7[%get3A_458, %get3A_459] {strides = array<i32>} : memref<64x512xf32, #tpu.memory_space<vmem>>, vector<16xf32>,
      %bitcast_convert_type3A_461 = tpu.bitcast %get3A_460 : vector<16xf32> -> vector<16xi32>
      %shift_right_logical3A_462 = arith.constant 19 : i32
      %shift_right_logical3A_463 = vector.broadcast %shift_right_logical3A_462 : i32 to vector<16xi32>
      %shift_right_logical3A_464 = arith.shrui %bitcast_convert_type3A_461, %shift_right_logical3A_463 : vector<16xi32>
      %eq3A_465 = arith.cmpi eq, %shift_right_logical3A_464, %broadcast_in_dim3A_9 : vector<16xi32>
      %convert_element_type3A_466 = arith.extui %eq3A_465 : vector<16xi1> to vector<16xi32>
      %cumsum3A_467 = arith.constant true
      %cumsum3A_468 = vector.broadcast %cumsum3A_467 : i1 to vector<16xi1>
      %cumsum3A_469 = tpu.scan <sum>, %convert_element_type3A_466 masked %cumsum3A_468 : vector<16xi32>, vector<16xi1> -> vector<16xi32>
      %add3A_470 = arith.addi %add3A_451, %cumsum3A_469 : vector<16xi32>
      %sub3A_471 = arith.constant 1 : i32
      %sub3A_472 = vector.broadcast %sub3A_471 : i32 to vector<16xi32>
      %sub3A_473 = arith.subi %add3A_470, %sub3A_472 : vector<16xi32>
      tpu.vector_store_idx %arg9[%sub3A_473], %get3A_460 masked %eq3A_465 : memref<65552xf32, #tpu.memory_space<vmem>>[vector<16xi32>], vector<16xf32>, vector<16xi1>
      %all_reduce_population_count3A_474 = tpu.all_reduce %eq3A_465 {dim = 0 : i64, kind = #tpu.reduction_kind<sum>} : vector<16xi1> -> vector<16xi32>
      %add3A_475 = arith.addi %add3A_451, %all_reduce_population_count3A_474 : vector<16xi32>
      %lt3A_476 = arith.cmpi slt, %shift_right_logical3A_464, %broadcast_in_dim3A_9 : vector<16xi32>
      %jit3A_477 = arith.constant 0.000000e+00 : f32
      %broadcast_in_dim3A_478 = vector.broadcast %jit3A_477 : f32 to vector<16xf32>
      %select_n3A_479 = arith.select %lt3A_476, %get3A_460, %broadcast_in_dim3A_478 : vector<16xi1>, vector<16xf32>
      %add3A_480 = arith.addf %add3A_456, %select_n3A_479 : vector<16xf32>
      %add3A_481 = arith.addf %add3A_457, %get3A_460 : vector<16xf32>
      %get3A_482 = arith.index_cast %scan3A_101 : i32 to index
      %get3A_483 = arith.constant 256 : index
      %get3A_484 = tpu.vector_load %arg7[%get3A_482, %get3A_483] {strides = array<i32>} : memref<64x512xf32, #tpu.memory_space<vmem>>, vector<16xf32>,
      %bitcast_convert_type3A_485 = tpu.bitcast %get3A_484 : vector<16xf32> -> vector<16xi32>
      %shift_right_logical3A_486 = arith.constant 19 : i32
      %shift_right_logical3A_487 = vector.broadcast %shift_right_logical3A_486 : i32 to vector<16xi32>
      %shift_right_logical3A_488 = arith.shrui %bitcast_convert_type3A_485, %shift_right_logical3A_487 : vector<16xi32>
      %eq3A_489 = arith.cmpi eq, %shift_right_logical3A_488, %broadcast_in_dim3A_9 : vector<16xi32>
      %convert_element_type3A_490 = arith.extui %eq3A_489 : vector<16xi1> to vector<16xi32>
      %cumsum3A_491 = arith.constant true
      %cumsum3A_492 = vector.broadcast %cumsum3A_491 : i1 to vector<16xi1>
      %cumsum3A_493 = tpu.scan <sum>, %convert_element_type3A_490 masked %cumsum3A_492 : vector<16xi32>, vector<16xi1> -> vector<16xi32>
      %add3A_494 = arith.addi %add3A_475, %cumsum3A_493 : vector<16xi32>
      %sub3A_495 = arith.constant 1 : i32
      %sub3A_496 = vector.broadcast %sub3A_495 : i32 to vector<16xi32>
      %sub3A_497 = arith.subi %add3A_494, %sub3A_496 : vector<16xi32>
      tpu.vector_store_idx %arg9[%sub3A_497], %get3A_484 masked %eq3A_489 : memref<65552xf32, #tpu.memory_space<vmem>>[vector<16xi32>], vector<16xf32>, vector<16xi1>
      %all_reduce_population_count3A_498 = tpu.all_reduce %eq3A_489 {dim = 0 : i64, kind = #tpu.reduction_kind<sum>} : vector<16xi1> -> vector<16xi32>
      %add3A_499 = arith.addi %add3A_475, %all_reduce_population_count3A_498 : vector<16xi32>
      %lt3A_500 = arith.cmpi slt, %shift_right_logical3A_488, %broadcast_in_dim3A_9 : vector<16xi32>
      %jit3A_501 = arith.constant 0.000000e+00 : f32
      %broadcast_in_dim3A_502 = vector.broadcast %jit3A_501 : f32 to vector<16xf32>
      %select_n3A_503 = arith.select %lt3A_500, %get3A_484, %broadcast_in_dim3A_502 : vector<16xi1>, vector<16xf32>
      %add3A_504 = arith.addf %add3A_480, %select_n3A_503 : vector<16xf32>
      %add3A_505 = arith.addf %add3A_481, %get3A_484 : vector<16xf32>
      %get3A_506 = arith.index_cast %scan3A_101 : i32 to index
      %get3A_507 = arith.constant 272 : index
      %get3A_508 = tpu.vector_load %arg7[%get3A_506, %get3A_507] {strides = array<i32>} : memref<64x512xf32, #tpu.memory_space<vmem>>, vector<16xf32>,
      %bitcast_convert_type3A_509 = tpu.bitcast %get3A_508 : vector<16xf32> -> vector<16xi32>
      %shift_right_logical3A_510 = arith.constant 19 : i32
      %shift_right_logical3A_511 = vector.broadcast %shift_right_logical3A_510 : i32 to vector<16xi32>
      %shift_right_logical3A_512 = arith.shrui %bitcast_convert_type3A_509, %shift_right_logical3A_511 : vector<16xi32>
      %eq3A_513 = arith.cmpi eq, %shift_right_logical3A_512, %broadcast_in_dim3A_9 : vector<16xi32>
      %convert_element_type3A_514 = arith.extui %eq3A_513 : vector<16xi1> to vector<16xi32>
      %cumsum3A_515 = arith.constant true
      %cumsum3A_516 = vector.broadcast %cumsum3A_515 : i1 to vector<16xi1>
      %cumsum3A_517 = tpu.scan <sum>, %convert_element_type3A_514 masked %cumsum3A_516 : vector<16xi32>, vector<16xi1> -> vector<16xi32>
      %add3A_518 = arith.addi %add3A_499, %cumsum3A_517 : vector<16xi32>
      %sub3A_519 = arith.constant 1 : i32
      %sub3A_520 = vector.broadcast %sub3A_519 : i32 to vector<16xi32>
      %sub3A_521 = arith.subi %add3A_518, %sub3A_520 : vector<16xi32>
      tpu.vector_store_idx %arg9[%sub3A_521], %get3A_508 masked %eq3A_513 : memref<65552xf32, #tpu.memory_space<vmem>>[vector<16xi32>], vector<16xf32>, vector<16xi1>
      %all_reduce_population_count3A_522 = tpu.all_reduce %eq3A_513 {dim = 0 : i64, kind = #tpu.reduction_kind<sum>} : vector<16xi1> -> vector<16xi32>
      %add3A_523 = arith.addi %add3A_499, %all_reduce_population_count3A_522 : vector<16xi32>
      %lt3A_524 = arith.cmpi slt, %shift_right_logical3A_512, %broadcast_in_dim3A_9 : vector<16xi32>
      %jit3A_525 = arith.constant 0.000000e+00 : f32
      %broadcast_in_dim3A_526 = vector.broadcast %jit3A_525 : f32 to vector<16xf32>
      %select_n3A_527 = arith.select %lt3A_524, %get3A_508, %broadcast_in_dim3A_526 : vector<16xi1>, vector<16xf32>
      %add3A_528 = arith.addf %add3A_504, %select_n3A_527 : vector<16xf32>
      %add3A_529 = arith.addf %add3A_505, %get3A_508 : vector<16xf32>
      %get3A_530 = arith.index_cast %scan3A_101 : i32 to index
      %get3A_531 = arith.constant 288 : index
      %get3A_532 = tpu.vector_load %arg7[%get3A_530, %get3A_531] {strides = array<i32>} : memref<64x512xf32, #tpu.memory_space<vmem>>, vector<16xf32>,
      %bitcast_convert_type3A_533 = tpu.bitcast %get3A_532 : vector<16xf32> -> vector<16xi32>
      %shift_right_logical3A_534 = arith.constant 19 : i32
      %shift_right_logical3A_535 = vector.broadcast %shift_right_logical3A_534 : i32 to vector<16xi32>
      %shift_right_logical3A_536 = arith.shrui %bitcast_convert_type3A_533, %shift_right_logical3A_535 : vector<16xi32>
      %eq3A_537 = arith.cmpi eq, %shift_right_logical3A_536, %broadcast_in_dim3A_9 : vector<16xi32>
      %convert_element_type3A_538 = arith.extui %eq3A_537 : vector<16xi1> to vector<16xi32>
      %cumsum3A_539 = arith.constant true
      %cumsum3A_540 = vector.broadcast %cumsum3A_539 : i1 to vector<16xi1>
      %cumsum3A_541 = tpu.scan <sum>, %convert_element_type3A_538 masked %cumsum3A_540 : vector<16xi32>, vector<16xi1> -> vector<16xi32>
      %add3A_542 = arith.addi %add3A_523, %cumsum3A_541 : vector<16xi32>
      %sub3A_543 = arith.constant 1 : i32
      %sub3A_544 = vector.broadcast %sub3A_543 : i32 to vector<16xi32>
      %sub3A_545 = arith.subi %add3A_542, %sub3A_544 : vector<16xi32>
      tpu.vector_store_idx %arg9[%sub3A_545], %get3A_532 masked %eq3A_537 : memref<65552xf32, #tpu.memory_space<vmem>>[vector<16xi32>], vector<16xf32>, vector<16xi1>
      %all_reduce_population_count3A_546 = tpu.all_reduce %eq3A_537 {dim = 0 : i64, kind = #tpu.reduction_kind<sum>} : vector<16xi1> -> vector<16xi32>
      %add3A_547 = arith.addi %add3A_523, %all_reduce_population_count3A_546 : vector<16xi32>
      %lt3A_548 = arith.cmpi slt, %shift_right_logical3A_536, %broadcast_in_dim3A_9 : vector<16xi32>
      %jit3A_549 = arith.constant 0.000000e+00 : f32
      %broadcast_in_dim3A_550 = vector.broadcast %jit3A_549 : f32 to vector<16xf32>
      %select_n3A_551 = arith.select %lt3A_548, %get3A_532, %broadcast_in_dim3A_550 : vector<16xi1>, vector<16xf32>
      %add3A_552 = arith.addf %add3A_528, %select_n3A_551 : vector<16xf32>
      %add3A_553 = arith.addf %add3A_529, %get3A_532 : vector<16xf32>
      %get3A_554 = arith.index_cast %scan3A_101 : i32 to index
      %get3A_555 = arith.constant 304 : index
      %get3A_556 = tpu.vector_load %arg7[%get3A_554, %get3A_555] {strides = array<i32>} : memref<64x512xf32, #tpu.memory_space<vmem>>, vector<16xf32>,
      %bitcast_convert_type3A_557 = tpu.bitcast %get3A_556 : vector<16xf32> -> vector<16xi32>
      %shift_right_logical3A_558 = arith.constant 19 : i32
      %shift_right_logical3A_559 = vector.broadcast %shift_right_logical3A_558 : i32 to vector<16xi32>
      %shift_right_logical3A_560 = arith.shrui %bitcast_convert_type3A_557, %shift_right_logical3A_559 : vector<16xi32>
      %eq3A_561 = arith.cmpi eq, %shift_right_logical3A_560, %broadcast_in_dim3A_9 : vector<16xi32>
      %convert_element_type3A_562 = arith.extui %eq3A_561 : vector<16xi1> to vector<16xi32>
      %cumsum3A_563 = arith.constant true
      %cumsum3A_564 = vector.broadcast %cumsum3A_563 : i1 to vector<16xi1>
      %cumsum3A_565 = tpu.scan <sum>, %convert_element_type3A_562 masked %cumsum3A_564 : vector<16xi32>, vector<16xi1> -> vector<16xi32>
      %add3A_566 = arith.addi %add3A_547, %cumsum3A_565 : vector<16xi32>
      %sub3A_567 = arith.constant 1 : i32
      %sub3A_568 = vector.broadcast %sub3A_567 : i32 to vector<16xi32>
      %sub3A_569 = arith.subi %add3A_566, %sub3A_568 : vector<16xi32>
      tpu.vector_store_idx %arg9[%sub3A_569], %get3A_556 masked %eq3A_561 : memref<65552xf32, #tpu.memory_space<vmem>>[vector<16xi32>], vector<16xf32>, vector<16xi1>
      %all_reduce_population_count3A_570 = tpu.all_reduce %eq3A_561 {dim = 0 : i64, kind = #tpu.reduction_kind<sum>} : vector<16xi1> -> vector<16xi32>
      %add3A_571 = arith.addi %add3A_547, %all_reduce_population_count3A_570 : vector<16xi32>
      %lt3A_572 = arith.cmpi slt, %shift_right_logical3A_560, %broadcast_in_dim3A_9 : vector<16xi32>
      %jit3A_573 = arith.constant 0.000000e+00 : f32
      %broadcast_in_dim3A_574 = vector.broadcast %jit3A_573 : f32 to vector<16xf32>
      %select_n3A_575 = arith.select %lt3A_572, %get3A_556, %broadcast_in_dim3A_574 : vector<16xi1>, vector<16xf32>
      %add3A_576 = arith.addf %add3A_552, %select_n3A_575 : vector<16xf32>
      %add3A_577 = arith.addf %add3A_553, %get3A_556 : vector<16xf32>
      %get3A_578 = arith.index_cast %scan3A_101 : i32 to index
      %get3A_579 = arith.constant 320 : index
      %get3A_580 = tpu.vector_load %arg7[%get3A_578, %get3A_579] {strides = array<i32>} : memref<64x512xf32, #tpu.memory_space<vmem>>, vector<16xf32>,
      %bitcast_convert_type3A_581 = tpu.bitcast %get3A_580 : vector<16xf32> -> vector<16xi32>
      %shift_right_logical3A_582 = arith.constant 19 : i32
      %shift_right_logical3A_583 = vector.broadcast %shift_right_logical3A_582 : i32 to vector<16xi32>
      %shift_right_logical3A_584 = arith.shrui %bitcast_convert_type3A_581, %shift_right_logical3A_583 : vector<16xi32>
      %eq3A_585 = arith.cmpi eq, %shift_right_logical3A_584, %broadcast_in_dim3A_9 : vector<16xi32>
      %convert_element_type3A_586 = arith.extui %eq3A_585 : vector<16xi1> to vector<16xi32>
      %cumsum3A_587 = arith.constant true
      %cumsum3A_588 = vector.broadcast %cumsum3A_587 : i1 to vector<16xi1>
      %cumsum3A_589 = tpu.scan <sum>, %convert_element_type3A_586 masked %cumsum3A_588 : vector<16xi32>, vector<16xi1> -> vector<16xi32>
      %add3A_590 = arith.addi %add3A_571, %cumsum3A_589 : vector<16xi32>
      %sub3A_591 = arith.constant 1 : i32
      %sub3A_592 = vector.broadcast %sub3A_591 : i32 to vector<16xi32>
      %sub3A_593 = arith.subi %add3A_590, %sub3A_592 : vector<16xi32>
      tpu.vector_store_idx %arg9[%sub3A_593], %get3A_580 masked %eq3A_585 : memref<65552xf32, #tpu.memory_space<vmem>>[vector<16xi32>], vector<16xf32>, vector<16xi1>
      %all_reduce_population_count3A_594 = tpu.all_reduce %eq3A_585 {dim = 0 : i64, kind = #tpu.reduction_kind<sum>} : vector<16xi1> -> vector<16xi32>
      %add3A_595 = arith.addi %add3A_571, %all_reduce_population_count3A_594 : vector<16xi32>
      %lt3A_596 = arith.cmpi slt, %shift_right_logical3A_584, %broadcast_in_dim3A_9 : vector<16xi32>
      %jit3A_597 = arith.constant 0.000000e+00 : f32
      %broadcast_in_dim3A_598 = vector.broadcast %jit3A_597 : f32 to vector<16xf32>
      %select_n3A_599 = arith.select %lt3A_596, %get3A_580, %broadcast_in_dim3A_598 : vector<16xi1>, vector<16xf32>
      %add3A_600 = arith.addf %add3A_576, %select_n3A_599 : vector<16xf32>
      %add3A_601 = arith.addf %add3A_577, %get3A_580 : vector<16xf32>
      %get3A_602 = arith.index_cast %scan3A_101 : i32 to index
      %get3A_603 = arith.constant 336 : index
      %get3A_604 = tpu.vector_load %arg7[%get3A_602, %get3A_603] {strides = array<i32>} : memref<64x512xf32, #tpu.memory_space<vmem>>, vector<16xf32>,
      %bitcast_convert_type3A_605 = tpu.bitcast %get3A_604 : vector<16xf32> -> vector<16xi32>
      %shift_right_logical3A_606 = arith.constant 19 : i32
      %shift_right_logical3A_607 = vector.broadcast %shift_right_logical3A_606 : i32 to vector<16xi32>
      %shift_right_logical3A_608 = arith.shrui %bitcast_convert_type3A_605, %shift_right_logical3A_607 : vector<16xi32>
      %eq3A_609 = arith.cmpi eq, %shift_right_logical3A_608, %broadcast_in_dim3A_9 : vector<16xi32>
      %convert_element_type3A_610 = arith.extui %eq3A_609 : vector<16xi1> to vector<16xi32>
      %cumsum3A_611 = arith.constant true
      %cumsum3A_612 = vector.broadcast %cumsum3A_611 : i1 to vector<16xi1>
      %cumsum3A_613 = tpu.scan <sum>, %convert_element_type3A_610 masked %cumsum3A_612 : vector<16xi32>, vector<16xi1> -> vector<16xi32>
      %add3A_614 = arith.addi %add3A_595, %cumsum3A_613 : vector<16xi32>
      %sub3A_615 = arith.constant 1 : i32
      %sub3A_616 = vector.broadcast %sub3A_615 : i32 to vector<16xi32>
      %sub3A_617 = arith.subi %add3A_614, %sub3A_616 : vector<16xi32>
      tpu.vector_store_idx %arg9[%sub3A_617], %get3A_604 masked %eq3A_609 : memref<65552xf32, #tpu.memory_space<vmem>>[vector<16xi32>], vector<16xf32>, vector<16xi1>
      %all_reduce_population_count3A_618 = tpu.all_reduce %eq3A_609 {dim = 0 : i64, kind = #tpu.reduction_kind<sum>} : vector<16xi1> -> vector<16xi32>
      %add3A_619 = arith.addi %add3A_595, %all_reduce_population_count3A_618 : vector<16xi32>
      %lt3A_620 = arith.cmpi slt, %shift_right_logical3A_608, %broadcast_in_dim3A_9 : vector<16xi32>
      %jit3A_621 = arith.constant 0.000000e+00 : f32
      %broadcast_in_dim3A_622 = vector.broadcast %jit3A_621 : f32 to vector<16xf32>
      %select_n3A_623 = arith.select %lt3A_620, %get3A_604, %broadcast_in_dim3A_622 : vector<16xi1>, vector<16xf32>
      %add3A_624 = arith.addf %add3A_600, %select_n3A_623 : vector<16xf32>
      %add3A_625 = arith.addf %add3A_601, %get3A_604 : vector<16xf32>
      %get3A_626 = arith.index_cast %scan3A_101 : i32 to index
      %get3A_627 = arith.constant 352 : index
      %get3A_628 = tpu.vector_load %arg7[%get3A_626, %get3A_627] {strides = array<i32>} : memref<64x512xf32, #tpu.memory_space<vmem>>, vector<16xf32>,
      %bitcast_convert_type3A_629 = tpu.bitcast %get3A_628 : vector<16xf32> -> vector<16xi32>
      %shift_right_logical3A_630 = arith.constant 19 : i32
      %shift_right_logical3A_631 = vector.broadcast %shift_right_logical3A_630 : i32 to vector<16xi32>
      %shift_right_logical3A_632 = arith.shrui %bitcast_convert_type3A_629, %shift_right_logical3A_631 : vector<16xi32>
      %eq3A_633 = arith.cmpi eq, %shift_right_logical3A_632, %broadcast_in_dim3A_9 : vector<16xi32>
      %convert_element_type3A_634 = arith.extui %eq3A_633 : vector<16xi1> to vector<16xi32>
      %cumsum3A_635 = arith.constant true
      %cumsum3A_636 = vector.broadcast %cumsum3A_635 : i1 to vector<16xi1>
      %cumsum3A_637 = tpu.scan <sum>, %convert_element_type3A_634 masked %cumsum3A_636 : vector<16xi32>, vector<16xi1> -> vector<16xi32>
      %add3A_638 = arith.addi %add3A_619, %cumsum3A_637 : vector<16xi32>
      %sub3A_639 = arith.constant 1 : i32
      %sub3A_640 = vector.broadcast %sub3A_639 : i32 to vector<16xi32>
      %sub3A_641 = arith.subi %add3A_638, %sub3A_640 : vector<16xi32>
      tpu.vector_store_idx %arg9[%sub3A_641], %get3A_628 masked %eq3A_633 : memref<65552xf32, #tpu.memory_space<vmem>>[vector<16xi32>], vector<16xf32>, vector<16xi1>
      %all_reduce_population_count3A_642 = tpu.all_reduce %eq3A_633 {dim = 0 : i64, kind = #tpu.reduction_kind<sum>} : vector<16xi1> -> vector<16xi32>
      %add3A_643 = arith.addi %add3A_619, %all_reduce_population_count3A_642 : vector<16xi32>
      %lt3A_644 = arith.cmpi slt, %shift_right_logical3A_632, %broadcast_in_dim3A_9 : vector<16xi32>
      %jit3A_645 = arith.constant 0.000000e+00 : f32
      %broadcast_in_dim3A_646 = vector.broadcast %jit3A_645 : f32 to vector<16xf32>
      %select_n3A_647 = arith.select %lt3A_644, %get3A_628, %broadcast_in_dim3A_646 : vector<16xi1>, vector<16xf32>
      %add3A_648 = arith.addf %add3A_624, %select_n3A_647 : vector<16xf32>
      %add3A_649 = arith.addf %add3A_625, %get3A_628 : vector<16xf32>
      %get3A_650 = arith.index_cast %scan3A_101 : i32 to index
      %get3A_651 = arith.constant 368 : index
      %get3A_652 = tpu.vector_load %arg7[%get3A_650, %get3A_651] {strides = array<i32>} : memref<64x512xf32, #tpu.memory_space<vmem>>, vector<16xf32>,
      %bitcast_convert_type3A_653 = tpu.bitcast %get3A_652 : vector<16xf32> -> vector<16xi32>
      %shift_right_logical3A_654 = arith.constant 19 : i32
      %shift_right_logical3A_655 = vector.broadcast %shift_right_logical3A_654 : i32 to vector<16xi32>
      %shift_right_logical3A_656 = arith.shrui %bitcast_convert_type3A_653, %shift_right_logical3A_655 : vector<16xi32>
      %eq3A_657 = arith.cmpi eq, %shift_right_logical3A_656, %broadcast_in_dim3A_9 : vector<16xi32>
      %convert_element_type3A_658 = arith.extui %eq3A_657 : vector<16xi1> to vector<16xi32>
      %cumsum3A_659 = arith.constant true
      %cumsum3A_660 = vector.broadcast %cumsum3A_659 : i1 to vector<16xi1>
      %cumsum3A_661 = tpu.scan <sum>, %convert_element_type3A_658 masked %cumsum3A_660 : vector<16xi32>, vector<16xi1> -> vector<16xi32>
      %add3A_662 = arith.addi %add3A_643, %cumsum3A_661 : vector<16xi32>
      %sub3A_663 = arith.constant 1 : i32
      %sub3A_664 = vector.broadcast %sub3A_663 : i32 to vector<16xi32>
      %sub3A_665 = arith.subi %add3A_662, %sub3A_664 : vector<16xi32>
      tpu.vector_store_idx %arg9[%sub3A_665], %get3A_652 masked %eq3A_657 : memref<65552xf32, #tpu.memory_space<vmem>>[vector<16xi32>], vector<16xf32>, vector<16xi1>
      %all_reduce_population_count3A_666 = tpu.all_reduce %eq3A_657 {dim = 0 : i64, kind = #tpu.reduction_kind<sum>} : vector<16xi1> -> vector<16xi32>
      %add3A_667 = arith.addi %add3A_643, %all_reduce_population_count3A_666 : vector<16xi32>
      %lt3A_668 = arith.cmpi slt, %shift_right_logical3A_656, %broadcast_in_dim3A_9 : vector<16xi32>
      %jit3A_669 = arith.constant 0.000000e+00 : f32
      %broadcast_in_dim3A_670 = vector.broadcast %jit3A_669 : f32 to vector<16xf32>
      %select_n3A_671 = arith.select %lt3A_668, %get3A_652, %broadcast_in_dim3A_670 : vector<16xi1>, vector<16xf32>
      %add3A_672 = arith.addf %add3A_648, %select_n3A_671 : vector<16xf32>
      %add3A_673 = arith.addf %add3A_649, %get3A_652 : vector<16xf32>
      %get3A_674 = arith.index_cast %scan3A_101 : i32 to index
      %get3A_675 = arith.constant 384 : index
      %get3A_676 = tpu.vector_load %arg7[%get3A_674, %get3A_675] {strides = array<i32>} : memref<64x512xf32, #tpu.memory_space<vmem>>, vector<16xf32>,
      %bitcast_convert_type3A_677 = tpu.bitcast %get3A_676 : vector<16xf32> -> vector<16xi32>
      %shift_right_logical3A_678 = arith.constant 19 : i32
      %shift_right_logical3A_679 = vector.broadcast %shift_right_logical3A_678 : i32 to vector<16xi32>
      %shift_right_logical3A_680 = arith.shrui %bitcast_convert_type3A_677, %shift_right_logical3A_679 : vector<16xi32>
      %eq3A_681 = arith.cmpi eq, %shift_right_logical3A_680, %broadcast_in_dim3A_9 : vector<16xi32>
      %convert_element_type3A_682 = arith.extui %eq3A_681 : vector<16xi1> to vector<16xi32>
      %cumsum3A_683 = arith.constant true
      %cumsum3A_684 = vector.broadcast %cumsum3A_683 : i1 to vector<16xi1>
      %cumsum3A_685 = tpu.scan <sum>, %convert_element_type3A_682 masked %cumsum3A_684 : vector<16xi32>, vector<16xi1> -> vector<16xi32>
      %add3A_686 = arith.addi %add3A_667, %cumsum3A_685 : vector<16xi32>
      %sub3A_687 = arith.constant 1 : i32
      %sub3A_688 = vector.broadcast %sub3A_687 : i32 to vector<16xi32>
      %sub3A_689 = arith.subi %add3A_686, %sub3A_688 : vector<16xi32>
      tpu.vector_store_idx %arg9[%sub3A_689], %get3A_676 masked %eq3A_681 : memref<65552xf32, #tpu.memory_space<vmem>>[vector<16xi32>], vector<16xf32>, vector<16xi1>
      %all_reduce_population_count3A_690 = tpu.all_reduce %eq3A_681 {dim = 0 : i64, kind = #tpu.reduction_kind<sum>} : vector<16xi1> -> vector<16xi32>
      %add3A_691 = arith.addi %add3A_667, %all_reduce_population_count3A_690 : vector<16xi32>
      %lt3A_692 = arith.cmpi slt, %shift_right_logical3A_680, %broadcast_in_dim3A_9 : vector<16xi32>
      %jit3A_693 = arith.constant 0.000000e+00 : f32
      %broadcast_in_dim3A_694 = vector.broadcast %jit3A_693 : f32 to vector<16xf32>
      %select_n3A_695 = arith.select %lt3A_692, %get3A_676, %broadcast_in_dim3A_694 : vector<16xi1>, vector<16xf32>
      %add3A_696 = arith.addf %add3A_672, %select_n3A_695 : vector<16xf32>
      %add3A_697 = arith.addf %add3A_673, %get3A_676 : vector<16xf32>
      %get3A_698 = arith.index_cast %scan3A_101 : i32 to index
      %get3A_699 = arith.constant 400 : index
      %get3A_700 = tpu.vector_load %arg7[%get3A_698, %get3A_699] {strides = array<i32>} : memref<64x512xf32, #tpu.memory_space<vmem>>, vector<16xf32>,
      %bitcast_convert_type3A_701 = tpu.bitcast %get3A_700 : vector<16xf32> -> vector<16xi32>
      %shift_right_logical3A_702 = arith.constant 19 : i32
      %shift_right_logical3A_703 = vector.broadcast %shift_right_logical3A_702 : i32 to vector<16xi32>
      %shift_right_logical3A_704 = arith.shrui %bitcast_convert_type3A_701, %shift_right_logical3A_703 : vector<16xi32>
      %eq3A_705 = arith.cmpi eq, %shift_right_logical3A_704, %broadcast_in_dim3A_9 : vector<16xi32>
      %convert_element_type3A_706 = arith.extui %eq3A_705 : vector<16xi1> to vector<16xi32>
      %cumsum3A_707 = arith.constant true
      %cumsum3A_708 = vector.broadcast %cumsum3A_707 : i1 to vector<16xi1>
      %cumsum3A_709 = tpu.scan <sum>, %convert_element_type3A_706 masked %cumsum3A_708 : vector<16xi32>, vector<16xi1> -> vector<16xi32>
      %add3A_710 = arith.addi %add3A_691, %cumsum3A_709 : vector<16xi32>
      %sub3A_711 = arith.constant 1 : i32
      %sub3A_712 = vector.broadcast %sub3A_711 : i32 to vector<16xi32>
      %sub3A_713 = arith.subi %add3A_710, %sub3A_712 : vector<16xi32>
      tpu.vector_store_idx %arg9[%sub3A_713], %get3A_700 masked %eq3A_705 : memref<65552xf32, #tpu.memory_space<vmem>>[vector<16xi32>], vector<16xf32>, vector<16xi1>
      %all_reduce_population_count3A_714 = tpu.all_reduce %eq3A_705 {dim = 0 : i64, kind = #tpu.reduction_kind<sum>} : vector<16xi1> -> vector<16xi32>
      %add3A_715 = arith.addi %add3A_691, %all_reduce_population_count3A_714 : vector<16xi32>
      %lt3A_716 = arith.cmpi slt, %shift_right_logical3A_704, %broadcast_in_dim3A_9 : vector<16xi32>
      %jit3A_717 = arith.constant 0.000000e+00 : f32
      %broadcast_in_dim3A_718 = vector.broadcast %jit3A_717 : f32 to vector<16xf32>
      %select_n3A_719 = arith.select %lt3A_716, %get3A_700, %broadcast_in_dim3A_718 : vector<16xi1>, vector<16xf32>
      %add3A_720 = arith.addf %add3A_696, %select_n3A_719 : vector<16xf32>
      %add3A_721 = arith.addf %add3A_697, %get3A_700 : vector<16xf32>
      %get3A_722 = arith.index_cast %scan3A_101 : i32 to index
      %get3A_723 = arith.constant 416 : index
      %get3A_724 = tpu.vector_load %arg7[%get3A_722, %get3A_723] {strides = array<i32>} : memref<64x512xf32, #tpu.memory_space<vmem>>, vector<16xf32>,
      %bitcast_convert_type3A_725 = tpu.bitcast %get3A_724 : vector<16xf32> -> vector<16xi32>
      %shift_right_logical3A_726 = arith.constant 19 : i32
      %shift_right_logical3A_727 = vector.broadcast %shift_right_logical3A_726 : i32 to vector<16xi32>
      %shift_right_logical3A_728 = arith.shrui %bitcast_convert_type3A_725, %shift_right_logical3A_727 : vector<16xi32>
      %eq3A_729 = arith.cmpi eq, %shift_right_logical3A_728, %broadcast_in_dim3A_9 : vector<16xi32>
      %convert_element_type3A_730 = arith.extui %eq3A_729 : vector<16xi1> to vector<16xi32>
      %cumsum3A_731 = arith.constant true
      %cumsum3A_732 = vector.broadcast %cumsum3A_731 : i1 to vector<16xi1>
      %cumsum3A_733 = tpu.scan <sum>, %convert_element_type3A_730 masked %cumsum3A_732 : vector<16xi32>, vector<16xi1> -> vector<16xi32>
      %add3A_734 = arith.addi %add3A_715, %cumsum3A_733 : vector<16xi32>
      %sub3A_735 = arith.constant 1 : i32
      %sub3A_736 = vector.broadcast %sub3A_735 : i32 to vector<16xi32>
      %sub3A_737 = arith.subi %add3A_734, %sub3A_736 : vector<16xi32>
      tpu.vector_store_idx %arg9[%sub3A_737], %get3A_724 masked %eq3A_729 : memref<65552xf32, #tpu.memory_space<vmem>>[vector<16xi32>], vector<16xf32>, vector<16xi1>
      %all_reduce_population_count3A_738 = tpu.all_reduce %eq3A_729 {dim = 0 : i64, kind = #tpu.reduction_kind<sum>} : vector<16xi1> -> vector<16xi32>
      %add3A_739 = arith.addi %add3A_715, %all_reduce_population_count3A_738 : vector<16xi32>
      %lt3A_740 = arith.cmpi slt, %shift_right_logical3A_728, %broadcast_in_dim3A_9 : vector<16xi32>
      %jit3A_741 = arith.constant 0.000000e+00 : f32
      %broadcast_in_dim3A_742 = vector.broadcast %jit3A_741 : f32 to vector<16xf32>
      %select_n3A_743 = arith.select %lt3A_740, %get3A_724, %broadcast_in_dim3A_742 : vector<16xi1>, vector<16xf32>
      %add3A_744 = arith.addf %add3A_720, %select_n3A_743 : vector<16xf32>
      %add3A_745 = arith.addf %add3A_721, %get3A_724 : vector<16xf32>
      %get3A_746 = arith.index_cast %scan3A_101 : i32 to index
      %get3A_747 = arith.constant 432 : index
      %get3A_748 = tpu.vector_load %arg7[%get3A_746, %get3A_747] {strides = array<i32>} : memref<64x512xf32, #tpu.memory_space<vmem>>, vector<16xf32>,
      %bitcast_convert_type3A_749 = tpu.bitcast %get3A_748 : vector<16xf32> -> vector<16xi32>
      %shift_right_logical3A_750 = arith.constant 19 : i32
      %shift_right_logical3A_751 = vector.broadcast %shift_right_logical3A_750 : i32 to vector<16xi32>
      %shift_right_logical3A_752 = arith.shrui %bitcast_convert_type3A_749, %shift_right_logical3A_751 : vector<16xi32>
      %eq3A_753 = arith.cmpi eq, %shift_right_logical3A_752, %broadcast_in_dim3A_9 : vector<16xi32>
      %convert_element_type3A_754 = arith.extui %eq3A_753 : vector<16xi1> to vector<16xi32>
      %cumsum3A_755 = arith.constant true
      %cumsum3A_756 = vector.broadcast %cumsum3A_755 : i1 to vector<16xi1>
      %cumsum3A_757 = tpu.scan <sum>, %convert_element_type3A_754 masked %cumsum3A_756 : vector<16xi32>, vector<16xi1> -> vector<16xi32>
      %add3A_758 = arith.addi %add3A_739, %cumsum3A_757 : vector<16xi32>
      %sub3A_759 = arith.constant 1 : i32
      %sub3A_760 = vector.broadcast %sub3A_759 : i32 to vector<16xi32>
      %sub3A_761 = arith.subi %add3A_758, %sub3A_760 : vector<16xi32>
      tpu.vector_store_idx %arg9[%sub3A_761], %get3A_748 masked %eq3A_753 : memref<65552xf32, #tpu.memory_space<vmem>>[vector<16xi32>], vector<16xf32>, vector<16xi1>
      %all_reduce_population_count3A_762 = tpu.all_reduce %eq3A_753 {dim = 0 : i64, kind = #tpu.reduction_kind<sum>} : vector<16xi1> -> vector<16xi32>
      %add3A_763 = arith.addi %add3A_739, %all_reduce_population_count3A_762 : vector<16xi32>
      %lt3A_764 = arith.cmpi slt, %shift_right_logical3A_752, %broadcast_in_dim3A_9 : vector<16xi32>
      %jit3A_765 = arith.constant 0.000000e+00 : f32
      %broadcast_in_dim3A_766 = vector.broadcast %jit3A_765 : f32 to vector<16xf32>
      %select_n3A_767 = arith.select %lt3A_764, %get3A_748, %broadcast_in_dim3A_766 : vector<16xi1>, vector<16xf32>
      %add3A_768 = arith.addf %add3A_744, %select_n3A_767 : vector<16xf32>
      %add3A_769 = arith.addf %add3A_745, %get3A_748 : vector<16xf32>
      %get3A_770 = arith.index_cast %scan3A_101 : i32 to index
      %get3A_771 = arith.constant 448 : index
      %get3A_772 = tpu.vector_load %arg7[%get3A_770, %get3A_771] {strides = array<i32>} : memref<64x512xf32, #tpu.memory_space<vmem>>, vector<16xf32>,
      %bitcast_convert_type3A_773 = tpu.bitcast %get3A_772 : vector<16xf32> -> vector<16xi32>
      %shift_right_logical3A_774 = arith.constant 19 : i32
      %shift_right_logical3A_775 = vector.broadcast %shift_right_logical3A_774 : i32 to vector<16xi32>
      %shift_right_logical3A_776 = arith.shrui %bitcast_convert_type3A_773, %shift_right_logical3A_775 : vector<16xi32>
      %eq3A_777 = arith.cmpi eq, %shift_right_logical3A_776, %broadcast_in_dim3A_9 : vector<16xi32>
      %convert_element_type3A_778 = arith.extui %eq3A_777 : vector<16xi1> to vector<16xi32>
      %cumsum3A_779 = arith.constant true
      %cumsum3A_780 = vector.broadcast %cumsum3A_779 : i1 to vector<16xi1>
      %cumsum3A_781 = tpu.scan <sum>, %convert_element_type3A_778 masked %cumsum3A_780 : vector<16xi32>, vector<16xi1> -> vector<16xi32>
      %add3A_782 = arith.addi %add3A_763, %cumsum3A_781 : vector<16xi32>
      %sub3A_783 = arith.constant 1 : i32
      %sub3A_784 = vector.broadcast %sub3A_783 : i32 to vector<16xi32>
      %sub3A_785 = arith.subi %add3A_782, %sub3A_784 : vector<16xi32>
      tpu.vector_store_idx %arg9[%sub3A_785], %get3A_772 masked %eq3A_777 : memref<65552xf32, #tpu.memory_space<vmem>>[vector<16xi32>], vector<16xf32>, vector<16xi1>
      %all_reduce_population_count3A_786 = tpu.all_reduce %eq3A_777 {dim = 0 : i64, kind = #tpu.reduction_kind<sum>} : vector<16xi1> -> vector<16xi32>
      %add3A_787 = arith.addi %add3A_763, %all_reduce_population_count3A_786 : vector<16xi32>
      %lt3A_788 = arith.cmpi slt, %shift_right_logical3A_776, %broadcast_in_dim3A_9 : vector<16xi32>
      %jit3A_789 = arith.constant 0.000000e+00 : f32
      %broadcast_in_dim3A_790 = vector.broadcast %jit3A_789 : f32 to vector<16xf32>
      %select_n3A_791 = arith.select %lt3A_788, %get3A_772, %broadcast_in_dim3A_790 : vector<16xi1>, vector<16xf32>
      %add3A_792 = arith.addf %add3A_768, %select_n3A_791 : vector<16xf32>
      %add3A_793 = arith.addf %add3A_769, %get3A_772 : vector<16xf32>
      %get3A_794 = arith.index_cast %scan3A_101 : i32 to index
      %get3A_795 = arith.constant 464 : index
      %get3A_796 = tpu.vector_load %arg7[%get3A_794, %get3A_795] {strides = array<i32>} : memref<64x512xf32, #tpu.memory_space<vmem>>, vector<16xf32>,
      %bitcast_convert_type3A_797 = tpu.bitcast %get3A_796 : vector<16xf32> -> vector<16xi32>
      %shift_right_logical3A_798 = arith.constant 19 : i32
      %shift_right_logical3A_799 = vector.broadcast %shift_right_logical3A_798 : i32 to vector<16xi32>
      %shift_right_logical3A_800 = arith.shrui %bitcast_convert_type3A_797, %shift_right_logical3A_799 : vector<16xi32>
      %eq3A_801 = arith.cmpi eq, %shift_right_logical3A_800, %broadcast_in_dim3A_9 : vector<16xi32>
      %convert_element_type3A_802 = arith.extui %eq3A_801 : vector<16xi1> to vector<16xi32>
      %cumsum3A_803 = arith.constant true
      %cumsum3A_804 = vector.broadcast %cumsum3A_803 : i1 to vector<16xi1>
      %cumsum3A_805 = tpu.scan <sum>, %convert_element_type3A_802 masked %cumsum3A_804 : vector<16xi32>, vector<16xi1> -> vector<16xi32>
      %add3A_806 = arith.addi %add3A_787, %cumsum3A_805 : vector<16xi32>
      %sub3A_807 = arith.constant 1 : i32
      %sub3A_808 = vector.broadcast %sub3A_807 : i32 to vector<16xi32>
      %sub3A_809 = arith.subi %add3A_806, %sub3A_808 : vector<16xi32>
      tpu.vector_store_idx %arg9[%sub3A_809], %get3A_796 masked %eq3A_801 : memref<65552xf32, #tpu.memory_space<vmem>>[vector<16xi32>], vector<16xf32>, vector<16xi1>
      %all_reduce_population_count3A_810 = tpu.all_reduce %eq3A_801 {dim = 0 : i64, kind = #tpu.reduction_kind<sum>} : vector<16xi1> -> vector<16xi32>
      %add3A_811 = arith.addi %add3A_787, %all_reduce_population_count3A_810 : vector<16xi32>
      %lt3A_812 = arith.cmpi slt, %shift_right_logical3A_800, %broadcast_in_dim3A_9 : vector<16xi32>
      %jit3A_813 = arith.constant 0.000000e+00 : f32
      %broadcast_in_dim3A_814 = vector.broadcast %jit3A_813 : f32 to vector<16xf32>
      %select_n3A_815 = arith.select %lt3A_812, %get3A_796, %broadcast_in_dim3A_814 : vector<16xi1>, vector<16xf32>
      %add3A_816 = arith.addf %add3A_792, %select_n3A_815 : vector<16xf32>
      %add3A_817 = arith.addf %add3A_793, %get3A_796 : vector<16xf32>
      %get3A_818 = arith.index_cast %scan3A_101 : i32 to index
      %get3A_819 = arith.constant 480 : index
      %get3A_820 = tpu.vector_load %arg7[%get3A_818, %get3A_819] {strides = array<i32>} : memref<64x512xf32, #tpu.memory_space<vmem>>, vector<16xf32>,
      %bitcast_convert_type3A_821 = tpu.bitcast %get3A_820 : vector<16xf32> -> vector<16xi32>
      %shift_right_logical3A_822 = arith.constant 19 : i32
      %shift_right_logical3A_823 = vector.broadcast %shift_right_logical3A_822 : i32 to vector<16xi32>
      %shift_right_logical3A_824 = arith.shrui %bitcast_convert_type3A_821, %shift_right_logical3A_823 : vector<16xi32>
      %eq3A_825 = arith.cmpi eq, %shift_right_logical3A_824, %broadcast_in_dim3A_9 : vector<16xi32>
      %convert_element_type3A_826 = arith.extui %eq3A_825 : vector<16xi1> to vector<16xi32>
      %cumsum3A_827 = arith.constant true
      %cumsum3A_828 = vector.broadcast %cumsum3A_827 : i1 to vector<16xi1>
      %cumsum3A_829 = tpu.scan <sum>, %convert_element_type3A_826 masked %cumsum3A_828 : vector<16xi32>, vector<16xi1> -> vector<16xi32>
      %add3A_830 = arith.addi %add3A_811, %cumsum3A_829 : vector<16xi32>
      %sub3A_831 = arith.constant 1 : i32
      %sub3A_832 = vector.broadcast %sub3A_831 : i32 to vector<16xi32>
      %sub3A_833 = arith.subi %add3A_830, %sub3A_832 : vector<16xi32>
      tpu.vector_store_idx %arg9[%sub3A_833], %get3A_820 masked %eq3A_825 : memref<65552xf32, #tpu.memory_space<vmem>>[vector<16xi32>], vector<16xf32>, vector<16xi1>
      %all_reduce_population_count3A_834 = tpu.all_reduce %eq3A_825 {dim = 0 : i64, kind = #tpu.reduction_kind<sum>} : vector<16xi1> -> vector<16xi32>
      %add3A_835 = arith.addi %add3A_811, %all_reduce_population_count3A_834 : vector<16xi32>
      %lt3A_836 = arith.cmpi slt, %shift_right_logical3A_824, %broadcast_in_dim3A_9 : vector<16xi32>
      %jit3A_837 = arith.constant 0.000000e+00 : f32
      %broadcast_in_dim3A_838 = vector.broadcast %jit3A_837 : f32 to vector<16xf32>
      %select_n3A_839 = arith.select %lt3A_836, %get3A_820, %broadcast_in_dim3A_838 : vector<16xi1>, vector<16xf32>
      %add3A_840 = arith.addf %add3A_816, %select_n3A_839 : vector<16xf32>
      %add3A_841 = arith.addf %add3A_817, %get3A_820 : vector<16xf32>
      %get3A_842 = arith.index_cast %scan3A_101 : i32 to index
      %get3A_843 = arith.constant 496 : index
      %get3A_844 = tpu.vector_load %arg7[%get3A_842, %get3A_843] {strides = array<i32>} : memref<64x512xf32, #tpu.memory_space<vmem>>, vector<16xf32>,
      %bitcast_convert_type3A_845 = tpu.bitcast %get3A_844 : vector<16xf32> -> vector<16xi32>
      %shift_right_logical3A_846 = arith.constant 19 : i32
      %shift_right_logical3A_847 = vector.broadcast %shift_right_logical3A_846 : i32 to vector<16xi32>
      %shift_right_logical3A_848 = arith.shrui %bitcast_convert_type3A_845, %shift_right_logical3A_847 : vector<16xi32>
      %eq3A_849 = arith.cmpi eq, %shift_right_logical3A_848, %broadcast_in_dim3A_9 : vector<16xi32>
      %convert_element_type3A_850 = arith.extui %eq3A_849 : vector<16xi1> to vector<16xi32>
      %cumsum3A_851 = arith.constant true
      %cumsum3A_852 = vector.broadcast %cumsum3A_851 : i1 to vector<16xi1>
      %cumsum3A_853 = tpu.scan <sum>, %convert_element_type3A_850 masked %cumsum3A_852 : vector<16xi32>, vector<16xi1> -> vector<16xi32>
      %add3A_854 = arith.addi %add3A_835, %cumsum3A_853 : vector<16xi32>
      %sub3A_855 = arith.constant 1 : i32
      %sub3A_856 = vector.broadcast %sub3A_855 : i32 to vector<16xi32>
      %sub3A_857 = arith.subi %add3A_854, %sub3A_856 : vector<16xi32>
      tpu.vector_store_idx %arg9[%sub3A_857], %get3A_844 masked %eq3A_849 : memref<65552xf32, #tpu.memory_space<vmem>>[vector<16xi32>], vector<16xf32>, vector<16xi1>
      %all_reduce_population_count3A_858 = tpu.all_reduce %eq3A_849 {dim = 0 : i64, kind = #tpu.reduction_kind<sum>} : vector<16xi1> -> vector<16xi32>
      %add3A_859 = arith.addi %add3A_835, %all_reduce_population_count3A_858 : vector<16xi32>
      %lt3A_860 = arith.cmpi slt, %shift_right_logical3A_848, %broadcast_in_dim3A_9 : vector<16xi32>
      %jit3A_861 = arith.constant 0.000000e+00 : f32
      %broadcast_in_dim3A_862 = vector.broadcast %jit3A_861 : f32 to vector<16xf32>
      %select_n3A_863 = arith.select %lt3A_860, %get3A_844, %broadcast_in_dim3A_862 : vector<16xi1>, vector<16xf32>
      %add3A_864 = arith.addf %add3A_840, %select_n3A_863 : vector<16xf32>
      %add3A_865 = arith.addf %add3A_841, %get3A_844 : vector<16xf32>
      scf.yield %add3A_859, %add3A_864, %add3A_865 : vector<16xi32>, vector<16xf32>, vector<16xf32>
    }
    %scan3A_35 = arith.constant 64 : i32
    %slice3A_36 = vector.extract_strided_slice %scan3A_34#0 {offsets = [0], sizes = [1], strides = [1]} : vector<16xi32> to vector<1xi32>
    %squeeze3A_37 = vector.extract %slice3A_36[0] : i32 from vector<1xi32>
    %reduce_sum3A = arith.constant true
    %reduce_sum3A_38 = vector.broadcast %reduce_sum3A : i1 to vector<16xi1>
    %reduce_sum3A_39 = tpu.scan <sum>, %scan3A_34#1 masked %reduce_sum3A_38 : vector<16xf32>, vector<16xi1> -> vector<16xf32>
    %reduce_sum3A_40 = vector.extract %reduce_sum3A_39[15] : f32 from vector<16xf32>
    %reduce_sum3A_41 = arith.constant true
    %reduce_sum3A_42 = vector.broadcast %reduce_sum3A_41 : i1 to vector<16xi1>
    %reduce_sum3A_43 = tpu.scan <sum>, %scan3A_34#2 masked %reduce_sum3A_42 : vector<16xf32>, vector<16xi1> -> vector<16xf32>
    %reduce_sum3A_44 = vector.extract %reduce_sum3A_43[15] : f32 from vector<16xf32>
    %iota3A = tpu.iota {dimensions = array<i32: 0>} : vector<16xi32>
    %broadcast_in_dim3A_45 = vector.broadcast %squeeze3A_37 : i32 to vector<16xi32>
    %scan3A_46 = arith.constant 0 : i32
    %scan3A_47 = arith.constant 0 : i32
    %scan3A_48 = arith.constant 8 : i32
    %scan3A_49 = arith.addi %scan3A_47, %scan3A_48 : i32
    %scan3A_50 = arith.constant 1 : i32
    %scan3A_51 = scf.for %scan3A_101 = %scan3A_47 to %scan3A_49 step %scan3A_50 iter_args(%scan3A_102 = %scan3A_46) -> (i32)  : i32 {
      %mul3A_103 = arith.constant 16 : i32
      %mul3A_104 = arith.muli %scan3A_101, %mul3A_103 : i32
      %swap3A = arith.index_cast %mul3A_104 : i32 to index
      %swap3A_105 = tpu.vector_load %arg10[%swap3A] {strides = array<i32>} : memref<128xi32, #tpu.memory_space<vmem>>, vector<16xi32>,
      tpu.vector_store %arg10[%swap3A], %broadcast_in_dim3A_45 {strides = array<i32>} : memref<128xi32, #tpu.memory_space<vmem>>, vector<16xi32>,
      %scan3A_106 = arith.constant 0 : i32
      scf.yield %scan3A_106 : i32
    }
    %scan3A_52 = arith.constant 8 : i32
    "tpu.region"() ({
      %run_scoped3A = tpu.sem_alloc : memref<!tpu.dma_semaphore, #tpu.memory_space<semaphore_mem>>
      %dma_start3A = arith.constant 0 : i32
      %dma_start3A_101 = tpu.memref_slice %arg5[%add3A, %dma_start3A] : memref<32x128xi32, #tpu.memory_space<hbm>> -> memref<1x128xi32, #tpu.memory_space<hbm>>
      %dma_start3A_102 = tpu.memref_squeeze %dma_start3A_101 : memref<1x128xi32, #tpu.memory_space<hbm>> -> memref<128xi32, #tpu.memory_space<hbm>>
      %dma_start3A_103 = arith.constant 0 : i32
      %dma_start3A_104 = tpu.memref_slice %arg5[%add3A, %dma_start3A_103] : memref<32x128xi32, #tpu.memory_space<hbm>> -> memref<1x128xi32, #tpu.memory_space<hbm>>
      %dma_start3A_105 = tpu.memref_squeeze %dma_start3A_104 : memref<1x128xi32, #tpu.memory_space<hbm>> -> memref<128xi32, #tpu.memory_space<hbm>>
      tpu.enqueue_dma source(%arg10 : memref<128xi32, #tpu.memory_space<vmem>>) target(%dma_start3A_105 : memref<128xi32, #tpu.memory_space<hbm>>) target_semaphore(%run_scoped3A : memref<!tpu.dma_semaphore, #tpu.memory_space<semaphore_mem>>)
      %dma_wait3A = arith.constant 0 : i32
      %dma_wait3A_106 = tpu.memref_slice %arg5[%add3A, %dma_wait3A] : memref<32x128xi32, #tpu.memory_space<hbm>> -> memref<1x128xi32, #tpu.memory_space<hbm>>
      %dma_wait3A_107 = tpu.memref_squeeze %dma_wait3A_106 : memref<1x128xi32, #tpu.memory_space<hbm>> -> memref<128xi32, #tpu.memory_space<hbm>>
      %dma_wait3A_108 = arith.constant 0 : i32
      %dma_wait3A_109 = tpu.memref_slice %arg5[%add3A, %dma_wait3A_108] : memref<32x128xi32, #tpu.memory_space<hbm>> -> memref<1x128xi32, #tpu.memory_space<hbm>>
      %dma_wait3A_110 = tpu.memref_squeeze %dma_wait3A_109 : memref<1x128xi32, #tpu.memory_space<hbm>> -> memref<128xi32, #tpu.memory_space<hbm>>
      tpu.wait_dma2 semaphore(%run_scoped3A : memref<!tpu.dma_semaphore, #tpu.memory_space<semaphore_mem>>) src(%arg10 : memref<128xi32, #tpu.memory_space<vmem>>) dst(%dma_wait3A_110 : memref<128xi32, #tpu.memory_space<hbm>>)
      tpu.yield
    }) : () -> ()
    %eq3A = arith.constant 0 : i32
    %eq3A_53 = vector.broadcast %eq3A : i32 to vector<16xi32>
    %eq3A_54 = arith.cmpi eq, %iota3A, %eq3A_53 : vector<16xi32>
    %eq3A_55 = arith.constant 1 : i32
    %eq3A_56 = vector.broadcast %eq3A_55 : i32 to vector<16xi32>
    %eq3A_57 = arith.cmpi eq, %iota3A, %eq3A_56 : vector<16xi32>
    %jit3A = arith.constant 0.000000e+00 : f32
    %broadcast_in_dim3A_58 = vector.broadcast %reduce_sum3A_44 : f32 to vector<16xf32>
    %broadcast_in_dim3A_59 = vector.broadcast %jit3A : f32 to vector<16xf32>
    %select_n3A = arith.select %eq3A_57, %broadcast_in_dim3A_58, %broadcast_in_dim3A_59 : vector<16xi1>, vector<16xf32>
    %broadcast_in_dim3A_60 = vector.broadcast %reduce_sum3A_40 : f32 to vector<16xf32>
    %select_n3A_61 = arith.select %eq3A_54, %broadcast_in_dim3A_60, %select_n3A : vector<16xi1>, vector<16xf32>
    %scan3A_62 = arith.constant 0 : i32
    %scan3A_63 = arith.constant 0 : i32
    %scan3A_64 = arith.constant 8 : i32
    %scan3A_65 = arith.addi %scan3A_63, %scan3A_64 : i32
    %scan3A_66 = arith.constant 1 : i32
    %scan3A_67 = scf.for %scan3A_101 = %scan3A_63 to %scan3A_65 step %scan3A_66 iter_args(%scan3A_102 = %scan3A_62) -> (i32)  : i32 {
      %eq3A_103 = arith.constant 0 : i32
      %eq3A_104 = arith.cmpi eq, %scan3A_101, %eq3A_103 : i32
      %jit3A_105 = arith.constant 0.000000e+00 : f32
      %broadcast_in_dim3A_106 = vector.broadcast %jit3A_105 : f32 to vector<16xf32>
      %select_n3A_107 = arith.select %eq3A_104, %select_n3A_61, %broadcast_in_dim3A_106 : vector<16xf32>
      %mul3A_108 = arith.constant 16 : i32
      %mul3A_109 = arith.muli %scan3A_101, %mul3A_108 : i32
      %swap3A = arith.index_cast %mul3A_109 : i32 to index
      %swap3A_110 = tpu.vector_load %arg11[%swap3A] {strides = array<i32>} : memref<128xf32, #tpu.memory_space<vmem>>, vector<16xf32>,
      tpu.vector_store %arg11[%swap3A], %select_n3A_107 {strides = array<i32>} : memref<128xf32, #tpu.memory_space<vmem>>, vector<16xf32>,
      %scan3A_111 = arith.constant 0 : i32
      scf.yield %scan3A_111 : i32
    }
    %scan3A_68 = arith.constant 8 : i32
    "tpu.region"() ({
      %run_scoped3A = tpu.sem_alloc : memref<!tpu.dma_semaphore, #tpu.memory_space<semaphore_mem>>
      %dma_start3A = arith.constant 0 : i32
      %dma_start3A_101 = tpu.memref_slice %arg6[%add3A, %dma_start3A] : memref<32x128xf32, #tpu.memory_space<hbm>> -> memref<1x128xf32, #tpu.memory_space<hbm>>
      %dma_start3A_102 = tpu.memref_squeeze %dma_start3A_101 : memref<1x128xf32, #tpu.memory_space<hbm>> -> memref<128xf32, #tpu.memory_space<hbm>>
      %dma_start3A_103 = arith.constant 0 : i32
      %dma_start3A_104 = tpu.memref_slice %arg6[%add3A, %dma_start3A_103] : memref<32x128xf32, #tpu.memory_space<hbm>> -> memref<1x128xf32, #tpu.memory_space<hbm>>
      %dma_start3A_105 = tpu.memref_squeeze %dma_start3A_104 : memref<1x128xf32, #tpu.memory_space<hbm>> -> memref<128xf32, #tpu.memory_space<hbm>>
      tpu.enqueue_dma source(%arg11 : memref<128xf32, #tpu.memory_space<vmem>>) target(%dma_start3A_105 : memref<128xf32, #tpu.memory_space<hbm>>) target_semaphore(%run_scoped3A : memref<!tpu.dma_semaphore, #tpu.memory_space<semaphore_mem>>)
      %dma_wait3A = arith.constant 0 : i32
      %dma_wait3A_106 = tpu.memref_slice %arg6[%add3A, %dma_wait3A] : memref<32x128xf32, #tpu.memory_space<hbm>> -> memref<1x128xf32, #tpu.memory_space<hbm>>
      %dma_wait3A_107 = tpu.memref_squeeze %dma_wait3A_106 : memref<1x128xf32, #tpu.memory_space<hbm>> -> memref<128xf32, #tpu.memory_space<hbm>>
      %dma_wait3A_108 = arith.constant 0 : i32
      %dma_wait3A_109 = tpu.memref_slice %arg6[%add3A, %dma_wait3A_108] : memref<32x128xf32, #tpu.memory_space<hbm>> -> memref<1x128xf32, #tpu.memory_space<hbm>>
      %dma_wait3A_110 = tpu.memref_squeeze %dma_wait3A_109 : memref<1x128xf32, #tpu.memory_space<hbm>> -> memref<128xf32, #tpu.memory_space<hbm>>
      tpu.wait_dma2 semaphore(%run_scoped3A : memref<!tpu.dma_semaphore, #tpu.memory_space<semaphore_mem>>) src(%arg11 : memref<128xf32, #tpu.memory_space<vmem>>) dst(%dma_wait3A_110 : memref<128xf32, #tpu.memory_space<hbm>>)
      tpu.yield
    }) : () -> ()
    %add3A_69 = arith.constant 1023 : i32
    %add3A_70 = arith.addi %squeeze3A_37, %add3A_69 : i32
    %jit3A_71 = arith.constant 1024 : i32
    %div3A = arith.divsi %add3A_70, %jit3A_71 : i32
    %sign3A = arith.constant 0 : i32
    %sign3A_72 = arith.cmpi sgt, %add3A_70, %sign3A : i32
    %sign3A_73 = arith.extui %sign3A_72 : i1 to i32
    %sign3A_74 = arith.constant 0 : i32
    %sign3A_75 = arith.cmpi slt, %add3A_70, %sign3A_74 : i32
    %sign3A_76 = arith.extui %sign3A_75 : i1 to i32
    %sign3A_77 = arith.subi %sign3A_73, %sign3A_76 : i32
    %sign3A_78 = arith.constant 0 : i32
    %sign3A_79 = arith.cmpi sgt, %jit3A_71, %sign3A_78 : i32
    %sign3A_80 = arith.extui %sign3A_79 : i1 to i32
    %sign3A_81 = arith.constant 0 : i32
    %sign3A_82 = arith.cmpi slt, %jit3A_71, %sign3A_81 : i32
    %sign3A_83 = arith.extui %sign3A_82 : i1 to i32
    %sign3A_84 = arith.subi %sign3A_80, %sign3A_83 : i32
    %ne3A = arith.cmpi ne, %sign3A_77, %sign3A_84 : i32
    %rem3A = arith.remsi %add3A_70, %jit3A_71 : i32
    %ne3A_85 = arith.constant 0 : i32
    %ne3A_86 = arith.cmpi ne, %rem3A, %ne3A_85 : i32
    %and3A = arith.andi %ne3A, %ne3A_86 : i1
    %sub3A_87 = arith.constant 1 : i32
    %sub3A_88 = arith.subi %div3A, %sub3A_87 : i32
    %select_n3A_89 = arith.select %and3A, %sub3A_88, %div3A : i32
    %while3A = arith.constant 0 : i32
    %while3A_90 = arith.constant 0 : i32
    %while3A_91 = arith.subi %select_n3A_89, %while3A : i32
    %while3A_92 = arith.addi %while3A, %while3A_91 : i32
    %while3A_93 = arith.constant 1 : i32
    %while3A_94 = arith.divsi %while3A_91, %while3A_93 : i32
    %while3A_95 = arith.muli %while3A_94, %while3A_93 : i32
    %while3A_96 = arith.addi %while3A, %while3A_95 : i32
    %while3A_97 = arith.constant 1 : i32
    %while3A_98 = scf.for %while3A_101 = %while3A to %while3A_96 step %while3A_97 iter_args(%while3A_102 = %while3A_90) -> (i32)  : i32 {
      %mul3A_103 = arith.constant 1024 : i32
      %mul3A_104 = arith.muli %while3A_101, %mul3A_103 : i32
      %mul3A_105 = arith.constant 1024 : i32
      %mul3A_106 = arith.muli %while3A_101, %mul3A_105 : i32
      "tpu.region"() ({
        %run_scoped3A = tpu.sem_alloc : memref<!tpu.dma_semaphore, #tpu.memory_space<semaphore_mem>>
        %dma_start3A = tpu.memref_slice %arg9[%mul3A_104] : memref<65552xf32, #tpu.memory_space<vmem>> -> memref<1024xf32, #tpu.memory_space<vmem>>
        %dma_start3A_108 = tpu.memref_slice %arg4[%add3A, %mul3A_106] : memref<32x65536xf32, #tpu.memory_space<hbm>> -> memref<1x1024xf32, #tpu.memory_space<hbm>>
        %dma_start3A_109 = tpu.memref_squeeze %dma_start3A_108 : memref<1x1024xf32, #tpu.memory_space<hbm>> -> memref<1024xf32, #tpu.memory_space<hbm>>
        %dma_start3A_110 = tpu.memref_slice %arg4[%add3A, %mul3A_106] : memref<32x65536xf32, #tpu.memory_space<hbm>> -> memref<1x1024xf32, #tpu.memory_space<hbm>>
        %dma_start3A_111 = tpu.memref_squeeze %dma_start3A_110 : memref<1x1024xf32, #tpu.memory_space<hbm>> -> memref<1024xf32, #tpu.memory_space<hbm>>
        %dma_start3A_112 = tpu.memref_slice %arg9[%mul3A_104] : memref<65552xf32, #tpu.memory_space<vmem>> -> memref<1024xf32, #tpu.memory_space<vmem>>
        tpu.enqueue_dma source(%dma_start3A_112 : memref<1024xf32, #tpu.memory_space<vmem>>) target(%dma_start3A_111 : memref<1024xf32, #tpu.memory_space<hbm>>) target_semaphore(%run_scoped3A : memref<!tpu.dma_semaphore, #tpu.memory_space<semaphore_mem>>)
        %dma_wait3A = tpu.memref_slice %arg9[%mul3A_104] : memref<65552xf32, #tpu.memory_space<vmem>> -> memref<1024xf32, #tpu.memory_space<vmem>>
        %dma_wait3A_113 = tpu.memref_slice %arg4[%add3A, %mul3A_106] : memref<32x65536xf32, #tpu.memory_space<hbm>> -> memref<1x1024xf32, #tpu.memory_space<hbm>>
        %dma_wait3A_114 = tpu.memref_squeeze %dma_wait3A_113 : memref<1x1024xf32, #tpu.memory_space<hbm>> -> memref<1024xf32, #tpu.memory_space<hbm>>
        %dma_wait3A_115 = tpu.memref_slice %arg4[%add3A, %mul3A_106] : memref<32x65536xf32, #tpu.memory_space<hbm>> -> memref<1x1024xf32, #tpu.memory_space<hbm>>
        %dma_wait3A_116 = tpu.memref_squeeze %dma_wait3A_115 : memref<1x1024xf32, #tpu.memory_space<hbm>> -> memref<1024xf32, #tpu.memory_space<hbm>>
        %dma_wait3A_117 = tpu.memref_slice %arg9[%mul3A_104] : memref<65552xf32, #tpu.memory_space<vmem>> -> memref<1024xf32, #tpu.memory_space<vmem>>
        tpu.wait_dma2 semaphore(%run_scoped3A : memref<!tpu.dma_semaphore, #tpu.memory_space<semaphore_mem>>) src(%dma_wait3A_117 : memref<1024xf32, #tpu.memory_space<vmem>>) dst(%dma_wait3A_116 : memref<1024xf32, #tpu.memory_space<hbm>>)
        tpu.yield
      }) : () -> ()
      %while3A_107 = arith.constant 0 : i32
      scf.yield %while3A_107 : i32
    }
    %while3A_99 = arith.constant 1 : i32
    %while3A_100 = scf.for %while3A_101 = %while3A_96 to %while3A_92 step %while3A_99 iter_args(%while3A_102 = %while3A_98) -> (i32)  : i32 {
      %mul3A_103 = arith.constant 1024 : i32
      %mul3A_104 = arith.muli %while3A_101, %mul3A_103 : i32
      %mul3A_105 = arith.constant 1024 : i32
      %mul3A_106 = arith.muli %while3A_101, %mul3A_105 : i32
      "tpu.region"() ({
        %run_scoped3A = tpu.sem_alloc : memref<!tpu.dma_semaphore, #tpu.memory_space<semaphore_mem>>
        %dma_start3A = tpu.memref_slice %arg9[%mul3A_104] : memref<65552xf32, #tpu.memory_space<vmem>> -> memref<1024xf32, #tpu.memory_space<vmem>>
        %dma_start3A_108 = tpu.memref_slice %arg4[%add3A, %mul3A_106] : memref<32x65536xf32, #tpu.memory_space<hbm>> -> memref<1x1024xf32, #tpu.memory_space<hbm>>
        %dma_start3A_109 = tpu.memref_squeeze %dma_start3A_108 : memref<1x1024xf32, #tpu.memory_space<hbm>> -> memref<1024xf32, #tpu.memory_space<hbm>>
        %dma_start3A_110 = tpu.memref_slice %arg4[%add3A, %mul3A_106] : memref<32x65536xf32, #tpu.memory_space<hbm>> -> memref<1x1024xf32, #tpu.memory_space<hbm>>
        %dma_start3A_111 = tpu.memref_squeeze %dma_start3A_110 : memref<1x1024xf32, #tpu.memory_space<hbm>> -> memref<1024xf32, #tpu.memory_space<hbm>>
        %dma_start3A_112 = tpu.memref_slice %arg9[%mul3A_104] : memref<65552xf32, #tpu.memory_space<vmem>> -> memref<1024xf32, #tpu.memory_space<vmem>>
        tpu.enqueue_dma source(%dma_start3A_112 : memref<1024xf32, #tpu.memory_space<vmem>>) target(%dma_start3A_111 : memref<1024xf32, #tpu.memory_space<hbm>>) target_semaphore(%run_scoped3A : memref<!tpu.dma_semaphore, #tpu.memory_space<semaphore_mem>>)
        %dma_wait3A = tpu.memref_slice %arg9[%mul3A_104] : memref<65552xf32, #tpu.memory_space<vmem>> -> memref<1024xf32, #tpu.memory_space<vmem>>
        %dma_wait3A_113 = tpu.memref_slice %arg4[%add3A, %mul3A_106] : memref<32x65536xf32, #tpu.memory_space<hbm>> -> memref<1x1024xf32, #tpu.memory_space<hbm>>
        %dma_wait3A_114 = tpu.memref_squeeze %dma_wait3A_113 : memref<1x1024xf32, #tpu.memory_space<hbm>> -> memref<1024xf32, #tpu.memory_space<hbm>>
        %dma_wait3A_115 = tpu.memref_slice %arg4[%add3A, %mul3A_106] : memref<32x65536xf32, #tpu.memory_space<hbm>> -> memref<1x1024xf32, #tpu.memory_space<hbm>>
        %dma_wait3A_116 = tpu.memref_squeeze %dma_wait3A_115 : memref<1x1024xf32, #tpu.memory_space<hbm>> -> memref<1024xf32, #tpu.memory_space<hbm>>
        %dma_wait3A_117 = tpu.memref_slice %arg9[%mul3A_104] : memref<65552xf32, #tpu.memory_space<vmem>> -> memref<1024xf32, #tpu.memory_space<vmem>>
        tpu.wait_dma2 semaphore(%run_scoped3A : memref<!tpu.dma_semaphore, #tpu.memory_space<semaphore_mem>>) src(%dma_wait3A_117 : memref<1024xf32, #tpu.memory_space<vmem>>) dst(%dma_wait3A_116 : memref<1024xf32, #tpu.memory_space<hbm>>)
        tpu.yield
      }) : () -> ()
      %while3A_107 = arith.constant 0 : i32
      scf.yield %while3A_107 : i32
    }
    return
  }
}

module attributes {stable_mosaic.version = 14 : i64} {
  func.func @_loss_kernel(%arg0: i32, %arg1: memref<1x19x64x512xf32, #tpu.memory_space<vmem>>, %arg2: memref<1x64x512xi32, #tpu.memory_space<vmem>>, %arg3: memref<64x512xf32, #tpu.memory_space<vmem>>) attributes {dimension_semantics = [#tpu.dimension_semantics<arbitrary>], iteration_bounds = array<i64: 64>, scalar_prefetch = 0 : i64, scratch_operands = 0 : i64, tpu.core_type = #tpu.core_type<tc>, window_params = [{transform_indices = @transform_0, window_bounds = array<i64: 1, 19, 64, 512>}, {transform_indices = @transform_1, window_bounds = array<i64: 1, 64, 512>}, {transform_indices = @transform_2, window_bounds = array<i64: 64, 512>}]} {
    %get3A = arith.constant 0 : index
    %get3A_0 = arith.constant 0 : index
    %get3A_1 = arith.constant 0 : index
    %get3A_2 = vector.load %arg2[%get3A, %get3A_0, %get3A_1] : memref<1x64x512xi32, #tpu.memory_space<vmem>>, vector<1x64x512xi32>
    %get3A_3 = vector.shape_cast %get3A_2 : vector<1x64x512xi32> to vector<64x512xi32>
    %broadcast_in_dim3A = arith.constant 0.000000e+00 : f32
    %broadcast_in_dim3A_4 = vector.broadcast %broadcast_in_dim3A : f32 to vector<64x512xf32>
    %broadcast_in_dim3A_5 = arith.constant 0.000000e+00 : f32
    %broadcast_in_dim3A_6 = vector.broadcast %broadcast_in_dim3A_5 : f32 to vector<64x512xf32>
    %get3A_7 = arith.constant 0 : index
    %get3A_8 = arith.constant 0 : index
    %get3A_9 = arith.constant 0 : index
    %get3A_10 = arith.constant 0 : index
    %get3A_11 = vector.load %arg1[%get3A_7, %get3A_8, %get3A_9, %get3A_10] : memref<1x19x64x512xf32, #tpu.memory_space<vmem>>, vector<1x1x64x512xf32>
    %get3A_12 = vector.shape_cast %get3A_11 : vector<1x1x64x512xf32> to vector<64x512xf32>
    %exp3A = math.exp %get3A_12 : vector<64x512xf32>
    %add3A = arith.addf %broadcast_in_dim3A_4, %exp3A : vector<64x512xf32>
    %eq3A = arith.constant 0 : i32
    %eq3A_13 = vector.broadcast %eq3A : i32 to vector<64x512xi32>
    %eq3A_14 = arith.cmpi eq, %get3A_3, %eq3A_13 : vector<64x512xi32>
    %jit3A = arith.constant 0.000000e+00 : f32
    %broadcast_in_dim3A_15 = vector.broadcast %jit3A : f32 to vector<64x512xf32>
    %select_n3A = arith.select %eq3A_14, %get3A_12, %broadcast_in_dim3A_15 : vector<64x512xi1>, vector<64x512xf32>
    %add3A_16 = arith.addf %broadcast_in_dim3A_6, %select_n3A : vector<64x512xf32>
    %get3A_17 = arith.constant 0 : index
    %get3A_18 = arith.constant 1 : index
    %get3A_19 = arith.constant 0 : index
    %get3A_20 = arith.constant 0 : index
    %get3A_21 = vector.load %arg1[%get3A_17, %get3A_18, %get3A_19, %get3A_20] : memref<1x19x64x512xf32, #tpu.memory_space<vmem>>, vector<1x1x64x512xf32>
    %get3A_22 = vector.shape_cast %get3A_21 : vector<1x1x64x512xf32> to vector<64x512xf32>
    %exp3A_23 = math.exp %get3A_22 : vector<64x512xf32>
    %add3A_24 = arith.addf %add3A, %exp3A_23 : vector<64x512xf32>
    %eq3A_25 = arith.constant 1 : i32
    %eq3A_26 = vector.broadcast %eq3A_25 : i32 to vector<64x512xi32>
    %eq3A_27 = arith.cmpi eq, %get3A_3, %eq3A_26 : vector<64x512xi32>
    %jit3A_28 = arith.constant 0.000000e+00 : f32
    %broadcast_in_dim3A_29 = vector.broadcast %jit3A_28 : f32 to vector<64x512xf32>
    %select_n3A_30 = arith.select %eq3A_27, %get3A_22, %broadcast_in_dim3A_29 : vector<64x512xi1>, vector<64x512xf32>
    %add3A_31 = arith.addf %add3A_16, %select_n3A_30 : vector<64x512xf32>
    %get3A_32 = arith.constant 0 : index
    %get3A_33 = arith.constant 2 : index
    %get3A_34 = arith.constant 0 : index
    %get3A_35 = arith.constant 0 : index
    %get3A_36 = vector.load %arg1[%get3A_32, %get3A_33, %get3A_34, %get3A_35] : memref<1x19x64x512xf32, #tpu.memory_space<vmem>>, vector<1x1x64x512xf32>
    %get3A_37 = vector.shape_cast %get3A_36 : vector<1x1x64x512xf32> to vector<64x512xf32>
    %exp3A_38 = math.exp %get3A_37 : vector<64x512xf32>
    %add3A_39 = arith.addf %add3A_24, %exp3A_38 : vector<64x512xf32>
    %eq3A_40 = arith.constant 2 : i32
    %eq3A_41 = vector.broadcast %eq3A_40 : i32 to vector<64x512xi32>
    %eq3A_42 = arith.cmpi eq, %get3A_3, %eq3A_41 : vector<64x512xi32>
    %jit3A_43 = arith.constant 0.000000e+00 : f32
    %broadcast_in_dim3A_44 = vector.broadcast %jit3A_43 : f32 to vector<64x512xf32>
    %select_n3A_45 = arith.select %eq3A_42, %get3A_37, %broadcast_in_dim3A_44 : vector<64x512xi1>, vector<64x512xf32>
    %add3A_46 = arith.addf %add3A_31, %select_n3A_45 : vector<64x512xf32>
    %get3A_47 = arith.constant 0 : index
    %get3A_48 = arith.constant 3 : index
    %get3A_49 = arith.constant 0 : index
    %get3A_50 = arith.constant 0 : index
    %get3A_51 = vector.load %arg1[%get3A_47, %get3A_48, %get3A_49, %get3A_50] : memref<1x19x64x512xf32, #tpu.memory_space<vmem>>, vector<1x1x64x512xf32>
    %get3A_52 = vector.shape_cast %get3A_51 : vector<1x1x64x512xf32> to vector<64x512xf32>
    %exp3A_53 = math.exp %get3A_52 : vector<64x512xf32>
    %add3A_54 = arith.addf %add3A_39, %exp3A_53 : vector<64x512xf32>
    %eq3A_55 = arith.constant 3 : i32
    %eq3A_56 = vector.broadcast %eq3A_55 : i32 to vector<64x512xi32>
    %eq3A_57 = arith.cmpi eq, %get3A_3, %eq3A_56 : vector<64x512xi32>
    %jit3A_58 = arith.constant 0.000000e+00 : f32
    %broadcast_in_dim3A_59 = vector.broadcast %jit3A_58 : f32 to vector<64x512xf32>
    %select_n3A_60 = arith.select %eq3A_57, %get3A_52, %broadcast_in_dim3A_59 : vector<64x512xi1>, vector<64x512xf32>
    %add3A_61 = arith.addf %add3A_46, %select_n3A_60 : vector<64x512xf32>
    %get3A_62 = arith.constant 0 : index
    %get3A_63 = arith.constant 4 : index
    %get3A_64 = arith.constant 0 : index
    %get3A_65 = arith.constant 0 : index
    %get3A_66 = vector.load %arg1[%get3A_62, %get3A_63, %get3A_64, %get3A_65] : memref<1x19x64x512xf32, #tpu.memory_space<vmem>>, vector<1x1x64x512xf32>
    %get3A_67 = vector.shape_cast %get3A_66 : vector<1x1x64x512xf32> to vector<64x512xf32>
    %exp3A_68 = math.exp %get3A_67 : vector<64x512xf32>
    %add3A_69 = arith.addf %add3A_54, %exp3A_68 : vector<64x512xf32>
    %eq3A_70 = arith.constant 4 : i32
    %eq3A_71 = vector.broadcast %eq3A_70 : i32 to vector<64x512xi32>
    %eq3A_72 = arith.cmpi eq, %get3A_3, %eq3A_71 : vector<64x512xi32>
    %jit3A_73 = arith.constant 0.000000e+00 : f32
    %broadcast_in_dim3A_74 = vector.broadcast %jit3A_73 : f32 to vector<64x512xf32>
    %select_n3A_75 = arith.select %eq3A_72, %get3A_67, %broadcast_in_dim3A_74 : vector<64x512xi1>, vector<64x512xf32>
    %add3A_76 = arith.addf %add3A_61, %select_n3A_75 : vector<64x512xf32>
    %get3A_77 = arith.constant 0 : index
    %get3A_78 = arith.constant 5 : index
    %get3A_79 = arith.constant 0 : index
    %get3A_80 = arith.constant 0 : index
    %get3A_81 = vector.load %arg1[%get3A_77, %get3A_78, %get3A_79, %get3A_80] : memref<1x19x64x512xf32, #tpu.memory_space<vmem>>, vector<1x1x64x512xf32>
    %get3A_82 = vector.shape_cast %get3A_81 : vector<1x1x64x512xf32> to vector<64x512xf32>
    %exp3A_83 = math.exp %get3A_82 : vector<64x512xf32>
    %add3A_84 = arith.addf %add3A_69, %exp3A_83 : vector<64x512xf32>
    %eq3A_85 = arith.constant 5 : i32
    %eq3A_86 = vector.broadcast %eq3A_85 : i32 to vector<64x512xi32>
    %eq3A_87 = arith.cmpi eq, %get3A_3, %eq3A_86 : vector<64x512xi32>
    %jit3A_88 = arith.constant 0.000000e+00 : f32
    %broadcast_in_dim3A_89 = vector.broadcast %jit3A_88 : f32 to vector<64x512xf32>
    %select_n3A_90 = arith.select %eq3A_87, %get3A_82, %broadcast_in_dim3A_89 : vector<64x512xi1>, vector<64x512xf32>
    %add3A_91 = arith.addf %add3A_76, %select_n3A_90 : vector<64x512xf32>
    %get3A_92 = arith.constant 0 : index
    %get3A_93 = arith.constant 6 : index
    %get3A_94 = arith.constant 0 : index
    %get3A_95 = arith.constant 0 : index
    %get3A_96 = vector.load %arg1[%get3A_92, %get3A_93, %get3A_94, %get3A_95] : memref<1x19x64x512xf32, #tpu.memory_space<vmem>>, vector<1x1x64x512xf32>
    %get3A_97 = vector.shape_cast %get3A_96 : vector<1x1x64x512xf32> to vector<64x512xf32>
    %exp3A_98 = math.exp %get3A_97 : vector<64x512xf32>
    %add3A_99 = arith.addf %add3A_84, %exp3A_98 : vector<64x512xf32>
    %eq3A_100 = arith.constant 6 : i32
    %eq3A_101 = vector.broadcast %eq3A_100 : i32 to vector<64x512xi32>
    %eq3A_102 = arith.cmpi eq, %get3A_3, %eq3A_101 : vector<64x512xi32>
    %jit3A_103 = arith.constant 0.000000e+00 : f32
    %broadcast_in_dim3A_104 = vector.broadcast %jit3A_103 : f32 to vector<64x512xf32>
    %select_n3A_105 = arith.select %eq3A_102, %get3A_97, %broadcast_in_dim3A_104 : vector<64x512xi1>, vector<64x512xf32>
    %add3A_106 = arith.addf %add3A_91, %select_n3A_105 : vector<64x512xf32>
    %get3A_107 = arith.constant 0 : index
    %get3A_108 = arith.constant 7 : index
    %get3A_109 = arith.constant 0 : index
    %get3A_110 = arith.constant 0 : index
    %get3A_111 = vector.load %arg1[%get3A_107, %get3A_108, %get3A_109, %get3A_110] : memref<1x19x64x512xf32, #tpu.memory_space<vmem>>, vector<1x1x64x512xf32>
    %get3A_112 = vector.shape_cast %get3A_111 : vector<1x1x64x512xf32> to vector<64x512xf32>
    %exp3A_113 = math.exp %get3A_112 : vector<64x512xf32>
    %add3A_114 = arith.addf %add3A_99, %exp3A_113 : vector<64x512xf32>
    %eq3A_115 = arith.constant 7 : i32
    %eq3A_116 = vector.broadcast %eq3A_115 : i32 to vector<64x512xi32>
    %eq3A_117 = arith.cmpi eq, %get3A_3, %eq3A_116 : vector<64x512xi32>
    %jit3A_118 = arith.constant 0.000000e+00 : f32
    %broadcast_in_dim3A_119 = vector.broadcast %jit3A_118 : f32 to vector<64x512xf32>
    %select_n3A_120 = arith.select %eq3A_117, %get3A_112, %broadcast_in_dim3A_119 : vector<64x512xi1>, vector<64x512xf32>
    %add3A_121 = arith.addf %add3A_106, %select_n3A_120 : vector<64x512xf32>
    %get3A_122 = arith.constant 0 : index
    %get3A_123 = arith.constant 8 : index
    %get3A_124 = arith.constant 0 : index
    %get3A_125 = arith.constant 0 : index
    %get3A_126 = vector.load %arg1[%get3A_122, %get3A_123, %get3A_124, %get3A_125] : memref<1x19x64x512xf32, #tpu.memory_space<vmem>>, vector<1x1x64x512xf32>
    %get3A_127 = vector.shape_cast %get3A_126 : vector<1x1x64x512xf32> to vector<64x512xf32>
    %exp3A_128 = math.exp %get3A_127 : vector<64x512xf32>
    %add3A_129 = arith.addf %add3A_114, %exp3A_128 : vector<64x512xf32>
    %eq3A_130 = arith.constant 8 : i32
    %eq3A_131 = vector.broadcast %eq3A_130 : i32 to vector<64x512xi32>
    %eq3A_132 = arith.cmpi eq, %get3A_3, %eq3A_131 : vector<64x512xi32>
    %jit3A_133 = arith.constant 0.000000e+00 : f32
    %broadcast_in_dim3A_134 = vector.broadcast %jit3A_133 : f32 to vector<64x512xf32>
    %select_n3A_135 = arith.select %eq3A_132, %get3A_127, %broadcast_in_dim3A_134 : vector<64x512xi1>, vector<64x512xf32>
    %add3A_136 = arith.addf %add3A_121, %select_n3A_135 : vector<64x512xf32>
    %get3A_137 = arith.constant 0 : index
    %get3A_138 = arith.constant 9 : index
    %get3A_139 = arith.constant 0 : index
    %get3A_140 = arith.constant 0 : index
    %get3A_141 = vector.load %arg1[%get3A_137, %get3A_138, %get3A_139, %get3A_140] : memref<1x19x64x512xf32, #tpu.memory_space<vmem>>, vector<1x1x64x512xf32>
    %get3A_142 = vector.shape_cast %get3A_141 : vector<1x1x64x512xf32> to vector<64x512xf32>
    %exp3A_143 = math.exp %get3A_142 : vector<64x512xf32>
    %add3A_144 = arith.addf %add3A_129, %exp3A_143 : vector<64x512xf32>
    %eq3A_145 = arith.constant 9 : i32
    %eq3A_146 = vector.broadcast %eq3A_145 : i32 to vector<64x512xi32>
    %eq3A_147 = arith.cmpi eq, %get3A_3, %eq3A_146 : vector<64x512xi32>
    %jit3A_148 = arith.constant 0.000000e+00 : f32
    %broadcast_in_dim3A_149 = vector.broadcast %jit3A_148 : f32 to vector<64x512xf32>
    %select_n3A_150 = arith.select %eq3A_147, %get3A_142, %broadcast_in_dim3A_149 : vector<64x512xi1>, vector<64x512xf32>
    %add3A_151 = arith.addf %add3A_136, %select_n3A_150 : vector<64x512xf32>
    %get3A_152 = arith.constant 0 : index
    %get3A_153 = arith.constant 10 : index
    %get3A_154 = arith.constant 0 : index
    %get3A_155 = arith.constant 0 : index
    %get3A_156 = vector.load %arg1[%get3A_152, %get3A_153, %get3A_154, %get3A_155] : memref<1x19x64x512xf32, #tpu.memory_space<vmem>>, vector<1x1x64x512xf32>
    %get3A_157 = vector.shape_cast %get3A_156 : vector<1x1x64x512xf32> to vector<64x512xf32>
    %exp3A_158 = math.exp %get3A_157 : vector<64x512xf32>
    %add3A_159 = arith.addf %add3A_144, %exp3A_158 : vector<64x512xf32>
    %eq3A_160 = arith.constant 10 : i32
    %eq3A_161 = vector.broadcast %eq3A_160 : i32 to vector<64x512xi32>
    %eq3A_162 = arith.cmpi eq, %get3A_3, %eq3A_161 : vector<64x512xi32>
    %jit3A_163 = arith.constant 0.000000e+00 : f32
    %broadcast_in_dim3A_164 = vector.broadcast %jit3A_163 : f32 to vector<64x512xf32>
    %select_n3A_165 = arith.select %eq3A_162, %get3A_157, %broadcast_in_dim3A_164 : vector<64x512xi1>, vector<64x512xf32>
    %add3A_166 = arith.addf %add3A_151, %select_n3A_165 : vector<64x512xf32>
    %get3A_167 = arith.constant 0 : index
    %get3A_168 = arith.constant 11 : index
    %get3A_169 = arith.constant 0 : index
    %get3A_170 = arith.constant 0 : index
    %get3A_171 = vector.load %arg1[%get3A_167, %get3A_168, %get3A_169, %get3A_170] : memref<1x19x64x512xf32, #tpu.memory_space<vmem>>, vector<1x1x64x512xf32>
    %get3A_172 = vector.shape_cast %get3A_171 : vector<1x1x64x512xf32> to vector<64x512xf32>
    %exp3A_173 = math.exp %get3A_172 : vector<64x512xf32>
    %add3A_174 = arith.addf %add3A_159, %exp3A_173 : vector<64x512xf32>
    %eq3A_175 = arith.constant 11 : i32
    %eq3A_176 = vector.broadcast %eq3A_175 : i32 to vector<64x512xi32>
    %eq3A_177 = arith.cmpi eq, %get3A_3, %eq3A_176 : vector<64x512xi32>
    %jit3A_178 = arith.constant 0.000000e+00 : f32
    %broadcast_in_dim3A_179 = vector.broadcast %jit3A_178 : f32 to vector<64x512xf32>
    %select_n3A_180 = arith.select %eq3A_177, %get3A_172, %broadcast_in_dim3A_179 : vector<64x512xi1>, vector<64x512xf32>
    %add3A_181 = arith.addf %add3A_166, %select_n3A_180 : vector<64x512xf32>
    %get3A_182 = arith.constant 0 : index
    %get3A_183 = arith.constant 12 : index
    %get3A_184 = arith.constant 0 : index
    %get3A_185 = arith.constant 0 : index
    %get3A_186 = vector.load %arg1[%get3A_182, %get3A_183, %get3A_184, %get3A_185] : memref<1x19x64x512xf32, #tpu.memory_space<vmem>>, vector<1x1x64x512xf32>
    %get3A_187 = vector.shape_cast %get3A_186 : vector<1x1x64x512xf32> to vector<64x512xf32>
    %exp3A_188 = math.exp %get3A_187 : vector<64x512xf32>
    %add3A_189 = arith.addf %add3A_174, %exp3A_188 : vector<64x512xf32>
    %eq3A_190 = arith.constant 12 : i32
    %eq3A_191 = vector.broadcast %eq3A_190 : i32 to vector<64x512xi32>
    %eq3A_192 = arith.cmpi eq, %get3A_3, %eq3A_191 : vector<64x512xi32>
    %jit3A_193 = arith.constant 0.000000e+00 : f32
    %broadcast_in_dim3A_194 = vector.broadcast %jit3A_193 : f32 to vector<64x512xf32>
    %select_n3A_195 = arith.select %eq3A_192, %get3A_187, %broadcast_in_dim3A_194 : vector<64x512xi1>, vector<64x512xf32>
    %add3A_196 = arith.addf %add3A_181, %select_n3A_195 : vector<64x512xf32>
    %get3A_197 = arith.constant 0 : index
    %get3A_198 = arith.constant 13 : index
    %get3A_199 = arith.constant 0 : index
    %get3A_200 = arith.constant 0 : index
    %get3A_201 = vector.load %arg1[%get3A_197, %get3A_198, %get3A_199, %get3A_200] : memref<1x19x64x512xf32, #tpu.memory_space<vmem>>, vector<1x1x64x512xf32>
    %get3A_202 = vector.shape_cast %get3A_201 : vector<1x1x64x512xf32> to vector<64x512xf32>
    %exp3A_203 = math.exp %get3A_202 : vector<64x512xf32>
    %add3A_204 = arith.addf %add3A_189, %exp3A_203 : vector<64x512xf32>
    %eq3A_205 = arith.constant 13 : i32
    %eq3A_206 = vector.broadcast %eq3A_205 : i32 to vector<64x512xi32>
    %eq3A_207 = arith.cmpi eq, %get3A_3, %eq3A_206 : vector<64x512xi32>
    %jit3A_208 = arith.constant 0.000000e+00 : f32
    %broadcast_in_dim3A_209 = vector.broadcast %jit3A_208 : f32 to vector<64x512xf32>
    %select_n3A_210 = arith.select %eq3A_207, %get3A_202, %broadcast_in_dim3A_209 : vector<64x512xi1>, vector<64x512xf32>
    %add3A_211 = arith.addf %add3A_196, %select_n3A_210 : vector<64x512xf32>
    %get3A_212 = arith.constant 0 : index
    %get3A_213 = arith.constant 14 : index
    %get3A_214 = arith.constant 0 : index
    %get3A_215 = arith.constant 0 : index
    %get3A_216 = vector.load %arg1[%get3A_212, %get3A_213, %get3A_214, %get3A_215] : memref<1x19x64x512xf32, #tpu.memory_space<vmem>>, vector<1x1x64x512xf32>
    %get3A_217 = vector.shape_cast %get3A_216 : vector<1x1x64x512xf32> to vector<64x512xf32>
    %exp3A_218 = math.exp %get3A_217 : vector<64x512xf32>
    %add3A_219 = arith.addf %add3A_204, %exp3A_218 : vector<64x512xf32>
    %eq3A_220 = arith.constant 14 : i32
    %eq3A_221 = vector.broadcast %eq3A_220 : i32 to vector<64x512xi32>
    %eq3A_222 = arith.cmpi eq, %get3A_3, %eq3A_221 : vector<64x512xi32>
    %jit3A_223 = arith.constant 0.000000e+00 : f32
    %broadcast_in_dim3A_224 = vector.broadcast %jit3A_223 : f32 to vector<64x512xf32>
    %select_n3A_225 = arith.select %eq3A_222, %get3A_217, %broadcast_in_dim3A_224 : vector<64x512xi1>, vector<64x512xf32>
    %add3A_226 = arith.addf %add3A_211, %select_n3A_225 : vector<64x512xf32>
    %get3A_227 = arith.constant 0 : index
    %get3A_228 = arith.constant 15 : index
    %get3A_229 = arith.constant 0 : index
    %get3A_230 = arith.constant 0 : index
    %get3A_231 = vector.load %arg1[%get3A_227, %get3A_228, %get3A_229, %get3A_230] : memref<1x19x64x512xf32, #tpu.memory_space<vmem>>, vector<1x1x64x512xf32>
    %get3A_232 = vector.shape_cast %get3A_231 : vector<1x1x64x512xf32> to vector<64x512xf32>
    %exp3A_233 = math.exp %get3A_232 : vector<64x512xf32>
    %add3A_234 = arith.addf %add3A_219, %exp3A_233 : vector<64x512xf32>
    %eq3A_235 = arith.constant 15 : i32
    %eq3A_236 = vector.broadcast %eq3A_235 : i32 to vector<64x512xi32>
    %eq3A_237 = arith.cmpi eq, %get3A_3, %eq3A_236 : vector<64x512xi32>
    %jit3A_238 = arith.constant 0.000000e+00 : f32
    %broadcast_in_dim3A_239 = vector.broadcast %jit3A_238 : f32 to vector<64x512xf32>
    %select_n3A_240 = arith.select %eq3A_237, %get3A_232, %broadcast_in_dim3A_239 : vector<64x512xi1>, vector<64x512xf32>
    %add3A_241 = arith.addf %add3A_226, %select_n3A_240 : vector<64x512xf32>
    %get3A_242 = arith.constant 0 : index
    %get3A_243 = arith.constant 16 : index
    %get3A_244 = arith.constant 0 : index
    %get3A_245 = arith.constant 0 : index
    %get3A_246 = vector.load %arg1[%get3A_242, %get3A_243, %get3A_244, %get3A_245] : memref<1x19x64x512xf32, #tpu.memory_space<vmem>>, vector<1x1x64x512xf32>
    %get3A_247 = vector.shape_cast %get3A_246 : vector<1x1x64x512xf32> to vector<64x512xf32>
    %exp3A_248 = math.exp %get3A_247 : vector<64x512xf32>
    %add3A_249 = arith.addf %add3A_234, %exp3A_248 : vector<64x512xf32>
    %eq3A_250 = arith.constant 16 : i32
    %eq3A_251 = vector.broadcast %eq3A_250 : i32 to vector<64x512xi32>
    %eq3A_252 = arith.cmpi eq, %get3A_3, %eq3A_251 : vector<64x512xi32>
    %jit3A_253 = arith.constant 0.000000e+00 : f32
    %broadcast_in_dim3A_254 = vector.broadcast %jit3A_253 : f32 to vector<64x512xf32>
    %select_n3A_255 = arith.select %eq3A_252, %get3A_247, %broadcast_in_dim3A_254 : vector<64x512xi1>, vector<64x512xf32>
    %add3A_256 = arith.addf %add3A_241, %select_n3A_255 : vector<64x512xf32>
    %get3A_257 = arith.constant 0 : index
    %get3A_258 = arith.constant 17 : index
    %get3A_259 = arith.constant 0 : index
    %get3A_260 = arith.constant 0 : index
    %get3A_261 = vector.load %arg1[%get3A_257, %get3A_258, %get3A_259, %get3A_260] : memref<1x19x64x512xf32, #tpu.memory_space<vmem>>, vector<1x1x64x512xf32>
    %get3A_262 = vector.shape_cast %get3A_261 : vector<1x1x64x512xf32> to vector<64x512xf32>
    %exp3A_263 = math.exp %get3A_262 : vector<64x512xf32>
    %add3A_264 = arith.addf %add3A_249, %exp3A_263 : vector<64x512xf32>
    %eq3A_265 = arith.constant 17 : i32
    %eq3A_266 = vector.broadcast %eq3A_265 : i32 to vector<64x512xi32>
    %eq3A_267 = arith.cmpi eq, %get3A_3, %eq3A_266 : vector<64x512xi32>
    %jit3A_268 = arith.constant 0.000000e+00 : f32
    %broadcast_in_dim3A_269 = vector.broadcast %jit3A_268 : f32 to vector<64x512xf32>
    %select_n3A_270 = arith.select %eq3A_267, %get3A_262, %broadcast_in_dim3A_269 : vector<64x512xi1>, vector<64x512xf32>
    %add3A_271 = arith.addf %add3A_256, %select_n3A_270 : vector<64x512xf32>
    %get3A_272 = arith.constant 0 : index
    %get3A_273 = arith.constant 18 : index
    %get3A_274 = arith.constant 0 : index
    %get3A_275 = arith.constant 0 : index
    %get3A_276 = vector.load %arg1[%get3A_272, %get3A_273, %get3A_274, %get3A_275] : memref<1x19x64x512xf32, #tpu.memory_space<vmem>>, vector<1x1x64x512xf32>
    %get3A_277 = vector.shape_cast %get3A_276 : vector<1x1x64x512xf32> to vector<64x512xf32>
    %exp3A_278 = math.exp %get3A_277 : vector<64x512xf32>
    %add3A_279 = arith.addf %add3A_264, %exp3A_278 : vector<64x512xf32>
    %eq3A_280 = arith.constant 18 : i32
    %eq3A_281 = vector.broadcast %eq3A_280 : i32 to vector<64x512xi32>
    %eq3A_282 = arith.cmpi eq, %get3A_3, %eq3A_281 : vector<64x512xi32>
    %jit3A_283 = arith.constant 0.000000e+00 : f32
    %broadcast_in_dim3A_284 = vector.broadcast %jit3A_283 : f32 to vector<64x512xf32>
    %select_n3A_285 = arith.select %eq3A_282, %get3A_277, %broadcast_in_dim3A_284 : vector<64x512xi1>, vector<64x512xf32>
    %add3A_286 = arith.addf %add3A_271, %select_n3A_285 : vector<64x512xf32>
    %log3A = math.log %add3A_279 : vector<64x512xf32>
    %sub3A = arith.subf %log3A, %add3A_286 : vector<64x512xf32>
    %swap3A = arith.constant 0 : index
    %swap3A_287 = arith.constant 0 : index
    %swap3A_288 = vector.load %arg3[%swap3A, %swap3A_287] : memref<64x512xf32, #tpu.memory_space<vmem>>, vector<64x512xf32>
    tpu.vector_store %arg3[%swap3A, %swap3A_287], %sub3A {strides = array<i32>} : memref<64x512xf32, #tpu.memory_space<vmem>>, vector<64x512xf32>,
    return
  }
  func.func @transform_0(%arg0: i32) -> (i32, i32, i32, i32) {
    %jit3A = arith.constant 8 : i32
    %div3A = arith.divsi %arg0, %jit3A : i32
    %sign3A = arith.constant 0 : i32
    %sign3A_0 = arith.cmpi sgt, %arg0, %sign3A : i32
    %sign3A_1 = arith.extui %sign3A_0 : i1 to i32
    %sign3A_2 = arith.constant 0 : i32
    %sign3A_3 = arith.cmpi slt, %arg0, %sign3A_2 : i32
    %sign3A_4 = arith.extui %sign3A_3 : i1 to i32
    %sign3A_5 = arith.subi %sign3A_1, %sign3A_4 : i32
    %sign3A_6 = arith.constant 0 : i32
    %sign3A_7 = arith.cmpi sgt, %jit3A, %sign3A_6 : i32
    %sign3A_8 = arith.extui %sign3A_7 : i1 to i32
    %sign3A_9 = arith.constant 0 : i32
    %sign3A_10 = arith.cmpi slt, %jit3A, %sign3A_9 : i32
    %sign3A_11 = arith.extui %sign3A_10 : i1 to i32
    %sign3A_12 = arith.subi %sign3A_8, %sign3A_11 : i32
    %ne3A = arith.cmpi ne, %sign3A_5, %sign3A_12 : i32
    %rem3A = arith.remsi %arg0, %jit3A : i32
    %ne3A_13 = arith.constant 0 : i32
    %ne3A_14 = arith.cmpi ne, %rem3A, %ne3A_13 : i32
    %and3A = arith.andi %ne3A, %ne3A_14 : i1
    %sub3A = arith.constant 1 : i32
    %sub3A_15 = arith.subi %div3A, %sub3A : i32
    %select_n3A = arith.select %and3A, %sub3A_15, %div3A : i32
    %jit3A_16 = arith.constant 8 : i32
    %eq3A = arith.constant 0 : i32
    %eq3A_17 = arith.cmpi eq, %jit3A_16, %eq3A : i32
    %jit3A_18 = arith.constant 1 : i32
    %select_n3A_19 = arith.select %eq3A_17, %jit3A_18, %jit3A_16 : i32
    %rem3A_20 = arith.remsi %arg0, %select_n3A_19 : i32
    %ne3A_21 = arith.constant 0 : i32
    %ne3A_22 = arith.cmpi ne, %rem3A_20, %ne3A_21 : i32
    %lt3A = arith.constant 0 : i32
    %lt3A_23 = arith.cmpi slt, %rem3A_20, %lt3A : i32
    %lt3A_24 = arith.constant 0 : i32
    %lt3A_25 = arith.cmpi slt, %select_n3A_19, %lt3A_24 : i32
    %ne3A_26 = arith.xori %lt3A_23, %lt3A_25 : i1
    %and3A_27 = arith.andi %ne3A_26, %ne3A_22 : i1
    %add3A = arith.addi %rem3A_20, %select_n3A_19 : i32
    %select_n3A_28 = arith.select %and3A_27, %add3A, %rem3A_20 : i32
    %c0_i32 = arith.constant 0 : i32
    %c0_i32_29 = arith.constant 0 : i32
    %c0_i32_30 = arith.constant 0 : i32
    return %select_n3A, %c0_i32, %select_n3A_28, %c0_i32_29 : i32, i32, i32, i32
  }
  func.func @transform_1(%arg0: i32) -> (i32, i32, i32) {
    %jit3A = arith.constant 8 : i32
    %div3A = arith.divsi %arg0, %jit3A : i32
    %sign3A = arith.constant 0 : i32
    %sign3A_0 = arith.cmpi sgt, %arg0, %sign3A : i32
    %sign3A_1 = arith.extui %sign3A_0 : i1 to i32
    %sign3A_2 = arith.constant 0 : i32
    %sign3A_3 = arith.cmpi slt, %arg0, %sign3A_2 : i32
    %sign3A_4 = arith.extui %sign3A_3 : i1 to i32
    %sign3A_5 = arith.subi %sign3A_1, %sign3A_4 : i32
    %sign3A_6 = arith.constant 0 : i32
    %sign3A_7 = arith.cmpi sgt, %jit3A, %sign3A_6 : i32
    %sign3A_8 = arith.extui %sign3A_7 : i1 to i32
    %sign3A_9 = arith.constant 0 : i32
    %sign3A_10 = arith.cmpi slt, %jit3A, %sign3A_9 : i32
    %sign3A_11 = arith.extui %sign3A_10 : i1 to i32
    %sign3A_12 = arith.subi %sign3A_8, %sign3A_11 : i32
    %ne3A = arith.cmpi ne, %sign3A_5, %sign3A_12 : i32
    %rem3A = arith.remsi %arg0, %jit3A : i32
    %ne3A_13 = arith.constant 0 : i32
    %ne3A_14 = arith.cmpi ne, %rem3A, %ne3A_13 : i32
    %and3A = arith.andi %ne3A, %ne3A_14 : i1
    %sub3A = arith.constant 1 : i32
    %sub3A_15 = arith.subi %div3A, %sub3A : i32
    %select_n3A = arith.select %and3A, %sub3A_15, %div3A : i32
    %jit3A_16 = arith.constant 8 : i32
    %eq3A = arith.constant 0 : i32
    %eq3A_17 = arith.cmpi eq, %jit3A_16, %eq3A : i32
    %jit3A_18 = arith.constant 1 : i32
    %select_n3A_19 = arith.select %eq3A_17, %jit3A_18, %jit3A_16 : i32
    %rem3A_20 = arith.remsi %arg0, %select_n3A_19 : i32
    %ne3A_21 = arith.constant 0 : i32
    %ne3A_22 = arith.cmpi ne, %rem3A_20, %ne3A_21 : i32
    %lt3A = arith.constant 0 : i32
    %lt3A_23 = arith.cmpi slt, %rem3A_20, %lt3A : i32
    %lt3A_24 = arith.constant 0 : i32
    %lt3A_25 = arith.cmpi slt, %select_n3A_19, %lt3A_24 : i32
    %ne3A_26 = arith.xori %lt3A_23, %lt3A_25 : i1
    %and3A_27 = arith.andi %ne3A_26, %ne3A_22 : i1
    %add3A = arith.addi %rem3A_20, %select_n3A_19 : i32
    %select_n3A_28 = arith.select %and3A_27, %add3A, %rem3A_20 : i32
    %c0_i32 = arith.constant 0 : i32
    %c0_i32_29 = arith.constant 0 : i32
    return %select_n3A, %select_n3A_28, %c0_i32 : i32, i32, i32
  }
  func.func @transform_2(%arg0: i32) -> (i32, i32) {
    %c0_i32 = arith.constant 0 : i32
    %c0_i32_0 = arith.constant 0 : i32
    return %arg0, %c0_i32 : i32, i32
  }
}

module attributes {stable_mosaic.version = 14 : i64} {
  func.func @_tail_kernel(%arg0: memref<2x64x128xi32, #tpu.memory_space<vmem>>, %arg1: memref<32x65536xf32, #tpu.memory_space<vmem>>, %arg2: memref<32x128xi32, #tpu.memory_space<vmem>>, %arg3: memref<32x128xf32, #tpu.memory_space<vmem>>, %arg4: memref<1x1xf32, #tpu.memory_space<smem>>) attributes {dimension_semantics = [], scalar_prefetch = 0 : i64, scratch_operands = 0 : i64, tpu.core_type = #tpu.core_type<tc>} {
    %get3A = arith.constant 0 : index
    %get3A_0 = arith.constant 0 : index
    %get3A_1 = arith.constant 0 : index
    %get3A_2 = vector.load %arg0[%get3A, %get3A_0, %get3A_1] : memref<2x64x128xi32, #tpu.memory_space<vmem>>, vector<2x64x128xi32>
    %reduce_sum3A = arith.constant dense<0> : vector<64x128xi32>
    %reduce_sum3A_3 = vector.multi_reduction <add>, %get3A_2, %reduce_sum3A [0] : vector<2x64x128xi32> to vector<64x128xi32>
    %reduce_sum3A_4 = vector.shape_cast %reduce_sum3A_3 : vector<64x128xi32> to vector<1x64x128xi32>
    %reduce_sum3A_5 = arith.constant dense<0> : vector<1xi32>
    %reduce_sum3A_6 = vector.multi_reduction <add>, %reduce_sum3A_4, %reduce_sum3A_5 [1, 2] : vector<1x64x128xi32> to vector<1xi32>
    %reduce_sum3A_7 = vector.shape_cast %reduce_sum3A_6 : vector<1xi32> to vector<1x1x1xi32>
    %reduce_sum3A_8 = vector.extract %reduce_sum3A_7[0, 0, 0] : i32 from vector<1x1x1xi32>
    %broadcast_in_dim3A = arith.constant 0 : i32
    %broadcast_in_dim3A_9 = vector.broadcast %broadcast_in_dim3A : i32 to vector<64x1xi32>
    %slice3A = vector.extract_strided_slice %reduce_sum3A_3 {offsets = [0, 0], sizes = [64, 127], strides = [1, 1]} : vector<64x128xi32> to vector<64x127xi32>
    %concatenate3A = tpu.concatenate %broadcast_in_dim3A_9, %slice3A in 1 : vector<64x1xi32>, vector<64x127xi32> -> vector<64x128xi32>
    %add3A = arith.addi %reduce_sum3A_3, %concatenate3A : vector<64x128xi32>
    %broadcast_in_dim3A_10 = arith.constant 0 : i32
    %broadcast_in_dim3A_11 = vector.broadcast %broadcast_in_dim3A_10 : i32 to vector<64x2xi32>
    %slice3A_12 = vector.extract_strided_slice %add3A {offsets = [0, 0], sizes = [64, 126], strides = [1, 1]} : vector<64x128xi32> to vector<64x126xi32>
    %concatenate3A_13 = tpu.concatenate %broadcast_in_dim3A_11, %slice3A_12 in 1 : vector<64x2xi32>, vector<64x126xi32> -> vector<64x128xi32>
    %add3A_14 = arith.addi %add3A, %concatenate3A_13 : vector<64x128xi32>
    %broadcast_in_dim3A_15 = arith.constant 0 : i32
    %broadcast_in_dim3A_16 = vector.broadcast %broadcast_in_dim3A_15 : i32 to vector<64x4xi32>
    %slice3A_17 = vector.extract_strided_slice %add3A_14 {offsets = [0, 0], sizes = [64, 124], strides = [1, 1]} : vector<64x128xi32> to vector<64x124xi32>
    %concatenate3A_18 = tpu.concatenate %broadcast_in_dim3A_16, %slice3A_17 in 1 : vector<64x4xi32>, vector<64x124xi32> -> vector<64x128xi32>
    %add3A_19 = arith.addi %add3A_14, %concatenate3A_18 : vector<64x128xi32>
    %broadcast_in_dim3A_20 = arith.constant 0 : i32
    %broadcast_in_dim3A_21 = vector.broadcast %broadcast_in_dim3A_20 : i32 to vector<64x8xi32>
    %slice3A_22 = vector.extract_strided_slice %add3A_19 {offsets = [0, 0], sizes = [64, 120], strides = [1, 1]} : vector<64x128xi32> to vector<64x120xi32>
    %concatenate3A_23 = tpu.concatenate %broadcast_in_dim3A_21, %slice3A_22 in 1 : vector<64x8xi32>, vector<64x120xi32> -> vector<64x128xi32>
    %add3A_24 = arith.addi %add3A_19, %concatenate3A_23 : vector<64x128xi32>
    %broadcast_in_dim3A_25 = arith.constant 0 : i32
    %broadcast_in_dim3A_26 = vector.broadcast %broadcast_in_dim3A_25 : i32 to vector<64x16xi32>
    %slice3A_27 = vector.extract_strided_slice %add3A_24 {offsets = [0, 0], sizes = [64, 112], strides = [1, 1]} : vector<64x128xi32> to vector<64x112xi32>
    %concatenate3A_28 = tpu.concatenate %broadcast_in_dim3A_26, %slice3A_27 in 1 : vector<64x16xi32>, vector<64x112xi32> -> vector<64x128xi32>
    %add3A_29 = arith.addi %add3A_24, %concatenate3A_28 : vector<64x128xi32>
    %broadcast_in_dim3A_30 = arith.constant 0 : i32
    %broadcast_in_dim3A_31 = vector.broadcast %broadcast_in_dim3A_30 : i32 to vector<64x32xi32>
    %slice3A_32 = vector.extract_strided_slice %add3A_29 {offsets = [0, 0], sizes = [64, 96], strides = [1, 1]} : vector<64x128xi32> to vector<64x96xi32>
    %concatenate3A_33 = tpu.concatenate %broadcast_in_dim3A_31, %slice3A_32 in 1 : vector<64x32xi32>, vector<64x96xi32> -> vector<64x128xi32>
    %add3A_34 = arith.addi %add3A_29, %concatenate3A_33 : vector<64x128xi32>
    %broadcast_in_dim3A_35 = arith.constant 0 : i32
    %broadcast_in_dim3A_36 = vector.broadcast %broadcast_in_dim3A_35 : i32 to vector<64x64xi32>
    %slice3A_37 = vector.extract_strided_slice %add3A_34 {offsets = [0, 0], sizes = [64, 64], strides = [1, 1]} : vector<64x128xi32> to vector<64x64xi32>
    %concatenate3A_38 = tpu.concatenate %broadcast_in_dim3A_36, %slice3A_37 in 1 : vector<64x64xi32>, vector<64x64xi32> -> vector<64x128xi32>
    %add3A_39 = arith.addi %add3A_34, %concatenate3A_38 : vector<64x128xi32>
    %slice3A_40 = vector.extract_strided_slice %add3A_39 {offsets = [0, 127], sizes = [64, 1], strides = [1, 1]} : vector<64x128xi32> to vector<64x1xi32>
    %broadcast_in_dim3A_41 = arith.constant 0 : i32
    %broadcast_in_dim3A_42 = vector.broadcast %broadcast_in_dim3A_41 : i32 to vector<1x1xi32>
    %slice3A_43 = vector.extract_strided_slice %slice3A_40 {offsets = [0, 0], sizes = [63, 1], strides = [1, 1]} : vector<64x1xi32> to vector<63x1xi32>
    %concatenate3A_44 = tpu.concatenate %broadcast_in_dim3A_42, %slice3A_43 in 0 : vector<1x1xi32>, vector<63x1xi32> -> vector<64x1xi32>
    %add3A_45 = arith.addi %slice3A_40, %concatenate3A_44 : vector<64x1xi32>
    %broadcast_in_dim3A_46 = arith.constant 0 : i32
    %broadcast_in_dim3A_47 = vector.broadcast %broadcast_in_dim3A_46 : i32 to vector<2x1xi32>
    %slice3A_48 = vector.extract_strided_slice %add3A_45 {offsets = [0, 0], sizes = [62, 1], strides = [1, 1]} : vector<64x1xi32> to vector<62x1xi32>
    %concatenate3A_49 = tpu.concatenate %broadcast_in_dim3A_47, %slice3A_48 in 0 : vector<2x1xi32>, vector<62x1xi32> -> vector<64x1xi32>
    %add3A_50 = arith.addi %add3A_45, %concatenate3A_49 : vector<64x1xi32>
    %broadcast_in_dim3A_51 = arith.constant 0 : i32
    %broadcast_in_dim3A_52 = vector.broadcast %broadcast_in_dim3A_51 : i32 to vector<4x1xi32>
    %slice3A_53 = vector.extract_strided_slice %add3A_50 {offsets = [0, 0], sizes = [60, 1], strides = [1, 1]} : vector<64x1xi32> to vector<60x1xi32>
    %concatenate3A_54 = tpu.concatenate %broadcast_in_dim3A_52, %slice3A_53 in 0 : vector<4x1xi32>, vector<60x1xi32> -> vector<64x1xi32>
    %add3A_55 = arith.addi %add3A_50, %concatenate3A_54 : vector<64x1xi32>
    %broadcast_in_dim3A_56 = arith.constant 0 : i32
    %broadcast_in_dim3A_57 = vector.broadcast %broadcast_in_dim3A_56 : i32 to vector<8x1xi32>
    %slice3A_58 = vector.extract_strided_slice %add3A_55 {offsets = [0, 0], sizes = [56, 1], strides = [1, 1]} : vector<64x1xi32> to vector<56x1xi32>
    %concatenate3A_59 = tpu.concatenate %broadcast_in_dim3A_57, %slice3A_58 in 0 : vector<8x1xi32>, vector<56x1xi32> -> vector<64x1xi32>
    %add3A_60 = arith.addi %add3A_55, %concatenate3A_59 : vector<64x1xi32>
    %broadcast_in_dim3A_61 = arith.constant 0 : i32
    %broadcast_in_dim3A_62 = vector.broadcast %broadcast_in_dim3A_61 : i32 to vector<16x1xi32>
    %slice3A_63 = vector.extract_strided_slice %add3A_60 {offsets = [0, 0], sizes = [48, 1], strides = [1, 1]} : vector<64x1xi32> to vector<48x1xi32>
    %concatenate3A_64 = tpu.concatenate %broadcast_in_dim3A_62, %slice3A_63 in 0 : vector<16x1xi32>, vector<48x1xi32> -> vector<64x1xi32>
    %add3A_65 = arith.addi %add3A_60, %concatenate3A_64 : vector<64x1xi32>
    %broadcast_in_dim3A_66 = arith.constant 0 : i32
    %broadcast_in_dim3A_67 = vector.broadcast %broadcast_in_dim3A_66 : i32 to vector<32x1xi32>
    %slice3A_68 = vector.extract_strided_slice %add3A_65 {offsets = [0, 0], sizes = [32, 1], strides = [1, 1]} : vector<64x1xi32> to vector<32x1xi32>
    %concatenate3A_69 = tpu.concatenate %broadcast_in_dim3A_67, %slice3A_68 in 0 : vector<32x1xi32>, vector<32x1xi32> -> vector<64x1xi32>
    %add3A_70 = arith.addi %add3A_65, %concatenate3A_69 : vector<64x1xi32>
    %sub3A = arith.subi %add3A_70, %slice3A_40 : vector<64x1xi32>
    %add3A_71 = vector.broadcast %sub3A : vector<64x1xi32> to vector<64x128xi32>
    %add3A_72 = arith.addi %add3A_39, %add3A_71 : vector<64x128xi32>
    %sub3A_73 = vector.broadcast %reduce_sum3A_8 : i32 to vector<64x128xi32>
    %sub3A_74 = arith.subi %sub3A_73, %add3A_72 : vector<64x128xi32>
    %add3A_75 = arith.addi %sub3A_74, %reduce_sum3A_3 : vector<64x128xi32>
    %ge3A = arith.constant 1468006 : i32
    %ge3A_76 = vector.broadcast %ge3A : i32 to vector<64x128xi32>
    %ge3A_77 = arith.cmpi sge, %add3A_75, %ge3A_76 : vector<64x128xi32>
    %convert_element_type3A = arith.extui %ge3A_77 : vector<64x128xi1> to vector<64x128xi32>
    %reduce_sum3A_78 = vector.shape_cast %convert_element_type3A : vector<64x128xi32> to vector<1x64x128xi32>
    %reduce_sum3A_79 = arith.constant dense<0> : vector<1xi32>
    %reduce_sum3A_80 = vector.multi_reduction <add>, %reduce_sum3A_78, %reduce_sum3A_79 [1, 2] : vector<1x64x128xi32> to vector<1xi32>
    %reduce_sum3A_81 = vector.shape_cast %reduce_sum3A_80 : vector<1xi32> to vector<1x1x1xi32>
    %reduce_sum3A_82 = vector.extract %reduce_sum3A_81[0, 0, 0] : i32 from vector<1x1x1xi32>
    %sub3A_83 = arith.constant 1 : i32
    %sub3A_84 = arith.subi %reduce_sum3A_82, %sub3A_83 : i32
    %iota3A = tpu.iota {dimensions = array<i32: 0>} : vector<64x128xi32>
    %mul3A = arith.constant 128 : i32
    %mul3A_85 = vector.broadcast %mul3A : i32 to vector<64x128xi32>
    %mul3A_86 = arith.muli %iota3A, %mul3A_85 : vector<64x128xi32>
    %iota3A_87 = tpu.iota {dimensions = array<i32: 1>} : vector<64x128xi32>
    %add3A_88 = arith.addi %mul3A_86, %iota3A_87 : vector<64x128xi32>
    %eq3A = vector.broadcast %sub3A_84 : i32 to vector<64x128xi32>
    %eq3A_89 = arith.cmpi eq, %add3A_88, %eq3A : vector<64x128xi32>
    %jit3A = arith.constant 0 : i32
    %broadcast_in_dim3A_90 = vector.broadcast %jit3A : i32 to vector<64x128xi32>
    %select_n3A = arith.select %eq3A_89, %add3A_72, %broadcast_in_dim3A_90 : vector<64x128xi1>, vector<64x128xi32>
    %reduce_sum3A_91 = vector.shape_cast %select_n3A : vector<64x128xi32> to vector<1x64x128xi32>
    %reduce_sum3A_92 = arith.constant dense<0> : vector<1xi32>
    %reduce_sum3A_93 = vector.multi_reduction <add>, %reduce_sum3A_91, %reduce_sum3A_92 [1, 2] : vector<1x64x128xi32> to vector<1xi32>
    %reduce_sum3A_94 = vector.shape_cast %reduce_sum3A_93 : vector<1xi32> to vector<1x1x1xi32>
    %reduce_sum3A_95 = vector.extract %reduce_sum3A_94[0, 0, 0] : i32 from vector<1x1x1xi32>
    %sub3A_96 = arith.subi %reduce_sum3A_8, %reduce_sum3A_95 : i32
    %sub3A_97 = arith.constant 1468006 : i32
    %sub3A_98 = arith.subi %sub3A_97, %sub3A_96 : i32
    %iota3A_99 = tpu.iota {dimensions = array<i32: 1>} : vector<32x128xi32>
    %eq3A_100 = arith.constant 0 : i32
    %eq3A_101 = vector.broadcast %eq3A_100 : i32 to vector<32x128xi32>
    %eq3A_102 = arith.cmpi eq, %iota3A_99, %eq3A_101 : vector<32x128xi32>
    %get3A_103 = arith.constant 0 : index
    %get3A_104 = arith.constant 0 : index
    %get3A_105 = vector.load %arg3[%get3A_103, %get3A_104] : memref<32x128xf32, #tpu.memory_space<vmem>>, vector<32x128xf32>
    %jit3A_106 = arith.constant 0.000000e+00 : f32
    %broadcast_in_dim3A_107 = vector.broadcast %jit3A_106 : f32 to vector<32x128xf32>
    %select_n3A_108 = arith.select %eq3A_102, %get3A_105, %broadcast_in_dim3A_107 : vector<32x128xi1>, vector<32x128xf32>
    %reduce_sum3A_109 = vector.shape_cast %select_n3A_108 : vector<32x128xf32> to vector<1x32x128xf32>
    %reduce_sum3A_110 = arith.constant dense<0.000000e+00> : vector<1xf32>
    %reduce_sum3A_111 = vector.multi_reduction <add>, %reduce_sum3A_109, %reduce_sum3A_110 [1, 2] : vector<1x32x128xf32> to vector<1xf32>
    %reduce_sum3A_112 = vector.shape_cast %reduce_sum3A_111 : vector<1xf32> to vector<1x1x1xf32>
    %reduce_sum3A_113 = vector.extract %reduce_sum3A_112[0, 0, 0] : f32 from vector<1x1x1xf32>
    %eq3A_114 = arith.constant 1 : i32
    %eq3A_115 = vector.broadcast %eq3A_114 : i32 to vector<32x128xi32>
    %eq3A_116 = arith.cmpi eq, %iota3A_99, %eq3A_115 : vector<32x128xi32>
    %get3A_117 = arith.constant 0 : index
    %get3A_118 = arith.constant 0 : index
    %get3A_119 = vector.load %arg3[%get3A_117, %get3A_118] : memref<32x128xf32, #tpu.memory_space<vmem>>, vector<32x128xf32>
    %jit3A_120 = arith.constant 0.000000e+00 : f32
    %broadcast_in_dim3A_121 = vector.broadcast %jit3A_120 : f32 to vector<32x128xf32>
    %select_n3A_122 = arith.select %eq3A_116, %get3A_119, %broadcast_in_dim3A_121 : vector<32x128xi1>, vector<32x128xf32>
    %reduce_sum3A_123 = vector.shape_cast %select_n3A_122 : vector<32x128xf32> to vector<1x32x128xf32>
    %reduce_sum3A_124 = arith.constant dense<0.000000e+00> : vector<1xf32>
    %reduce_sum3A_125 = vector.multi_reduction <add>, %reduce_sum3A_123, %reduce_sum3A_124 [1, 2] : vector<1x32x128xf32> to vector<1xf32>
    %reduce_sum3A_126 = vector.shape_cast %reduce_sum3A_125 : vector<1xf32> to vector<1x1x1xf32>
    %reduce_sum3A_127 = vector.extract %reduce_sum3A_126[0, 0, 0] : f32 from vector<1x1x1xf32>
    %get3A_128 = arith.constant 0 : index
    %get3A_129 = arith.constant 0 : index
    %get3A_130 = vector.load %arg2[%get3A_128, %get3A_129] : memref<32x128xi32, #tpu.memory_space<vmem>>, vector<32x1xi32>
    %reduce_max3A = vector.shape_cast %get3A_130 : vector<32x1xi32> to vector<1x32x1xi32>
    %reduce_max3A_131 = arith.constant dense<-2147483648> : vector<1xi32>
    %reduce_max3A_132 = vector.multi_reduction <maxsi>, %reduce_max3A, %reduce_max3A_131 [1, 2] : vector<1x32x1xi32> to vector<1xi32>
    %reduce_max3A_133 = vector.shape_cast %reduce_max3A_132 : vector<1xi32> to vector<1x1x1xi32>
    %reduce_max3A_134 = vector.extract %reduce_max3A_133[0, 0, 0] : i32 from vector<1x1x1xi32>
    %add3A_135 = arith.constant 511 : i32
    %add3A_136 = arith.addi %reduce_max3A_134, %add3A_135 : i32
    %jit3A_137 = arith.constant 512 : i32
    %div3A = arith.divsi %add3A_136, %jit3A_137 : i32
    %sign3A = arith.constant 0 : i32
    %sign3A_138 = arith.cmpi sgt, %add3A_136, %sign3A : i32
    %sign3A_139 = arith.extui %sign3A_138 : i1 to i32
    %sign3A_140 = arith.constant 0 : i32
    %sign3A_141 = arith.cmpi slt, %add3A_136, %sign3A_140 : i32
    %sign3A_142 = arith.extui %sign3A_141 : i1 to i32
    %sign3A_143 = arith.subi %sign3A_139, %sign3A_142 : i32
    %sign3A_144 = arith.constant 0 : i32
    %sign3A_145 = arith.cmpi sgt, %jit3A_137, %sign3A_144 : i32
    %sign3A_146 = arith.extui %sign3A_145 : i1 to i32
    %sign3A_147 = arith.constant 0 : i32
    %sign3A_148 = arith.cmpi slt, %jit3A_137, %sign3A_147 : i32
    %sign3A_149 = arith.extui %sign3A_148 : i1 to i32
    %sign3A_150 = arith.subi %sign3A_146, %sign3A_149 : i32
    %ne3A = arith.cmpi ne, %sign3A_143, %sign3A_150 : i32
    %rem3A = arith.remsi %add3A_136, %jit3A_137 : i32
    %ne3A_151 = arith.constant 0 : i32
    %ne3A_152 = arith.cmpi ne, %rem3A, %ne3A_151 : i32
    %and3A = arith.andi %ne3A, %ne3A_152 : i1
    %sub3A_153 = arith.constant 1 : i32
    %sub3A_154 = arith.subi %div3A, %sub3A_153 : i32
    %select_n3A_155 = arith.select %and3A, %sub3A_154, %div3A : i32
    %iota3A_156 = tpu.iota {dimensions = array<i32: 1>} : vector<32x512xi32>
    %shift_left3A = arith.constant 19 : i32
    %shift_left3A_157 = arith.shli %sub3A_84, %shift_left3A : i32
    %scan3A = arith.constant 0 : i32
    %scan3A_158 = arith.constant 19 : i32
    %scan3A_159 = arith.addi %scan3A, %scan3A_158 : i32
    %scan3A_160 = arith.constant 1 : i32
    %scan3A_161 = scf.for %scan3A_205 = %scan3A to %scan3A_159 step %scan3A_160 iter_args(%scan3A_206 = %shift_left3A_157) -> (i32)  : i32 {
      %sub3A_207 = arith.constant 18 : i32
      %sub3A_208 = arith.subi %sub3A_207, %scan3A_205 : i32
      %shift_left3A_209 = arith.constant 1 : i32
      %shift_left3A_210 = arith.shli %shift_left3A_209, %sub3A_208 : i32
      %or3A = arith.ori %scan3A_206, %shift_left3A_210 : i32
      %broadcast_in_dim3A_211 = arith.constant 0 : i32
      %broadcast_in_dim3A_212 = vector.broadcast %broadcast_in_dim3A_211 : i32 to vector<32x512xi32>
      %while3A_213 = arith.constant 0 : i32
      %while3A_214 = arith.subi %select_n3A_155, %while3A_213 : i32
      %while3A_215 = arith.addi %while3A_213, %while3A_214 : i32
      %while3A_216 = arith.constant 1 : i32
      %while3A_217 = arith.divsi %while3A_214, %while3A_216 : i32
      %while3A_218 = arith.muli %while3A_217, %while3A_216 : i32
      %while3A_219 = arith.addi %while3A_213, %while3A_218 : i32
      %while3A_220 = arith.constant 1 : i32
      %while3A_221 = scf.for %while3A_231 = %while3A_213 to %while3A_219 step %while3A_220 iter_args(%while3A_232 = %broadcast_in_dim3A_212) -> (vector<32x512xi32>)  : i32 {
        %mul3A_233 = arith.constant 512 : i32
        %mul3A_234 = arith.muli %while3A_231, %mul3A_233 : i32
        %get3A_235 = arith.constant 0 : index
        %get3A_236 = arith.index_cast %mul3A_234 : i32 to index
        %get3A_237 = vector.load %arg1[%get3A_235, %get3A_236] : memref<32x65536xf32, #tpu.memory_space<vmem>>, vector<32x512xf32>
        %bitcast_convert_type3A_238 = tpu.bitcast %get3A_237 : vector<32x512xf32> -> vector<32x512xi32>
        %mul3A_239 = arith.constant 512 : i32
        %mul3A_240 = arith.muli %while3A_231, %mul3A_239 : i32
        %add3A_241 = vector.broadcast %mul3A_240 : i32 to vector<32x512xi32>
        %add3A_242 = arith.addi %iota3A_156, %add3A_241 : vector<32x512xi32>
        %lt3A = vector.broadcast %get3A_130 : vector<32x1xi32> to vector<32x512xi32>
        %lt3A_243 = arith.cmpi slt, %add3A_242, %lt3A : vector<32x512xi32>
        %ge3A_244 = vector.broadcast %or3A : i32 to vector<32x512xi32>
        %ge3A_245 = arith.cmpi sge, %bitcast_convert_type3A_238, %ge3A_244 : vector<32x512xi32>
        %and3A_246 = arith.andi %lt3A_243, %ge3A_245 : vector<32x512xi1>
        %jit3A_247 = arith.constant 1 : i32
        %jit3A_248 = arith.constant 0 : i32
        %broadcast_in_dim3A_249 = vector.broadcast %jit3A_247 : i32 to vector<32x512xi32>
        %broadcast_in_dim3A_250 = vector.broadcast %jit3A_248 : i32 to vector<32x512xi32>
        %select_n3A_251 = arith.select %and3A_246, %broadcast_in_dim3A_249, %broadcast_in_dim3A_250 : vector<32x512xi1>, vector<32x512xi32>
        %add3A_252 = arith.addi %while3A_232, %select_n3A_251 : vector<32x512xi32>
        scf.yield %add3A_252 : vector<32x512xi32>
      }
      %while3A_222 = arith.constant 1 : i32
      %while3A_223 = scf.for %while3A_231 = %while3A_219 to %while3A_215 step %while3A_222 iter_args(%while3A_232 = %while3A_221) -> (vector<32x512xi32>)  : i32 {
        %mul3A_233 = arith.constant 512 : i32
        %mul3A_234 = arith.muli %while3A_231, %mul3A_233 : i32
        %get3A_235 = arith.constant 0 : index
        %get3A_236 = arith.index_cast %mul3A_234 : i32 to index
        %get3A_237 = vector.load %arg1[%get3A_235, %get3A_236] : memref<32x65536xf32, #tpu.memory_space<vmem>>, vector<32x512xf32>
        %bitcast_convert_type3A_238 = tpu.bitcast %get3A_237 : vector<32x512xf32> -> vector<32x512xi32>
        %mul3A_239 = arith.constant 512 : i32
        %mul3A_240 = arith.muli %while3A_231, %mul3A_239 : i32
        %add3A_241 = vector.broadcast %mul3A_240 : i32 to vector<32x512xi32>
        %add3A_242 = arith.addi %iota3A_156, %add3A_241 : vector<32x512xi32>
        %lt3A = vector.broadcast %get3A_130 : vector<32x1xi32> to vector<32x512xi32>
        %lt3A_243 = arith.cmpi slt, %add3A_242, %lt3A : vector<32x512xi32>
        %ge3A_244 = vector.broadcast %or3A : i32 to vector<32x512xi32>
        %ge3A_245 = arith.cmpi sge, %bitcast_convert_type3A_238, %ge3A_244 : vector<32x512xi32>
        %and3A_246 = arith.andi %lt3A_243, %ge3A_245 : vector<32x512xi1>
        %jit3A_247 = arith.constant 1 : i32
        %jit3A_248 = arith.constant 0 : i32
        %broadcast_in_dim3A_249 = vector.broadcast %jit3A_247 : i32 to vector<32x512xi32>
        %broadcast_in_dim3A_250 = vector.broadcast %jit3A_248 : i32 to vector<32x512xi32>
        %select_n3A_251 = arith.select %and3A_246, %broadcast_in_dim3A_249, %broadcast_in_dim3A_250 : vector<32x512xi1>, vector<32x512xi32>
        %add3A_252 = arith.addi %while3A_232, %select_n3A_251 : vector<32x512xi32>
        scf.yield %add3A_252 : vector<32x512xi32>
      }
      %reduce_sum3A_224 = vector.shape_cast %while3A_223 : vector<32x512xi32> to vector<1x32x512xi32>
      %reduce_sum3A_225 = arith.constant dense<0> : vector<1xi32>
      %reduce_sum3A_226 = vector.multi_reduction <add>, %reduce_sum3A_224, %reduce_sum3A_225 [1, 2] : vector<1x32x512xi32> to vector<1xi32>
      %reduce_sum3A_227 = vector.shape_cast %reduce_sum3A_226 : vector<1xi32> to vector<1x1x1xi32>
      %reduce_sum3A_228 = vector.extract %reduce_sum3A_227[0, 0, 0] : i32 from vector<1x1x1xi32>
      %ge3A_229 = arith.cmpi sge, %reduce_sum3A_228, %sub3A_98 : i32
      %select_n3A_230 = arith.select %ge3A_229, %or3A, %scan3A_206 : i32
      scf.yield %select_n3A_230 : i32
    }
    %scan3A_162 = arith.constant 19 : i32
    %broadcast_in_dim3A_163 = arith.constant 0 : i32
    %broadcast_in_dim3A_164 = vector.broadcast %broadcast_in_dim3A_163 : i32 to vector<32x512xi32>
    %broadcast_in_dim3A_165 = arith.constant 0.000000e+00 : f32
    %broadcast_in_dim3A_166 = vector.broadcast %broadcast_in_dim3A_165 : f32 to vector<32x512xf32>
    %broadcast_in_dim3A_167 = arith.constant 0.000000e+00 : f32
    %broadcast_in_dim3A_168 = vector.broadcast %broadcast_in_dim3A_167 : f32 to vector<32x512xf32>
    %while3A = arith.constant 0 : i32
    %while3A_169 = arith.subi %select_n3A_155, %while3A : i32
    %while3A_170 = arith.addi %while3A, %while3A_169 : i32
    %while3A_171 = arith.constant 1 : i32
    %while3A_172 = arith.divsi %while3A_169, %while3A_171 : i32
    %while3A_173 = arith.muli %while3A_172, %while3A_171 : i32
    %while3A_174 = arith.addi %while3A, %while3A_173 : i32
    %while3A_175 = arith.constant 1 : i32
    %while3A_176:3 = scf.for %while3A_205 = %while3A to %while3A_174 step %while3A_175 iter_args(%while3A_206 = %broadcast_in_dim3A_164, %while3A_207 = %broadcast_in_dim3A_166, %while3A_208 = %broadcast_in_dim3A_168) -> (vector<32x512xi32>, vector<32x512xf32>, vector<32x512xf32>)  : i32 {
      %mul3A_209 = arith.constant 512 : i32
      %mul3A_210 = arith.muli %while3A_205, %mul3A_209 : i32
      %get3A_211 = arith.constant 0 : index
      %get3A_212 = arith.index_cast %mul3A_210 : i32 to index
      %get3A_213 = vector.load %arg1[%get3A_211, %get3A_212] : memref<32x65536xf32, #tpu.memory_space<vmem>>, vector<32x512xf32>
      %bitcast_convert_type3A_214 = tpu.bitcast %get3A_213 : vector<32x512xf32> -> vector<32x512xi32>
      %mul3A_215 = arith.constant 512 : i32
      %mul3A_216 = arith.muli %while3A_205, %mul3A_215 : i32
      %add3A_217 = vector.broadcast %mul3A_216 : i32 to vector<32x512xi32>
      %add3A_218 = arith.addi %iota3A_156, %add3A_217 : vector<32x512xi32>
      %lt3A = vector.broadcast %get3A_130 : vector<32x1xi32> to vector<32x512xi32>
      %lt3A_219 = arith.cmpi slt, %add3A_218, %lt3A : vector<32x512xi32>
      %gt3A = vector.broadcast %scan3A_161 : i32 to vector<32x512xi32>
      %gt3A_220 = arith.cmpi sgt, %bitcast_convert_type3A_214, %gt3A : vector<32x512xi32>
      %and3A_221 = arith.andi %lt3A_219, %gt3A_220 : vector<32x512xi1>
      %jit3A_222 = arith.constant 1 : i32
      %jit3A_223 = arith.constant 0 : i32
      %broadcast_in_dim3A_224 = vector.broadcast %jit3A_222 : i32 to vector<32x512xi32>
      %broadcast_in_dim3A_225 = vector.broadcast %jit3A_223 : i32 to vector<32x512xi32>
      %select_n3A_226 = arith.select %and3A_221, %broadcast_in_dim3A_224, %broadcast_in_dim3A_225 : vector<32x512xi1>, vector<32x512xi32>
      %add3A_227 = arith.addi %while3A_206, %select_n3A_226 : vector<32x512xi32>
      %jit3A_228 = arith.constant 0.000000e+00 : f32
      %broadcast_in_dim3A_229 = vector.broadcast %jit3A_228 : f32 to vector<32x512xf32>
      %select_n3A_230 = arith.select %and3A_221, %get3A_213, %broadcast_in_dim3A_229 : vector<32x512xi1>, vector<32x512xf32>
      %add3A_231 = arith.addf %while3A_207, %select_n3A_230 : vector<32x512xf32>
      %jit3A_232 = arith.constant 0.000000e+00 : f32
      %broadcast_in_dim3A_233 = vector.broadcast %jit3A_232 : f32 to vector<32x512xf32>
      %select_n3A_234 = arith.select %lt3A_219, %get3A_213, %broadcast_in_dim3A_233 : vector<32x512xi1>, vector<32x512xf32>
      %add3A_235 = arith.addf %while3A_208, %select_n3A_234 : vector<32x512xf32>
      scf.yield %add3A_227, %add3A_231, %add3A_235 : vector<32x512xi32>, vector<32x512xf32>, vector<32x512xf32>
    }
    %while3A_177 = arith.constant 1 : i32
    %while3A_178:3 = scf.for %while3A_205 = %while3A_174 to %while3A_170 step %while3A_177 iter_args(%while3A_206 = %while3A_176#0, %while3A_207 = %while3A_176#1, %while3A_208 = %while3A_176#2) -> (vector<32x512xi32>, vector<32x512xf32>, vector<32x512xf32>)  : i32 {
      %mul3A_209 = arith.constant 512 : i32
      %mul3A_210 = arith.muli %while3A_205, %mul3A_209 : i32
      %get3A_211 = arith.constant 0 : index
      %get3A_212 = arith.index_cast %mul3A_210 : i32 to index
      %get3A_213 = vector.load %arg1[%get3A_211, %get3A_212] : memref<32x65536xf32, #tpu.memory_space<vmem>>, vector<32x512xf32>
      %bitcast_convert_type3A_214 = tpu.bitcast %get3A_213 : vector<32x512xf32> -> vector<32x512xi32>
      %mul3A_215 = arith.constant 512 : i32
      %mul3A_216 = arith.muli %while3A_205, %mul3A_215 : i32
      %add3A_217 = vector.broadcast %mul3A_216 : i32 to vector<32x512xi32>
      %add3A_218 = arith.addi %iota3A_156, %add3A_217 : vector<32x512xi32>
      %lt3A = vector.broadcast %get3A_130 : vector<32x1xi32> to vector<32x512xi32>
      %lt3A_219 = arith.cmpi slt, %add3A_218, %lt3A : vector<32x512xi32>
      %gt3A = vector.broadcast %scan3A_161 : i32 to vector<32x512xi32>
      %gt3A_220 = arith.cmpi sgt, %bitcast_convert_type3A_214, %gt3A : vector<32x512xi32>
      %and3A_221 = arith.andi %lt3A_219, %gt3A_220 : vector<32x512xi1>
      %jit3A_222 = arith.constant 1 : i32
      %jit3A_223 = arith.constant 0 : i32
      %broadcast_in_dim3A_224 = vector.broadcast %jit3A_222 : i32 to vector<32x512xi32>
      %broadcast_in_dim3A_225 = vector.broadcast %jit3A_223 : i32 to vector<32x512xi32>
      %select_n3A_226 = arith.select %and3A_221, %broadcast_in_dim3A_224, %broadcast_in_dim3A_225 : vector<32x512xi1>, vector<32x512xi32>
      %add3A_227 = arith.addi %while3A_206, %select_n3A_226 : vector<32x512xi32>
      %jit3A_228 = arith.constant 0.000000e+00 : f32
      %broadcast_in_dim3A_229 = vector.broadcast %jit3A_228 : f32 to vector<32x512xf32>
      %select_n3A_230 = arith.select %and3A_221, %get3A_213, %broadcast_in_dim3A_229 : vector<32x512xi1>, vector<32x512xf32>
      %add3A_231 = arith.addf %while3A_207, %select_n3A_230 : vector<32x512xf32>
      %jit3A_232 = arith.constant 0.000000e+00 : f32
      %broadcast_in_dim3A_233 = vector.broadcast %jit3A_232 : f32 to vector<32x512xf32>
      %select_n3A_234 = arith.select %lt3A_219, %get3A_213, %broadcast_in_dim3A_233 : vector<32x512xi1>, vector<32x512xf32>
      %add3A_235 = arith.addf %while3A_208, %select_n3A_234 : vector<32x512xf32>
      scf.yield %add3A_227, %add3A_231, %add3A_235 : vector<32x512xi32>, vector<32x512xf32>, vector<32x512xf32>
    }
    %reduce_sum3A_179 = vector.shape_cast %while3A_178#0 : vector<32x512xi32> to vector<1x32x512xi32>
    %reduce_sum3A_180 = arith.constant dense<0> : vector<1xi32>
    %reduce_sum3A_181 = vector.multi_reduction <add>, %reduce_sum3A_179, %reduce_sum3A_180 [1, 2] : vector<1x32x512xi32> to vector<1xi32>
    %reduce_sum3A_182 = vector.shape_cast %reduce_sum3A_181 : vector<1xi32> to vector<1x1x1xi32>
    %reduce_sum3A_183 = vector.extract %reduce_sum3A_182[0, 0, 0] : i32 from vector<1x1x1xi32>
    %reduce_sum3A_184 = vector.shape_cast %while3A_178#1 : vector<32x512xf32> to vector<1x32x512xf32>
    %reduce_sum3A_185 = arith.constant dense<0.000000e+00> : vector<1xf32>
    %reduce_sum3A_186 = vector.multi_reduction <add>, %reduce_sum3A_184, %reduce_sum3A_185 [1, 2] : vector<1x32x512xf32> to vector<1xf32>
    %reduce_sum3A_187 = vector.shape_cast %reduce_sum3A_186 : vector<1xf32> to vector<1x1x1xf32>
    %reduce_sum3A_188 = vector.extract %reduce_sum3A_187[0, 0, 0] : f32 from vector<1x1x1xf32>
    %reduce_sum3A_189 = vector.shape_cast %while3A_178#2 : vector<32x512xf32> to vector<1x32x512xf32>
    %reduce_sum3A_190 = arith.constant dense<0.000000e+00> : vector<1xf32>
    %reduce_sum3A_191 = vector.multi_reduction <add>, %reduce_sum3A_189, %reduce_sum3A_190 [1, 2] : vector<1x32x512xf32> to vector<1xf32>
    %reduce_sum3A_192 = vector.shape_cast %reduce_sum3A_191 : vector<1xf32> to vector<1x1x1xf32>
    %reduce_sum3A_193 = vector.extract %reduce_sum3A_192[0, 0, 0] : f32 from vector<1x1x1xf32>
    %sub3A_194 = arith.subf %reduce_sum3A_127, %reduce_sum3A_113 : f32
    %sub3A_195 = arith.subf %sub3A_194, %reduce_sum3A_193 : f32
    %bitcast_convert_type3A = arith.bitcast %scan3A_161 : i32 to f32
    %add3A_196 = arith.addf %sub3A_195, %reduce_sum3A_188 : f32
    %sub3A_197 = arith.subi %sub3A_98, %reduce_sum3A_183 : i32
    %convert_element_type3A_198 = arith.sitofp %sub3A_197 : i32 to f32
    %mul3A_199 = arith.mulf %convert_element_type3A_198, %bitcast_convert_type3A : f32
    %add3A_200 = arith.addf %add3A_196, %mul3A_199 : f32
    %div3A_201 = arith.constant 0x49B33330 : f32
    %div3A_202 = arith.divf %add3A_200, %div3A_201 : f32
    %swap3A = arith.constant 0 : index
    %swap3A_203 = arith.constant 0 : index
    %swap3A_204 = memref.load %arg4[%swap3A, %swap3A_203] : memref<1x1xf32, #tpu.memory_space<smem>>
    memref.store %div3A_202, %arg4[%swap3A, %swap3A_203] : memref<1x1xf32, #tpu.memory_space<smem>>
    return
  }
}

</mosaic_0001>

<sc_bundles>
// kernel: kernel.6.cloned.1.call-start
scs
__scs_entry_jumppad:
0x0: {  	(pc) =	sbr.rel $0x88, $3  }
0x1: {  	(tag) =	ssettag $0x0;
	lr =	simm.s32 $0x1  }
0x2: {  	[smem:$0x3F9F] =	sst lr;
	_ =	strace $0xD0000000  }
0x3: {  	_ = 	snop  }
0x4: {  	_ = 	snop  }
0x5: {  	_ = 	snop  }
0x6: {  	_ = 	snop  }
0x7: {  	_ = 	snop  }
__scs_overlays_trampoline_lowered:
0x8: {  	[smem:$0x3FAE] =	sst s0  }
0x9: {  	[smem:$0x3FAF] =	sst s1  }
0xa: {  	[smem:$0x3FB0] =	sst s2  }
0xb: {  	[smem:$0x3FB1] =	sst s3  }
0xc: {  	[smem:$0x3FB2] =	sst s4  }
0xd: {  	[smem:$0x3FB3] =	sst s5  }
0xe: {  	[smem:$0x3FB4] =	sst s6  }
0xf: {  	[smem:$0x3FB5] =	sst s7  }
0x10: {  	[smem:$0x3FB6] =	sst s8  }
0x11: {  	[smem:$0x3FB7] =	sst s9;
	s0 =	simm.s32 @!p0 $0x0  }
0x12: {  	s1 =	sld [smem:$0x3F9D];
	s0 =	simm.s32 @p0 $0x1  }
0x13: {  	[smem:$0x3FB8] =	sst s0;
	s0 =	simm.s32 @!p1 $0x0  }
0x14: {  	s2 =	sld [smem:$0x3F9C];
	s0 =	simm.s32 @p1 $0x1  }
0x15: {  	[smem:$0x3FB9] =	sst s0;
	s0 =	simm.s32 @!p2 $0x0  }
0x16: {  	s3 =	sld [smem:$0x3FDB];
	s0 =	simm.s32 @p2 $0x1  }
0x17: {  	s4 =	simm.s32 $0x1BF5;
	[smem:$0x3FBB] =	sst s0  }
0x18: {  	s0 =	sld [smem:$0x3F9E];
	_ =	swait.ge [sflag:s4], $0x0  }
0x19: {  	s7 =	sld [smem:$0x3F9F]  }
0x1a: {  	s8 =	sadd.s32 $0xFFFFE003, lr  }
0x1b: {  	s9 =	sadd.s32 $0xFFFFFEF7, lr;
	s5 =	simm.s32 $0xFFFFFFFF;
	p2 =	slt.u32 s8, $0xFFFFF086  }
0x1c: {  	p1 =	slt.u32 s9, $0xF7A;
	s5 =	simm.s32 @!p2 $0x0  }
0x1d: {  	s5 =	simm.s32 @p1 $0x1;
	p0 =	seq.s32 s7, s2  }
0x1e: {  	s7 =	smul.u32 @!p0 $0xF7A, s2;
	p2 =	seq.s32 @!p0 s5, $0x0  }
0x1f: {  	s9 =	smul.u32 $0xF7A, s1;
	s8 =	simm.s32 @!p0 $0x1BF5;
	p2 =	por !p2, p0  }
0x20: {  	[sflag:s8] =	ssyncset.s32 @!p0 $0xFFFFF086;
	s6 =	sadd.s32 @!p0 s3, s7;
	s7 =	simm.s32 @!p0 $0x108  }
0x21: {  	s3 =	sadd.s32 s3, s9;
	s6 =	sadd.s32 @!p0 $0x88, s6;
	s7 =	simm.s32 @p2 $0x1082  }
0x22: {  	[simem:s7], [sflag:s8] =	dma.local @!p0 [hbm:s6], $0xF7A  }
0x23: {  	s9 =	sor.u32 $0xD0000000, s2;
	s6 =	simm.s32 $0x108;
	_ =	swait.ge @!p0 [sflag:s8], $0x0  }
0x24: {  	s3 =	sadd.s32 $0x88, s3;
	s6 =	simm.s32 @!p1 $0x1082;
	[sflag:s4] =	ssyncset.s32 $0xFFFFF086  }
0x25: {  	[simem:s6], [sflag:s4] =	dma.local [hbm:s3], $0xF7A  }
0x26: {  	[smem:$0x3F9F] =	sst s1;
	(tag) =	ssettag s2;
	_ =	strace s9  }
0x27: {  	s1 =	sld [smem:$0x3FAF]  }
0x28: {  	s2 =	sld [smem:$0x3FB0]  }
0x29: {  	s4 =	sld [smem:$0x3FB2]  }
0x2a: {  	p0 =	seq.s32 s5, $0x0;
	s5 =	sld [smem:$0x3FB3]  }
0x2b: {  	s6 =	sld [smem:$0x3FB4]  }
0x2c: {  	s7 =	sld [smem:$0x3FB5]  }
0x2d: {  	s3 =	simm.s32 $0x108;
	s8 =	sld [smem:$0x3FB6]  }
0x2e: {  	s3 =	simm.s32 @!p0 $0x1082;
	s9 =	sld [smem:$0x3FB7]  }
0x2f: {  	lr =	sadd.s32 s0, s3;
	s0 =	sld [smem:$0x3FAE]  }
0x30: {  	s3 =	sld [smem:$0x3FB1]  }
0x31: {  	[smem:$0x3FBA] =	sst s10  }
0x32: {  	s10 =	sld [smem:$0x3FB8];
	_ =	sdelay $0x3  }
0x33: {  	p0 =	seq.s32 s10, $0x1;
	s10 =	sld [smem:$0x3FBA];
	_ =	sdelay $0x3  }
0x34: {  	[smem:$0x3FBA] =	sst s10  }
0x35: {  	s10 =	sld [smem:$0x3FB9];
	_ =	sdelay $0x3  }
0x36: {  	p1 =	seq.s32 s10, $0x1;
	s10 =	sld [smem:$0x3FBA];
	_ =	sdelay $0x3  }
0x37: {  	[smem:$0x3FBA] =	sst s10  }
0x38: {  	s10 =	sld [smem:$0x3FBB]  }
0x39: {  	_ = 	snop;
	(pc) =	sbr.ind lr, $3  }
0x3a: {  	_ = 	snop  }
0x3b: {  	_ = 	snop  }
0x3c: {  	p2 =	seq.s32 s10, $0x1;
	s10 =	sld [smem:$0x3FBA]  }
0x3d: {  	_ =	shalt  }
0x3e: {  	_ =	shalt  }
0x3f: {  	_ =	shalt  }
0x40: {  	_ =	shalt  }
0x41: {  	_ =	shalt  }
0x42: {  	_ =	shalt  }
0x43: {  	_ =	shalt  }
0x44: {  	_ =	shalt  }
0x45: {  	_ =	shalt  }
0x46: {  	_ =	shalt  }
0x47: {  	_ =	shalt  }
0x48: {  	_ =	shalt  }
0x49: {  	_ =	shalt  }
0x4a: {  	_ =	shalt  }
0x4b: {  	_ =	shalt  }
0x4c: {  	_ =	shalt  }
0x4d: {  	_ =	shalt  }
0x4e: {  	_ =	shalt  }
0x4f: {  	_ =	shalt  }
0x50: {  	_ =	shalt  }
0x51: {  	_ =	shalt  }
0x52: {  	_ =	shalt  }
0x53: {  	_ =	shalt  }
0x54: {  	_ =	shalt  }
0x55: {  	_ =	shalt  }
0x56: {  	_ =	shalt  }
0x57: {  	_ =	shalt  }
0x58: {  	_ =	shalt  }
0x59: {  	_ =	shalt  }
0x5a: {  	_ =	shalt  }
0x5b: {  	_ =	shalt  }
0x5c: {  	_ =	shalt  }
0x5d: {  	_ =	shalt  }
0x5e: {  	_ =	shalt  }
0x5f: {  	_ =	shalt  }
0x60: {  	_ =	shalt  }
0x61: {  	_ =	shalt  }
0x62: {  	_ =	shalt  }
0x63: {  	_ =	shalt  }
0x64: {  	_ =	shalt  }
0x65: {  	_ =	shalt  }
0x66: {  	_ =	shalt  }
0x67: {  	_ =	shalt  }
0x68: {  	_ =	shalt  }
0x69: {  	_ =	shalt  }
0x6a: {  	_ =	shalt  }
0x6b: {  	_ =	shalt  }
0x6c: {  	_ =	shalt  }
0x6d: {  	_ =	shalt  }
0x6e: {  	_ =	shalt  }
0x6f: {  	_ =	shalt  }
0x70: {  	_ =	shalt  }
0x71: {  	_ =	shalt  }
0x72: {  	_ =	shalt  }
0x73: {  	_ =	shalt  }
0x74: {  	_ =	shalt  }
0x75: {  	_ =	shalt  }
0x76: {  	_ =	shalt  }
0x77: {  	_ =	shalt  }
0x78: {  	_ =	shalt  }
0x79: {  	_ =	shalt  }
0x7a: {  	_ =	shalt  }
0x7b: {  	_ =	shalt  }
0x7c: {  	_ =	shalt  }
0x7d: {  	_ =	shalt  }
0x7e: {  	_ =	shalt  }
0x7f: {  	_ =	shalt  }
0x80: {  	_ =	shalt  }
0x81: {  	_ =	shalt  }
0x82: {  	_ =	shalt  }
0x83: {  	_ =	shalt  }
0x84: {  	_ =	shalt  }
0x85: {  	_ =	shalt  }
0x86: {  	_ =	shalt  }
0x87: {  	_ =	shalt  }
.Lfunc_end0:
.L_simem_size_0:
called_computation_lowered:
.L_overlay_start_0:
0x88: {  	s2 =	sld [smem:$0x3FD9]  }
0x89: {  	s3 =	sld [smem:$0x3FFE];
	_ =	sdelay $0x1  }
0x8a: {  	s1 =	srdreg.scid  }
0x8b: {  	s0 =	sand.u32 $0x1, s1  }
0x8c: {  	s16 =	sshll.u32 s0, $0xA;
	s2 =	sadd.s32 s3, s2  }
0x8d: {  	s2 =	sadd.s32 s2, s16  }
0x8e: {  	[smem:$0x3FC6] =	sst s2  }
0x8f: {  	_ = 	snop  }
0x90: {  	(tm) =	ssettm $0x1  }
0x91: {  	s17 =	sld [smem:$0x3FFB];
	_ =	sdelay $0x3  }
0x92: {  	_ =	strace s17  }
0x93: {  	s2 =	sld [smem:$0x3FFC];
	_ =	sdelay $0x3  }
0x94: {  	_ =	strace s2  }
0x95: {  	s2 =	sld [smem:$0x3FFD];
	_ =	sdelay $0x3  }
0x96: {  	_ =	strace s2  }
0x97: {  	_ =	strace $0x8FFFFFFF  }
0x98: {  	s18 =	sld [smem:$0x3FDB];
	_ =	sdelay $0x1  }
0x99: {  	s19 =	simm.s32 $_scs_section_size  }
0x9a: {  	s4 =	simm.s32 $_size__tile_overlayer_lowered;
	s5 =	simm.s32 $_tile_overlayer_lowered  }
0x9b: {  	s22 =	simm.s32 $0x1BFF;
	s21 =	sshll.u32 s5, $0x1;
	s2 =	sadd.s32 s19, s18  }
0x9c: {  	s6 =	simm.s32 $0x0;
	s20 =	sshll.u32 s4, $0x1;
	s4 =	sadd.s32 s21, s2  }
0x9d: {  	[timem:s6], [sflag:s22] =	dma.local [hbm:s4], s20  }
0x9e: {  	_ =	swait.ge [sflag:s22], s20  }
0x9f: {  	s3 =	ssub.s32 $0x0, s20;
	[sflag:s22] =	ssyncset.done $0x0  }
0xa0: {  	[sflag:s22] =	ssyncadd.s32 s3;
	_ =	sdelay $0x1  }
0xa1: {  	s23 =	simm.s32 $0x1B8B  }
0xa2: {  	_ =	swait.ge [sflag:s23], $0x1  }
0xa3: {  	[sflag:s23] =	ssyncset.done $0x0  }
0xa4: {  	s25 =	simm.s32 $0x1B8E;
	s24 =	sld [smem:$0x3FFE];
	[sflag:s23] =	ssyncadd.s32 $0xFFFFFFFF  }
0xa5: {  	s26 =	simm.s32 $execute0_lowered;
	[smem:$0x3FD2] =	sst s25  }
0xa6: {  	s4 =	sshll.u32 s26, $0x1;
	_ =	strace $0x80000046;
	[dreg:$0x1] =	wrdreg $0xFFFFFFFF  }
0xa7: {  	s28 =	simm.s32 $_size_execute0_lowered;
	s2 =	sadd.s32 s2, s4;
	[dreg:$0x0] =	wrdreg $0x0  }
0xa8: {  	s4 =	sshll.u32 s28, $0x1;
	[dreg:$0x2] =	wrdreg s2  }
0xa9: {  	[dreg:$0x3] =	wrdreg s4  }
0xaa: {  	[dreg:$0x4] =	wrdreg $0xC0  }
0xab: {  	_ =	task [dreg:s6], $0x5FFFF  }
0xac: {  	[dreg:$0x1] =	wrdreg $0xFFFFFFFF  }
0xad: {  	[dreg:$0x0] =	wrdreg $0x60  }
0xae: {  	[dreg:$0x2] =	wrdreg s24  }
0xaf: {  	[dreg:$0x3] =	wrdreg $0x142000  }
0xb0: {  	[dreg:$0x4] =	wrdreg $0x9  }
0xb1: {  	_ =	task.clear_ibuf [dreg:s6], $0x5FFFF;
	_ =	strace $0x90000046  }
0xb2: {  	s29 =	simm.s32 $0x9;
	_ =	strace $0x80000048  }
0xb3: {  	_ =	swait.ge [sflag:s29], $0x1  }
0xb4: {  	[sflag:s29] =	ssyncadd.s32 $0xFFFFFFFF  }
0xb5: {  	_ =	strace $0x90000048  }
0xb6: {  	_ =	sfence  }
0xb7: {  	s30 =	sld [smem:$0x0];
	_ =	sdelay $0x2  }
0xb8: {  	s31 =	sshll.u32 s1, $0xD;
	s1 =	sshrl.u32 s1, $0x2  }
0xb9: {  	s3 =	sand.u32 $0x4000, s31;
	s1 =	sadd.s32 s1, s30  }
0xba: {  	s0 =	sor.u32 s3, s0;
	s1 =	sshll.u32 s1, $0x11  }
0xbb: {  	s0 =	sor.u32 s1, s0  }
0xbc: {  	s0 =	sadd.s32 $0x8F2B, s0  }
0xbd: {  	[sflag:s0] =	ssyncadd.remote.s32 $0x1  }
0xbe: {  	_ =	sfence.sel $0xFFFF  }
0xbf: {  	[dreg:$0x0] =	wrdreg $0xFFFFFFFF;
	(pc) =	sbr.abs _section_cstart, $3  }
0xc0: {  	[dreg:$0x1] =	wrdreg $0xFFFFFFFF  }
0xc1: {  	_ =	task.clear_ibuf [dreg:s6], $0x2FFFF;
	_ =	strace $0x9FFFFFFF  }
0xc2: {  	(tm) =	ssettm $0x7FFFFFFF  }
0xc3: {  	_ =	shalt  }
tec
execute0_lowered:
.L_overlay_start_1:
0x0: {  	(tag) =	ssettag $0x1  }
0x1: {  	s2 =	rddreg [dreg:$0x0]  }
0x2: {  	s5 =	rddreg [dreg:$0x1]  }
0x3: {  	s0 =	rddreg [dreg:$0x2]  }
0x4: {  	s1 =	simm.s32 $0x0;
	s3 =	srdreg.scid;
	s11 =	simm.s32 $0x400  }
0x5: {  	s12 =	simm.s32 $0x1000;
	s13 =	simm.s32 $0x12000;
	s14 =	simm.s32 $0x100  }
0x6: {  	s15 =	simm.s32 $0x14000;
	[smem:$0x7FF] =	sst s1;
	s3 =	sand.u32 $0x1, s3  }
0x7: {  	s16 =	simm.s32 $0x0;
	_ =	strace $0x80000047;
	s4 =	sshll.u32 s3, $0xD  }
0x8: {  	s6 =	sshll.u32 s3, $0x4;
	s3 =	ssub.s32 $0x2, s3;
	s4 =	sadd.s32 s4, s2  }
0x9: {  	s6 =	sadd.s32 s6, s2;
	s2 =	stileid.u32;
	s7 =	sshrl.u32 s3, $0x1  }
0xa: {  	s7 =	ssub.s32 s3, s7;
	s8 =	sshll.u32 s2, $0xE;
	s30 =	sshll.u32 s2, $0xD  }
0xb: {  	s10 =	sshll.u32 s2, $0x7;
	s4 =	sadd.s32 s8, s4;
	s9 =	sand.u32 $0x10000, s30  }
0xc: {  	s31 =	sand.u32 $0x380, s10;
	s8 =	sshrl.u32 s8, $0x2;
	s6 =	sadd.s32 s10, s6  }
0xd: {  	s7 =	smax.u32 s7, $0x1;
	s10 =	simm.s32 $0x80;
	s3 =	sadd.s32 $0x1800, s4  }
0xe: {  	s9 =	sadd.s32 s9, s5;
	s5 =	sadd.s32 s8, s5;
	s6 =	sadd.s32 $0x41800, s6  }
0xf: {  	v0 =	vimm.s32 $0x0;
	v1 =	vimm.s32 $0x1;
	s8 =	simm.s32 $0x1;
	s4 =	sadd.s32 s31, s9;
	s9 =	simm.s32 $0x10000  }
.LBB2_1:
0x10: {  	[tilespmem:s1], [sflag:$0x1] =	stream.linear.gather [hbm4b:s3+s1], $0x10000, $0x38;
	[tilespmem:$0x16200] =	vst v63  }
0x11: {  	_ =	swait.ge [sflag:s8], $0x10000  }
0x12: {  	[sflag:s8] =	ssyncset.done $0x0  }
0x13: {  	s17 =	simm.s32 $0x0;
	s18 =	simm.s32 $0x200;
	[sflag:s8] =	ssyncadd.s32 $0xFFFF0000  }
.LBB2_2:
0x14: {  	p0 =	sne.s32 s18, $0x7E00;
	[tilespmem:s17+$0x10070] =	vst v0  }
0x15: {  	[tilespmem:s17+$0x10000] =	vst v0  }
0x16: {  	[tilespmem:s17+$0x10010] =	vst v0  }
.Ltmp0:
0x17: {  	[tilespmem:s17+$0x10020] =	vst v0;
	(pc) =	sbr.rel @p0 .LBB2_2-.Ltmp0, $4  }
0x18: {  	[tilespmem:s17+$0x10030] =	vst v0  }
0x19: {  	[tilespmem:s17+$0x10040] =	vst v0  }
0x1a: {  	[tilespmem:s17+$0x10050] =	vst v0  }
0x1b: {  	[tilespmem:s17+$0x10060] =	vst v0;
	s17 =	sshra.s32 s18, $0x2;
	s18 =	sadd.s32 $0x200, s18  }
0x1c: {  	[tilespmem:s17+$0x10070] =	vst v0  }
0x1d: {  	[tilespmem:s17+$0x10000] =	vst v0  }
0x1e: {  	[tilespmem:s17+$0x10010] =	vst v0  }
0x1f: {  	[tilespmem:s17+$0x10020] =	vst v0  }
0x20: {  	[tilespmem:s17+$0x10030] =	vst v0  }
0x21: {  	[tilespmem:s17+$0x10040] =	vst v0  }
0x22: {  	[tilespmem:s17+$0x10050] =	vst v0  }
0x23: {  	[tilespmem:s17+$0x10060] =	vst v0;
	s17 =	simm.s32 $0x0;
	s18 =	simm.s32 $0x0  }
.LBB2_4:
0x24: {  	s19 =	sand.u32 $0xF000, s18;
	s20 =	sand.u32 $0x380, s17  }
0x25: {  	s19 =	sor.u32 s20, s19  }
0x26: {  	v2 =	vld [tilespmem:s19+$0x0];
	_ =	sdelay $0x4  }
0x27: {  	v2 =	vshrl.u32 v2, $0x13;
	_ =	sdelay $0x4  }
0x28: {  	[tilespmem:v2+s9+$0x0] =	vst.idx.add.s32.msk $0xffff, v1  }
0x29: {  	v2 =	vld [tilespmem:s19+$0x10];
	_ =	sdelay $0x4  }
0x2a: {  	v2 =	vshrl.u32 v2, $0x13;
	_ =	sdelay $0x4  }
0x2b: {  	[tilespmem:v2+s9+$0x0] =	vst.idx.add.s32.msk $0xffff, v1  }
0x2c: {  	v2 =	vld [tilespmem:s19+$0x20];
	_ =	sdelay $0x4  }
0x2d: {  	v2 =	vshrl.u32 v2, $0x13;
	_ =	sdelay $0x4  }
0x2e: {  	[tilespmem:v2+s9+$0x0] =	vst.idx.add.s32.msk $0xffff, v1  }
0x2f: {  	v2 =	vld [tilespmem:s19+$0x30];
	_ =	sdelay $0x4  }
0x30: {  	v2 =	vshrl.u32 v2, $0x13;
	_ =	sdelay $0x4  }
0x31: {  	[tilespmem:v2+s9+$0x0] =	vst.idx.add.s32.msk $0xffff, v1  }
0x32: {  	v2 =	vld [tilespmem:s19+$0x40];
	_ =	sdelay $0x4  }
0x33: {  	v2 =	vshrl.u32 v2, $0x13;
	_ =	sdelay $0x4  }
0x34: {  	[tilespmem:v2+s9+$0x0] =	vst.idx.add.s32.msk $0xffff, v1  }
0x35: {  	v2 =	vld [tilespmem:s19+$0x50];
	_ =	sdelay $0x4  }
0x36: {  	v2 =	vshrl.u32 v2, $0x13;
	_ =	sdelay $0x4  }
0x37: {  	[tilespmem:v2+s9+$0x0] =	vst.idx.add.s32.msk $0xffff, v1  }
0x38: {  	v2 =	vld [tilespmem:s19+$0x60];
	_ =	sdelay $0x4  }
0x39: {  	v2 =	vshrl.u32 v2, $0x13;
	_ =	sdelay $0x4  }
0x3a: {  	[tilespmem:v2+s9+$0x0] =	vst.idx.add.s32.msk $0xffff, v1  }
0x3b: {  	v2 =	vld [tilespmem:s19+$0x70];
	_ =	sdelay $0x4  }
0x3c: {  	v2 =	vshrl.u32 v2, $0x13;
	_ =	sdelay $0x4  }
0x3d: {  	[tilespmem:v2+s9+$0x0] =	vst.idx.add.s32.msk $0xffff, v1  }
0x3e: {  	v2 =	vld [tilespmem:s19+$0x400];
	_ =	sdelay $0x4  }
0x3f: {  	v2 =	vshrl.u32 v2, $0x13;
	_ =	sdelay $0x4  }
0x40: {  	[tilespmem:v2+s9+$0x0] =	vst.idx.add.s32.msk $0xffff, v1  }
0x41: {  	v2 =	vld [tilespmem:s19+$0x410];
	_ =	sdelay $0x4  }
0x42: {  	v2 =	vshrl.u32 v2, $0x13;
	_ =	sdelay $0x4  }
0x43: {  	[tilespmem:v2+s9+$0x0] =	vst.idx.add.s32.msk $0xffff, v1  }
0x44: {  	v2 =	vld [tilespmem:s19+$0x420];
	_ =	sdelay $0x4  }
0x45: {  	v2 =	vshrl.u32 v2, $0x13;
	_ =	sdelay $0x4  }
0x46: {  	[tilespmem:v2+s9+$0x0] =	vst.idx.add.s32.msk $0xffff, v1  }
0x47: {  	v2 =	vld [tilespmem:s19+$0x430];
	_ =	sdelay $0x4  }
0x48: {  	v2 =	vshrl.u32 v2, $0x13;
	_ =	sdelay $0x4  }
0x49: {  	[tilespmem:v2+s9+$0x0] =	vst.idx.add.s32.msk $0xffff, v1  }
0x4a: {  	v2 =	vld [tilespmem:s19+$0x440];
	_ =	sdelay $0x4  }
0x4b: {  	v2 =	vshrl.u32 v2, $0x13;
	_ =	sdelay $0x4  }
0x4c: {  	[tilespmem:v2+s9+$0x0] =	vst.idx.add.s32.msk $0xffff, v1  }
0x4d: {  	v2 =	vld [tilespmem:s19+$0x450];
	_ =	sdelay $0x4  }
0x4e: {  	v2 =	vshrl.u32 v2, $0x13;
	_ =	sdelay $0x4  }
0x4f: {  	[tilespmem:v2+s9+$0x0] =	vst.idx.add.s32.msk $0xffff, v1  }
0x50: {  	v2 =	vld [tilespmem:s19+$0x460];
	_ =	sdelay $0x4  }
0x51: {  	v2 =	vshrl.u32 v2, $0x13;
	_ =	sdelay $0x4  }
0x52: {  	[tilespmem:v2+s9+$0x0] =	vst.idx.add.s32.msk $0xffff, v1  }
0x53: {  	v2 =	vld [tilespmem:s19+$0x470];
	_ =	sdelay $0x4  }
0x54: {  	v2 =	vshrl.u32 v2, $0x13;
	_ =	sdelay $0x4  }
0x55: {  	[tilespmem:v2+s9+$0x0] =	vst.idx.add.s32.msk $0xffff, v1  }
0x56: {  	v2 =	vld [tilespmem:s19+$0x800];
	_ =	sdelay $0x4  }
0x57: {  	v2 =	vshrl.u32 v2, $0x13;
	_ =	sdelay $0x4  }
0x58: {  	[tilespmem:v2+s9+$0x0] =	vst.idx.add.s32.msk $0xffff, v1  }
0x59: {  	v2 =	vld [tilespmem:s19+$0x810];
	_ =	sdelay $0x4  }
0x5a: {  	v2 =	vshrl.u32 v2, $0x13;
	_ =	sdelay $0x4  }
0x5b: {  	[tilespmem:v2+s9+$0x0] =	vst.idx.add.s32.msk $0xffff, v1  }
0x5c: {  	v2 =	vld [tilespmem:s19+$0x820];
	_ =	sdelay $0x4  }
0x5d: {  	v2 =	vshrl.u32 v2, $0x13;
	_ =	sdelay $0x4  }
0x5e: {  	[tilespmem:v2+s9+$0x0] =	vst.idx.add.s32.msk $0xffff, v1  }
0x5f: {  	v2 =	vld [tilespmem:s19+$0x830];
	_ =	sdelay $0x4  }
0x60: {  	v2 =	vshrl.u32 v2, $0x13;
	_ =	sdelay $0x4  }
0x61: {  	[tilespmem:v2+s9+$0x0] =	vst.idx.add.s32.msk $0xffff, v1  }
0x62: {  	v2 =	vld [tilespmem:s19+$0x840];
	_ =	sdelay $0x4  }
0x63: {  	v2 =	vshrl.u32 v2, $0x13;
	_ =	sdelay $0x4  }
0x64: {  	[tilespmem:v2+s9+$0x0] =	vst.idx.add.s32.msk $0xffff, v1  }
0x65: {  	v2 =	vld [tilespmem:s19+$0x850];
	_ =	sdelay $0x4  }
0x66: {  	v2 =	vshrl.u32 v2, $0x13;
	_ =	sdelay $0x4  }
0x67: {  	[tilespmem:v2+s9+$0x0] =	vst.idx.add.s32.msk $0xffff, v1  }
0x68: {  	v2 =	vld [tilespmem:s19+$0x860];
	_ =	sdelay $0x4  }
0x69: {  	v2 =	vshrl.u32 v2, $0x13;
	_ =	sdelay $0x4  }
0x6a: {  	[tilespmem:v2+s9+$0x0] =	vst.idx.add.s32.msk $0xffff, v1  }
0x6b: {  	v2 =	vld [tilespmem:s19+$0x870];
	_ =	sdelay $0x4  }
0x6c: {  	v2 =	vshrl.u32 v2, $0x13;
	_ =	sdelay $0x4  }
0x6d: {  	[tilespmem:v2+s9+$0x0] =	vst.idx.add.s32.msk $0xffff, v1  }
0x6e: {  	v2 =	vld [tilespmem:s19+$0xC00];
	_ =	sdelay $0x4  }
0x6f: {  	v2 =	vshrl.u32 v2, $0x13;
	_ =	sdelay $0x4  }
0x70: {  	[tilespmem:v2+s9+$0x0] =	vst.idx.add.s32.msk $0xffff, v1  }
0x71: {  	v2 =	vld [tilespmem:s19+$0xC10];
	_ =	sdelay $0x4  }
0x72: {  	v2 =	vshrl.u32 v2, $0x13;
	_ =	sdelay $0x4  }
0x73: {  	[tilespmem:v2+s9+$0x0] =	vst.idx.add.s32.msk $0xffff, v1  }
0x74: {  	v2 =	vld [tilespmem:s19+$0xC20];
	_ =	sdelay $0x4  }
0x75: {  	v2 =	vshrl.u32 v2, $0x13;
	_ =	sdelay $0x4  }
0x76: {  	[tilespmem:v2+s9+$0x0] =	vst.idx.add.s32.msk $0xffff, v1  }
0x77: {  	v2 =	vld [tilespmem:s19+$0xC30];
	_ =	sdelay $0x4  }
0x78: {  	v2 =	vshrl.u32 v2, $0x13;
	_ =	sdelay $0x4  }
0x79: {  	[tilespmem:v2+s9+$0x0] =	vst.idx.add.s32.msk $0xffff, v1  }
0x7a: {  	v2 =	vld [tilespmem:s19+$0xC40];
	_ =	sdelay $0x4  }
0x7b: {  	v2 =	vshrl.u32 v2, $0x13;
	_ =	sdelay $0x4  }
0x7c: {  	[tilespmem:v2+s9+$0x0] =	vst.idx.add.s32.msk $0xffff, v1  }
0x7d: {  	v2 =	vld [tilespmem:s19+$0xC50];
	_ =	sdelay $0x4  }
0x7e: {  	v2 =	vshrl.u32 v2, $0x13;
	_ =	sdelay $0x4  }
0x7f: {  	[tilespmem:v2+s9+$0x0] =	vst.idx.add.s32.msk $0xffff, v1  }
0x80: {  	v2 =	vld [tilespmem:s19+$0xC60];
	_ =	sdelay $0x4  }
0x81: {  	v2 =	vshrl.u32 v2, $0x13;
	_ =	sdelay $0x4  }
0x82: {  	[tilespmem:v2+s9+$0x0] =	vst.idx.add.s32.msk $0xffff, v1  }
0x83: {  	v2 =	vld [tilespmem:s19+$0xC70];
	_ =	sdelay $0x4  }
0x84: {  	p0 =	sne.s32 s18, $0xFE00;
	v2 =	vshrl.u32 v2, $0x13  }
.Ltmp1:
0x85: {  	_ = 	snop;
	(pc) =	sbr.rel @p0 .LBB2_4-.Ltmp1, $2  }
0x86: {  	_ =	sdelay $0x2  }
0x87: {  	s17 =	sadd.s32 $0x80, s17;
	s18 =	sadd.s32 $0x200, s18;
	[tilespmem:v2+s9+$0x0] =	vst.idx.add.s32.msk $0xffff, v1  }
0x88: {  	[spmem:s4] =	stream.strided.scatter [tilespmem:s9], [sflag:$0x1], $0x2000, s11, s10, $0x38;
	[tilespmem:$0x16200] =	vst v63  }
0x89: {  	_ =	swait.ge [sflag:s8], $0x2000  }
0x8a: {  	[sflag:s8] =	ssyncset.done $0x0  }
0x8b: {  	[sflag:s8] =	ssyncadd.s32 $0xFFFFE000  }
0x8c: {  	[bflag:$0x0] =	sbarrier.arrive $0xFFFF  }
0x8d: {  	[tilespmem:s13], [sflag:$0x1] =	stream.strided.gather [spmem:s5], $0x2000, s9, s12, $0x38;
	[tilespmem:$0x16200] =	vst v63  }
0x8e: {  	s17 =	simm.s32 $0x0;
	_ =	swait.ge [sflag:s8], $0x2000  }
0x8f: {  	s18 =	sand.u32 $0x70, s17;
	s17 =	sand.u32 $0xC00, s17;
	[sflag:s8] =	ssyncset.done $0x0  }
0x90: {  	s17 =	sor.u32 s18, s17;
	[sflag:s8] =	ssyncadd.s32 $0xFFFFE000  }
0x91: {  	v2 =	vld [tilespmem:s17+$0x12080]  }
0x92: {  	v3 =	vld [tilespmem:s17+$0x12000]  }
0x93: {  	v4 =	vld [tilespmem:s17+$0x12100]  }
0x94: {  	v5 =	vld [tilespmem:s17+$0x12180]  }
0x95: {  	v6 =	vld [tilespmem:s17+$0x12200]  }
0x96: {  	v7 =	vld [tilespmem:s17+$0x12280]  }
0x97: {  	v2 =	vadd.s32 v3, v2;
	v3 =	vld [tilespmem:s17+$0x12300]  }
0x98: {  	v56 =	vld [tilespmem:s17+$0x12380];
	v2 =	vadd.s32 v4, v2  }
0x99: {  	v57 =	vld [tilespmem:s17+$0x13000];
	v2 =	vadd.s32 v5, v2  }
0x9a: {  	v58 =	vld [tilespmem:s17+$0x13080];
	v2 =	vadd.s32 v6, v2  }
0x9b: {  	v59 =	vld [tilespmem:s17+$0x13100];
	v2 =	vadd.s32 v7, v2  }
0x9c: {  	v2 =	vadd.s32 v3, v2;
	v3 =	vld [tilespmem:s17+$0x13180]  }
0x9d: {  	v60 =	vld [tilespmem:s17+$0x13200];
	v2 =	vadd.s32 v56, v2  }
0x9e: {  	v61 =	vld [tilespmem:s17+$0x13280];
	v2 =	vadd.s32 v57, v2  }
0x9f: {  	v62 =	vld [tilespmem:s17+$0x13300];
	v2 =	vadd.s32 v58, v2  }
0xa0: {  	v63 =	vld [tilespmem:s17+$0x13380];
	v2 =	vadd.s32 v59, v2  }
0xa1: {  	v2 =	vadd.s32 v3, v2  }
0xa2: {  	v2 =	vadd.s32 v60, v2  }
0xa3: {  	v2 =	vadd.s32 v61, v2  }
0xa4: {  	s31 =	simm.s32 $0x10;
	s19 =	simm.s32 $0x80;
	v2 =	vadd.s32 v62, v2  }
0xa5: {  	s20 =	sand.u32 $0xC00, s19;
	s18 =	sand.u32 $0x70, s31;
	s17 =	simm.s32 $0x14000;
	v2 =	vadd.s32 v63, v2  }
0xa6: {  	s18 =	sor.u32 s18, s20;
	s20 =	simm.s32 $0x20;
	[tilespmem:s17+$0x0] =	vst v2  }
.LBB2_6:
0xa7: {  	p0 =	sne.s32 s20, $0x1F0;
	v2 =	vld [tilespmem:s18+$0x12080]  }
0xa8: {  	v3 =	vld [tilespmem:s18+$0x12000]  }
0xa9: {  	v4 =	vld [tilespmem:s18+$0x12100]  }
0xaa: {  	v5 =	vld [tilespmem:s18+$0x12180]  }
0xab: {  	v6 =	vld [tilespmem:s18+$0x12200]  }
0xac: {  	v7 =	vld [tilespmem:s18+$0x12280]  }
0xad: {  	v2 =	vadd.s32 v3, v2;
	v3 =	vld [tilespmem:s18+$0x12300]  }
0xae: {  	v2 =	vadd.s32 v4, v2;
	v4 =	vld [tilespmem:s18+$0x12380]  }
0xaf: {  	v2 =	vadd.s32 v5, v2;
	v5 =	vld [tilespmem:s18+$0x13000]  }
0xb0: {  	v2 =	vadd.s32 v6, v2;
	v6 =	vld [tilespmem:s18+$0x13080]  }
0xb1: {  	v2 =	vadd.s32 v7, v2;
	v7 =	vld [tilespmem:s18+$0x13100]  }
0xb2: {  	v2 =	vadd.s32 v3, v2;
	v3 =	vld [tilespmem:s18+$0x13180]  }
0xb3: {  	v2 =	vadd.s32 v4, v2;
	v4 =	vld [tilespmem:s18+$0x13200]  }
0xb4: {  	v2 =	vadd.s32 v5, v2;
	v5 =	vld [tilespmem:s18+$0x13280]  }
0xb5: {  	v2 =	vadd.s32 v6, v2;
	v6 =	vld [tilespmem:s18+$0x13300]  }
0xb6: {  	v2 =	vadd.s32 v7, v2;
	v7 =	vld [tilespmem:s18+$0x13380]  }
0xb7: {  	v2 =	vadd.s32 v3, v2  }
.Ltmp2:
0xb8: {  	v2 =	vadd.s32 v4, v2;
	(pc) =	sbr.rel @p0 .LBB2_6-.Ltmp2, $4  }
0xb9: {  	v2 =	vadd.s32 v5, v2  }
0xba: {  	s19 =	sadd.s32 $0x80, s19;
	v2 =	vadd.s32 v6, v2  }
0xbb: {  	s17 =	sadd.s32 $0x10, s17;
	s21 =	sand.u32 $0xC00, s19;
	s18 =	sand.u32 $0x70, s20;
	v2 =	vadd.s32 v7, v2  }
0xbc: {  	s20 =	sadd.s32 $0x10, s20;
	s18 =	sor.u32 s18, s21;
	[tilespmem:s17+$0x0] =	vst v2  }
0xbd: {  	v2 =	vld [tilespmem:s18+$0x12080]  }
0xbe: {  	v3 =	vld [tilespmem:s18+$0x12000]  }
0xbf: {  	v4 =	vld [tilespmem:s18+$0x12100]  }
0xc0: {  	v5 =	vld [tilespmem:s18+$0x12180]  }
0xc1: {  	v6 =	vld [tilespmem:s18+$0x12200]  }
0xc2: {  	v7 =	vld [tilespmem:s18+$0x12280]  }
0xc3: {  	v2 =	vadd.s32 v3, v2;
	v3 =	vld [tilespmem:s18+$0x12300]  }
0xc4: {  	v56 =	vld [tilespmem:s18+$0x12380];
	v2 =	vadd.s32 v4, v2  }
0xc5: {  	v57 =	vld [tilespmem:s18+$0x13000];
	v2 =	vadd.s32 v5, v2  }
0xc6: {  	v58 =	vld [tilespmem:s18+$0x13080];
	v2 =	vadd.s32 v6, v2  }
0xc7: {  	v59 =	vld [tilespmem:s18+$0x13100];
	v2 =	vadd.s32 v7, v2  }
0xc8: {  	v2 =	vadd.s32 v3, v2;
	v3 =	vld [tilespmem:s18+$0x13180]  }
0xc9: {  	v60 =	vld [tilespmem:s18+$0x13200];
	v2 =	vadd.s32 v56, v2  }
0xca: {  	v61 =	vld [tilespmem:s18+$0x13280];
	v2 =	vadd.s32 v57, v2  }
0xcb: {  	v62 =	vld [tilespmem:s18+$0x13300];
	v2 =	vadd.s32 v58, v2  }
0xcc: {  	v63 =	vld [tilespmem:s18+$0x13380];
	v2 =	vadd.s32 v59, v2  }
0xcd: {  	v2 =	vadd.s32 v3, v2  }
0xce: {  	v2 =	vadd.s32 v60, v2  }
0xcf: {  	v2 =	vadd.s32 v61, v2  }
0xd0: {  	s16 =	sadd.s32 $0x1, s16;
	v2 =	vadd.s32 v62, v2  }
0xd1: {  	s17 =	sadd.s32 $0x10, s17;
	p0 =	sne.s32 s16, s7;
	v2 =	vadd.s32 v63, v2  }
.Ltmp3:
0xd2: {  	[tilespmem:s17+$0x0] =	vst v2;
	(pc) =	sbr.rel @p0 .LBB2_1-.Ltmp3, $4  }
0xd3: {  	[hbm4b:s6+s10] =	stream.strided.scatter [tilespmem:s15], [sflag:$0x1], $0x200, s14, s10, $0x38;
	[tilespmem:$0x16200] =	vst v63  }
0xd4: {  	_ =	swait.ge [sflag:s8], $0x200  }
0xd5: {  	[sflag:s8] =	ssyncset.done $0x0  }
0xd6: {  	[sflag:s8] =	ssyncadd.s32 $0xFFFFFE00  }
0xd7: {  	_ =	sfence.sel $0x180000  }
0xd8: {  	[bflag:$0x0] =	sbarrier.arrive $0xFFFF  }
0xd9: {  	p0 =	sne.s32 s2, $0x0;
	_ =	strace $0x90000047  }
0xda: {  	s0 =	sadd.s32 @!p0 $0x100000, s0;
	[bflag:$0x2] =	sbarrier.arrive $0xFFFF  }
0xdb: {  	[sflag:s0] =	ssyncadd.tile.s32 @!p0 $0x1;
	_ =	shalt  }
.Lfunc_end2:
_tile_overlayer_lowered:
.L_overlay_start_2:
0xdc: {  	(tag) =	ssettag $0x2  }
0xdd: {  	s0 =	rddreg [dreg:$0x0];
	s2 =	stileid.u32  }
0xde: {  	s1 =	rddreg [dreg:$0x1];
	p0 =	sne.s32 s2, $0x0  }
0xdf: {  	s3 =	rddreg [dreg:$0x2];
	[bflag:$0x3] =	sbarrier.arrive $0xFFFF;
	s2 =	simm.s32 @!p0 $0x1C01  }
0xe0: {  	[timem:s3], [sflag:s2] =	dma.local @!p0 [hbm:s0], s1  }
0xe1: {  	s0 =	simm.s32 @!p0 $0x1  }
0xe2: {  	_ =	swait.ge @!p0 [sflag:s0], s1  }
0xe3: {  	s1 =	ssub.s32 @!p0 $0x0, s1;
	[sflag:s0] =	ssyncset.done @!p0 $0x0  }
0xe4: {  	[sflag:s0] =	ssyncadd.s32 @!p0 s1  }
0xe5: {  	[bflag:$0x3] =	sbarrier.arrive $0xFFFF  }
0xe6: {  	_ =	shalt  }

// kernel: kernel.9.cloned.1.call-start
scs
__scs_entry_jumppad:
0x0: {  	(pc) =	sbr.rel $0x88, $3  }
0x1: {  	(tag) =	ssettag $0x0;
	lr =	simm.s32 $0x1  }
0x2: {  	[smem:$0x3F9F] =	sst lr;
	_ =	strace $0xD0000000  }
0x3: {  	_ = 	snop  }
0x4: {  	_ = 	snop  }
0x5: {  	_ = 	snop  }
0x6: {  	_ = 	snop  }
0x7: {  	_ = 	snop  }
__scs_overlays_trampoline_lowered:
0x8: {  	[smem:$0x3FAE] =	sst s0  }
0x9: {  	[smem:$0x3FAF] =	sst s1  }
0xa: {  	[smem:$0x3FB0] =	sst s2  }
0xb: {  	[smem:$0x3FB1] =	sst s3  }
0xc: {  	[smem:$0x3FB2] =	sst s4  }
0xd: {  	[smem:$0x3FB3] =	sst s5  }
0xe: {  	[smem:$0x3FB4] =	sst s6  }
0xf: {  	[smem:$0x3FB5] =	sst s7  }
0x10: {  	[smem:$0x3FB6] =	sst s8  }
0x11: {  	[smem:$0x3FB7] =	sst s9;
	s0 =	simm.s32 @!p0 $0x0  }
0x12: {  	s1 =	sld [smem:$0x3F9D];
	s0 =	simm.s32 @p0 $0x1  }
0x13: {  	[smem:$0x3FB8] =	sst s0;
	s0 =	simm.s32 @!p1 $0x0  }
0x14: {  	s2 =	sld [smem:$0x3F9C];
	s0 =	simm.s32 @p1 $0x1  }
0x15: {  	[smem:$0x3FB9] =	sst s0;
	s0 =	simm.s32 @!p2 $0x0  }
0x16: {  	s3 =	sld [smem:$0x3FDB];
	s0 =	simm.s32 @p2 $0x1  }
0x17: {  	s4 =	simm.s32 $0x1BF5;
	[smem:$0x3FBB] =	sst s0  }
0x18: {  	s0 =	sld [smem:$0x3F9E];
	_ =	swait.ge [sflag:s4], $0x0  }
0x19: {  	s7 =	sld [smem:$0x3F9F]  }
0x1a: {  	s8 =	sadd.s32 $0xFFFFE003, lr  }
0x1b: {  	s9 =	sadd.s32 $0xFFFFFEF7, lr;
	s5 =	simm.s32 $0xFFFFFFFF;
	p2 =	slt.u32 s8, $0xFFFFF086  }
0x1c: {  	p1 =	slt.u32 s9, $0xF7A;
	s5 =	simm.s32 @!p2 $0x0  }
0x1d: {  	s5 =	simm.s32 @p1 $0x1;
	p0 =	seq.s32 s7, s2  }
0x1e: {  	s7 =	smul.u32 @!p0 $0xF7A, s2;
	p2 =	seq.s32 @!p0 s5, $0x0  }
0x1f: {  	s9 =	smul.u32 $0xF7A, s1;
	s8 =	simm.s32 @!p0 $0x1BF5;
	p2 =	por !p2, p0  }
0x20: {  	[sflag:s8] =	ssyncset.s32 @!p0 $0xFFFFF086;
	s6 =	sadd.s32 @!p0 s3, s7;
	s7 =	simm.s32 @!p0 $0x108  }
0x21: {  	s3 =	sadd.s32 s3, s9;
	s6 =	sadd.s32 @!p0 $0x88, s6;
	s7 =	simm.s32 @p2 $0x1082  }
0x22: {  	[simem:s7], [sflag:s8] =	dma.local @!p0 [hbm:s6], $0xF7A  }
0x23: {  	s9 =	sor.u32 $0xD0000000, s2;
	s6 =	simm.s32 $0x108;
	_ =	swait.ge @!p0 [sflag:s8], $0x0  }
0x24: {  	s3 =	sadd.s32 $0x88, s3;
	s6 =	simm.s32 @!p1 $0x1082;
	[sflag:s4] =	ssyncset.s32 $0xFFFFF086  }
0x25: {  	[simem:s6], [sflag:s4] =	dma.local [hbm:s3], $0xF7A  }
0x26: {  	[smem:$0x3F9F] =	sst s1;
	(tag) =	ssettag s2;
	_ =	strace s9  }
0x27: {  	s1 =	sld [smem:$0x3FAF]  }
0x28: {  	s2 =	sld [smem:$0x3FB0]  }
0x29: {  	s4 =	sld [smem:$0x3FB2]  }
0x2a: {  	p0 =	seq.s32 s5, $0x0;
	s5 =	sld [smem:$0x3FB3]  }
0x2b: {  	s6 =	sld [smem:$0x3FB4]  }
0x2c: {  	s7 =	sld [smem:$0x3FB5]  }
0x2d: {  	s3 =	simm.s32 $0x108;
	s8 =	sld [smem:$0x3FB6]  }
0x2e: {  	s3 =	simm.s32 @!p0 $0x1082;
	s9 =	sld [smem:$0x3FB7]  }
0x2f: {  	lr =	sadd.s32 s0, s3;
	s0 =	sld [smem:$0x3FAE]  }
0x30: {  	s3 =	sld [smem:$0x3FB1]  }
0x31: {  	[smem:$0x3FBA] =	sst s10  }
0x32: {  	s10 =	sld [smem:$0x3FB8];
	_ =	sdelay $0x3  }
0x33: {  	p0 =	seq.s32 s10, $0x1;
	s10 =	sld [smem:$0x3FBA];
	_ =	sdelay $0x3  }
0x34: {  	[smem:$0x3FBA] =	sst s10  }
0x35: {  	s10 =	sld [smem:$0x3FB9];
	_ =	sdelay $0x3  }
0x36: {  	p1 =	seq.s32 s10, $0x1;
	s10 =	sld [smem:$0x3FBA];
	_ =	sdelay $0x3  }
0x37: {  	[smem:$0x3FBA] =	sst s10  }
0x38: {  	s10 =	sld [smem:$0x3FBB]  }
0x39: {  	_ = 	snop;
	(pc) =	sbr.ind lr, $3  }
0x3a: {  	_ = 	snop  }
0x3b: {  	_ = 	snop  }
0x3c: {  	p2 =	seq.s32 s10, $0x1;
	s10 =	sld [smem:$0x3FBA]  }
0x3d: {  	_ =	shalt  }
0x3e: {  	_ =	shalt  }
0x3f: {  	_ =	shalt  }
0x40: {  	_ =	shalt  }
0x41: {  	_ =	shalt  }
0x42: {  	_ =	shalt  }
0x43: {  	_ =	shalt  }
0x44: {  	_ =	shalt  }
0x45: {  	_ =	shalt  }
0x46: {  	_ =	shalt  }
0x47: {  	_ =	shalt  }
0x48: {  	_ =	shalt  }
0x49: {  	_ =	shalt  }
0x4a: {  	_ =	shalt  }
0x4b: {  	_ =	shalt  }
0x4c: {  	_ =	shalt  }
0x4d: {  	_ =	shalt  }
0x4e: {  	_ =	shalt  }
0x4f: {  	_ =	shalt  }
0x50: {  	_ =	shalt  }
0x51: {  	_ =	shalt  }
0x52: {  	_ =	shalt  }
0x53: {  	_ =	shalt  }
0x54: {  	_ =	shalt  }
0x55: {  	_ =	shalt  }
0x56: {  	_ =	shalt  }
0x57: {  	_ =	shalt  }
0x58: {  	_ =	shalt  }
0x59: {  	_ =	shalt  }
0x5a: {  	_ =	shalt  }
0x5b: {  	_ =	shalt  }
0x5c: {  	_ =	shalt  }
0x5d: {  	_ =	shalt  }
0x5e: {  	_ =	shalt  }
0x5f: {  	_ =	shalt  }
0x60: {  	_ =	shalt  }
0x61: {  	_ =	shalt  }
0x62: {  	_ =	shalt  }
0x63: {  	_ =	shalt  }
0x64: {  	_ =	shalt  }
0x65: {  	_ =	shalt  }
0x66: {  	_ =	shalt  }
0x67: {  	_ =	shalt  }
0x68: {  	_ =	shalt  }
0x69: {  	_ =	shalt  }
0x6a: {  	_ =	shalt  }
0x6b: {  	_ =	shalt  }
0x6c: {  	_ =	shalt  }
0x6d: {  	_ =	shalt  }
0x6e: {  	_ =	shalt  }
0x6f: {  	_ =	shalt  }
0x70: {  	_ =	shalt  }
0x71: {  	_ =	shalt  }
0x72: {  	_ =	shalt  }
0x73: {  	_ =	shalt  }
0x74: {  	_ =	shalt  }
0x75: {  	_ =	shalt  }
0x76: {  	_ =	shalt  }
0x77: {  	_ =	shalt  }
0x78: {  	_ =	shalt  }
0x79: {  	_ =	shalt  }
0x7a: {  	_ =	shalt  }
0x7b: {  	_ =	shalt  }
0x7c: {  	_ =	shalt  }
0x7d: {  	_ =	shalt  }
0x7e: {  	_ =	shalt  }
0x7f: {  	_ =	shalt  }
0x80: {  	_ =	shalt  }
0x81: {  	_ =	shalt  }
0x82: {  	_ =	shalt  }
0x83: {  	_ =	shalt  }
0x84: {  	_ =	shalt  }
0x85: {  	_ =	shalt  }
0x86: {  	_ =	shalt  }
0x87: {  	_ =	shalt  }
.Lfunc_end0:
.L_simem_size_0:
called_computation.1_lowered:
.L_overlay_start_0:
0x88: {  	s2 =	sld [smem:$0x3FD9]  }
0x89: {  	s3 =	sld [smem:$0x3FFE];
	_ =	sdelay $0x1  }
0x8a: {  	s1 =	srdreg.scid  }
0x8b: {  	s0 =	sand.u32 $0x1, s1  }
0x8c: {  	s16 =	sshll.u32 s0, $0xA;
	s2 =	sadd.s32 s3, s2  }
0x8d: {  	s2 =	sadd.s32 s2, s16  }
0x8e: {  	[smem:$0x3FC6] =	sst s2  }
0x8f: {  	_ = 	snop  }
0x90: {  	(tm) =	ssettm $0x1  }
0x91: {  	s17 =	sld [smem:$0x3FFB];
	_ =	sdelay $0x3  }
0x92: {  	_ =	strace s17  }
0x93: {  	s2 =	sld [smem:$0x3FFC];
	_ =	sdelay $0x3  }
0x94: {  	_ =	strace s2  }
0x95: {  	s2 =	sld [smem:$0x3FFD];
	_ =	sdelay $0x3  }
0x96: {  	_ =	strace s2  }
0x97: {  	_ =	strace $0x8FFFFFFF  }
0x98: {  	s18 =	sld [smem:$0x3FDB];
	_ =	sdelay $0x1  }
0x99: {  	s19 =	simm.s32 $_scs_section_size  }
0x9a: {  	s4 =	simm.s32 $_size__tile_overlayer_lowered;
	s5 =	simm.s32 $_tile_overlayer_lowered  }
0x9b: {  	s22 =	simm.s32 $0x1BFF;
	s21 =	sshll.u32 s5, $0x1;
	s2 =	sadd.s32 s19, s18  }
0x9c: {  	s6 =	simm.s32 $0x0;
	s20 =	sshll.u32 s4, $0x1;
	s4 =	sadd.s32 s21, s2  }
0x9d: {  	[timem:s6], [sflag:s22] =	dma.local [hbm:s4], s20  }
0x9e: {  	_ =	swait.ge [sflag:s22], s20  }
0x9f: {  	s3 =	ssub.s32 $0x0, s20;
	[sflag:s22] =	ssyncset.done $0x0  }
0xa0: {  	[sflag:s22] =	ssyncadd.s32 s3;
	_ =	sdelay $0x1  }
0xa1: {  	s23 =	simm.s32 $0x1B8B  }
0xa2: {  	_ =	swait.ge [sflag:s23], $0x1  }
0xa3: {  	[sflag:s23] =	ssyncset.done $0x0  }
0xa4: {  	s25 =	simm.s32 $0x1B8E;
	s24 =	sld [smem:$0x3FFE];
	[sflag:s23] =	ssyncadd.s32 $0xFFFFFFFF  }
0xa5: {  	s26 =	simm.s32 $execute0_lowered;
	[smem:$0x3FD2] =	sst s25  }
0xa6: {  	s4 =	sshll.u32 s26, $0x1;
	_ =	strace $0x80000049;
	[dreg:$0x1] =	wrdreg $0xFFFFFFFF  }
0xa7: {  	s28 =	simm.s32 $_size_execute0_lowered;
	s2 =	sadd.s32 s2, s4;
	[dreg:$0x0] =	wrdreg $0x0  }
0xa8: {  	s4 =	sshll.u32 s28, $0x1;
	[dreg:$0x2] =	wrdreg s2  }
0xa9: {  	[dreg:$0x3] =	wrdreg s4  }
0xaa: {  	[dreg:$0x4] =	wrdreg $0xC0  }
0xab: {  	_ =	task [dreg:s6], $0x5FFFF  }
0xac: {  	[dreg:$0x1] =	wrdreg $0xFFFFFFFF  }
0xad: {  	[dreg:$0x0] =	wrdreg $0x60  }
0xae: {  	[dreg:$0x2] =	wrdreg s24  }
0xaf: {  	[dreg:$0x3] =	wrdreg $0x9  }
0xb0: {  	_ =	task.clear_ibuf [dreg:s6], $0x4FFFF;
	_ =	strace $0x90000049  }
0xb1: {  	s29 =	simm.s32 $0x9;
	_ =	strace $0x8000004B  }
0xb2: {  	_ =	swait.ge [sflag:s29], $0x1  }
0xb3: {  	[sflag:s29] =	ssyncadd.s32 $0xFFFFFFFF  }
0xb4: {  	_ =	strace $0x9000004B  }
0xb5: {  	_ =	sfence  }
0xb6: {  	s30 =	sld [smem:$0x0];
	_ =	sdelay $0x2  }
0xb7: {  	s31 =	sshll.u32 s1, $0xD;
	s1 =	sshrl.u32 s1, $0x2  }
0xb8: {  	s3 =	sand.u32 $0x4000, s31;
	s1 =	sadd.s32 s1, s30  }
0xb9: {  	s0 =	sor.u32 s3, s0;
	s1 =	sshll.u32 s1, $0x11  }
0xba: {  	s0 =	sor.u32 s1, s0  }
0xbb: {  	s0 =	sadd.s32 $0x8F2B, s0  }
0xbc: {  	[sflag:s0] =	ssyncadd.remote.s32 $0x1  }
0xbd: {  	_ =	sfence.sel $0xFFFF  }
0xbe: {  	[dreg:$0x0] =	wrdreg $0xFFFFFFFF;
	(pc) =	sbr.abs _section_cstart, $3  }
0xbf: {  	[dreg:$0x1] =	wrdreg $0xFFFFFFFF  }
0xc0: {  	_ =	task.clear_ibuf [dreg:s6], $0x2FFFF;
	_ =	strace $0x9FFFFFFF  }
0xc1: {  	(tm) =	ssettm $0x7FFFFFFF  }
tec
execute0_lowered:
.L_overlay_start_1:
0x0: {  	(tag) =	ssettag $0x1  }
0x1: {  	s5 =	rddreg [dreg:$0x0]  }
0x2: {  	s0 =	rddreg [dreg:$0x1]  }
0x3: {  	s2 =	simm.s32 $0x0;
	s3 =	srdreg.scid;
	s1 =	stileid.u32  }
0x4: {  	s13 =	simm.s32 $0xC000;
	s14 =	simm.s32 $0x1C080;
	s15 =	simm.s32 $0x1C100  }
0x5: {  	s16 =	simm.s32 $0x80;
	s17 =	simm.s32 $0x400;
	s18 =	simm.s32 $0x0  }
0x6: {  	[smem:$0x7FF] =	sst s2;
	s7 =	sand.u32 $0x1, s3;
	s26 =	sshll.u32 s1, $0x1  }
0x7: {  	s9 =	sshrl.u32 s1, $0x2;
	s29 =	sshll.u32 s1, $0x8;
	_ =	strace $0x8000004A  }
0x8: {  	s3 =	sor.u32 s7, s26;
	s8 =	sshll.u32 s9, $0xA;
	s10 =	ssub.s32 $0x2, s7  }
0x9: {  	s12 =	sshll.u32 s7, $0x7;
	s30 =	sshll.u32 s9, $0x13;
	s4 =	sshll.u32 s3, $0xD  }
0xa: {  	s3 =	sshll.u32 s3, $0x7;
	s11 =	sshrl.u32 s10, $0x1;
	s6 =	sadd.s32 s4, s5  }
0xb: {  	s28 =	sand.u32 $0x380, s3;
	s3 =	sadd.s32 $0x41800, s5;
	s4 =	sadd.s32 $0x42000, s5  }
.Ltmp0:
0xc: {  	s10 =	ssub.s32 s10, s11;
	s11 =	sor.u32 s12, s29;
	(pc) =	sbr.rel .LBB2_1-.Ltmp0, $4  }
0xd: {  	v0 =	vlaneseq.u32;
	s12 =	simm.s32 $0x1;
	s8 =	sor.u32 s8, s28;
	s9 =	smax.u32 s10, $0x1  }
0xe: {  	v0 =	vmul.u32 $0xFFFFFFFF, v0;
	s31 =	sand.u32 $0x380, s11;
	s11 =	simm.s32 $0x8000;
	s8 =	sshrl.u32 s8, $0x3  }
0xf: {  	v1 =	vimm.s32 $0x0;
	s10 =	sor.u32 s31, s30;
	s8 =	sadd.s32 s8, s5;
	s5 =	sadd.s32 $0x1800, s6  }
0x10: {  	vm0 =	vcmask $0x704;
	vm1 =	vcmask $0x3F04;
	v0 =	vadd.s32 $0xF, v0;
	s6 =	sadd.s32 $0x2800, s6;
	s7 =	sadd.s32 $0x82000, s8;
	s8 =	sadd.s32 $0x82200, s8  }
.LBB2_10:
0x11: {  	[sflag:s12] =	ssyncset.done $0x0  }
0x12: {  	[sflag:s12] =	ssyncadd.s32 $0xFFFFFC00  }
.LBB2_11:
0x13: {  	s18 =	sadd.s32 $0x1, s18  }
0x14: {  	p0 =	sne.s32 s18, s9  }
.Ltmp1:
0x15: {  	_ = 	snop;
	(pc) =	sbr.rel @!p0 .LBB2_12-.Ltmp1, $1  }
0x16: {  	_ =	sdelay $0x3  }
.LBB2_1:
0x17: {  	[tilespmem:s11], [sflag:$0x1] =	stream.linear.gather [hbm4b:s3+s2], $0x4000, $0x38;
	[tilespmem:$0x1C180] =	vst v63  }
0x18: {  	s19 =	simm.s32 $0x1FF0  }
0x19: {  	s20 =	simm.s32 $0x3FE0;
	s22 =	simm.s32 $0x1FE0;
	_ =	swait.ge [sflag:s12], $0x4000  }
0x1a: {  	s19 =	sand.u32 $0x70, s19;
	s20 =	sand.u32 $0x3F00, s20;
	[sflag:s12] =	ssyncset.done $0x0  }
0x1b: {  	s21 =	simm.s32 $0x3FC0;
	s19 =	sor.u32 s19, s20;
	[sflag:s12] =	ssyncadd.s32 $0xFFFFC000  }
0x1c: {  	s21 =	sand.u32 $0x3F00, s21;
	s20 =	sand.u32 $0x70, s22;
	v2 =	vld [tilespmem:s19+$0x8000]  }
0x1d: {  	s23 =	sor.u32 s20, s21;
	v3 =	vld [tilespmem:s19+$0x8080]  }
0x1e: {  	v4 =	vld [tilespmem:s23+$0x8000]  }
0x1f: {  	v5 =	vld [tilespmem:s23+$0x8080]  }
0x20: {  	s24 =	simm.s32 $0x1FD0;
	s25 =	simm.s32 $0x3FA0;
	s28 =	simm.s32 $0x1FC0  }
0x21: {  	s29 =	simm.s32 $0x3F80;
	s20 =	sand.u32 $0x70, s24;
	s21 =	sand.u32 $0x3F00, s25  }
0x22: {  	s26 =	sor.u32 s20, s21;
	s19 =	sand.u32 $0x70, s28;
	s20 =	sand.u32 $0x3F00, s29;
	v2 =	vadd.s32 v2, v3  }
0x23: {  	s19 =	sor.u32 s19, s20;
	v2 =	vperm.xlane v2, v0  }
0x24: {  	v3 =	vadd.s32 v4, v5;
	v4 =	vld [tilespmem:s19+$0x8000]  }
0x25: {  	v3 =	vperm.xlane v3, v0;
	(xrf0) =	vadd.scan.msk.s32 $0xffff, v2;
	v2 =	vld [tilespmem:s19+$0x8080];
	_ =	sdelay $0x1  }
0x26: {  	(xrf0) =	vadd.scan.msk.s32 $0xffff, v3  }
0x27: {  	v6 =	vld [tilespmem:s26+$0x8000]  }
0x28: {  	v7 =	vld [tilespmem:s26+$0x8080]  }
0x29: {  	v2 =	vadd.s32 v4, v2  }
0x2a: {  	v4, _, _ =	vpop (xrf0)  }
0x2b: {  	(v2sf) =	vpush v4, $0xF  }
0x2c: {  	v3 =	vperm.xlane v2, v0;
	v2, _, _ =	vpop (xrf0)  }
0x2d: {  	v5 =	vadd.s32 v6, v7;
	(v2sf) =	vpush v2, $0xF  }
0x2e: {  	v5 =	vperm.xlane v5, v0;
	_ =	sdelay $0x1  }
0x2f: {  	s30 =	simm.s32 $0x1FB0;
	s31 =	simm.s32 $0x3F60;
	(xrf0) =	vadd.scan.msk.s32 $0xffff, v5  }
0x30: {  	s20 =	sand.u32 $0x3F00, s31;
	s19 =	sand.u32 $0x70, s30  }
0x31: {  	s19 =	sor.u32 s19, s20  }
0x32: {  	v5 =	vld [tilespmem:s19+$0x8000]  }
0x33: {  	v6 =	vld [tilespmem:s19+$0x8080];
	_ =	sdelay $0x1  }
0x34: {  	s21 =	simm.s32 $0x3F40;
	s20 =	simm.s32 $0x1FA0;
	s19 =	simm.s32 $0x0;
	v7 =	vadd.s32 s2, v4;
	v4 =	vimm.s32 $0x0;
	(xrf0) =	vadd.scan.msk.s32 $0xffff, v3;
	v3, _, _ =	vpop (xrf0)  }
.LBB2_2:
0x35: {  	s22 =	sand.u32 $0x70, s20;
	s23 =	sand.u32 $0x3F00, s21;
	(v2sf) =	vpush v3, $0xF;
	vm2 =	vgt.s32 v7, $0x166665;
	p0 =	sne.s32 s20, $0x0  }
.Ltmp2:
0x36: {  	s20 =	sadd.s32 $0xFFFFFFF0, s20;
	s22 =	sor.u32 s22, s23;
	v7 =	vmpcnt.ones.xlane vm2;
	(pc) =	sbr.rel @p0 .LBB2_2-.Ltmp2, $4  }
0x37: {  	v8 =	vadd.s32 v5, v6;
	v5 =	vld [tilespmem:s22+$0x8000]  }
0x38: {  	v6 =	vld [tilespmem:s22+$0x8080];
	v8 =	vperm.xlane v8, v0;
	v4 =	vadd.s32 v4, v7;
	s22 =	spop (v2sf)  }
0x39: {  	s19 =	sadd.s32 s19, s22  }
0x3a: {  	s21 =	sadd.s32 $0xFFFFFFE0, s21;
	(xrf0) =	vadd.scan.msk.s32 $0xffff, v8;
	v7 =	vadd.s32 s19, v2;
	v2 =	vmov v3;
	v3, _, _ =	vpop (xrf0)  }
0x3b: {  	_ =	sdelay $0x4  }
0x3c: {  	(v2sf) =	vpush v3, $0xF;
	v8, _, _ =	vpop (xrf0)  }
0x3d: {  	(v2sf) =	vpush v8, $0xF;
	_ =	sdelay $0x6  }
0x3e: {  	v5 =	vadd.s32 v5, v6  }
0x3f: {  	v5 =	vperm.xlane v5, v0;
	_ =	sdelay $0x1  }
0x40: {  	(xrf0) =	vadd.scan.msk.s32 $0xffff, v5  }
0x41: {  	vm2 =	vgt.s32 v7, $0x166665  }
0x42: {  	s20 =	spop (v2sf);
	v5 =	vmpcnt.ones.xlane vm2  }
0x43: {  	s19 =	sadd.s32 s19, s20;
	s26 =	spop (v2sf)  }
0x44: {  	v2 =	vadd.s32 s19, v2;
	s19 =	sadd.s32 s19, s26;
	s28 =	spop (v2sf)  }
0x45: {  	vm2 =	vgt.s32 v2, $0x166665;
	v4 =	vadd.s32 v4, v5;
	v2 =	vadd.s32 s19, v3;
	s19 =	sadd.s32 s19, s28;
	s29 =	spop (v2sf)  }
0x46: {  	v3 =	vmpcnt.ones.xlane vm2;
	v5, _, _ =	vpop (xrf0);
	vm2 =	vgt.s32 v2, $0x166665;
	v2 =	vadd.s32 s19, v8;
	s19 =	sadd.s32 s19, s29  }
0x47: {  	v6 =	vmpcnt.ones.xlane vm2;
	vm2 =	vgt.s32 v2, $0x166665;
	v2 =	vadd.s32 s19, v5  }
0x48: {  	v3 =	vadd.s32 v4, v3;
	v4 =	vmpcnt.ones.xlane vm2;
	vm2 =	vgt.s32 v2, $0x166665  }
0x49: {  	v2 =	vadd.s32 v3, v6;
	v3 =	vmpcnt.ones.xlane vm2  }
0x4a: {  	v2 =	vadd.s32 v2, v4  }
0x4b: {  	(v2sf) =	vpush v5, $0xF;
	v2 =	vadd.s32 v2, v3  }
0x4c: {  	(v2sf) =	vpush v2, $0x0;
	_ =	sdelay $0xb  }
0x4d: {  	s19 =	simm.s32 $0x0  }
0x4e: {  	[tilespmem:s19], [sflag:$0x1] =	stream.linear.gather [hbm4b:s5+s19], $0x8000, $0x38;
	[tilespmem:$0x1C180] =	vst v63  }
0x4f: {  	s30 =	spop (v2sf)  }
0x50: {  	s31 =	spop (v2sf)  }
0x51: {  	_ =	swait.ge [sflag:s12], $0x8000  }
0x52: {  	v5 =	vimm.f32 $0.0e+00;
	s20 =	sadd.s32 $0xFFFFFFFF, s31;
	[sflag:s12] =	ssyncset.done $0x0  }
0x53: {  	v4 =	vimm.f32 $0.0e+00;
	v2 =	vimm.s32 $0x0;
	v3 =	vmov s20;
	s20 =	simm.s32 $0x0;
	[sflag:s12] =	ssyncadd.s32 $0xFFFF8000  }
.LBB2_4:
0x54: {  	s21 =	sand.u32 $0x7000, s20;
	s22 =	sand.u32 $0x380, s19  }
0x55: {  	s21 =	sor.u32 s22, s21  }
0x56: {  	v6 =	vld [tilespmem:s21+$0x0];
	_ =	sdelay $0x4  }
0x57: {  	v10 =	vshrl.u32 v6, $0x13  }
0x58: {  	vm2 =	veq.s32 v10, v3  }
0x59: {  	v7 =	vsel vm2, $0x1, v1  }
0x5a: {  	(xrf0) =	vadd.scan.msk.s32 $0xffff, v7;
	_ =	sdelay $0x5  }
0x5b: {  	v7, _, _ =	vpop (xrf0)  }
0x5c: {  	v7 =	vadd.s32 v7, v2  }
0x5d: {  	v7 =	vadd.s32 $0xFFFFFFFF, v7;
	_ =	sdelay $0x4  }
0x5e: {  	[tilespmem:v7+s13+$0x0] =	vst.idx.msk vm2, v6  }
0x5f: {  	v7 =	vld [tilespmem:s21+$0x10];
	_ =	sdelay $0x4  }
0x60: {  	v8 =	vshrl.u32 v7, $0x13  }
0x61: {  	vm3 =	veq.s32 v8, v3  }
0x62: {  	v9 =	vsel vm3, $0x1, v1  }
0x63: {  	(xrf0) =	vadd.scan.msk.s32 $0xffff, v9;
	_ =	sdelay $0x3  }
0x64: {  	v14 =	vmpcnt.ones.xlane vm2;
	_ =	sdelay $0x1  }
0x65: {  	v2 =	vadd.s32 v2, v14;
	v15, _, _ =	vpop (xrf0)  }
0x66: {  	v9 =	vadd.s32 v15, v2  }
0x67: {  	v9 =	vadd.s32 $0xFFFFFFFF, v9;
	_ =	sdelay $0x4  }
0x68: {  	[tilespmem:v9+s13+$0x0] =	vst.idx.msk vm3, v7  }
0x69: {  	v9 =	vld [tilespmem:s21+$0x20];
	_ =	sdelay $0x4  }
0x6a: {  	v12 =	vshrl.u32 v9, $0x13  }
0x6b: {  	vm2 =	veq.s32 v12, v3  }
0x6c: {  	v11 =	vsel vm2, $0x1, v1  }
0x6d: {  	(xrf0) =	vadd.scan.msk.s32 $0xffff, v11;
	_ =	sdelay $0x3  }
0x6e: {  	v16 =	vmpcnt.ones.xlane vm3;
	_ =	sdelay $0x1  }
0x6f: {  	v2 =	vadd.s32 v2, v16;
	v17, _, _ =	vpop (xrf0)  }
0x70: {  	v11 =	vadd.s32 v17, v2  }
0x71: {  	v11 =	vadd.s32 $0xFFFFFFFF, v11;
	_ =	sdelay $0x4  }
0x72: {  	[tilespmem:v11+s13+$0x0] =	vst.idx.msk vm2, v9  }
0x73: {  	v11 =	vld [tilespmem:s21+$0x30];
	_ =	sdelay $0x4  }
0x74: {  	v14 =	vshrl.u32 v11, $0x13  }
0x75: {  	vm3 =	veq.s32 v14, v3  }
0x76: {  	v13 =	vsel vm3, $0x1, v1  }
0x77: {  	(xrf0) =	vadd.scan.msk.s32 $0xffff, v13;
	_ =	sdelay $0x3  }
0x78: {  	v18 =	vmpcnt.ones.xlane vm2;
	_ =	sdelay $0x1  }
0x79: {  	v2 =	vadd.s32 v2, v18;
	v19, _, _ =	vpop (xrf0)  }
0x7a: {  	v13 =	vadd.s32 v19, v2  }
0x7b: {  	v13 =	vadd.s32 $0xFFFFFFFF, v13;
	_ =	sdelay $0x4  }
0x7c: {  	[tilespmem:v13+s13+$0x0] =	vst.idx.msk vm3, v11  }
0x7d: {  	v13 =	vld [tilespmem:s21+$0x40];
	_ =	sdelay $0x4  }
0x7e: {  	v15 =	vshrl.u32 v13, $0x13  }
0x7f: {  	vm2 =	veq.s32 v15, v3  }
0x80: {  	v16 =	vsel vm2, $0x1, v1  }
0x81: {  	(xrf0) =	vadd.scan.msk.s32 $0xffff, v16;
	_ =	sdelay $0x3  }
0x82: {  	v20 =	vmpcnt.ones.xlane vm3;
	_ =	sdelay $0x1  }
0x83: {  	v2 =	vadd.s32 v2, v20;
	v21, _, _ =	vpop (xrf0)  }
0x84: {  	v16 =	vadd.s32 v21, v2  }
0x85: {  	v16 =	vadd.s32 $0xFFFFFFFF, v16;
	_ =	sdelay $0x4  }
0x86: {  	[tilespmem:v16+s13+$0x0] =	vst.idx.msk vm2, v13  }
0x87: {  	v16 =	vld [tilespmem:s21+$0x50];
	_ =	sdelay $0x4  }
0x88: {  	v18 =	vshrl.u32 v16, $0x13  }
0x89: {  	vm3 =	veq.s32 v18, v3  }
0x8a: {  	v17 =	vsel vm3, $0x1, v1  }
0x8b: {  	(xrf0) =	vadd.scan.msk.s32 $0xffff, v17;
	_ =	sdelay $0x3  }
0x8c: {  	v22 =	vmpcnt.ones.xlane vm2;
	_ =	sdelay $0x1  }
0x8d: {  	v2 =	vadd.s32 v2, v22;
	v23, _, _ =	vpop (xrf0)  }
0x8e: {  	v17 =	vadd.s32 v23, v2  }
0x8f: {  	v17 =	vadd.s32 $0xFFFFFFFF, v17;
	_ =	sdelay $0x4  }
0x90: {  	[tilespmem:v17+s13+$0x0] =	vst.idx.msk vm3, v16  }
0x91: {  	v17 =	vld [tilespmem:s21+$0x60];
	_ =	sdelay $0x4  }
0x92: {  	v20 =	vshrl.u32 v17, $0x13  }
0x93: {  	vm2 =	veq.s32 v20, v3  }
0x94: {  	v19 =	vsel vm2, $0x1, v1  }
0x95: {  	(xrf0) =	vadd.scan.msk.s32 $0xffff, v19;
	_ =	sdelay $0x3  }
0x96: {  	v24 =	vmpcnt.ones.xlane vm3;
	_ =	sdelay $0x1  }
0x97: {  	v2 =	vadd.s32 v2, v24;
	v25, _, _ =	vpop (xrf0)  }
0x98: {  	v19 =	vadd.s32 v25, v2  }
0x99: {  	v19 =	vadd.s32 $0xFFFFFFFF, v19;
	_ =	sdelay $0x4  }
0x9a: {  	[tilespmem:v19+s13+$0x0] =	vst.idx.msk vm2, v17  }
0x9b: {  	v19 =	vld [tilespmem:s21+$0x70];
	_ =	sdelay $0x4  }
0x9c: {  	v22 =	vshrl.u32 v19, $0x13  }
0x9d: {  	vm3 =	veq.s32 v22, v3  }
0x9e: {  	v21 =	vsel vm3, $0x1, v1  }
0x9f: {  	(xrf0) =	vadd.scan.msk.s32 $0xffff, v21;
	_ =	sdelay $0x3  }
0xa0: {  	v26 =	vmpcnt.ones.xlane vm2;
	_ =	sdelay $0x1  }
0xa1: {  	v2 =	vadd.s32 v2, v26;
	v27, _, _ =	vpop (xrf0)  }
0xa2: {  	v21 =	vadd.s32 v27, v2  }
0xa3: {  	v21 =	vadd.s32 $0xFFFFFFFF, v21;
	_ =	sdelay $0x4  }
0xa4: {  	[tilespmem:v21+s13+$0x0] =	vst.idx.msk vm3, v19  }
0xa5: {  	v21 =	vld [tilespmem:s21+$0x400];
	_ =	sdelay $0x4  }
0xa6: {  	v23 =	vshrl.u32 v21, $0x13  }
0xa7: {  	vm2 =	veq.s32 v23, v3  }
0xa8: {  	v24 =	vsel vm2, $0x1, v1  }
0xa9: {  	(xrf0) =	vadd.scan.msk.s32 $0xffff, v24;
	_ =	sdelay $0x3  }
0xaa: {  	v28 =	vmpcnt.ones.xlane vm3;
	_ =	sdelay $0x1  }
0xab: {  	v2 =	vadd.s32 v2, v28;
	v29, _, _ =	vpop (xrf0)  }
0xac: {  	v24 =	vadd.s32 v29, v2  }
0xad: {  	v24 =	vadd.s32 $0xFFFFFFFF, v24;
	_ =	sdelay $0x4  }
0xae: {  	[tilespmem:v24+s13+$0x0] =	vst.idx.msk vm2, v21  }
0xaf: {  	v24 =	vld [tilespmem:s21+$0x410];
	_ =	sdelay $0x4  }
0xb0: {  	v26 =	vshrl.u32 v24, $0x13  }
0xb1: {  	vm3 =	veq.s32 v26, v3  }
0xb2: {  	v25 =	vsel vm3, $0x1, v1  }
0xb3: {  	(xrf0) =	vadd.scan.msk.s32 $0xffff, v25;
	_ =	sdelay $0x3  }
0xb4: {  	v30 =	vmpcnt.ones.xlane vm2;
	_ =	sdelay $0x1  }
0xb5: {  	v2 =	vadd.s32 v2, v30;
	v31, _, _ =	vpop (xrf0)  }
0xb6: {  	v25 =	vadd.s32 v31, v2  }
0xb7: {  	v25 =	vadd.s32 $0xFFFFFFFF, v25;
	_ =	sdelay $0x4  }
0xb8: {  	[tilespmem:v25+s13+$0x0] =	vst.idx.msk vm3, v24  }
0xb9: {  	v25 =	vld [tilespmem:s21+$0x420];
	_ =	sdelay $0x4  }
0xba: {  	v27 =	vshrl.u32 v25, $0x13  }
0xbb: {  	vm2 =	veq.s32 v27, v3  }
0xbc: {  	v28 =	vsel vm2, $0x1, v1  }
0xbd: {  	(xrf0) =	vadd.scan.msk.s32 $0xffff, v28;
	_ =	sdelay $0x3  }
0xbe: {  	v32 =	vmpcnt.ones.xlane vm3;
	_ =	sdelay $0x1  }
0xbf: {  	v2 =	vadd.s32 v2, v32;
	v33, _, _ =	vpop (xrf0)  }
0xc0: {  	v28 =	vadd.s32 v33, v2  }
0xc1: {  	v28 =	vadd.s32 $0xFFFFFFFF, v28;
	_ =	sdelay $0x4  }
0xc2: {  	[tilespmem:v28+s13+$0x0] =	vst.idx.msk vm2, v25  }
0xc3: {  	v28 =	vld [tilespmem:s21+$0x430];
	_ =	sdelay $0x4  }
0xc4: {  	v29 =	vshrl.u32 v28, $0x13  }
0xc5: {  	vm3 =	veq.s32 v29, v3  }
0xc6: {  	v30 =	vsel vm3, $0x1, v1  }
0xc7: {  	(xrf0) =	vadd.scan.msk.s32 $0xffff, v30;
	_ =	sdelay $0x3  }
0xc8: {  	v34 =	vmpcnt.ones.xlane vm2;
	_ =	sdelay $0x1  }
0xc9: {  	v2 =	vadd.s32 v2, v34;
	v35, _, _ =	vpop (xrf0)  }
0xca: {  	v30 =	vadd.s32 v35, v2  }
0xcb: {  	v30 =	vadd.s32 $0xFFFFFFFF, v30;
	_ =	sdelay $0x4  }
0xcc: {  	[tilespmem:v30+s13+$0x0] =	vst.idx.msk vm3, v28  }
0xcd: {  	v30 =	vld [tilespmem:s21+$0x440];
	_ =	sdelay $0x4  }
0xce: {  	v32 =	vshrl.u32 v30, $0x13  }
0xcf: {  	vm2 =	veq.s32 v32, v3  }
0xd0: {  	v31 =	vsel vm2, $0x1, v1  }
0xd1: {  	(xrf0) =	vadd.scan.msk.s32 $0xffff, v31;
	_ =	sdelay $0x3  }
0xd2: {  	v36 =	vmpcnt.ones.xlane vm3;
	_ =	sdelay $0x1  }
0xd3: {  	v2 =	vadd.s32 v2, v36;
	v37, _, _ =	vpop (xrf0)  }
0xd4: {  	v31 =	vadd.s32 v37, v2  }
0xd5: {  	v31 =	vadd.s32 $0xFFFFFFFF, v31;
	_ =	sdelay $0x4  }
0xd6: {  	[tilespmem:v31+s13+$0x0] =	vst.idx.msk vm2, v30  }
0xd7: {  	v31 =	vld [tilespmem:s21+$0x450];
	_ =	sdelay $0x4  }
0xd8: {  	v34 =	vshrl.u32 v31, $0x13  }
0xd9: {  	vm3 =	veq.s32 v34, v3  }
0xda: {  	v33 =	vsel vm3, $0x1, v1  }
0xdb: {  	(xrf0) =	vadd.scan.msk.s32 $0xffff, v33;
	_ =	sdelay $0x3  }
0xdc: {  	v38 =	vmpcnt.ones.xlane vm2;
	_ =	sdelay $0x1  }
0xdd: {  	v2 =	vadd.s32 v2, v38;
	v39, _, _ =	vpop (xrf0)  }
0xde: {  	v33 =	vadd.s32 v39, v2  }
0xdf: {  	v33 =	vadd.s32 $0xFFFFFFFF, v33;
	_ =	sdelay $0x4  }
0xe0: {  	[tilespmem:v33+s13+$0x0] =	vst.idx.msk vm3, v31  }
0xe1: {  	v33 =	vld [tilespmem:s21+$0x460];
	_ =	sdelay $0x4  }
0xe2: {  	v36 =	vshrl.u32 v33, $0x13  }
0xe3: {  	vm2 =	veq.s32 v36, v3  }
0xe4: {  	v35 =	vsel vm2, $0x1, v1  }
0xe5: {  	(xrf0) =	vadd.scan.msk.s32 $0xffff, v35;
	_ =	sdelay $0x3  }
0xe6: {  	v40 =	vmpcnt.ones.xlane vm3;
	_ =	sdelay $0x1  }
0xe7: {  	v2 =	vadd.s32 v2, v40;
	v41, _, _ =	vpop (xrf0)  }
0xe8: {  	v35 =	vadd.s32 v41, v2  }
0xe9: {  	v35 =	vadd.s32 $0xFFFFFFFF, v35;
	_ =	sdelay $0x4  }
0xea: {  	[tilespmem:v35+s13+$0x0] =	vst.idx.msk vm2, v33  }
0xeb: {  	v35 =	vld [tilespmem:s21+$0x470];
	_ =	sdelay $0x4  }
0xec: {  	v37 =	vshrl.u32 v35, $0x13  }
0xed: {  	vm3 =	veq.s32 v37, v3  }
0xee: {  	v38 =	vsel vm3, $0x1, v1  }
0xef: {  	(xrf0) =	vadd.scan.msk.s32 $0xffff, v38;
	_ =	sdelay $0x3  }
0xf0: {  	v42 =	vmpcnt.ones.xlane vm2;
	_ =	sdelay $0x1  }
0xf1: {  	v2 =	vadd.s32 v2, v42;
	v43, _, _ =	vpop (xrf0)  }
0xf2: {  	v38 =	vadd.s32 v43, v2  }
0xf3: {  	v38 =	vadd.s32 $0xFFFFFFFF, v38;
	_ =	sdelay $0x4  }
0xf4: {  	[tilespmem:v38+s13+$0x0] =	vst.idx.msk vm3, v35  }
0xf5: {  	v38 =	vld [tilespmem:s21+$0x800];
	_ =	sdelay $0x4  }
0xf6: {  	v40 =	vshrl.u32 v38, $0x13  }
0xf7: {  	vm2 =	veq.s32 v40, v3  }
0xf8: {  	v39 =	vsel vm2, $0x1, v1  }
0xf9: {  	(xrf0) =	vadd.scan.msk.s32 $0xffff, v39;
	_ =	sdelay $0x3  }
0xfa: {  	v44 =	vmpcnt.ones.xlane vm3;
	_ =	sdelay $0x1  }
0xfb: {  	v2 =	vadd.s32 v2, v44;
	v45, _, _ =	vpop (xrf0)  }
0xfc: {  	v39 =	vadd.s32 v45, v2  }
0xfd: {  	v39 =	vadd.s32 $0xFFFFFFFF, v39;
	_ =	sdelay $0x4  }
0xfe: {  	[tilespmem:v39+s13+$0x0] =	vst.idx.msk vm2, v38  }
0xff: {  	v39 =	vld [tilespmem:s21+$0x810];
	_ =	sdelay $0x4  }
0x100: {  	v42 =	vshrl.u32 v39, $0x13  }
0x101: {  	vm3 =	veq.s32 v42, v3  }
0x102: {  	v41 =	vsel vm3, $0x1, v1  }
0x103: {  	(xrf0) =	vadd.scan.msk.s32 $0xffff, v41;
	_ =	sdelay $0x3  }
0x104: {  	v46 =	vmpcnt.ones.xlane vm2;
	_ =	sdelay $0x1  }
0x105: {  	v2 =	vadd.s32 v2, v46;
	v47, _, _ =	vpop (xrf0)  }
0x106: {  	v41 =	vadd.s32 v47, v2  }
0x107: {  	v41 =	vadd.s32 $0xFFFFFFFF, v41;
	_ =	sdelay $0x4  }
0x108: {  	[tilespmem:v41+s13+$0x0] =	vst.idx.msk vm3, v39  }
0x109: {  	v41 =	vld [tilespmem:s21+$0x820];
	_ =	sdelay $0x4  }
0x10a: {  	v44 =	vshrl.u32 v41, $0x13  }
0x10b: {  	vm2 =	veq.s32 v44, v3  }
0x10c: {  	v43 =	vsel vm2, $0x1, v1  }
0x10d: {  	(xrf0) =	vadd.scan.msk.s32 $0xffff, v43;
	_ =	sdelay $0x3  }
0x10e: {  	v48 =	vmpcnt.ones.xlane vm3;
	_ =	sdelay $0x1  }
0x10f: {  	v2 =	vadd.s32 v2, v48;
	v49, _, _ =	vpop (xrf0)  }
0x110: {  	v43 =	vadd.s32 v49, v2  }
0x111: {  	v43 =	vadd.s32 $0xFFFFFFFF, v43;
	_ =	sdelay $0x4  }
0x112: {  	[tilespmem:v43+s13+$0x0] =	vst.idx.msk vm2, v41  }
0x113: {  	v43 =	vld [tilespmem:s21+$0x830];
	_ =	sdelay $0x4  }
0x114: {  	v45 =	vshrl.u32 v43, $0x13  }
0x115: {  	vm3 =	veq.s32 v45, v3  }
0x116: {  	v46 =	vsel vm3, $0x1, v1  }
0x117: {  	(xrf0) =	vadd.scan.msk.s32 $0xffff, v46;
	_ =	sdelay $0x3  }
0x118: {  	v50 =	vmpcnt.ones.xlane vm2;
	_ =	sdelay $0x1  }
0x119: {  	v2 =	vadd.s32 v2, v50;
	v51, _, _ =	vpop (xrf0)  }
0x11a: {  	v46 =	vadd.s32 v51, v2  }
0x11b: {  	v46 =	vadd.s32 $0xFFFFFFFF, v46;
	_ =	sdelay $0x4  }
0x11c: {  	[tilespmem:v46+s13+$0x0] =	vst.idx.msk vm3, v43  }
0x11d: {  	v46 =	vld [tilespmem:s21+$0x840];
	_ =	sdelay $0x4  }
0x11e: {  	v48 =	vshrl.u32 v46, $0x13  }
0x11f: {  	vm2 =	veq.s32 v48, v3  }
0x120: {  	v47 =	vsel vm2, $0x1, v1  }
0x121: {  	(xrf0) =	vadd.scan.msk.s32 $0xffff, v47;
	_ =	sdelay $0x3  }
0x122: {  	v52 =	vmpcnt.ones.xlane vm3;
	_ =	sdelay $0x1  }
0x123: {  	v2 =	vadd.s32 v2, v52;
	v53, _, _ =	vpop (xrf0)  }
0x124: {  	v47 =	vadd.s32 v53, v2  }
0x125: {  	v47 =	vadd.s32 $0xFFFFFFFF, v47;
	_ =	sdelay $0x4  }
0x126: {  	[tilespmem:v47+s13+$0x0] =	vst.idx.msk vm2, v46  }
0x127: {  	v47 =	vld [tilespmem:s21+$0x850];
	_ =	sdelay $0x4  }
0x128: {  	v49 =	vshrl.u32 v47, $0x13  }
0x129: {  	vm3 =	veq.s32 v49, v3  }
0x12a: {  	v50 =	vsel vm3, $0x1, v1  }
0x12b: {  	(xrf0) =	vadd.scan.msk.s32 $0xffff, v50;
	_ =	sdelay $0x3  }
0x12c: {  	v54 =	vmpcnt.ones.xlane vm2;
	_ =	sdelay $0x1  }
0x12d: {  	v2 =	vadd.s32 v2, v54;
	v55, _, _ =	vpop (xrf0)  }
0x12e: {  	v50 =	vadd.s32 v55, v2  }
0x12f: {  	v50 =	vadd.s32 $0xFFFFFFFF, v50;
	_ =	sdelay $0x4  }
0x130: {  	[tilespmem:v50+s13+$0x0] =	vst.idx.msk vm3, v47  }
0x131: {  	v50 =	vld [tilespmem:s21+$0x860];
	_ =	sdelay $0x4  }
0x132: {  	v51 =	vshrl.u32 v50, $0x13  }
0x133: {  	vm2 =	veq.s32 v51, v3  }
0x134: {  	v52 =	vsel vm2, $0x1, v1  }
0x135: {  	(xrf0) =	vadd.scan.msk.s32 $0xffff, v52;
	_ =	sdelay $0x3  }
0x136: {  	v56 =	vmpcnt.ones.xlane vm3;
	_ =	sdelay $0x1  }
0x137: {  	v2 =	vadd.s32 v2, v56;
	v57, _, _ =	vpop (xrf0)  }
0x138: {  	v52 =	vadd.s32 v57, v2  }
0x139: {  	v52 =	vadd.s32 $0xFFFFFFFF, v52;
	_ =	sdelay $0x4  }
0x13a: {  	[tilespmem:v52+s13+$0x0] =	vst.idx.msk vm2, v50  }
0x13b: {  	v52 =	vld [tilespmem:s21+$0x870];
	_ =	sdelay $0x4  }
0x13c: {  	v54 =	vshrl.u32 v52, $0x13  }
0x13d: {  	vm3 =	veq.s32 v54, v3  }
0x13e: {  	v53 =	vsel vm3, $0x1, v1  }
0x13f: {  	(xrf0) =	vadd.scan.msk.s32 $0xffff, v53;
	_ =	sdelay $0x3  }
0x140: {  	v58 =	vmpcnt.ones.xlane vm2;
	_ =	sdelay $0x1  }
0x141: {  	v2 =	vadd.s32 v2, v58;
	v59, _, _ =	vpop (xrf0)  }
0x142: {  	v53 =	vadd.s32 v59, v2  }
0x143: {  	v53 =	vadd.s32 $0xFFFFFFFF, v53;
	_ =	sdelay $0x4  }
0x144: {  	[tilespmem:v53+s13+$0x0] =	vst.idx.msk vm3, v52  }
0x145: {  	v53 =	vld [tilespmem:s21+$0xC00];
	_ =	sdelay $0x4  }
0x146: {  	v56 =	vshrl.u32 v53, $0x13  }
0x147: {  	vm2 =	veq.s32 v56, v3  }
0x148: {  	v55 =	vsel vm2, $0x1, v1  }
0x149: {  	(xrf0) =	vadd.scan.msk.s32 $0xffff, v55;
	_ =	sdelay $0x3  }
0x14a: {  	v60 =	vmpcnt.ones.xlane vm3;
	_ =	sdelay $0x1  }
0x14b: {  	v2 =	vadd.s32 v2, v60;
	v61, _, _ =	vpop (xrf0)  }
0x14c: {  	v55 =	vadd.s32 v61, v2  }
0x14d: {  	v55 =	vadd.s32 $0xFFFFFFFF, v55;
	_ =	sdelay $0x4  }
0x14e: {  	[tilespmem:v55+s13+$0x0] =	vst.idx.msk vm2, v53  }
0x14f: {  	v55 =	vld [tilespmem:s21+$0xC10];
	_ =	sdelay $0x4  }
0x150: {  	v58 =	vshrl.u32 v55, $0x13  }
0x151: {  	vm3 =	veq.s32 v58, v3  }
0x152: {  	v57 =	vsel vm3, $0x1, v1  }
0x153: {  	(xrf0) =	vadd.scan.msk.s32 $0xffff, v57;
	_ =	sdelay $0x3  }
0x154: {  	v62 =	vmpcnt.ones.xlane vm2;
	_ =	sdelay $0x1  }
0x155: {  	v2 =	vadd.s32 v2, v62;
	v63, _, _ =	vpop (xrf0)  }
0x156: {  	v57 =	vadd.s32 v63, v2  }
0x157: {  	v57 =	vadd.s32 $0xFFFFFFFF, v57;
	_ =	sdelay $0x4  }
0x158: {  	[tilespmem:v57+s13+$0x0] =	vst.idx.msk vm3, v55  }
0x159: {  	v57 =	vld [tilespmem:s21+$0xC20];
	_ =	sdelay $0x4  }
0x15a: {  	v59 =	vshrl.u32 v57, $0x13  }
0x15b: {  	vm2 =	veq.s32 v59, v3  }
0x15c: {  	v60 =	vsel vm2, $0x1, v1  }
0x15d: {  	(xrf0) =	vadd.scan.msk.s32 $0xffff, v60;
	_ =	sdelay $0x1  }
0x15e: {  	[tilespmem:$0x1FFF0] =	vst v8;
	v8 =	vmpcnt.ones.xlane vm3;
	_ =	sdelay $0x3  }
0x15f: {  	v2 =	vadd.s32 v2, v8;
	v8, _, _ =	vpop (xrf0)  }
0x160: {  	v60 =	vadd.s32 v8, v2  }
0x161: {  	v60 =	vadd.s32 $0xFFFFFFFF, v60;
	_ =	sdelay $0x4  }
0x162: {  	[tilespmem:v60+s13+$0x0] =	vst.idx.msk vm2, v57  }
0x163: {  	v60 =	vld [tilespmem:s21+$0xC30];
	_ =	sdelay $0x4  }
0x164: {  	v62 =	vshrl.u32 v60, $0x13  }
0x165: {  	vm4 =	veq.s32 v62, v3  }
0x166: {  	v61 =	vsel vm4, $0x1, v1  }
0x167: {  	(xrf0) =	vadd.scan.msk.s32 $0xffff, v61;
	_ =	sdelay $0x3  }
0x168: {  	v8 =	vmpcnt.ones.xlane vm2;
	_ =	sdelay $0x1  }
0x169: {  	v63 =	vadd.s32 v2, v8;
	v2, _, _ =	vpop (xrf0)  }
0x16a: {  	v2 =	vadd.s32 v2, v63  }
0x16b: {  	v2 =	vadd.s32 $0xFFFFFFFF, v2;
	_ =	sdelay $0x4  }
0x16c: {  	[tilespmem:v2+s13+$0x0] =	vst.idx.msk vm4, v60  }
0x16d: {  	v61 =	vld [tilespmem:s21+$0xC40];
	_ =	sdelay $0x4  }
0x16e: {  	v2 =	vshrl.u32 v61, $0x13  }
0x16f: {  	vm3 =	veq.s32 v2, v3  }
0x170: {  	v8 =	vsel vm3, $0x1, v1  }
0x171: {  	(xrf0) =	vadd.scan.msk.s32 $0xffff, v8;
	_ =	sdelay $0x3  }
0x172: {  	v8 =	vmpcnt.ones.xlane vm4;
	_ =	sdelay $0x1  }
0x173: {  	v8 =	vadd.s32 v63, v8;
	v63, _, _ =	vpop (xrf0)  }
0x174: {  	v63 =	vadd.s32 v63, v8  }
0x175: {  	v63 =	vadd.s32 $0xFFFFFFFF, v63;
	_ =	sdelay $0x1  }
0x176: {  	vm2 =	vlt.s32 v10, v3  }
0x177: {  	v10 =	vnsel vm2, $0x0, v6  }
0x178: {  	v5 =	vadd.f32 v10, v5;
	v10 =	vld [tilespmem:$0x1FFF0]  }
0x179: {  	[tilespmem:v63+s13+$0x0] =	vst.idx.msk vm3, v61  }
0x17a: {  	v6 =	vadd.f32 v6, v4;
	v63 =	vld [tilespmem:s21+$0xC50];
	_ =	sdelay $0x1  }
0x17b: {  	v6 =	vadd.f32 v7, v6  }
0x17c: {  	vm2 =	vlt.s32 v10, v3  }
0x17d: {  	v6 =	vadd.f32 v9, v6;
	v4 =	vnsel vm2, $0x0, v7  }
0x17e: {  	vm2 =	vlt.s32 v12, v3;
	v5 =	vadd.f32 v4, v5;
	v4 =	vshrl.u32 v63, $0x13  }
0x17f: {  	v6 =	vadd.f32 v11, v6;
	v7 =	vnsel vm2, $0x0, v9;
	vm2 =	veq.s32 v4, v3  }
0x180: {  	vm15 =	vlt.s32 v14, v3;
	v5 =	vadd.f32 v7, v5;
	v7 =	vsel vm2, $0x1, v1  }
0x181: {  	v6 =	vadd.f32 v13, v6;
	(xrf0) =	vadd.scan.msk.s32 $0xffff, v7;
	v7 =	vnsel vm15, $0x0, v11  }
0x182: {  	vm8 =	vlt.s32 v15, v3;
	v5 =	vadd.f32 v7, v5  }
0x183: {  	v6 =	vadd.f32 v16, v6;
	v7 =	vnsel vm8, $0x0, v13  }
0x184: {  	vm9 =	vlt.s32 v18, v3;
	v5 =	vadd.f32 v7, v5  }
0x185: {  	v6 =	vadd.f32 v17, v6;
	v18 =	vmpcnt.ones.xlane vm3;
	v7 =	vnsel vm9, $0x0, v16  }
0x186: {  	vm3 =	vlt.s32 v20, v3;
	v5 =	vadd.f32 v7, v5  }
0x187: {  	v6 =	vadd.f32 v19, v6;
	v8 =	vadd.s32 v8, v18;
	v7 =	vnsel vm3, $0x0, v17;
	v20, _, _ =	vpop (xrf0)  }
0x188: {  	vm3 =	vlt.s32 v22, v3;
	v5 =	vadd.f32 v7, v5;
	v7 =	vadd.s32 v20, v8  }
0x189: {  	v6 =	vadd.f32 v21, v6;
	v22 =	vnsel vm3, $0x0, v19;
	v7 =	vadd.s32 $0xFFFFFFFF, v7  }
0x18a: {  	vm3 =	vlt.s32 v23, v3;
	v5 =	vadd.f32 v22, v5  }
0x18b: {  	v6 =	vadd.f32 v24, v6;
	v23 =	vnsel vm3, $0x0, v21  }
0x18c: {  	vm3 =	vlt.s32 v26, v3;
	v5 =	vadd.f32 v23, v5  }
0x18d: {  	v6 =	vadd.f32 v25, v6;
	v26 =	vnsel vm3, $0x0, v24  }
0x18e: {  	vm3 =	vlt.s32 v27, v3;
	v5 =	vadd.f32 v26, v5;
	[tilespmem:v7+s13+$0x0] =	vst.idx.msk vm2, v63  }
0x18f: {  	v6 =	vadd.f32 v28, v6;
	v7 =	vnsel vm3, $0x0, v25;
	v27 =	vld [tilespmem:s21+$0xC60]  }
0x190: {  	vm3 =	vlt.s32 v29, v3;
	v5 =	vadd.f32 v7, v5  }
0x191: {  	v6 =	vadd.f32 v30, v6;
	v7 =	vnsel vm3, $0x0, v28  }
0x192: {  	vm3 =	vlt.s32 v32, v3;
	v5 =	vadd.f32 v7, v5  }
0x193: {  	v6 =	vadd.f32 v31, v6;
	v7 =	vnsel vm3, $0x0, v30  }
0x194: {  	vm3 =	vlt.s32 v34, v3;
	v5 =	vadd.f32 v7, v5;
	v7 =	vshrl.u32 v27, $0x13  }
0x195: {  	v29 =	vnsel vm3, $0x0, v31;
	vm3 =	veq.s32 v7, v3  }
0x196: {  	v6 =	vadd.f32 v33, v6;
	v30 =	vsel vm3, $0x1, v1  }
0x197: {  	vm10 =	vlt.s32 v36, v3;
	v5 =	vadd.f32 v29, v5;
	(xrf0) =	vadd.scan.msk.s32 $0xffff, v30  }
0x198: {  	v6 =	vadd.f32 v35, v6;
	v32 =	vnsel vm10, $0x0, v33  }
0x199: {  	vm11 =	vlt.s32 v37, v3;
	v5 =	vadd.f32 v32, v5  }
0x19a: {  	v6 =	vadd.f32 v38, v6;
	v33 =	vnsel vm11, $0x0, v35  }
0x19b: {  	vm12 =	vlt.s32 v40, v3;
	v35 =	vmpcnt.ones.xlane vm2;
	v5 =	vadd.f32 v33, v5  }
0x19c: {  	v6 =	vadd.f32 v39, v6;
	v34 =	vnsel vm12, $0x0, v38  }
0x19d: {  	vm2 =	vlt.s32 v42, v3;
	v8 =	vadd.s32 v8, v35;
	v5 =	vadd.f32 v34, v5;
	v37, _, _ =	vpop (xrf0)  }
0x19e: {  	v6 =	vadd.f32 v41, v6;
	v36 =	vnsel vm2, $0x0, v39;
	v38 =	vadd.s32 v37, v8  }
0x19f: {  	vm2 =	vlt.s32 v44, v3;
	v5 =	vadd.f32 v36, v5;
	v10 =	vadd.s32 $0xFFFFFFFF, v38  }
0x1a0: {  	v40 =	vnsel vm2, $0x0, v41  }
0x1a1: {  	v6 =	vadd.f32 v43, v6;
	vm2 =	vlt.s32 v45, v3;
	v5 =	vadd.f32 v40, v5  }
0x1a2: {  	v42 =	vnsel vm2, $0x0, v43  }
0x1a3: {  	v6 =	vadd.f32 v46, v6;
	vm2 =	vlt.s32 v48, v3;
	v5 =	vadd.f32 v42, v5  }
0x1a4: {  	v44 =	vnsel vm2, $0x0, v46;
	[tilespmem:v10+s13+$0x0] =	vst.idx.msk vm3, v27  }
0x1a5: {  	v6 =	vadd.f32 v47, v6;
	vm2 =	vlt.s32 v49, v3;
	v5 =	vadd.f32 v44, v5;
	v46 =	vld [tilespmem:s21+$0xC70]  }
0x1a6: {  	v45 =	vnsel vm2, $0x0, v47  }
0x1a7: {  	v6 =	vadd.f32 v50, v6;
	vm2 =	vlt.s32 v51, v3;
	v5 =	vadd.f32 v45, v5  }
0x1a8: {  	v48 =	vnsel vm2, $0x0, v50  }
0x1a9: {  	v6 =	vadd.f32 v52, v6;
	vm2 =	vlt.s32 v54, v3;
	v5 =	vadd.f32 v48, v5  }
0x1aa: {  	v49 =	vnsel vm2, $0x0, v52;
	vm2 =	vlt.s32 v56, v3;
	v50 =	vshrl.u32 v46, $0x13  }
0x1ab: {  	v51 =	vnsel vm2, $0x0, v53;
	v5 =	vadd.f32 v49, v5;
	vm2 =	veq.s32 v50, v3  }
0x1ac: {  	v52 =	vsel vm2, $0x1, v1  }
0x1ad: {  	vm13 =	vlt.s32 v58, v3;
	v6 =	vadd.f32 v53, v6;
	v5 =	vadd.f32 v51, v5;
	(xrf0) =	vadd.scan.msk.s32 $0xffff, v52  }
0x1ae: {  	v54 =	vnsel vm13, $0x0, v55  }
0x1af: {  	vm14 =	vlt.s32 v59, v3;
	v6 =	vadd.f32 v55, v6;
	v5 =	vadd.f32 v54, v5  }
0x1b0: {  	v59 =	vmpcnt.ones.xlane vm3;
	v56 =	vnsel vm14, $0x0, v57  }
0x1b1: {  	vm15 =	vlt.s32 v62, v3;
	v6 =	vadd.f32 v57, v6;
	v5 =	vadd.f32 v56, v5  }
0x1b2: {  	v58 =	vnsel vm15, $0x0, v60;
	v8 =	vadd.s32 v8, v59  }
0x1b3: {  	vm3 =	vlt.s32 v2, v3;
	v2 =	vadd.f32 v60, v6;
	v5 =	vadd.f32 v58, v5;
	v62, _, _ =	vpop (xrf0)  }
0x1b4: {  	v6 =	vnsel vm3, $0x0, v61;
	vm3 =	vlt.s32 v4, v3;
	v4 =	vadd.s32 v62, v8  }
0x1b5: {  	v2 =	vadd.f32 v61, v2;
	v5 =	vadd.f32 v6, v5;
	v4 =	vadd.s32 $0xFFFFFFFF, v4  }
0x1b6: {  	p0 =	sne.s32 s20, $0x7E00;
	v6 =	vnsel vm3, $0x0, v63  }
.Ltmp3:
0x1b7: {  	v2 =	vadd.f32 v63, v2;
	vm3 =	vlt.s32 v7, v3;
	v5 =	vadd.f32 v6, v5;
	(pc) =	sbr.rel @p0 .LBB2_4-.Ltmp3, $4  }
0x1b8: {  	v6 =	vnsel vm3, $0x0, v27;
	vm3 =	vlt.s32 v50, v3  }
0x1b9: {  	v5 =	vadd.f32 v6, v5;
	v6 =	vadd.f32 v27, v2;
	v2 =	vmpcnt.ones.xlane vm2  }
0x1ba: {  	[tilespmem:v4+s13+$0x0] =	vst.idx.msk vm2, v46;
	v4 =	vnsel vm3, $0x0, v46  }
0x1bb: {  	s19 =	sadd.s32 $0x80, s19;
	s20 =	sadd.s32 $0x200, s20;
	v2 =	vadd.s32 v8, v2;
	v5 =	vadd.f32 v4, v5;
	v4 =	vadd.f32 v46, v6  }
0x1bc: {  	s19 =	simm.s32 $0x0  }
0x1bd: {  	[tilespmem:s19], [sflag:$0x1] =	stream.linear.gather [hbm4b:s6+s19], $0x8000, $0x38;
	[tilespmem:$0x1C180] =	vst v63  }
0x1be: {  	_ =	swait.ge [sflag:s12], $0x8000  }
0x1bf: {  	[sflag:s12] =	ssyncset.done $0x0  }
0x1c0: {  	s20 =	simm.s32 $0x0;
	[sflag:s12] =	ssyncadd.s32 $0xFFFF8000  }
.LBB2_6:
0x1c1: {  	s21 =	sand.u32 $0x7000, s20;
	s22 =	sand.u32 $0x380, s19  }
0x1c2: {  	s21 =	sor.u32 s22, s21  }
0x1c3: {  	v6 =	vld [tilespmem:s21+$0x0];
	_ =	sdelay $0x4  }
0x1c4: {  	v10 =	vshrl.u32 v6, $0x13  }
0x1c5: {  	vm2 =	veq.s32 v10, v3  }
0x1c6: {  	v7 =	vsel vm2, $0x1, v1  }
0x1c7: {  	(xrf0) =	vadd.scan.msk.s32 $0xffff, v7;
	_ =	sdelay $0x5  }
0x1c8: {  	v7, _, _ =	vpop (xrf0)  }
0x1c9: {  	v7 =	vadd.s32 v7, v2  }
0x1ca: {  	v7 =	vadd.s32 $0xFFFFFFFF, v7;
	_ =	sdelay $0x4  }
0x1cb: {  	[tilespmem:v7+s13+$0x0] =	vst.idx.msk vm2, v6  }
0x1cc: {  	v7 =	vld [tilespmem:s21+$0x10];
	_ =	sdelay $0x4  }
0x1cd: {  	v8 =	vshrl.u32 v7, $0x13  }
0x1ce: {  	vm3 =	veq.s32 v8, v3  }
0x1cf: {  	v9 =	vsel vm3, $0x1, v1  }
0x1d0: {  	(xrf0) =	vadd.scan.msk.s32 $0xffff, v9;
	_ =	sdelay $0x3  }
0x1d1: {  	v14 =	vmpcnt.ones.xlane vm2;
	_ =	sdelay $0x1  }
0x1d2: {  	v2 =	vadd.s32 v2, v14;
	v15, _, _ =	vpop (xrf0)  }
0x1d3: {  	v9 =	vadd.s32 v15, v2  }
0x1d4: {  	v9 =	vadd.s32 $0xFFFFFFFF, v9;
	_ =	sdelay $0x4  }
0x1d5: {  	[tilespmem:v9+s13+$0x0] =	vst.idx.msk vm3, v7  }
0x1d6: {  	v9 =	vld [tilespmem:s21+$0x20];
	_ =	sdelay $0x4  }
0x1d7: {  	v12 =	vshrl.u32 v9, $0x13  }
0x1d8: {  	vm2 =	veq.s32 v12, v3  }
0x1d9: {  	v11 =	vsel vm2, $0x1, v1  }
0x1da: {  	(xrf0) =	vadd.scan.msk.s32 $0xffff, v11;
	_ =	sdelay $0x3  }
0x1db: {  	v16 =	vmpcnt.ones.xlane vm3;
	_ =	sdelay $0x1  }
0x1dc: {  	v2 =	vadd.s32 v2, v16;
	v17, _, _ =	vpop (xrf0)  }
0x1dd: {  	v11 =	vadd.s32 v17, v2  }
0x1de: {  	v11 =	vadd.s32 $0xFFFFFFFF, v11;
	_ =	sdelay $0x4  }
0x1df: {  	[tilespmem:v11+s13+$0x0] =	vst.idx.msk vm2, v9  }
0x1e0: {  	v11 =	vld [tilespmem:s21+$0x30];
	_ =	sdelay $0x4  }
0x1e1: {  	v14 =	vshrl.u32 v11, $0x13  }
0x1e2: {  	vm3 =	veq.s32 v14, v3  }
0x1e3: {  	v13 =	vsel vm3, $0x1, v1  }
0x1e4: {  	(xrf0) =	vadd.scan.msk.s32 $0xffff, v13;
	_ =	sdelay $0x3  }
0x1e5: {  	v18 =	vmpcnt.ones.xlane vm2;
	_ =	sdelay $0x1  }
0x1e6: {  	v2 =	vadd.s32 v2, v18;
	v19, _, _ =	vpop (xrf0)  }
0x1e7: {  	v13 =	vadd.s32 v19, v2  }
0x1e8: {  	v13 =	vadd.s32 $0xFFFFFFFF, v13;
	_ =	sdelay $0x4  }
0x1e9: {  	[tilespmem:v13+s13+$0x0] =	vst.idx.msk vm3, v11  }
0x1ea: {  	v13 =	vld [tilespmem:s21+$0x40];
	_ =	sdelay $0x4  }
0x1eb: {  	v15 =	vshrl.u32 v13, $0x13  }
0x1ec: {  	vm2 =	veq.s32 v15, v3  }
0x1ed: {  	v16 =	vsel vm2, $0x1, v1  }
0x1ee: {  	(xrf0) =	vadd.scan.msk.s32 $0xffff, v16;
	_ =	sdelay $0x3  }
0x1ef: {  	v20 =	vmpcnt.ones.xlane vm3;
	_ =	sdelay $0x1  }
0x1f0: {  	v2 =	vadd.s32 v2, v20;
	v21, _, _ =	vpop (xrf0)  }
0x1f1: {  	v16 =	vadd.s32 v21, v2  }
0x1f2: {  	v16 =	vadd.s32 $0xFFFFFFFF, v16;
	_ =	sdelay $0x4  }
0x1f3: {  	[tilespmem:v16+s13+$0x0] =	vst.idx.msk vm2, v13  }
0x1f4: {  	v16 =	vld [tilespmem:s21+$0x50];
	_ =	sdelay $0x4  }
0x1f5: {  	v18 =	vshrl.u32 v16, $0x13  }
0x1f6: {  	vm3 =	veq.s32 v18, v3  }
0x1f7: {  	v17 =	vsel vm3, $0x1, v1  }
0x1f8: {  	(xrf0) =	vadd.scan.msk.s32 $0xffff, v17;
	_ =	sdelay $0x3  }
0x1f9: {  	v22 =	vmpcnt.ones.xlane vm2;
	_ =	sdelay $0x1  }
0x1fa: {  	v2 =	vadd.s32 v2, v22;
	v23, _, _ =	vpop (xrf0)  }
0x1fb: {  	v17 =	vadd.s32 v23, v2  }
0x1fc: {  	v17 =	vadd.s32 $0xFFFFFFFF, v17;
	_ =	sdelay $0x4  }
0x1fd: {  	[tilespmem:v17+s13+$0x0] =	vst.idx.msk vm3, v16  }
0x1fe: {  	v17 =	vld [tilespmem:s21+$0x60];
	_ =	sdelay $0x4  }
0x1ff: {  	v20 =	vshrl.u32 v17, $0x13  }
0x200: {  	vm2 =	veq.s32 v20, v3  }
0x201: {  	v19 =	vsel vm2, $0x1, v1  }
0x202: {  	(xrf0) =	vadd.scan.msk.s32 $0xffff, v19;
	_ =	sdelay $0x3  }
0x203: {  	v24 =	vmpcnt.ones.xlane vm3;
	_ =	sdelay $0x1  }
0x204: {  	v2 =	vadd.s32 v2, v24;
	v25, _, _ =	vpop (xrf0)  }
0x205: {  	v19 =	vadd.s32 v25, v2  }
0x206: {  	v19 =	vadd.s32 $0xFFFFFFFF, v19;
	_ =	sdelay $0x4  }
0x207: {  	[tilespmem:v19+s13+$0x0] =	vst.idx.msk vm2, v17  }
0x208: {  	v19 =	vld [tilespmem:s21+$0x70];
	_ =	sdelay $0x4  }
0x209: {  	v22 =	vshrl.u32 v19, $0x13  }
0x20a: {  	vm3 =	veq.s32 v22, v3  }
0x20b: {  	v21 =	vsel vm3, $0x1, v1  }
0x20c: {  	(xrf0) =	vadd.scan.msk.s32 $0xffff, v21;
	_ =	sdelay $0x3  }
0x20d: {  	v26 =	vmpcnt.ones.xlane vm2;
	_ =	sdelay $0x1  }
0x20e: {  	v2 =	vadd.s32 v2, v26;
	v27, _, _ =	vpop (xrf0)  }
0x20f: {  	v21 =	vadd.s32 v27, v2  }
0x210: {  	v21 =	vadd.s32 $0xFFFFFFFF, v21;
	_ =	sdelay $0x4  }
0x211: {  	[tilespmem:v21+s13+$0x0] =	vst.idx.msk vm3, v19  }
0x212: {  	v21 =	vld [tilespmem:s21+$0x400];
	_ =	sdelay $0x4  }
0x213: {  	v23 =	vshrl.u32 v21, $0x13  }
0x214: {  	vm2 =	veq.s32 v23, v3  }
0x215: {  	v24 =	vsel vm2, $0x1, v1  }
0x216: {  	(xrf0) =	vadd.scan.msk.s32 $0xffff, v24;
	_ =	sdelay $0x3  }
0x217: {  	v28 =	vmpcnt.ones.xlane vm3;
	_ =	sdelay $0x1  }
0x218: {  	v2 =	vadd.s32 v2, v28;
	v29, _, _ =	vpop (xrf0)  }
0x219: {  	v24 =	vadd.s32 v29, v2  }
0x21a: {  	v24 =	vadd.s32 $0xFFFFFFFF, v24;
	_ =	sdelay $0x4  }
0x21b: {  	[tilespmem:v24+s13+$0x0] =	vst.idx.msk vm2, v21  }
0x21c: {  	v24 =	vld [tilespmem:s21+$0x410];
	_ =	sdelay $0x4  }
0x21d: {  	v26 =	vshrl.u32 v24, $0x13  }
0x21e: {  	vm3 =	veq.s32 v26, v3  }
0x21f: {  	v25 =	vsel vm3, $0x1, v1  }
0x220: {  	(xrf0) =	vadd.scan.msk.s32 $0xffff, v25;
	_ =	sdelay $0x3  }
0x221: {  	v30 =	vmpcnt.ones.xlane vm2;
	_ =	sdelay $0x1  }
0x222: {  	v2 =	vadd.s32 v2, v30;
	v31, _, _ =	vpop (xrf0)  }
0x223: {  	v25 =	vadd.s32 v31, v2  }
0x224: {  	v25 =	vadd.s32 $0xFFFFFFFF, v25;
	_ =	sdelay $0x4  }
0x225: {  	[tilespmem:v25+s13+$0x0] =	vst.idx.msk vm3, v24  }
0x226: {  	v25 =	vld [tilespmem:s21+$0x420];
	_ =	sdelay $0x4  }
0x227: {  	v27 =	vshrl.u32 v25, $0x13  }
0x228: {  	vm2 =	veq.s32 v27, v3  }
0x229: {  	v28 =	vsel vm2, $0x1, v1  }
0x22a: {  	(xrf0) =	vadd.scan.msk.s32 $0xffff, v28;
	_ =	sdelay $0x3  }
0x22b: {  	v32 =	vmpcnt.ones.xlane vm3;
	_ =	sdelay $0x1  }
0x22c: {  	v2 =	vadd.s32 v2, v32;
	v33, _, _ =	vpop (xrf0)  }
0x22d: {  	v28 =	vadd.s32 v33, v2  }
0x22e: {  	v28 =	vadd.s32 $0xFFFFFFFF, v28;
	_ =	sdelay $0x4  }
0x22f: {  	[tilespmem:v28+s13+$0x0] =	vst.idx.msk vm2, v25  }
0x230: {  	v28 =	vld [tilespmem:s21+$0x430];
	_ =	sdelay $0x4  }
0x231: {  	v29 =	vshrl.u32 v28, $0x13  }
0x232: {  	vm3 =	veq.s32 v29, v3  }
0x233: {  	v30 =	vsel vm3, $0x1, v1  }
0x234: {  	(xrf0) =	vadd.scan.msk.s32 $0xffff, v30;
	_ =	sdelay $0x3  }
0x235: {  	v34 =	vmpcnt.ones.xlane vm2;
	_ =	sdelay $0x1  }
0x236: {  	v2 =	vadd.s32 v2, v34;
	v35, _, _ =	vpop (xrf0)  }
0x237: {  	v30 =	vadd.s32 v35, v2  }
0x238: {  	v30 =	vadd.s32 $0xFFFFFFFF, v30;
	_ =	sdelay $0x4  }
0x239: {  	[tilespmem:v30+s13+$0x0] =	vst.idx.msk vm3, v28  }
0x23a: {  	v30 =	vld [tilespmem:s21+$0x440];
	_ =	sdelay $0x4  }
0x23b: {  	v32 =	vshrl.u32 v30, $0x13  }
0x23c: {  	vm2 =	veq.s32 v32, v3  }
0x23d: {  	v31 =	vsel vm2, $0x1, v1  }
0x23e: {  	(xrf0) =	vadd.scan.msk.s32 $0xffff, v31;
	_ =	sdelay $0x3  }
0x23f: {  	v36 =	vmpcnt.ones.xlane vm3;
	_ =	sdelay $0x1  }
0x240: {  	v2 =	vadd.s32 v2, v36;
	v37, _, _ =	vpop (xrf0)  }
0x241: {  	v31 =	vadd.s32 v37, v2  }
0x242: {  	v31 =	vadd.s32 $0xFFFFFFFF, v31;
	_ =	sdelay $0x4  }
0x243: {  	[tilespmem:v31+s13+$0x0] =	vst.idx.msk vm2, v30  }
0x244: {  	v31 =	vld [tilespmem:s21+$0x450];
	_ =	sdelay $0x4  }
0x245: {  	v34 =	vshrl.u32 v31, $0x13  }
0x246: {  	vm3 =	veq.s32 v34, v3  }
0x247: {  	v33 =	vsel vm3, $0x1, v1  }
0x248: {  	(xrf0) =	vadd.scan.msk.s32 $0xffff, v33;
	_ =	sdelay $0x3  }
0x249: {  	v38 =	vmpcnt.ones.xlane vm2;
	_ =	sdelay $0x1  }
0x24a: {  	v2 =	vadd.s32 v2, v38;
	v39, _, _ =	vpop (xrf0)  }
0x24b: {  	v33 =	vadd.s32 v39, v2  }
0x24c: {  	v33 =	vadd.s32 $0xFFFFFFFF, v33;
	_ =	sdelay $0x4  }
0x24d: {  	[tilespmem:v33+s13+$0x0] =	vst.idx.msk vm3, v31  }
0x24e: {  	v33 =	vld [tilespmem:s21+$0x460];
	_ =	sdelay $0x4  }
0x24f: {  	v36 =	vshrl.u32 v33, $0x13  }
0x250: {  	vm2 =	veq.s32 v36, v3  }
0x251: {  	v35 =	vsel vm2, $0x1, v1  }
0x252: {  	(xrf0) =	vadd.scan.msk.s32 $0xffff, v35;
	_ =	sdelay $0x3  }
0x253: {  	v40 =	vmpcnt.ones.xlane vm3;
	_ =	sdelay $0x1  }
0x254: {  	v2 =	vadd.s32 v2, v40;
	v41, _, _ =	vpop (xrf0)  }
0x255: {  	v35 =	vadd.s32 v41, v2  }
0x256: {  	v35 =	vadd.s32 $0xFFFFFFFF, v35;
	_ =	sdelay $0x4  }
0x257: {  	[tilespmem:v35+s13+$0x0] =	vst.idx.msk vm2, v33  }
0x258: {  	v35 =	vld [tilespmem:s21+$0x470];
	_ =	sdelay $0x4  }
0x259: {  	v37 =	vshrl.u32 v35, $0x13  }
0x25a: {  	vm3 =	veq.s32 v37, v3  }
0x25b: {  	v38 =	vsel vm3, $0x1, v1  }
0x25c: {  	(xrf0) =	vadd.scan.msk.s32 $0xffff, v38;
	_ =	sdelay $0x3  }
0x25d: {  	v42 =	vmpcnt.ones.xlane vm2;
	_ =	sdelay $0x1  }
0x25e: {  	v2 =	vadd.s32 v2, v42;
	v43, _, _ =	vpop (xrf0)  }
0x25f: {  	v38 =	vadd.s32 v43, v2  }
0x260: {  	v38 =	vadd.s32 $0xFFFFFFFF, v38;
	_ =	sdelay $0x4  }
0x261: {  	[tilespmem:v38+s13+$0x0] =	vst.idx.msk vm3, v35  }
0x262: {  	v38 =	vld [tilespmem:s21+$0x800];
	_ =	sdelay $0x4  }
0x263: {  	v40 =	vshrl.u32 v38, $0x13  }
0x264: {  	vm2 =	veq.s32 v40, v3  }
0x265: {  	v39 =	vsel vm2, $0x1, v1  }
0x266: {  	(xrf0) =	vadd.scan.msk.s32 $0xffff, v39;
	_ =	sdelay $0x3  }
0x267: {  	v44 =	vmpcnt.ones.xlane vm3;
	_ =	sdelay $0x1  }
0x268: {  	v2 =	vadd.s32 v2, v44;
	v45, _, _ =	vpop (xrf0)  }
0x269: {  	v39 =	vadd.s32 v45, v2  }
0x26a: {  	v39 =	vadd.s32 $0xFFFFFFFF, v39;
	_ =	sdelay $0x4  }
0x26b: {  	[tilespmem:v39+s13+$0x0] =	vst.idx.msk vm2, v38  }
0x26c: {  	v39 =	vld [tilespmem:s21+$0x810];
	_ =	sdelay $0x4  }
0x26d: {  	v42 =	vshrl.u32 v39, $0x13  }
0x26e: {  	vm3 =	veq.s32 v42, v3  }
0x26f: {  	v41 =	vsel vm3, $0x1, v1  }
0x270: {  	(xrf0) =	vadd.scan.msk.s32 $0xffff, v41;
	_ =	sdelay $0x3  }
0x271: {  	v46 =	vmpcnt.ones.xlane vm2;
	_ =	sdelay $0x1  }
0x272: {  	v2 =	vadd.s32 v2, v46;
	v47, _, _ =	vpop (xrf0)  }
0x273: {  	v41 =	vadd.s32 v47, v2  }
0x274: {  	v41 =	vadd.s32 $0xFFFFFFFF, v41;
	_ =	sdelay $0x4  }
0x275: {  	[tilespmem:v41+s13+$0x0] =	vst.idx.msk vm3, v39  }
0x276: {  	v41 =	vld [tilespmem:s21+$0x820];
	_ =	sdelay $0x4  }
0x277: {  	v44 =	vshrl.u32 v41, $0x13  }
0x278: {  	vm2 =	veq.s32 v44, v3  }
0x279: {  	v43 =	vsel vm2, $0x1, v1  }
0x27a: {  	(xrf0) =	vadd.scan.msk.s32 $0xffff, v43;
	_ =	sdelay $0x3  }
0x27b: {  	v48 =	vmpcnt.ones.xlane vm3;
	_ =	sdelay $0x1  }
0x27c: {  	v2 =	vadd.s32 v2, v48;
	v49, _, _ =	vpop (xrf0)  }
0x27d: {  	v43 =	vadd.s32 v49, v2  }
0x27e: {  	v43 =	vadd.s32 $0xFFFFFFFF, v43;
	_ =	sdelay $0x4  }
0x27f: {  	[tilespmem:v43+s13+$0x0] =	vst.idx.msk vm2, v41  }
0x280: {  	v43 =	vld [tilespmem:s21+$0x830];
	_ =	sdelay $0x4  }
0x281: {  	v45 =	vshrl.u32 v43, $0x13  }
0x282: {  	vm3 =	veq.s32 v45, v3  }
0x283: {  	v46 =	vsel vm3, $0x1, v1  }
0x284: {  	(xrf0) =	vadd.scan.msk.s32 $0xffff, v46;
	_ =	sdelay $0x3  }
0x285: {  	v50 =	vmpcnt.ones.xlane vm2;
	_ =	sdelay $0x1  }
0x286: {  	v2 =	vadd.s32 v2, v50;
	v51, _, _ =	vpop (xrf0)  }
0x287: {  	v46 =	vadd.s32 v51, v2  }
0x288: {  	v46 =	vadd.s32 $0xFFFFFFFF, v46;
	_ =	sdelay $0x4  }
0x289: {  	[tilespmem:v46+s13+$0x0] =	vst.idx.msk vm3, v43  }
0x28a: {  	v46 =	vld [tilespmem:s21+$0x840];
	_ =	sdelay $0x4  }
0x28b: {  	v48 =	vshrl.u32 v46, $0x13  }
0x28c: {  	vm2 =	veq.s32 v48, v3  }
0x28d: {  	v47 =	vsel vm2, $0x1, v1  }
0x28e: {  	(xrf0) =	vadd.scan.msk.s32 $0xffff, v47;
	_ =	sdelay $0x3  }
0x28f: {  	v52 =	vmpcnt.ones.xlane vm3;
	_ =	sdelay $0x1  }
0x290: {  	v2 =	vadd.s32 v2, v52;
	v53, _, _ =	vpop (xrf0)  }
0x291: {  	v47 =	vadd.s32 v53, v2  }
0x292: {  	v47 =	vadd.s32 $0xFFFFFFFF, v47;
	_ =	sdelay $0x4  }
0x293: {  	[tilespmem:v47+s13+$0x0] =	vst.idx.msk vm2, v46  }
0x294: {  	v47 =	vld [tilespmem:s21+$0x850];
	_ =	sdelay $0x4  }
0x295: {  	v49 =	vshrl.u32 v47, $0x13  }
0x296: {  	vm3 =	veq.s32 v49, v3  }
0x297: {  	v50 =	vsel vm3, $0x1, v1  }
0x298: {  	(xrf0) =	vadd.scan.msk.s32 $0xffff, v50;
	_ =	sdelay $0x3  }
0x299: {  	v54 =	vmpcnt.ones.xlane vm2;
	_ =	sdelay $0x1  }
0x29a: {  	v2 =	vadd.s32 v2, v54;
	v55, _, _ =	vpop (xrf0)  }
0x29b: {  	v50 =	vadd.s32 v55, v2  }
0x29c: {  	v50 =	vadd.s32 $0xFFFFFFFF, v50;
	_ =	sdelay $0x4  }
0x29d: {  	[tilespmem:v50+s13+$0x0] =	vst.idx.msk vm3, v47  }
0x29e: {  	v50 =	vld [tilespmem:s21+$0x860];
	_ =	sdelay $0x4  }
0x29f: {  	v51 =	vshrl.u32 v50, $0x13  }
0x2a0: {  	vm2 =	veq.s32 v51, v3  }
0x2a1: {  	v52 =	vsel vm2, $0x1, v1  }
0x2a2: {  	(xrf0) =	vadd.scan.msk.s32 $0xffff, v52;
	_ =	sdelay $0x3  }
0x2a3: {  	v56 =	vmpcnt.ones.xlane vm3;
	_ =	sdelay $0x1  }
0x2a4: {  	v2 =	vadd.s32 v2, v56;
	v57, _, _ =	vpop (xrf0)  }
0x2a5: {  	v52 =	vadd.s32 v57, v2  }
0x2a6: {  	v52 =	vadd.s32 $0xFFFFFFFF, v52;
	_ =	sdelay $0x4  }
0x2a7: {  	[tilespmem:v52+s13+$0x0] =	vst.idx.msk vm2, v50  }
0x2a8: {  	v52 =	vld [tilespmem:s21+$0x870];
	_ =	sdelay $0x4  }
0x2a9: {  	v54 =	vshrl.u32 v52, $0x13  }
0x2aa: {  	vm3 =	veq.s32 v54, v3  }
0x2ab: {  	v53 =	vsel vm3, $0x1, v1  }
0x2ac: {  	(xrf0) =	vadd.scan.msk.s32 $0xffff, v53;
	_ =	sdelay $0x3  }
0x2ad: {  	v58 =	vmpcnt.ones.xlane vm2;
	_ =	sdelay $0x1  }
0x2ae: {  	v2 =	vadd.s32 v2, v58;
	v59, _, _ =	vpop (xrf0)  }
0x2af: {  	v53 =	vadd.s32 v59, v2  }
0x2b0: {  	v53 =	vadd.s32 $0xFFFFFFFF, v53;
	_ =	sdelay $0x4  }
0x2b1: {  	[tilespmem:v53+s13+$0x0] =	vst.idx.msk vm3, v52  }
0x2b2: {  	v53 =	vld [tilespmem:s21+$0xC00];
	_ =	sdelay $0x4  }
0x2b3: {  	v56 =	vshrl.u32 v53, $0x13  }
0x2b4: {  	vm2 =	veq.s32 v56, v3  }
0x2b5: {  	v55 =	vsel vm2, $0x1, v1  }
0x2b6: {  	(xrf0) =	vadd.scan.msk.s32 $0xffff, v55;
	_ =	sdelay $0x3  }
0x2b7: {  	v60 =	vmpcnt.ones.xlane vm3;
	_ =	sdelay $0x1  }
0x2b8: {  	v2 =	vadd.s32 v2, v60;
	v61, _, _ =	vpop (xrf0)  }
0x2b9: {  	v55 =	vadd.s32 v61, v2  }
0x2ba: {  	v55 =	vadd.s32 $0xFFFFFFFF, v55;
	_ =	sdelay $0x4  }
0x2bb: {  	[tilespmem:v55+s13+$0x0] =	vst.idx.msk vm2, v53  }
0x2bc: {  	v55 =	vld [tilespmem:s21+$0xC10];
	_ =	sdelay $0x4  }
0x2bd: {  	v58 =	vshrl.u32 v55, $0x13  }
0x2be: {  	vm3 =	veq.s32 v58, v3  }
0x2bf: {  	v57 =	vsel vm3, $0x1, v1  }
0x2c0: {  	(xrf0) =	vadd.scan.msk.s32 $0xffff, v57;
	_ =	sdelay $0x3  }
0x2c1: {  	v62 =	vmpcnt.ones.xlane vm2;
	_ =	sdelay $0x1  }
0x2c2: {  	v2 =	vadd.s32 v2, v62;
	v63, _, _ =	vpop (xrf0)  }
0x2c3: {  	v57 =	vadd.s32 v63, v2  }
0x2c4: {  	v57 =	vadd.s32 $0xFFFFFFFF, v57;
	_ =	sdelay $0x4  }
0x2c5: {  	[tilespmem:v57+s13+$0x0] =	vst.idx.msk vm3, v55  }
0x2c6: {  	v57 =	vld [tilespmem:s21+$0xC20];
	_ =	sdelay $0x4  }
0x2c7: {  	v59 =	vshrl.u32 v57, $0x13  }
0x2c8: {  	vm2 =	veq.s32 v59, v3  }
0x2c9: {  	v60 =	vsel vm2, $0x1, v1  }
0x2ca: {  	(xrf0) =	vadd.scan.msk.s32 $0xffff, v60;
	_ =	sdelay $0x1  }
0x2cb: {  	[tilespmem:$0x1FFE0] =	vst v8;
	v8 =	vmpcnt.ones.xlane vm3;
	_ =	sdelay $0x3  }
0x2cc: {  	v2 =	vadd.s32 v2, v8;
	v8, _, _ =	vpop (xrf0)  }
0x2cd: {  	v60 =	vadd.s32 v8, v2  }
0x2ce: {  	v60 =	vadd.s32 $0xFFFFFFFF, v60;
	_ =	sdelay $0x4  }
0x2cf: {  	[tilespmem:v60+s13+$0x0] =	vst.idx.msk vm2, v57  }
0x2d0: {  	v60 =	vld [tilespmem:s21+$0xC30];
	_ =	sdelay $0x4  }
0x2d1: {  	v62 =	vshrl.u32 v60, $0x13  }
0x2d2: {  	vm4 =	veq.s32 v62, v3  }
0x2d3: {  	v61 =	vsel vm4, $0x1, v1  }
0x2d4: {  	(xrf0) =	vadd.scan.msk.s32 $0xffff, v61;
	_ =	sdelay $0x3  }
0x2d5: {  	v8 =	vmpcnt.ones.xlane vm2;
	_ =	sdelay $0x1  }
0x2d6: {  	v63 =	vadd.s32 v2, v8;
	v2, _, _ =	vpop (xrf0)  }
0x2d7: {  	v2 =	vadd.s32 v2, v63  }
0x2d8: {  	v2 =	vadd.s32 $0xFFFFFFFF, v2;
	_ =	sdelay $0x4  }
0x2d9: {  	[tilespmem:v2+s13+$0x0] =	vst.idx.msk vm4, v60  }
0x2da: {  	v61 =	vld [tilespmem:s21+$0xC40];
	_ =	sdelay $0x4  }
0x2db: {  	v2 =	vshrl.u32 v61, $0x13  }
0x2dc: {  	vm3 =	veq.s32 v2, v3  }
0x2dd: {  	v8 =	vsel vm3, $0x1, v1  }
0x2de: {  	(xrf0) =	vadd.scan.msk.s32 $0xffff, v8;
	_ =	sdelay $0x3  }
0x2df: {  	v8 =	vmpcnt.ones.xlane vm4;
	_ =	sdelay $0x1  }
0x2e0: {  	v8 =	vadd.s32 v63, v8;
	v63, _, _ =	vpop (xrf0)  }
0x2e1: {  	v63 =	vadd.s32 v63, v8  }
0x2e2: {  	v63 =	vadd.s32 $0xFFFFFFFF, v63;
	_ =	sdelay $0x1  }
0x2e3: {  	vm2 =	vlt.s32 v10, v3  }
0x2e4: {  	v10 =	vnsel vm2, $0x0, v6  }
0x2e5: {  	v5 =	vadd.f32 v10, v5;
	v10 =	vld [tilespmem:$0x1FFE0]  }
0x2e6: {  	[tilespmem:v63+s13+$0x0] =	vst.idx.msk vm3, v61  }
0x2e7: {  	v6 =	vadd.f32 v6, v4;
	v63 =	vld [tilespmem:s21+$0xC50];
	_ =	sdelay $0x1  }
0x2e8: {  	v6 =	vadd.f32 v7, v6  }
0x2e9: {  	vm2 =	vlt.s32 v10, v3  }
0x2ea: {  	v6 =	vadd.f32 v9, v6;
	v4 =	vnsel vm2, $0x0, v7  }
0x2eb: {  	vm2 =	vlt.s32 v12, v3;
	v5 =	vadd.f32 v4, v5;
	v4 =	vshrl.u32 v63, $0x13  }
0x2ec: {  	v6 =	vadd.f32 v11, v6;
	v7 =	vnsel vm2, $0x0, v9;
	vm2 =	veq.s32 v4, v3  }
0x2ed: {  	vm15 =	vlt.s32 v14, v3;
	v5 =	vadd.f32 v7, v5;
	v7 =	vsel vm2, $0x1, v1  }
0x2ee: {  	v6 =	vadd.f32 v13, v6;
	(xrf0) =	vadd.scan.msk.s32 $0xffff, v7;
	v7 =	vnsel vm15, $0x0, v11  }
0x2ef: {  	vm8 =	vlt.s32 v15, v3;
	v5 =	vadd.f32 v7, v5  }
0x2f0: {  	v6 =	vadd.f32 v16, v6;
	v7 =	vnsel vm8, $0x0, v13  }
0x2f1: {  	vm9 =	vlt.s32 v18, v3;
	v5 =	vadd.f32 v7, v5  }
0x2f2: {  	v6 =	vadd.f32 v17, v6;
	v18 =	vmpcnt.ones.xlane vm3;
	v7 =	vnsel vm9, $0x0, v16  }
0x2f3: {  	vm3 =	vlt.s32 v20, v3;
	v5 =	vadd.f32 v7, v5  }
0x2f4: {  	v6 =	vadd.f32 v19, v6;
	v8 =	vadd.s32 v8, v18;
	v7 =	vnsel vm3, $0x0, v17;
	v20, _, _ =	vpop (xrf0)  }
0x2f5: {  	vm3 =	vlt.s32 v22, v3;
	v5 =	vadd.f32 v7, v5;
	v7 =	vadd.s32 v20, v8  }
0x2f6: {  	v6 =	vadd.f32 v21, v6;
	v22 =	vnsel vm3, $0x0, v19;
	v7 =	vadd.s32 $0xFFFFFFFF, v7  }
0x2f7: {  	vm3 =	vlt.s32 v23, v3;
	v5 =	vadd.f32 v22, v5  }
0x2f8: {  	v6 =	vadd.f32 v24, v6;
	v23 =	vnsel vm3, $0x0, v21  }
0x2f9: {  	vm3 =	vlt.s32 v26, v3;
	v5 =	vadd.f32 v23, v5  }
0x2fa: {  	v6 =	vadd.f32 v25, v6;
	v26 =	vnsel vm3, $0x0, v24  }
0x2fb: {  	vm3 =	vlt.s32 v27, v3;
	v5 =	vadd.f32 v26, v5;
	[tilespmem:v7+s13+$0x0] =	vst.idx.msk vm2, v63  }
0x2fc: {  	v6 =	vadd.f32 v28, v6;
	v7 =	vnsel vm3, $0x0, v25;
	v27 =	vld [tilespmem:s21+$0xC60]  }
0x2fd: {  	vm3 =	vlt.s32 v29, v3;
	v5 =	vadd.f32 v7, v5  }
0x2fe: {  	v6 =	vadd.f32 v30, v6;
	v7 =	vnsel vm3, $0x0, v28  }
0x2ff: {  	vm3 =	vlt.s32 v32, v3;
	v5 =	vadd.f32 v7, v5  }
0x300: {  	v6 =	vadd.f32 v31, v6;
	v7 =	vnsel vm3, $0x0, v30  }
0x301: {  	vm3 =	vlt.s32 v34, v3;
	v5 =	vadd.f32 v7, v5;
	v7 =	vshrl.u32 v27, $0x13  }
0x302: {  	v29 =	vnsel vm3, $0x0, v31;
	vm3 =	veq.s32 v7, v3  }
0x303: {  	v6 =	vadd.f32 v33, v6;
	v30 =	vsel vm3, $0x1, v1  }
0x304: {  	vm10 =	vlt.s32 v36, v3;
	v5 =	vadd.f32 v29, v5;
	(xrf0) =	vadd.scan.msk.s32 $0xffff, v30  }
0x305: {  	v6 =	vadd.f32 v35, v6;
	v32 =	vnsel vm10, $0x0, v33  }
0x306: {  	vm11 =	vlt.s32 v37, v3;
	v5 =	vadd.f32 v32, v5  }
0x307: {  	v6 =	vadd.f32 v38, v6;
	v33 =	vnsel vm11, $0x0, v35  }
0x308: {  	vm12 =	vlt.s32 v40, v3;
	v35 =	vmpcnt.ones.xlane vm2;
	v5 =	vadd.f32 v33, v5  }
0x309: {  	v6 =	vadd.f32 v39, v6;
	v34 =	vnsel vm12, $0x0, v38  }
0x30a: {  	vm2 =	vlt.s32 v42, v3;
	v8 =	vadd.s32 v8, v35;
	v5 =	vadd.f32 v34, v5;
	v37, _, _ =	vpop (xrf0)  }
0x30b: {  	v6 =	vadd.f32 v41, v6;
	v36 =	vnsel vm2, $0x0, v39;
	v38 =	vadd.s32 v37, v8  }
0x30c: {  	vm2 =	vlt.s32 v44, v3;
	v5 =	vadd.f32 v36, v5;
	v10 =	vadd.s32 $0xFFFFFFFF, v38  }
0x30d: {  	v40 =	vnsel vm2, $0x0, v41  }
0x30e: {  	v6 =	vadd.f32 v43, v6;
	vm2 =	vlt.s32 v45, v3;
	v5 =	vadd.f32 v40, v5  }
0x30f: {  	v42 =	vnsel vm2, $0x0, v43  }
0x310: {  	v6 =	vadd.f32 v46, v6;
	vm2 =	vlt.s32 v48, v3;
	v5 =	vadd.f32 v42, v5  }
0x311: {  	v44 =	vnsel vm2, $0x0, v46;
	[tilespmem:v10+s13+$0x0] =	vst.idx.msk vm3, v27  }
0x312: {  	v6 =	vadd.f32 v47, v6;
	vm2 =	vlt.s32 v49, v3;
	v5 =	vadd.f32 v44, v5;
	v46 =	vld [tilespmem:s21+$0xC70]  }
0x313: {  	v45 =	vnsel vm2, $0x0, v47  }
0x314: {  	v6 =	vadd.f32 v50, v6;
	vm2 =	vlt.s32 v51, v3;
	v5 =	vadd.f32 v45, v5  }
0x315: {  	v48 =	vnsel vm2, $0x0, v50  }
0x316: {  	v6 =	vadd.f32 v52, v6;
	vm2 =	vlt.s32 v54, v3;
	v5 =	vadd.f32 v48, v5  }
0x317: {  	v49 =	vnsel vm2, $0x0, v52;
	vm2 =	vlt.s32 v56, v3;
	v50 =	vshrl.u32 v46, $0x13  }
0x318: {  	v51 =	vnsel vm2, $0x0, v53;
	v5 =	vadd.f32 v49, v5;
	vm2 =	veq.s32 v50, v3  }
0x319: {  	v52 =	vsel vm2, $0x1, v1  }
0x31a: {  	vm13 =	vlt.s32 v58, v3;
	v6 =	vadd.f32 v53, v6;
	v5 =	vadd.f32 v51, v5;
	(xrf0) =	vadd.scan.msk.s32 $0xffff, v52  }
0x31b: {  	v54 =	vnsel vm13, $0x0, v55  }
0x31c: {  	vm14 =	vlt.s32 v59, v3;
	v6 =	vadd.f32 v55, v6;
	v5 =	vadd.f32 v54, v5  }
0x31d: {  	v59 =	vmpcnt.ones.xlane vm3;
	v56 =	vnsel vm14, $0x0, v57  }
0x31e: {  	vm15 =	vlt.s32 v62, v3;
	v6 =	vadd.f32 v57, v6;
	v5 =	vadd.f32 v56, v5  }
0x31f: {  	v58 =	vnsel vm15, $0x0, v60;
	v8 =	vadd.s32 v8, v59  }
0x320: {  	vm3 =	vlt.s32 v2, v3;
	v2 =	vadd.f32 v60, v6;
	v5 =	vadd.f32 v58, v5;
	v62, _, _ =	vpop (xrf0)  }
0x321: {  	v6 =	vnsel vm3, $0x0, v61;
	vm3 =	vlt.s32 v4, v3;
	v4 =	vadd.s32 v62, v8  }
0x322: {  	v2 =	vadd.f32 v61, v2;
	v5 =	vadd.f32 v6, v5;
	v4 =	vadd.s32 $0xFFFFFFFF, v4  }
0x323: {  	p0 =	sne.s32 s20, $0x7E00;
	v6 =	vnsel vm3, $0x0, v63  }
.Ltmp4:
0x324: {  	v2 =	vadd.f32 v63, v2;
	vm3 =	vlt.s32 v7, v3;
	v5 =	vadd.f32 v6, v5;
	(pc) =	sbr.rel @p0 .LBB2_6-.Ltmp4, $4  }
0x325: {  	v6 =	vnsel vm3, $0x0, v27;
	vm3 =	vlt.s32 v50, v3  }
0x326: {  	v5 =	vadd.f32 v6, v5;
	v6 =	vadd.f32 v27, v2;
	v2 =	vmpcnt.ones.xlane vm2  }
0x327: {  	[tilespmem:v4+s13+$0x0] =	vst.idx.msk vm2, v46;
	v4 =	vnsel vm3, $0x0, v46  }
0x328: {  	s19 =	sadd.s32 $0x80, s19;
	s20 =	sadd.s32 $0x200, s20;
	v2 =	vadd.s32 v8, v2;
	v5 =	vadd.f32 v4, v5;
	v4 =	vadd.f32 v46, v6  }
0x329: {  	_ = 	snop  }
0x32a: {  	(xrf2) =	vadd.scan.msk.f32 $0xffff, v5  }
0x32b: {  	v3 =	vbroadcast v2, $0x0;
	(xrf2) =	vadd.scan.msk.f32 $0xffff, v4;
	_ =	sdelay $0x1  }
0x32c: {  	[tilespmem:$0x1C080] =	vst v3  }
0x32d: {  	[tilespmem:$0x1C090] =	vst v3  }
0x32e: {  	[tilespmem:$0x1C0A0] =	vst v3  }
0x32f: {  	[tilespmem:$0x1C0B0] =	vst v3  }
0x330: {  	[tilespmem:$0x1C0C0] =	vst v3  }
0x331: {  	[tilespmem:$0x1C0D0] =	vst v3  }
0x332: {  	[tilespmem:$0x1C0E0] =	vst v3  }
0x333: {  	[tilespmem:$0x1C0F0] =	vst v3;
	v63, _, _ =	vpop (xrf2)  }
0x334: {  	[hbm4b:s7+s2] =	stream.linear.scatter [tilespmem:s14], [sflag:$0x1], $0x80, $0x38;
	v3, _, _ =	vpop (xrf2);
	[tilespmem:$0x1C180] =	vst v63  }
0x335: {  	_ =	swait.ge [sflag:s12], $0x80  }
0x336: {  	(v2sf) =	vpush v2, $0x0;
	_ =	sdelay $0xc  }
0x337: {  	v2 =	vbroadcast v3, $0xF  }
0x338: {  	v3 =	vbroadcast v63, $0xF  }
0x339: {  	[sflag:s12] =	ssyncset.done $0x0;
	v2 =	vnsel vm0, $0x0, v2;
	s19 =	spop (v2sf)  }
0x33a: {  	[sflag:s12] =	ssyncadd.s32 $0xFFFFFF80;
	v2 =	vsel vm1, v2, v3;
	s19 =	sadd.s32 $0x3FF, s19  }
0x33b: {  	[tilespmem:$0x1C100] =	vst v2;
	v2 =	vimm.f32 $0.0e+00;
	s20 =	sand.u32 $0x3FF, s19  }
0x33c: {  	[tilespmem:$0x1C110] =	vst v2;
	s31 =	sshra.s32 s19, $0x1F;
	p1 =	slt.s32 s19, $0x1;
	p0 =	sne.s32 s20, $0x0  }
0x33d: {  	[tilespmem:$0x1C120] =	vst v2;
	s20 =	sshrl.u32 s31, $0x16;
	p0 =	por !p1, !p0  }
0x33e: {  	[tilespmem:$0x1C130] =	vst v2;
	s19 =	sadd.s32 s20, s19;
	s20 =	simm.s32 $0x1;
	p0 =	por !p0, !p0  }
0x33f: {  	[tilespmem:$0x1C140] =	vst v2;
	s19 =	sshra.s32 s19, $0xA;
	s20 =	simm.s32 @!p0 $0x0  }
0x340: {  	[tilespmem:$0x1C150] =	vst v2;
	s20 =	ssub.s32 s19, s20  }
0x341: {  	[tilespmem:$0x1C160] =	vst v2;
	p0 =	slt.s32 s20, $0x1  }
.Ltmp5:
0x342: {  	[tilespmem:$0x1C170] =	vst v2;
	(pc) =	sbr.rel @p0 .LBB2_11-.Ltmp5, $4  }
0x343: {  	[hbm4b:s8+s2] =	stream.linear.scatter [tilespmem:s15], [sflag:$0x1], $0x80, $0x38;
	[tilespmem:$0x1C180] =	vst v63  }
0x344: {  	_ =	swait.ge [sflag:s12], $0x80  }
0x345: {  	[sflag:s12] =	ssyncset.done $0x0  }
0x346: {  	[sflag:s12] =	ssyncadd.s32 $0xFFFFFF80;
	s19 =	simm.s32 $0xC000  }
0x347: {  	p0 =	sne.s32 s20, $0x1  }
.Ltmp6:
0x348: {  	_ = 	snop;
	(pc) =	sbr.rel @!p0 .LBB2_10-.Ltmp6, $4  }
0x349: {  	s21 =	sshrl.u32 s10, $0x3  }
0x34a: {  	s21 =	sadd.s32 s4, s21  }
0x34b: {  	[hbm4b:s21+s16] =	stream.strided.scatter [tilespmem:s19], [sflag:$0x1], $0x400, s17, s16, $0x38;
	[tilespmem:$0x1C180] =	vst v63  }
0x34c: {  	s20 =	sadd.s32 $0xFFFFFFFF, s20;
	s21 =	sadd.s32 $0x2000, s10;
	_ =	swait.ge [sflag:s12], $0x400  }
.LBB2_9:
0x34d: {  	s22 =	sshrl.u32 s21, $0x3  }
0x34e: {  	[sflag:s12] =	ssyncset.done $0x0;
	s19 =	sadd.s32 $0x400, s19;
	p0 =	sne.s32 s20, $0x1  }
.Ltmp7:
0x34f: {  	s22 =	sadd.s32 s4, s22;
	[sflag:s12] =	ssyncadd.s32 $0xFFFFFC00;
	(pc) =	sbr.rel @p0 .LBB2_9-.Ltmp7, $3  }
0x350: {  	[hbm4b:s22+s16] =	stream.strided.scatter [tilespmem:s19], [sflag:$0x1], $0x400, s17, s16, $0x38;
	[tilespmem:$0x1C180] =	vst v63  }
0x351: {  	s20 =	sadd.s32 $0xFFFFFFFF, s20;
	_ =	sdelay $0x1  }
0x352: {  	s21 =	sadd.s32 $0x2000, s21;
	_ =	swait.ge [sflag:s12], $0x400  }
.Ltmp8:
0x353: {  	_ = 	snop;
	(pc) =	sbr.rel .LBB2_10-.Ltmp8, $1  }
0x354: {  	_ =	sdelay $0x3  }
.LBB2_12:
0x355: {  	_ =	sfence.sel $0x180000  }
0x356: {  	[bflag:$0x0] =	sbarrier.arrive $0xFFFF  }
0x357: {  	p0 =	sne.s32 s1, $0x0;
	_ =	strace $0x9000004A  }
0x358: {  	s0 =	sadd.s32 @!p0 $0x100000, s0;
	[bflag:$0x2] =	sbarrier.arrive $0xFFFF  }
0x359: {  	[sflag:s0] =	ssyncadd.tile.s32 @!p0 $0x1;
	_ =	shalt  }
.Lfunc_end2:
_tile_overlayer_lowered:
.L_overlay_start_2:
0x35a: {  	(tag) =	ssettag $0x2  }
0x35b: {  	s0 =	rddreg [dreg:$0x0];
	s2 =	stileid.u32  }
0x35c: {  	s1 =	rddreg [dreg:$0x1];
	p0 =	sne.s32 s2, $0x0  }
0x35d: {  	s3 =	rddreg [dreg:$0x2];
	[bflag:$0x3] =	sbarrier.arrive $0xFFFF;
	s2 =	simm.s32 @!p0 $0x1C01  }
0x35e: {  	[timem:s3], [sflag:s2] =	dma.local @!p0 [hbm:s0], s1  }
0x35f: {  	s0 =	simm.s32 @!p0 $0x1  }
0x360: {  	_ =	swait.ge @!p0 [sflag:s0], s1  }
0x361: {  	s1 =	ssub.s32 @!p0 $0x0, s1;
	[sflag:s0] =	ssyncset.done @!p0 $0x0  }
0x362: {  	[sflag:s0] =	ssyncadd.s32 @!p0 s1  }
0x363: {  	[bflag:$0x3] =	sbarrier.arrive $0xFFFF  }
0x364: {  	_ =	shalt  }

</sc_bundles>
